<compile_context>
chip_gen: v7x
topology: tpu7x:2x2x1
jax: 0.10.2.dev20260603
libtpu: 0.0.44.dev20260713+nightly
codegen_flags: <defaults>
</compile_context>

<pallas_src>
import functools

import jax
import jax.numpy as jnp
from jax import lax
from jax.experimental import pallas as pl
from jax.experimental.pallas import tpu as pltpu
from jax.experimental.pallas import tpu_sc as plsc

NUM_CORES = 2
NUM_SUBCORES = 16
NW = NUM_CORES * NUM_SUBCORES
CHUNK = 128
K = 2
DPAD = 128
D = 64
L = 16


@functools.lru_cache(maxsize=None)
def _make_gather(hist: int, batch: int):
    iw = batch // NW
    nblk = iw // CHUNK
    nchunk = hist * nblk

    mesh = plsc.VectorSubcoreMesh(
        core_axis_name="c", subcore_axis_name="s",
        num_cores=NUM_CORES, num_subcores=NUM_SUBCORES)

    @functools.partial(
        pl.kernel,
        out_type=jax.ShapeDtypeStruct((hist, D, batch), jnp.float32),
        mesh=mesh,
        scratch_types=[
            pltpu.VMEM((nblk, hist, CHUNK), jnp.int32),
            pltpu.VMEM((2, K, CHUNK, DPAD), jnp.float32),
            pltpu.VMEM((2, K, D, CHUNK), jnp.float32),
            pltpu.SemaphoreType.DMA,
            pltpu.SemaphoreType.DMA,
            pltpu.SemaphoreType.DMA,
            pltpu.SemaphoreType.DMA,
        ],
        compiler_params=pltpu.CompilerParams(needs_layout_passes=False),
    )
    def gather_kernel(idx_hbm, table_hbm, out_hbm, idx_v, rows_v, trans_v,
                      sem_in0, sem_in1, sem_out0, sem_out1):
        wid = lax.axis_index("s") * NUM_CORES + lax.axis_index("c")
        i_base = wid * iw
        for blk in range(nblk):
            pltpu.sync_copy(
                idx_hbm.at[:, pl.ds(i_base + blk * CHUNK, CHUNK)],
                idx_v.at[blk])
        sem_in = (sem_in0, sem_in1)
        sem_out = (sem_out0, sem_out1)

        def hblk(g):
            return g // nblk, lax.rem(g, nblk)

        def fire_gather(grp, base):
            for b in range(K):
                h, blk = hblk(base + b)
                pltpu.make_async_copy(
                    table_hbm.at[idx_v.at[blk, h]],
                    rows_v.at[grp, b], sem_in[grp]).start()

        def drain_gather(grp, base):
            for b in range(K):
                h, blk = hblk(base + b)
                pltpu.make_async_copy(
                    table_hbm.at[idx_v.at[blk, h]],
                    rows_v.at[grp, b], sem_in[grp]).wait()

        def out_dst(g):
            h, blk = hblk(g)
            return out_hbm.at[h, :, pl.ds(i_base + blk * CHUNK, CHUNK)]

        def fire_write(grp, base):
            for b in range(K):
                pltpu.make_async_copy(
                    trans_v.at[grp, b], out_dst(base + b), sem_out[grp]).start()

        def drain_write(grp, base):
            for b in range(K):
                pltpu.make_async_copy(
                    trans_v.at[grp, b], out_dst(base + b), sem_out[grp]).wait()

        riota = [lax.iota(jnp.int32, L) + k * L for k in range(D // L)]

        def transpose(grp):
            for b in range(K):
                src = rows_v.at[grp, b]
                dst = trans_v.at[grp, b]

                @plsc.parallel_loop(0, CHUNK, 1, unroll=8)
                def _tok(j):
                    cvec = jnp.full((L,), 0, jnp.int32) + j
                    for k in range(D // L):
                        vals = src[j, pl.ds(k * L, L)]
                        plsc.store_scatter(dst, [riota[k], cvec], vals)

        def half(grp, base, first=False, last=False):
            oth = 1 - grp
            if not first:
                drain_write(oth, base - K)
            if not last:
                fire_gather(oth, base + K)
            drain_gather(grp, base)
            transpose(grp)
            fire_write(grp, base)

        fire_gather(0, 0)
        half(0, 0, first=True)
        half(1, K)

        @pl.loop(2 * K, nchunk - 2 * K, step=2 * K)
        def _steady(g):
            half(0, g)
            half(1, g + K)

        half(0, nchunk - 2 * K)
        half(1, nchunk - K, last=True)
        drain_write(1, nchunk - K)

    return gather_kernel


def kernel(token_ids, weight):
    batch, hist = token_ids.shape
    d = weight.shape[1]
    idx_t = token_ids.astype(jnp.int32).T
    table = jnp.pad(weight, ((0, 0), (0, DPAD - d)))
    out3 = _make_gather(hist, batch)(idx_t, table)
    return out3.transpose(2, 0, 1)

# --- scband reference (transcript-rebuilt; emitter-appended) ---
"""Pipeline reference for scband-embedding-5660766896584 (READ-ONLY COPY).

The authoritative reference and input builder live on the scoring server;
editing this copy changes nothing except your own understanding.
"""

import jax, jax.numpy as jnp
import numpy as np

VOCAB = 1000000
D_MODEL = 64
BATCH = 16384
HIST = 50

def setup_inputs(seed: int = 0) -> dict:
    key = jax.random.key(seed)
    k1, k2 = jax.random.split(key)
    token_ids = jax.random.randint(k1, (BATCH, HIST), 0, VOCAB, dtype=jnp.int64 if jax.config.jax_enable_x64 else jnp.int32)
    weight = jax.random.normal(k2, (VOCAB, D_MODEL), dtype=jnp.float32)
    return {"token_ids": token_ids, "weight": weight}

def reference(token_ids, weight):
    # Faithful translation of Embedding.forward: self.weight[token_ids]
    return jnp.take(weight, token_ids, axis=0)

if __name__ == "__main__":
    import jax
    _d = setup_inputs()
    print(jax.jit(kernel)(*tuple(_d.values())))

</pallas_src>

<mosaic_0001>
#map = affine_map<(d0, d1) -> (0, 0)>
#map1 = affine_map<(d0, d1) -> (0, 0, 0)>
module attributes {stable_mosaic.version = 14 : i64} {
  func.func @gather_kernel(%arg0: i32, %arg1: i32, %arg2: memref<50x16384xi32, #tpu.memory_space<hbm>>, %arg3: memref<1000000x128xf32, #tpu.memory_space<hbm>>, %arg4: memref<50x64x16384xf32, #tpu.memory_space<hbm>>, %arg5: memref<4x50x128xi32, #tpu.memory_space<vmem>>, %arg6: memref<2x2x128x128xf32, #tpu.memory_space<vmem>>, %arg7: memref<2x2x64x128xf32, #tpu.memory_space<vmem>>, %arg8: memref<!tpu.dma_semaphore, #tpu.memory_space<semaphore_mem>>, %arg9: memref<!tpu.dma_semaphore, #tpu.memory_space<semaphore_mem>>, %arg10: memref<!tpu.dma_semaphore, #tpu.memory_space<semaphore_mem>>, %arg11: memref<!tpu.dma_semaphore, #tpu.memory_space<semaphore_mem>>) attributes {dimension_semantics = [#tpu.dimension_semantics<core_parallel>, #tpu.dimension_semantics<subcore_parallel>], iteration_bounds = array<i64: 2, 16>, scalar_prefetch = 0 : i64, scratch_operands = 7 : i64, tpu.core_type = #tpu.core_type<sc_vector_subcore>, window_params = [{transform_indices = #map}, {transform_indices = #map}, {transform_indices = #map1}]} {
    %mul3A = arith.constant 2 : i32
    %mul3A_0 = arith.muli %arg1, %mul3A : i32
    %add3A = arith.addi %mul3A_0, %arg0 : i32
    %mul3A_1 = arith.constant 512 : i32
    %mul3A_2 = arith.muli %add3A, %mul3A_1 : i32
    %add3A_3 = arith.constant 0 : i32
    %add3A_4 = arith.addi %mul3A_2, %add3A_3 : i32
    %run_scoped3A = arith.constant 0 : i32
    "tpu.region"() ({
      %run_scoped3A_709 = tpu.sem_alloc : memref<!tpu.dma_semaphore, #tpu.memory_space<semaphore_mem>>
      %dma_start3A_710 = arith.constant 0 : i32
      %dma_start3A_711 = arith.constant 0 : i32
      %dma_start3A_712 = tpu.memref_slice %arg5[%run_scoped3A, %dma_start3A_710, %dma_start3A_711] : memref<4x50x128xi32, #tpu.memory_space<vmem>> -> memref<1x50x128xi32, #tpu.memory_space<vmem>>
      %dma_start3A_713 = tpu.memref_squeeze %dma_start3A_712 : memref<1x50x128xi32, #tpu.memory_space<vmem>> -> memref<50x128xi32, #tpu.memory_space<vmem>>
      %dma_start3A_714 = arith.constant 0 : i32
      %dma_start3A_715 = tpu.memref_slice %arg2[%dma_start3A_714, %add3A_4] : memref<50x16384xi32, #tpu.memory_space<hbm>> -> memref<50x128xi32, #tpu.memory_space<hbm>>
      %dma_start3A_716 = arith.constant 0 : i32
      %dma_start3A_717 = arith.constant 0 : i32
      %dma_start3A_718 = tpu.memref_slice %arg5[%run_scoped3A, %dma_start3A_716, %dma_start3A_717] : memref<4x50x128xi32, #tpu.memory_space<vmem>> -> memref<1x50x128xi32, #tpu.memory_space<vmem>>
      %dma_start3A_719 = tpu.memref_squeeze %dma_start3A_718 : memref<1x50x128xi32, #tpu.memory_space<vmem>> -> memref<50x128xi32, #tpu.memory_space<vmem>>
      %dma_start3A_720 = arith.constant 0 : i32
      %dma_start3A_721 = tpu.memref_slice %arg2[%dma_start3A_720, %add3A_4] : memref<50x16384xi32, #tpu.memory_space<hbm>> -> memref<50x128xi32, #tpu.memory_space<hbm>>
      tpu.enqueue_dma source(%dma_start3A_721 : memref<50x128xi32, #tpu.memory_space<hbm>>) target(%dma_start3A_719 : memref<50x128xi32, #tpu.memory_space<vmem>>) target_semaphore(%run_scoped3A_709 : memref<!tpu.dma_semaphore, #tpu.memory_space<semaphore_mem>>)
      %dma_wait3A_722 = arith.constant 0 : i32
      %dma_wait3A_723 = arith.constant 0 : i32
      %dma_wait3A_724 = tpu.memref_slice %arg5[%run_scoped3A, %dma_wait3A_722, %dma_wait3A_723] : memref<4x50x128xi32, #tpu.memory_space<vmem>> -> memref<1x50x128xi32, #tpu.memory_space<vmem>>
      %dma_wait3A_725 = tpu.memref_squeeze %dma_wait3A_724 : memref<1x50x128xi32, #tpu.memory_space<vmem>> -> memref<50x128xi32, #tpu.memory_space<vmem>>
      %dma_wait3A_726 = arith.constant 0 : i32
      %dma_wait3A_727 = tpu.memref_slice %arg2[%dma_wait3A_726, %add3A_4] : memref<50x16384xi32, #tpu.memory_space<hbm>> -> memref<50x128xi32, #tpu.memory_space<hbm>>
      %dma_wait3A_728 = arith.constant 0 : i32
      %dma_wait3A_729 = arith.constant 0 : i32
      %dma_wait3A_730 = tpu.memref_slice %arg5[%run_scoped3A, %dma_wait3A_728, %dma_wait3A_729] : memref<4x50x128xi32, #tpu.memory_space<vmem>> -> memref<1x50x128xi32, #tpu.memory_space<vmem>>
      %dma_wait3A_731 = tpu.memref_squeeze %dma_wait3A_730 : memref<1x50x128xi32, #tpu.memory_space<vmem>> -> memref<50x128xi32, #tpu.memory_space<vmem>>
      %dma_wait3A_732 = arith.constant 0 : i32
      %dma_wait3A_733 = tpu.memref_slice %arg2[%dma_wait3A_732, %add3A_4] : memref<50x16384xi32, #tpu.memory_space<hbm>> -> memref<50x128xi32, #tpu.memory_space<hbm>>
      tpu.wait_dma2 semaphore(%run_scoped3A_709 : memref<!tpu.dma_semaphore, #tpu.memory_space<semaphore_mem>>) src(%dma_wait3A_733 : memref<50x128xi32, #tpu.memory_space<hbm>>) dst(%dma_wait3A_731 : memref<50x128xi32, #tpu.memory_space<vmem>>)
      tpu.yield
    }) : () -> ()
    %add3A_5 = arith.constant 128 : i32
    %add3A_6 = arith.addi %mul3A_2, %add3A_5 : i32
    %run_scoped3A_7 = arith.constant 1 : i32
    "tpu.region"() ({
      %run_scoped3A_709 = tpu.sem_alloc : memref<!tpu.dma_semaphore, #tpu.memory_space<semaphore_mem>>
      %dma_start3A_710 = arith.constant 0 : i32
      %dma_start3A_711 = arith.constant 0 : i32
      %dma_start3A_712 = tpu.memref_slice %arg5[%run_scoped3A_7, %dma_start3A_710, %dma_start3A_711] : memref<4x50x128xi32, #tpu.memory_space<vmem>> -> memref<1x50x128xi32, #tpu.memory_space<vmem>>
      %dma_start3A_713 = tpu.memref_squeeze %dma_start3A_712 : memref<1x50x128xi32, #tpu.memory_space<vmem>> -> memref<50x128xi32, #tpu.memory_space<vmem>>
      %dma_start3A_714 = arith.constant 0 : i32
      %dma_start3A_715 = tpu.memref_slice %arg2[%dma_start3A_714, %add3A_6] : memref<50x16384xi32, #tpu.memory_space<hbm>> -> memref<50x128xi32, #tpu.memory_space<hbm>>
      %dma_start3A_716 = arith.constant 0 : i32
      %dma_start3A_717 = arith.constant 0 : i32
      %dma_start3A_718 = tpu.memref_slice %arg5[%run_scoped3A_7, %dma_start3A_716, %dma_start3A_717] : memref<4x50x128xi32, #tpu.memory_space<vmem>> -> memref<1x50x128xi32, #tpu.memory_space<vmem>>
      %dma_start3A_719 = tpu.memref_squeeze %dma_start3A_718 : memref<1x50x128xi32, #tpu.memory_space<vmem>> -> memref<50x128xi32, #tpu.memory_space<vmem>>
      %dma_start3A_720 = arith.constant 0 : i32
      %dma_start3A_721 = tpu.memref_slice %arg2[%dma_start3A_720, %add3A_6] : memref<50x16384xi32, #tpu.memory_space<hbm>> -> memref<50x128xi32, #tpu.memory_space<hbm>>
      tpu.enqueue_dma source(%dma_start3A_721 : memref<50x128xi32, #tpu.memory_space<hbm>>) target(%dma_start3A_719 : memref<50x128xi32, #tpu.memory_space<vmem>>) target_semaphore(%run_scoped3A_709 : memref<!tpu.dma_semaphore, #tpu.memory_space<semaphore_mem>>)
      %dma_wait3A_722 = arith.constant 0 : i32
      %dma_wait3A_723 = arith.constant 0 : i32
      %dma_wait3A_724 = tpu.memref_slice %arg5[%run_scoped3A_7, %dma_wait3A_722, %dma_wait3A_723] : memref<4x50x128xi32, #tpu.memory_space<vmem>> -> memref<1x50x128xi32, #tpu.memory_space<vmem>>
      %dma_wait3A_725 = tpu.memref_squeeze %dma_wait3A_724 : memref<1x50x128xi32, #tpu.memory_space<vmem>> -> memref<50x128xi32, #tpu.memory_space<vmem>>
      %dma_wait3A_726 = arith.constant 0 : i32
      %dma_wait3A_727 = tpu.memref_slice %arg2[%dma_wait3A_726, %add3A_6] : memref<50x16384xi32, #tpu.memory_space<hbm>> -> memref<50x128xi32, #tpu.memory_space<hbm>>
      %dma_wait3A_728 = arith.constant 0 : i32
      %dma_wait3A_729 = arith.constant 0 : i32
      %dma_wait3A_730 = tpu.memref_slice %arg5[%run_scoped3A_7, %dma_wait3A_728, %dma_wait3A_729] : memref<4x50x128xi32, #tpu.memory_space<vmem>> -> memref<1x50x128xi32, #tpu.memory_space<vmem>>
      %dma_wait3A_731 = tpu.memref_squeeze %dma_wait3A_730 : memref<1x50x128xi32, #tpu.memory_space<vmem>> -> memref<50x128xi32, #tpu.memory_space<vmem>>
      %dma_wait3A_732 = arith.constant 0 : i32
      %dma_wait3A_733 = tpu.memref_slice %arg2[%dma_wait3A_732, %add3A_6] : memref<50x16384xi32, #tpu.memory_space<hbm>> -> memref<50x128xi32, #tpu.memory_space<hbm>>
      tpu.wait_dma2 semaphore(%run_scoped3A_709 : memref<!tpu.dma_semaphore, #tpu.memory_space<semaphore_mem>>) src(%dma_wait3A_733 : memref<50x128xi32, #tpu.memory_space<hbm>>) dst(%dma_wait3A_731 : memref<50x128xi32, #tpu.memory_space<vmem>>)
      tpu.yield
    }) : () -> ()
    %add3A_8 = arith.constant 256 : i32
    %add3A_9 = arith.addi %mul3A_2, %add3A_8 : i32
    %run_scoped3A_10 = arith.constant 2 : i32
    "tpu.region"() ({
      %run_scoped3A_709 = tpu.sem_alloc : memref<!tpu.dma_semaphore, #tpu.memory_space<semaphore_mem>>
      %dma_start3A_710 = arith.constant 0 : i32
      %dma_start3A_711 = arith.constant 0 : i32
      %dma_start3A_712 = tpu.memref_slice %arg5[%run_scoped3A_10, %dma_start3A_710, %dma_start3A_711] : memref<4x50x128xi32, #tpu.memory_space<vmem>> -> memref<1x50x128xi32, #tpu.memory_space<vmem>>
      %dma_start3A_713 = tpu.memref_squeeze %dma_start3A_712 : memref<1x50x128xi32, #tpu.memory_space<vmem>> -> memref<50x128xi32, #tpu.memory_space<vmem>>
      %dma_start3A_714 = arith.constant 0 : i32
      %dma_start3A_715 = tpu.memref_slice %arg2[%dma_start3A_714, %add3A_9] : memref<50x16384xi32, #tpu.memory_space<hbm>> -> memref<50x128xi32, #tpu.memory_space<hbm>>
      %dma_start3A_716 = arith.constant 0 : i32
      %dma_start3A_717 = arith.constant 0 : i32
      %dma_start3A_718 = tpu.memref_slice %arg5[%run_scoped3A_10, %dma_start3A_716, %dma_start3A_717] : memref<4x50x128xi32, #tpu.memory_space<vmem>> -> memref<1x50x128xi32, #tpu.memory_space<vmem>>
      %dma_start3A_719 = tpu.memref_squeeze %dma_start3A_718 : memref<1x50x128xi32, #tpu.memory_space<vmem>> -> memref<50x128xi32, #tpu.memory_space<vmem>>
      %dma_start3A_720 = arith.constant 0 : i32
      %dma_start3A_721 = tpu.memref_slice %arg2[%dma_start3A_720, %add3A_9] : memref<50x16384xi32, #tpu.memory_space<hbm>> -> memref<50x128xi32, #tpu.memory_space<hbm>>
      tpu.enqueue_dma source(%dma_start3A_721 : memref<50x128xi32, #tpu.memory_space<hbm>>) target(%dma_start3A_719 : memref<50x128xi32, #tpu.memory_space<vmem>>) target_semaphore(%run_scoped3A_709 : memref<!tpu.dma_semaphore, #tpu.memory_space<semaphore_mem>>)
      %dma_wait3A_722 = arith.constant 0 : i32
      %dma_wait3A_723 = arith.constant 0 : i32
      %dma_wait3A_724 = tpu.memref_slice %arg5[%run_scoped3A_10, %dma_wait3A_722, %dma_wait3A_723] : memref<4x50x128xi32, #tpu.memory_space<vmem>> -> memref<1x50x128xi32, #tpu.memory_space<vmem>>
      %dma_wait3A_725 = tpu.memref_squeeze %dma_wait3A_724 : memref<1x50x128xi32, #tpu.memory_space<vmem>> -> memref<50x128xi32, #tpu.memory_space<vmem>>
      %dma_wait3A_726 = arith.constant 0 : i32
      %dma_wait3A_727 = tpu.memref_slice %arg2[%dma_wait3A_726, %add3A_9] : memref<50x16384xi32, #tpu.memory_space<hbm>> -> memref<50x128xi32, #tpu.memory_space<hbm>>
      %dma_wait3A_728 = arith.constant 0 : i32
      %dma_wait3A_729 = arith.constant 0 : i32
      %dma_wait3A_730 = tpu.memref_slice %arg5[%run_scoped3A_10, %dma_wait3A_728, %dma_wait3A_729] : memref<4x50x128xi32, #tpu.memory_space<vmem>> -> memref<1x50x128xi32, #tpu.memory_space<vmem>>
      %dma_wait3A_731 = tpu.memref_squeeze %dma_wait3A_730 : memref<1x50x128xi32, #tpu.memory_space<vmem>> -> memref<50x128xi32, #tpu.memory_space<vmem>>
      %dma_wait3A_732 = arith.constant 0 : i32
      %dma_wait3A_733 = tpu.memref_slice %arg2[%dma_wait3A_732, %add3A_9] : memref<50x16384xi32, #tpu.memory_space<hbm>> -> memref<50x128xi32, #tpu.memory_space<hbm>>
      tpu.wait_dma2 semaphore(%run_scoped3A_709 : memref<!tpu.dma_semaphore, #tpu.memory_space<semaphore_mem>>) src(%dma_wait3A_733 : memref<50x128xi32, #tpu.memory_space<hbm>>) dst(%dma_wait3A_731 : memref<50x128xi32, #tpu.memory_space<vmem>>)
      tpu.yield
    }) : () -> ()
    %add3A_11 = arith.constant 384 : i32
    %add3A_12 = arith.addi %mul3A_2, %add3A_11 : i32
    %run_scoped3A_13 = arith.constant 3 : i32
    "tpu.region"() ({
      %run_scoped3A_709 = tpu.sem_alloc : memref<!tpu.dma_semaphore, #tpu.memory_space<semaphore_mem>>
      %dma_start3A_710 = arith.constant 0 : i32
      %dma_start3A_711 = arith.constant 0 : i32
      %dma_start3A_712 = tpu.memref_slice %arg5[%run_scoped3A_13, %dma_start3A_710, %dma_start3A_711] : memref<4x50x128xi32, #tpu.memory_space<vmem>> -> memref<1x50x128xi32, #tpu.memory_space<vmem>>
      %dma_start3A_713 = tpu.memref_squeeze %dma_start3A_712 : memref<1x50x128xi32, #tpu.memory_space<vmem>> -> memref<50x128xi32, #tpu.memory_space<vmem>>
      %dma_start3A_714 = arith.constant 0 : i32
      %dma_start3A_715 = tpu.memref_slice %arg2[%dma_start3A_714, %add3A_12] : memref<50x16384xi32, #tpu.memory_space<hbm>> -> memref<50x128xi32, #tpu.memory_space<hbm>>
      %dma_start3A_716 = arith.constant 0 : i32
      %dma_start3A_717 = arith.constant 0 : i32
      %dma_start3A_718 = tpu.memref_slice %arg5[%run_scoped3A_13, %dma_start3A_716, %dma_start3A_717] : memref<4x50x128xi32, #tpu.memory_space<vmem>> -> memref<1x50x128xi32, #tpu.memory_space<vmem>>
      %dma_start3A_719 = tpu.memref_squeeze %dma_start3A_718 : memref<1x50x128xi32, #tpu.memory_space<vmem>> -> memref<50x128xi32, #tpu.memory_space<vmem>>
      %dma_start3A_720 = arith.constant 0 : i32
      %dma_start3A_721 = tpu.memref_slice %arg2[%dma_start3A_720, %add3A_12] : memref<50x16384xi32, #tpu.memory_space<hbm>> -> memref<50x128xi32, #tpu.memory_space<hbm>>
      tpu.enqueue_dma source(%dma_start3A_721 : memref<50x128xi32, #tpu.memory_space<hbm>>) target(%dma_start3A_719 : memref<50x128xi32, #tpu.memory_space<vmem>>) target_semaphore(%run_scoped3A_709 : memref<!tpu.dma_semaphore, #tpu.memory_space<semaphore_mem>>)
      %dma_wait3A_722 = arith.constant 0 : i32
      %dma_wait3A_723 = arith.constant 0 : i32
      %dma_wait3A_724 = tpu.memref_slice %arg5[%run_scoped3A_13, %dma_wait3A_722, %dma_wait3A_723] : memref<4x50x128xi32, #tpu.memory_space<vmem>> -> memref<1x50x128xi32, #tpu.memory_space<vmem>>
      %dma_wait3A_725 = tpu.memref_squeeze %dma_wait3A_724 : memref<1x50x128xi32, #tpu.memory_space<vmem>> -> memref<50x128xi32, #tpu.memory_space<vmem>>
      %dma_wait3A_726 = arith.constant 0 : i32
      %dma_wait3A_727 = tpu.memref_slice %arg2[%dma_wait3A_726, %add3A_12] : memref<50x16384xi32, #tpu.memory_space<hbm>> -> memref<50x128xi32, #tpu.memory_space<hbm>>
      %dma_wait3A_728 = arith.constant 0 : i32
      %dma_wait3A_729 = arith.constant 0 : i32
      %dma_wait3A_730 = tpu.memref_slice %arg5[%run_scoped3A_13, %dma_wait3A_728, %dma_wait3A_729] : memref<4x50x128xi32, #tpu.memory_space<vmem>> -> memref<1x50x128xi32, #tpu.memory_space<vmem>>
      %dma_wait3A_731 = tpu.memref_squeeze %dma_wait3A_730 : memref<1x50x128xi32, #tpu.memory_space<vmem>> -> memref<50x128xi32, #tpu.memory_space<vmem>>
      %dma_wait3A_732 = arith.constant 0 : i32
      %dma_wait3A_733 = tpu.memref_slice %arg2[%dma_wait3A_732, %add3A_12] : memref<50x16384xi32, #tpu.memory_space<hbm>> -> memref<50x128xi32, #tpu.memory_space<hbm>>
      tpu.wait_dma2 semaphore(%run_scoped3A_709 : memref<!tpu.dma_semaphore, #tpu.memory_space<semaphore_mem>>) src(%dma_wait3A_733 : memref<50x128xi32, #tpu.memory_space<hbm>>) dst(%dma_wait3A_731 : memref<50x128xi32, #tpu.memory_space<vmem>>)
      tpu.yield
    }) : () -> ()
    %iota3A = tpu.iota {dimensions = array<i32: 0>} : vector<16xi32>
    %add3A_14 = arith.constant 0 : i32
    %add3A_15 = vector.broadcast %add3A_14 : i32 to vector<16xi32>
    %add3A_16 = arith.addi %iota3A, %add3A_15 : vector<16xi32>
    %iota3A_17 = tpu.iota {dimensions = array<i32: 0>} : vector<16xi32>
    %add3A_18 = arith.constant 16 : i32
    %add3A_19 = vector.broadcast %add3A_18 : i32 to vector<16xi32>
    %add3A_20 = arith.addi %iota3A_17, %add3A_19 : vector<16xi32>
    %iota3A_21 = tpu.iota {dimensions = array<i32: 0>} : vector<16xi32>
    %add3A_22 = arith.constant 32 : i32
    %add3A_23 = vector.broadcast %add3A_22 : i32 to vector<16xi32>
    %add3A_24 = arith.addi %iota3A_21, %add3A_23 : vector<16xi32>
    %iota3A_25 = tpu.iota {dimensions = array<i32: 0>} : vector<16xi32>
    %add3A_26 = arith.constant 48 : i32
    %add3A_27 = vector.broadcast %add3A_26 : i32 to vector<16xi32>
    %add3A_28 = arith.addi %iota3A_25, %add3A_27 : vector<16xi32>
    %rem3A = arith.constant 0 : i32
    %rem3A_29 = arith.constant 4 : i32
    %rem3A_30 = arith.remsi %rem3A, %rem3A_29 : i32
    %dma_start3A = arith.constant 0 : i32
    %dma_start3A_31 = arith.constant 0 : i32
    %dma_start3A_32 = arith.constant 0 : i32
    %dma_start3A_33 = arith.constant 0 : i32
    %dma_start3A_34 = arith.constant 0 : i32
    %dma_start3A_35 = tpu.memref_slice %arg6[%dma_start3A_31, %dma_start3A_32, %dma_start3A_33, %dma_start3A_34] : memref<2x2x128x128xf32, #tpu.memory_space<vmem>> -> memref<1x1x128x128xf32, #tpu.memory_space<vmem>>
    %dma_start3A_36 = tpu.memref_squeeze %dma_start3A_35 : memref<1x1x128x128xf32, #tpu.memory_space<vmem>> -> memref<128x128xf32, #tpu.memory_space<vmem>>
    %dma_start3A_37 = arith.constant 0 : i32
    %dma_start3A_38 = tpu.memref_slice %arg5[%rem3A_30, %dma_start3A, %dma_start3A_37] : memref<4x50x128xi32, #tpu.memory_space<vmem>> -> memref<1x1x128xi32, #tpu.memory_space<vmem>>
    %dma_start3A_39 = tpu.memref_squeeze %dma_start3A_38 : memref<1x1x128xi32, #tpu.memory_space<vmem>> -> memref<128xi32, #tpu.memory_space<vmem>>
    %dma_start3A_40 = arith.constant 0 : i32
    %dma_start3A_41 = arith.constant 0 : i32
    %dma_start3A_42 = tpu.memref_slice %arg3[%dma_start3A_40, %dma_start3A_41] : memref<1000000x128xf32, #tpu.memory_space<hbm>> -> memref<1000000x128xf32, #tpu.memory_space<hbm>>
    tpu.enqueue_indirect_dma source(%dma_start3A_42 : memref<1000000x128xf32, #tpu.memory_space<hbm>>) target(%dma_start3A_36 : memref<128x128xf32, #tpu.memory_space<vmem>>) offsets(%dma_start3A_39 : memref<128xi32, #tpu.memory_space<vmem>>) semaphore(%arg8 : memref<!tpu.dma_semaphore, #tpu.memory_space<semaphore_mem>>)
    %rem3A_43 = arith.constant 1 : i32
    %rem3A_44 = arith.constant 4 : i32
    %rem3A_45 = arith.remsi %rem3A_43, %rem3A_44 : i32
    %dma_start3A_46 = arith.constant 0 : i32
    %dma_start3A_47 = arith.constant 0 : i32
    %dma_start3A_48 = arith.constant 1 : i32
    %dma_start3A_49 = arith.constant 0 : i32
    %dma_start3A_50 = arith.constant 0 : i32
    %dma_start3A_51 = tpu.memref_slice %arg6[%dma_start3A_47, %dma_start3A_48, %dma_start3A_49, %dma_start3A_50] : memref<2x2x128x128xf32, #tpu.memory_space<vmem>> -> memref<1x1x128x128xf32, #tpu.memory_space<vmem>>
    %dma_start3A_52 = tpu.memref_squeeze %dma_start3A_51 : memref<1x1x128x128xf32, #tpu.memory_space<vmem>> -> memref<128x128xf32, #tpu.memory_space<vmem>>
    %dma_start3A_53 = arith.constant 0 : i32
    %dma_start3A_54 = tpu.memref_slice %arg5[%rem3A_45, %dma_start3A_46, %dma_start3A_53] : memref<4x50x128xi32, #tpu.memory_space<vmem>> -> memref<1x1x128xi32, #tpu.memory_space<vmem>>
    %dma_start3A_55 = tpu.memref_squeeze %dma_start3A_54 : memref<1x1x128xi32, #tpu.memory_space<vmem>> -> memref<128xi32, #tpu.memory_space<vmem>>
    %dma_start3A_56 = arith.constant 0 : i32
    %dma_start3A_57 = arith.constant 0 : i32
    %dma_start3A_58 = tpu.memref_slice %arg3[%dma_start3A_56, %dma_start3A_57] : memref<1000000x128xf32, #tpu.memory_space<hbm>> -> memref<1000000x128xf32, #tpu.memory_space<hbm>>
    tpu.enqueue_indirect_dma source(%dma_start3A_58 : memref<1000000x128xf32, #tpu.memory_space<hbm>>) target(%dma_start3A_52 : memref<128x128xf32, #tpu.memory_space<vmem>>) offsets(%dma_start3A_55 : memref<128xi32, #tpu.memory_space<vmem>>) semaphore(%arg8 : memref<!tpu.dma_semaphore, #tpu.memory_space<semaphore_mem>>)
    %rem3A_59 = arith.constant 2 : i32
    %rem3A_60 = arith.constant 4 : i32
    %rem3A_61 = arith.remsi %rem3A_59, %rem3A_60 : i32
    %dma_start3A_62 = arith.constant 0 : i32
    %dma_start3A_63 = arith.constant 1 : i32
    %dma_start3A_64 = arith.constant 0 : i32
    %dma_start3A_65 = arith.constant 0 : i32
    %dma_start3A_66 = arith.constant 0 : i32
    %dma_start3A_67 = tpu.memref_slice %arg6[%dma_start3A_63, %dma_start3A_64, %dma_start3A_65, %dma_start3A_66] : memref<2x2x128x128xf32, #tpu.memory_space<vmem>> -> memref<1x1x128x128xf32, #tpu.memory_space<vmem>>
    %dma_start3A_68 = tpu.memref_squeeze %dma_start3A_67 : memref<1x1x128x128xf32, #tpu.memory_space<vmem>> -> memref<128x128xf32, #tpu.memory_space<vmem>>
    %dma_start3A_69 = arith.constant 0 : i32
    %dma_start3A_70 = tpu.memref_slice %arg5[%rem3A_61, %dma_start3A_62, %dma_start3A_69] : memref<4x50x128xi32, #tpu.memory_space<vmem>> -> memref<1x1x128xi32, #tpu.memory_space<vmem>>
    %dma_start3A_71 = tpu.memref_squeeze %dma_start3A_70 : memref<1x1x128xi32, #tpu.memory_space<vmem>> -> memref<128xi32, #tpu.memory_space<vmem>>
    %dma_start3A_72 = arith.constant 0 : i32
    %dma_start3A_73 = arith.constant 0 : i32
    %dma_start3A_74 = tpu.memref_slice %arg3[%dma_start3A_72, %dma_start3A_73] : memref<1000000x128xf32, #tpu.memory_space<hbm>> -> memref<1000000x128xf32, #tpu.memory_space<hbm>>
    tpu.enqueue_indirect_dma source(%dma_start3A_74 : memref<1000000x128xf32, #tpu.memory_space<hbm>>) target(%dma_start3A_68 : memref<128x128xf32, #tpu.memory_space<vmem>>) offsets(%dma_start3A_71 : memref<128xi32, #tpu.memory_space<vmem>>) semaphore(%arg9 : memref<!tpu.dma_semaphore, #tpu.memory_space<semaphore_mem>>)
    %rem3A_75 = arith.constant 3 : i32
    %rem3A_76 = arith.constant 4 : i32
    %rem3A_77 = arith.remsi %rem3A_75, %rem3A_76 : i32
    %dma_start3A_78 = arith.constant 0 : i32
    %dma_start3A_79 = arith.constant 1 : i32
    %dma_start3A_80 = arith.constant 1 : i32
    %dma_start3A_81 = arith.constant 0 : i32
    %dma_start3A_82 = arith.constant 0 : i32
    %dma_start3A_83 = tpu.memref_slice %arg6[%dma_start3A_79, %dma_start3A_80, %dma_start3A_81, %dma_start3A_82] : memref<2x2x128x128xf32, #tpu.memory_space<vmem>> -> memref<1x1x128x128xf32, #tpu.memory_space<vmem>>
    %dma_start3A_84 = tpu.memref_squeeze %dma_start3A_83 : memref<1x1x128x128xf32, #tpu.memory_space<vmem>> -> memref<128x128xf32, #tpu.memory_space<vmem>>
    %dma_start3A_85 = arith.constant 0 : i32
    %dma_start3A_86 = tpu.memref_slice %arg5[%rem3A_77, %dma_start3A_78, %dma_start3A_85] : memref<4x50x128xi32, #tpu.memory_space<vmem>> -> memref<1x1x128xi32, #tpu.memory_space<vmem>>
    %dma_start3A_87 = tpu.memref_squeeze %dma_start3A_86 : memref<1x1x128xi32, #tpu.memory_space<vmem>> -> memref<128xi32, #tpu.memory_space<vmem>>
    %dma_start3A_88 = arith.constant 0 : i32
    %dma_start3A_89 = arith.constant 0 : i32
    %dma_start3A_90 = tpu.memref_slice %arg3[%dma_start3A_88, %dma_start3A_89] : memref<1000000x128xf32, #tpu.memory_space<hbm>> -> memref<1000000x128xf32, #tpu.memory_space<hbm>>
    tpu.enqueue_indirect_dma source(%dma_start3A_90 : memref<1000000x128xf32, #tpu.memory_space<hbm>>) target(%dma_start3A_84 : memref<128x128xf32, #tpu.memory_space<vmem>>) offsets(%dma_start3A_87 : memref<128xi32, #tpu.memory_space<vmem>>) semaphore(%arg9 : memref<!tpu.dma_semaphore, #tpu.memory_space<semaphore_mem>>)
    %rem3A_91 = arith.constant 0 : i32
    %rem3A_92 = arith.constant 4 : i32
    %rem3A_93 = arith.remsi %rem3A_91, %rem3A_92 : i32
    %dma_wait3A = arith.constant 0 : i32
    %dma_wait3A_94 = arith.constant 0 : i32
    %dma_wait3A_95 = arith.constant 0 : i32
    %dma_wait3A_96 = arith.constant 0 : i32
    %dma_wait3A_97 = arith.constant 0 : i32
    %dma_wait3A_98 = tpu.memref_slice %arg6[%dma_wait3A_94, %dma_wait3A_95, %dma_wait3A_96, %dma_wait3A_97] : memref<2x2x128x128xf32, #tpu.memory_space<vmem>> -> memref<1x1x128x128xf32, #tpu.memory_space<vmem>>
    %dma_wait3A_99 = tpu.memref_squeeze %dma_wait3A_98 : memref<1x1x128x128xf32, #tpu.memory_space<vmem>> -> memref<128x128xf32, #tpu.memory_space<vmem>>
    %dma_wait3A_100 = arith.constant 0 : i32
    %dma_wait3A_101 = tpu.memref_slice %arg5[%rem3A_93, %dma_wait3A, %dma_wait3A_100] : memref<4x50x128xi32, #tpu.memory_space<vmem>> -> memref<1x1x128xi32, #tpu.memory_space<vmem>>
    %dma_wait3A_102 = tpu.memref_squeeze %dma_wait3A_101 : memref<1x1x128xi32, #tpu.memory_space<vmem>> -> memref<128xi32, #tpu.memory_space<vmem>>
    %dma_wait3A_103 = arith.constant 0 : i32
    %dma_wait3A_104 = arith.constant 0 : i32
    %dma_wait3A_105 = tpu.memref_slice %arg3[%dma_wait3A_103, %dma_wait3A_104] : memref<1000000x128xf32, #tpu.memory_space<hbm>> -> memref<1000000x128xf32, #tpu.memory_space<hbm>>
    tpu.wait_indirect_dma semaphore(%arg8 : memref<!tpu.dma_semaphore, #tpu.memory_space<semaphore_mem>>) src(%dma_wait3A_105 : memref<1000000x128xf32, #tpu.memory_space<hbm>>) dst(%dma_wait3A_99 : memref<128x128xf32, #tpu.memory_space<vmem>>)
    %rem3A_106 = arith.constant 1 : i32
    %rem3A_107 = arith.constant 4 : i32
    %rem3A_108 = arith.remsi %rem3A_106, %rem3A_107 : i32
    %dma_wait3A_109 = arith.constant 0 : i32
    %dma_wait3A_110 = arith.constant 0 : i32
    %dma_wait3A_111 = arith.constant 1 : i32
    %dma_wait3A_112 = arith.constant 0 : i32
    %dma_wait3A_113 = arith.constant 0 : i32
    %dma_wait3A_114 = tpu.memref_slice %arg6[%dma_wait3A_110, %dma_wait3A_111, %dma_wait3A_112, %dma_wait3A_113] : memref<2x2x128x128xf32, #tpu.memory_space<vmem>> -> memref<1x1x128x128xf32, #tpu.memory_space<vmem>>
    %dma_wait3A_115 = tpu.memref_squeeze %dma_wait3A_114 : memref<1x1x128x128xf32, #tpu.memory_space<vmem>> -> memref<128x128xf32, #tpu.memory_space<vmem>>
    %dma_wait3A_116 = arith.constant 0 : i32
    %dma_wait3A_117 = tpu.memref_slice %arg5[%rem3A_108, %dma_wait3A_109, %dma_wait3A_116] : memref<4x50x128xi32, #tpu.memory_space<vmem>> -> memref<1x1x128xi32, #tpu.memory_space<vmem>>
    %dma_wait3A_118 = tpu.memref_squeeze %dma_wait3A_117 : memref<1x1x128xi32, #tpu.memory_space<vmem>> -> memref<128xi32, #tpu.memory_space<vmem>>
    %dma_wait3A_119 = arith.constant 0 : i32
    %dma_wait3A_120 = arith.constant 0 : i32
    %dma_wait3A_121 = tpu.memref_slice %arg3[%dma_wait3A_119, %dma_wait3A_120] : memref<1000000x128xf32, #tpu.memory_space<hbm>> -> memref<1000000x128xf32, #tpu.memory_space<hbm>>
    tpu.wait_indirect_dma semaphore(%arg8 : memref<!tpu.dma_semaphore, #tpu.memory_space<semaphore_mem>>) src(%dma_wait3A_121 : memref<1000000x128xf32, #tpu.memory_space<hbm>>) dst(%dma_wait3A_115 : memref<128x128xf32, #tpu.memory_space<vmem>>)
    %parallel_loop3A = arith.constant 0 : i32
    %parallel_loop3A_122 = arith.constant 128 : i32
    %parallel_loop3A_123 = arith.constant 1 : i32
    %parallel_loop3A_124 = arith.constant 0 : i32
    %parallel_loop3A_125 = arith.constant 0 : i32
    %parallel_loop3A_126 = arith.constant 0 : i32
    %parallel_loop3A_127 = arith.constant 0 : i32
    scf.for %parallel_loop3A_709 = %parallel_loop3A to %parallel_loop3A_122 step %parallel_loop3A_123  : i32 {
      %parallel_loop3A_710 = arith.constant 0 : i32
      %parallel_loop3A_711 = vector.broadcast %parallel_loop3A_710 : i32 to vector<16xi32>
      %parallel_loop3A_712 = vector.broadcast %parallel_loop3A_709 : i32 to vector<16xi32>
      %parallel_loop3A_713 = arith.addi %parallel_loop3A_711, %parallel_loop3A_712 : vector<16xi32>
      %parallel_loop3A_714 = arith.constant 0 : i32
      %parallel_loop3A_715 = arith.constant 0 : i32
      %parallel_loop3A_716 = tpu.memref_slice %arg6[%parallel_loop3A_124, %parallel_loop3A_125, %parallel_loop3A_714, %parallel_loop3A_715] : memref<2x2x128x128xf32, #tpu.memory_space<vmem>> -> memref<1x1x128x128xf32, #tpu.memory_space<vmem>>
      %parallel_loop3A_717 = tpu.memref_squeeze %parallel_loop3A_716 : memref<1x1x128x128xf32, #tpu.memory_space<vmem>> -> memref<128x128xf32, #tpu.memory_space<vmem>>
      %parallel_loop3A_718 = arith.index_cast %parallel_loop3A_709 : i32 to index
      %parallel_loop3A_719 = arith.constant 0 : index
      %parallel_loop3A_720 = tpu.vector_load %parallel_loop3A_717[%parallel_loop3A_718, %parallel_loop3A_719] {strides = array<i32>} : memref<128x128xf32, #tpu.memory_space<vmem>>, vector<16xf32>,
      %parallel_loop3A_721 = arith.constant 0 : i32
      %parallel_loop3A_722 = arith.constant 0 : i32
      %parallel_loop3A_723 = tpu.memref_slice %arg7[%parallel_loop3A_126, %parallel_loop3A_127, %parallel_loop3A_721, %parallel_loop3A_722] : memref<2x2x64x128xf32, #tpu.memory_space<vmem>> -> memref<1x1x64x128xf32, #tpu.memory_space<vmem>>
      %parallel_loop3A_724 = tpu.memref_squeeze %parallel_loop3A_723 : memref<1x1x64x128xf32, #tpu.memory_space<vmem>> -> memref<64x128xf32, #tpu.memory_space<vmem>>
      tpu.vector_store_idx %parallel_loop3A_724[%add3A_16, %parallel_loop3A_713], %parallel_loop3A_720 : memref<64x128xf32, #tpu.memory_space<vmem>>[vector<16xi32>, vector<16xi32>], vector<16xf32>,
      %parallel_loop3A_725 = arith.constant 0 : i32
      %parallel_loop3A_726 = arith.constant 0 : i32
      %parallel_loop3A_727 = tpu.memref_slice %arg6[%parallel_loop3A_124, %parallel_loop3A_125, %parallel_loop3A_725, %parallel_loop3A_726] : memref<2x2x128x128xf32, #tpu.memory_space<vmem>> -> memref<1x1x128x128xf32, #tpu.memory_space<vmem>>
      %parallel_loop3A_728 = tpu.memref_squeeze %parallel_loop3A_727 : memref<1x1x128x128xf32, #tpu.memory_space<vmem>> -> memref<128x128xf32, #tpu.memory_space<vmem>>
      %parallel_loop3A_729 = arith.index_cast %parallel_loop3A_709 : i32 to index
      %parallel_loop3A_730 = arith.constant 16 : index
      %parallel_loop3A_731 = tpu.vector_load %parallel_loop3A_728[%parallel_loop3A_729, %parallel_loop3A_730] {strides = array<i32>} : memref<128x128xf32, #tpu.memory_space<vmem>>, vector<16xf32>,
      %parallel_loop3A_732 = arith.constant 0 : i32
      %parallel_loop3A_733 = arith.constant 0 : i32
      %parallel_loop3A_734 = tpu.memref_slice %arg7[%parallel_loop3A_126, %parallel_loop3A_127, %parallel_loop3A_732, %parallel_loop3A_733] : memref<2x2x64x128xf32, #tpu.memory_space<vmem>> -> memref<1x1x64x128xf32, #tpu.memory_space<vmem>>
      %parallel_loop3A_735 = tpu.memref_squeeze %parallel_loop3A_734 : memref<1x1x64x128xf32, #tpu.memory_space<vmem>> -> memref<64x128xf32, #tpu.memory_space<vmem>>
      tpu.vector_store_idx %parallel_loop3A_735[%add3A_20, %parallel_loop3A_713], %parallel_loop3A_731 : memref<64x128xf32, #tpu.memory_space<vmem>>[vector<16xi32>, vector<16xi32>], vector<16xf32>,
      %parallel_loop3A_736 = arith.constant 0 : i32
      %parallel_loop3A_737 = arith.constant 0 : i32
      %parallel_loop3A_738 = tpu.memref_slice %arg6[%parallel_loop3A_124, %parallel_loop3A_125, %parallel_loop3A_736, %parallel_loop3A_737] : memref<2x2x128x128xf32, #tpu.memory_space<vmem>> -> memref<1x1x128x128xf32, #tpu.memory_space<vmem>>
      %parallel_loop3A_739 = tpu.memref_squeeze %parallel_loop3A_738 : memref<1x1x128x128xf32, #tpu.memory_space<vmem>> -> memref<128x128xf32, #tpu.memory_space<vmem>>
      %parallel_loop3A_740 = arith.index_cast %parallel_loop3A_709 : i32 to index
      %parallel_loop3A_741 = arith.constant 32 : index
      %parallel_loop3A_742 = tpu.vector_load %parallel_loop3A_739[%parallel_loop3A_740, %parallel_loop3A_741] {strides = array<i32>} : memref<128x128xf32, #tpu.memory_space<vmem>>, vector<16xf32>,
      %parallel_loop3A_743 = arith.constant 0 : i32
      %parallel_loop3A_744 = arith.constant 0 : i32
      %parallel_loop3A_745 = tpu.memref_slice %arg7[%parallel_loop3A_126, %parallel_loop3A_127, %parallel_loop3A_743, %parallel_loop3A_744] : memref<2x2x64x128xf32, #tpu.memory_space<vmem>> -> memref<1x1x64x128xf32, #tpu.memory_space<vmem>>
      %parallel_loop3A_746 = tpu.memref_squeeze %parallel_loop3A_745 : memref<1x1x64x128xf32, #tpu.memory_space<vmem>> -> memref<64x128xf32, #tpu.memory_space<vmem>>
      tpu.vector_store_idx %parallel_loop3A_746[%add3A_24, %parallel_loop3A_713], %parallel_loop3A_742 : memref<64x128xf32, #tpu.memory_space<vmem>>[vector<16xi32>, vector<16xi32>], vector<16xf32>,
      %parallel_loop3A_747 = arith.constant 0 : i32
      %parallel_loop3A_748 = arith.constant 0 : i32
      %parallel_loop3A_749 = tpu.memref_slice %arg6[%parallel_loop3A_124, %parallel_loop3A_125, %parallel_loop3A_747, %parallel_loop3A_748] : memref<2x2x128x128xf32, #tpu.memory_space<vmem>> -> memref<1x1x128x128xf32, #tpu.memory_space<vmem>>
      %parallel_loop3A_750 = tpu.memref_squeeze %parallel_loop3A_749 : memref<1x1x128x128xf32, #tpu.memory_space<vmem>> -> memref<128x128xf32, #tpu.memory_space<vmem>>
      %parallel_loop3A_751 = arith.index_cast %parallel_loop3A_709 : i32 to index
      %parallel_loop3A_752 = arith.constant 48 : index
      %parallel_loop3A_753 = tpu.vector_load %parallel_loop3A_750[%parallel_loop3A_751, %parallel_loop3A_752] {strides = array<i32>} : memref<128x128xf32, #tpu.memory_space<vmem>>, vector<16xf32>,
      %parallel_loop3A_754 = arith.constant 0 : i32
      %parallel_loop3A_755 = arith.constant 0 : i32
      %parallel_loop3A_756 = tpu.memref_slice %arg7[%parallel_loop3A_126, %parallel_loop3A_127, %parallel_loop3A_754, %parallel_loop3A_755] : memref<2x2x64x128xf32, #tpu.memory_space<vmem>> -> memref<1x1x64x128xf32, #tpu.memory_space<vmem>>
      %parallel_loop3A_757 = tpu.memref_squeeze %parallel_loop3A_756 : memref<1x1x64x128xf32, #tpu.memory_space<vmem>> -> memref<64x128xf32, #tpu.memory_space<vmem>>
      tpu.vector_store_idx %parallel_loop3A_757[%add3A_28, %parallel_loop3A_713], %parallel_loop3A_753 : memref<64x128xf32, #tpu.memory_space<vmem>>[vector<16xi32>, vector<16xi32>], vector<16xf32>,
    } {sc.loop_unroll_factor = 8 : i64, sc.parallel_access}
    %parallel_loop3A_128 = arith.constant 0 : i32
    %parallel_loop3A_129 = arith.constant 128 : i32
    %parallel_loop3A_130 = arith.constant 1 : i32
    %parallel_loop3A_131 = arith.constant 0 : i32
    %parallel_loop3A_132 = arith.constant 1 : i32
    %parallel_loop3A_133 = arith.constant 0 : i32
    %parallel_loop3A_134 = arith.constant 1 : i32
    scf.for %parallel_loop3A_709 = %parallel_loop3A_128 to %parallel_loop3A_129 step %parallel_loop3A_130  : i32 {
      %parallel_loop3A_710 = arith.constant 0 : i32
      %parallel_loop3A_711 = vector.broadcast %parallel_loop3A_710 : i32 to vector<16xi32>
      %parallel_loop3A_712 = vector.broadcast %parallel_loop3A_709 : i32 to vector<16xi32>
      %parallel_loop3A_713 = arith.addi %parallel_loop3A_711, %parallel_loop3A_712 : vector<16xi32>
      %parallel_loop3A_714 = arith.constant 0 : i32
      %parallel_loop3A_715 = arith.constant 0 : i32
      %parallel_loop3A_716 = tpu.memref_slice %arg6[%parallel_loop3A_131, %parallel_loop3A_132, %parallel_loop3A_714, %parallel_loop3A_715] : memref<2x2x128x128xf32, #tpu.memory_space<vmem>> -> memref<1x1x128x128xf32, #tpu.memory_space<vmem>>
      %parallel_loop3A_717 = tpu.memref_squeeze %parallel_loop3A_716 : memref<1x1x128x128xf32, #tpu.memory_space<vmem>> -> memref<128x128xf32, #tpu.memory_space<vmem>>
      %parallel_loop3A_718 = arith.index_cast %parallel_loop3A_709 : i32 to index
      %parallel_loop3A_719 = arith.constant 0 : index
      %parallel_loop3A_720 = tpu.vector_load %parallel_loop3A_717[%parallel_loop3A_718, %parallel_loop3A_719] {strides = array<i32>} : memref<128x128xf32, #tpu.memory_space<vmem>>, vector<16xf32>,
      %parallel_loop3A_721 = arith.constant 0 : i32
      %parallel_loop3A_722 = arith.constant 0 : i32
      %parallel_loop3A_723 = tpu.memref_slice %arg7[%parallel_loop3A_133, %parallel_loop3A_134, %parallel_loop3A_721, %parallel_loop3A_722] : memref<2x2x64x128xf32, #tpu.memory_space<vmem>> -> memref<1x1x64x128xf32, #tpu.memory_space<vmem>>
      %parallel_loop3A_724 = tpu.memref_squeeze %parallel_loop3A_723 : memref<1x1x64x128xf32, #tpu.memory_space<vmem>> -> memref<64x128xf32, #tpu.memory_space<vmem>>
      tpu.vector_store_idx %parallel_loop3A_724[%add3A_16, %parallel_loop3A_713], %parallel_loop3A_720 : memref<64x128xf32, #tpu.memory_space<vmem>>[vector<16xi32>, vector<16xi32>], vector<16xf32>,
      %parallel_loop3A_725 = arith.constant 0 : i32
      %parallel_loop3A_726 = arith.constant 0 : i32
      %parallel_loop3A_727 = tpu.memref_slice %arg6[%parallel_loop3A_131, %parallel_loop3A_132, %parallel_loop3A_725, %parallel_loop3A_726] : memref<2x2x128x128xf32, #tpu.memory_space<vmem>> -> memref<1x1x128x128xf32, #tpu.memory_space<vmem>>
      %parallel_loop3A_728 = tpu.memref_squeeze %parallel_loop3A_727 : memref<1x1x128x128xf32, #tpu.memory_space<vmem>> -> memref<128x128xf32, #tpu.memory_space<vmem>>
      %parallel_loop3A_729 = arith.index_cast %parallel_loop3A_709 : i32 to index
      %parallel_loop3A_730 = arith.constant 16 : index
      %parallel_loop3A_731 = tpu.vector_load %parallel_loop3A_728[%parallel_loop3A_729, %parallel_loop3A_730] {strides = array<i32>} : memref<128x128xf32, #tpu.memory_space<vmem>>, vector<16xf32>,
      %parallel_loop3A_732 = arith.constant 0 : i32
      %parallel_loop3A_733 = arith.constant 0 : i32
      %parallel_loop3A_734 = tpu.memref_slice %arg7[%parallel_loop3A_133, %parallel_loop3A_134, %parallel_loop3A_732, %parallel_loop3A_733] : memref<2x2x64x128xf32, #tpu.memory_space<vmem>> -> memref<1x1x64x128xf32, #tpu.memory_space<vmem>>
      %parallel_loop3A_735 = tpu.memref_squeeze %parallel_loop3A_734 : memref<1x1x64x128xf32, #tpu.memory_space<vmem>> -> memref<64x128xf32, #tpu.memory_space<vmem>>
      tpu.vector_store_idx %parallel_loop3A_735[%add3A_20, %parallel_loop3A_713], %parallel_loop3A_731 : memref<64x128xf32, #tpu.memory_space<vmem>>[vector<16xi32>, vector<16xi32>], vector<16xf32>,
      %parallel_loop3A_736 = arith.constant 0 : i32
      %parallel_loop3A_737 = arith.constant 0 : i32
      %parallel_loop3A_738 = tpu.memref_slice %arg6[%parallel_loop3A_131, %parallel_loop3A_132, %parallel_loop3A_736, %parallel_loop3A_737] : memref<2x2x128x128xf32, #tpu.memory_space<vmem>> -> memref<1x1x128x128xf32, #tpu.memory_space<vmem>>
      %parallel_loop3A_739 = tpu.memref_squeeze %parallel_loop3A_738 : memref<1x1x128x128xf32, #tpu.memory_space<vmem>> -> memref<128x128xf32, #tpu.memory_space<vmem>>
      %parallel_loop3A_740 = arith.index_cast %parallel_loop3A_709 : i32 to index
      %parallel_loop3A_741 = arith.constant 32 : index
      %parallel_loop3A_742 = tpu.vector_load %parallel_loop3A_739[%parallel_loop3A_740, %parallel_loop3A_741] {strides = array<i32>} : memref<128x128xf32, #tpu.memory_space<vmem>>, vector<16xf32>,
      %parallel_loop3A_743 = arith.constant 0 : i32
      %parallel_loop3A_744 = arith.constant 0 : i32
      %parallel_loop3A_745 = tpu.memref_slice %arg7[%parallel_loop3A_133, %parallel_loop3A_134, %parallel_loop3A_743, %parallel_loop3A_744] : memref<2x2x64x128xf32, #tpu.memory_space<vmem>> -> memref<1x1x64x128xf32, #tpu.memory_space<vmem>>
      %parallel_loop3A_746 = tpu.memref_squeeze %parallel_loop3A_745 : memref<1x1x64x128xf32, #tpu.memory_space<vmem>> -> memref<64x128xf32, #tpu.memory_space<vmem>>
      tpu.vector_store_idx %parallel_loop3A_746[%add3A_24, %parallel_loop3A_713], %parallel_loop3A_742 : memref<64x128xf32, #tpu.memory_space<vmem>>[vector<16xi32>, vector<16xi32>], vector<16xf32>,
      %parallel_loop3A_747 = arith.constant 0 : i32
      %parallel_loop3A_748 = arith.constant 0 : i32
      %parallel_loop3A_749 = tpu.memref_slice %arg6[%parallel_loop3A_131, %parallel_loop3A_132, %parallel_loop3A_747, %parallel_loop3A_748] : memref<2x2x128x128xf32, #tpu.memory_space<vmem>> -> memref<1x1x128x128xf32, #tpu.memory_space<vmem>>
      %parallel_loop3A_750 = tpu.memref_squeeze %parallel_loop3A_749 : memref<1x1x128x128xf32, #tpu.memory_space<vmem>> -> memref<128x128xf32, #tpu.memory_space<vmem>>
      %parallel_loop3A_751 = arith.index_cast %parallel_loop3A_709 : i32 to index
      %parallel_loop3A_752 = arith.constant 48 : index
      %parallel_loop3A_753 = tpu.vector_load %parallel_loop3A_750[%parallel_loop3A_751, %parallel_loop3A_752] {strides = array<i32>} : memref<128x128xf32, #tpu.memory_space<vmem>>, vector<16xf32>,
      %parallel_loop3A_754 = arith.constant 0 : i32
      %parallel_loop3A_755 = arith.constant 0 : i32
      %parallel_loop3A_756 = tpu.memref_slice %arg7[%parallel_loop3A_133, %parallel_loop3A_134, %parallel_loop3A_754, %parallel_loop3A_755] : memref<2x2x64x128xf32, #tpu.memory_space<vmem>> -> memref<1x1x64x128xf32, #tpu.memory_space<vmem>>
      %parallel_loop3A_757 = tpu.memref_squeeze %parallel_loop3A_756 : memref<1x1x64x128xf32, #tpu.memory_space<vmem>> -> memref<64x128xf32, #tpu.memory_space<vmem>>
      tpu.vector_store_idx %parallel_loop3A_757[%add3A_28, %parallel_loop3A_713], %parallel_loop3A_753 : memref<64x128xf32, #tpu.memory_space<vmem>>[vector<16xi32>, vector<16xi32>], vector<16xf32>,
    } {sc.loop_unroll_factor = 8 : i64, sc.parallel_access}
    %rem3A_135 = arith.constant 0 : i32
    %rem3A_136 = arith.constant 4 : i32
    %rem3A_137 = arith.remsi %rem3A_135, %rem3A_136 : i32
    %mul3A_138 = arith.constant 128 : i32
    %mul3A_139 = arith.muli %rem3A_137, %mul3A_138 : i32
    %add3A_140 = arith.addi %mul3A_2, %mul3A_139 : i32
    %dma_start3A_141 = arith.constant 0 : i32
    %dma_start3A_142 = arith.constant 0 : i32
    %dma_start3A_143 = arith.constant 0 : i32
    %dma_start3A_144 = arith.constant 0 : i32
    %dma_start3A_145 = arith.constant 0 : i32
    %dma_start3A_146 = tpu.memref_slice %arg7[%dma_start3A_141, %dma_start3A_142, %dma_start3A_144, %dma_start3A_145] : memref<2x2x64x128xf32, #tpu.memory_space<vmem>> -> memref<1x1x64x128xf32, #tpu.memory_space<vmem>>
    %dma_start3A_147 = tpu.memref_squeeze %dma_start3A_146 : memref<1x1x64x128xf32, #tpu.memory_space<vmem>> -> memref<64x128xf32, #tpu.memory_space<vmem>>
    %dma_start3A_148 = arith.constant 0 : i32
    %dma_start3A_149 = tpu.memref_slice %arg4[%dma_start3A_143, %dma_start3A_148, %add3A_140] : memref<50x64x16384xf32, #tpu.memory_space<hbm>> -> memref<1x64x128xf32, #tpu.memory_space<hbm>>
    %dma_start3A_150 = tpu.memref_squeeze %dma_start3A_149 : memref<1x64x128xf32, #tpu.memory_space<hbm>> -> memref<64x128xf32, #tpu.memory_space<hbm>>
    %dma_start3A_151 = arith.constant 0 : i32
    %dma_start3A_152 = tpu.memref_slice %arg4[%dma_start3A_143, %dma_start3A_151, %add3A_140] : memref<50x64x16384xf32, #tpu.memory_space<hbm>> -> memref<1x64x128xf32, #tpu.memory_space<hbm>>
    %dma_start3A_153 = tpu.memref_squeeze %dma_start3A_152 : memref<1x64x128xf32, #tpu.memory_space<hbm>> -> memref<64x128xf32, #tpu.memory_space<hbm>>
    %dma_start3A_154 = arith.constant 0 : i32
    %dma_start3A_155 = arith.constant 0 : i32
    %dma_start3A_156 = tpu.memref_slice %arg7[%dma_start3A_141, %dma_start3A_142, %dma_start3A_154, %dma_start3A_155] : memref<2x2x64x128xf32, #tpu.memory_space<vmem>> -> memref<1x1x64x128xf32, #tpu.memory_space<vmem>>
    %dma_start3A_157 = tpu.memref_squeeze %dma_start3A_156 : memref<1x1x64x128xf32, #tpu.memory_space<vmem>> -> memref<64x128xf32, #tpu.memory_space<vmem>>
    tpu.enqueue_dma source(%dma_start3A_157 : memref<64x128xf32, #tpu.memory_space<vmem>>) target(%dma_start3A_153 : memref<64x128xf32, #tpu.memory_space<hbm>>) target_semaphore(%arg10 : memref<!tpu.dma_semaphore, #tpu.memory_space<semaphore_mem>>)
    %rem3A_158 = arith.constant 1 : i32
    %rem3A_159 = arith.constant 4 : i32
    %rem3A_160 = arith.remsi %rem3A_158, %rem3A_159 : i32
    %mul3A_161 = arith.constant 128 : i32
    %mul3A_162 = arith.muli %rem3A_160, %mul3A_161 : i32
    %add3A_163 = arith.addi %mul3A_2, %mul3A_162 : i32
    %dma_start3A_164 = arith.constant 0 : i32
    %dma_start3A_165 = arith.constant 1 : i32
    %dma_start3A_166 = arith.constant 0 : i32
    %dma_start3A_167 = arith.constant 0 : i32
    %dma_start3A_168 = arith.constant 0 : i32
    %dma_start3A_169 = tpu.memref_slice %arg7[%dma_start3A_164, %dma_start3A_165, %dma_start3A_167, %dma_start3A_168] : memref<2x2x64x128xf32, #tpu.memory_space<vmem>> -> memref<1x1x64x128xf32, #tpu.memory_space<vmem>>
    %dma_start3A_170 = tpu.memref_squeeze %dma_start3A_169 : memref<1x1x64x128xf32, #tpu.memory_space<vmem>> -> memref<64x128xf32, #tpu.memory_space<vmem>>
    %dma_start3A_171 = arith.constant 0 : i32
    %dma_start3A_172 = tpu.memref_slice %arg4[%dma_start3A_166, %dma_start3A_171, %add3A_163] : memref<50x64x16384xf32, #tpu.memory_space<hbm>> -> memref<1x64x128xf32, #tpu.memory_space<hbm>>
    %dma_start3A_173 = tpu.memref_squeeze %dma_start3A_172 : memref<1x64x128xf32, #tpu.memory_space<hbm>> -> memref<64x128xf32, #tpu.memory_space<hbm>>
    %dma_start3A_174 = arith.constant 0 : i32
    %dma_start3A_175 = tpu.memref_slice %arg4[%dma_start3A_166, %dma_start3A_174, %add3A_163] : memref<50x64x16384xf32, #tpu.memory_space<hbm>> -> memref<1x64x128xf32, #tpu.memory_space<hbm>>
    %dma_start3A_176 = tpu.memref_squeeze %dma_start3A_175 : memref<1x64x128xf32, #tpu.memory_space<hbm>> -> memref<64x128xf32, #tpu.memory_space<hbm>>
    %dma_start3A_177 = arith.constant 0 : i32
    %dma_start3A_178 = arith.constant 0 : i32
    %dma_start3A_179 = tpu.memref_slice %arg7[%dma_start3A_164, %dma_start3A_165, %dma_start3A_177, %dma_start3A_178] : memref<2x2x64x128xf32, #tpu.memory_space<vmem>> -> memref<1x1x64x128xf32, #tpu.memory_space<vmem>>
    %dma_start3A_180 = tpu.memref_squeeze %dma_start3A_179 : memref<1x1x64x128xf32, #tpu.memory_space<vmem>> -> memref<64x128xf32, #tpu.memory_space<vmem>>
    tpu.enqueue_dma source(%dma_start3A_180 : memref<64x128xf32, #tpu.memory_space<vmem>>) target(%dma_start3A_176 : memref<64x128xf32, #tpu.memory_space<hbm>>) target_semaphore(%arg10 : memref<!tpu.dma_semaphore, #tpu.memory_space<semaphore_mem>>)
    %rem3A_181 = arith.constant 0 : i32
    %rem3A_182 = arith.constant 4 : i32
    %rem3A_183 = arith.remsi %rem3A_181, %rem3A_182 : i32
    %mul3A_184 = arith.constant 128 : i32
    %mul3A_185 = arith.muli %rem3A_183, %mul3A_184 : i32
    %add3A_186 = arith.addi %mul3A_2, %mul3A_185 : i32
    %dma_wait3A_187 = arith.constant 0 : i32
    %dma_wait3A_188 = arith.constant 0 : i32
    %dma_wait3A_189 = arith.constant 0 : i32
    %dma_wait3A_190 = arith.constant 0 : i32
    %dma_wait3A_191 = arith.constant 0 : i32
    %dma_wait3A_192 = tpu.memref_slice %arg7[%dma_wait3A_187, %dma_wait3A_188, %dma_wait3A_190, %dma_wait3A_191] : memref<2x2x64x128xf32, #tpu.memory_space<vmem>> -> memref<1x1x64x128xf32, #tpu.memory_space<vmem>>
    %dma_wait3A_193 = tpu.memref_squeeze %dma_wait3A_192 : memref<1x1x64x128xf32, #tpu.memory_space<vmem>> -> memref<64x128xf32, #tpu.memory_space<vmem>>
    %dma_wait3A_194 = arith.constant 0 : i32
    %dma_wait3A_195 = tpu.memref_slice %arg4[%dma_wait3A_189, %dma_wait3A_194, %add3A_186] : memref<50x64x16384xf32, #tpu.memory_space<hbm>> -> memref<1x64x128xf32, #tpu.memory_space<hbm>>
    %dma_wait3A_196 = tpu.memref_squeeze %dma_wait3A_195 : memref<1x64x128xf32, #tpu.memory_space<hbm>> -> memref<64x128xf32, #tpu.memory_space<hbm>>
    %dma_wait3A_197 = arith.constant 0 : i32
    %dma_wait3A_198 = tpu.memref_slice %arg4[%dma_wait3A_189, %dma_wait3A_197, %add3A_186] : memref<50x64x16384xf32, #tpu.memory_space<hbm>> -> memref<1x64x128xf32, #tpu.memory_space<hbm>>
    %dma_wait3A_199 = tpu.memref_squeeze %dma_wait3A_198 : memref<1x64x128xf32, #tpu.memory_space<hbm>> -> memref<64x128xf32, #tpu.memory_space<hbm>>
    %dma_wait3A_200 = arith.constant 0 : i32
    %dma_wait3A_201 = arith.constant 0 : i32
    %dma_wait3A_202 = tpu.memref_slice %arg7[%dma_wait3A_187, %dma_wait3A_188, %dma_wait3A_200, %dma_wait3A_201] : memref<2x2x64x128xf32, #tpu.memory_space<vmem>> -> memref<1x1x64x128xf32, #tpu.memory_space<vmem>>
    %dma_wait3A_203 = tpu.memref_squeeze %dma_wait3A_202 : memref<1x1x64x128xf32, #tpu.memory_space<vmem>> -> memref<64x128xf32, #tpu.memory_space<vmem>>
    tpu.wait_dma2 semaphore(%arg10 : memref<!tpu.dma_semaphore, #tpu.memory_space<semaphore_mem>>) src(%dma_wait3A_203 : memref<64x128xf32, #tpu.memory_space<vmem>>) dst(%dma_wait3A_199 : memref<64x128xf32, #tpu.memory_space<hbm>>)
    %rem3A_204 = arith.constant 1 : i32
    %rem3A_205 = arith.constant 4 : i32
    %rem3A_206 = arith.remsi %rem3A_204, %rem3A_205 : i32
    %mul3A_207 = arith.constant 128 : i32
    %mul3A_208 = arith.muli %rem3A_206, %mul3A_207 : i32
    %add3A_209 = arith.addi %mul3A_2, %mul3A_208 : i32
    %dma_wait3A_210 = arith.constant 0 : i32
    %dma_wait3A_211 = arith.constant 1 : i32
    %dma_wait3A_212 = arith.constant 0 : i32
    %dma_wait3A_213 = arith.constant 0 : i32
    %dma_wait3A_214 = arith.constant 0 : i32
    %dma_wait3A_215 = tpu.memref_slice %arg7[%dma_wait3A_210, %dma_wait3A_211, %dma_wait3A_213, %dma_wait3A_214] : memref<2x2x64x128xf32, #tpu.memory_space<vmem>> -> memref<1x1x64x128xf32, #tpu.memory_space<vmem>>
    %dma_wait3A_216 = tpu.memref_squeeze %dma_wait3A_215 : memref<1x1x64x128xf32, #tpu.memory_space<vmem>> -> memref<64x128xf32, #tpu.memory_space<vmem>>
    %dma_wait3A_217 = arith.constant 0 : i32
    %dma_wait3A_218 = tpu.memref_slice %arg4[%dma_wait3A_212, %dma_wait3A_217, %add3A_209] : memref<50x64x16384xf32, #tpu.memory_space<hbm>> -> memref<1x64x128xf32, #tpu.memory_space<hbm>>
    %dma_wait3A_219 = tpu.memref_squeeze %dma_wait3A_218 : memref<1x64x128xf32, #tpu.memory_space<hbm>> -> memref<64x128xf32, #tpu.memory_space<hbm>>
    %dma_wait3A_220 = arith.constant 0 : i32
    %dma_wait3A_221 = tpu.memref_slice %arg4[%dma_wait3A_212, %dma_wait3A_220, %add3A_209] : memref<50x64x16384xf32, #tpu.memory_space<hbm>> -> memref<1x64x128xf32, #tpu.memory_space<hbm>>
    %dma_wait3A_222 = tpu.memref_squeeze %dma_wait3A_221 : memref<1x64x128xf32, #tpu.memory_space<hbm>> -> memref<64x128xf32, #tpu.memory_space<hbm>>
    %dma_wait3A_223 = arith.constant 0 : i32
    %dma_wait3A_224 = arith.constant 0 : i32
    %dma_wait3A_225 = tpu.memref_slice %arg7[%dma_wait3A_210, %dma_wait3A_211, %dma_wait3A_223, %dma_wait3A_224] : memref<2x2x64x128xf32, #tpu.memory_space<vmem>> -> memref<1x1x64x128xf32, #tpu.memory_space<vmem>>
    %dma_wait3A_226 = tpu.memref_squeeze %dma_wait3A_225 : memref<1x1x64x128xf32, #tpu.memory_space<vmem>> -> memref<64x128xf32, #tpu.memory_space<vmem>>
    tpu.wait_dma2 semaphore(%arg10 : memref<!tpu.dma_semaphore, #tpu.memory_space<semaphore_mem>>) src(%dma_wait3A_226 : memref<64x128xf32, #tpu.memory_space<vmem>>) dst(%dma_wait3A_222 : memref<64x128xf32, #tpu.memory_space<hbm>>)
    %rem3A_227 = arith.constant 4 : i32
    %rem3A_228 = arith.constant 4 : i32
    %rem3A_229 = arith.remsi %rem3A_227, %rem3A_228 : i32
    %dma_start3A_230 = arith.constant 1 : i32
    %dma_start3A_231 = arith.constant 0 : i32
    %dma_start3A_232 = arith.constant 0 : i32
    %dma_start3A_233 = arith.constant 0 : i32
    %dma_start3A_234 = arith.constant 0 : i32
    %dma_start3A_235 = tpu.memref_slice %arg6[%dma_start3A_231, %dma_start3A_232, %dma_start3A_233, %dma_start3A_234] : memref<2x2x128x128xf32, #tpu.memory_space<vmem>> -> memref<1x1x128x128xf32, #tpu.memory_space<vmem>>
    %dma_start3A_236 = tpu.memref_squeeze %dma_start3A_235 : memref<1x1x128x128xf32, #tpu.memory_space<vmem>> -> memref<128x128xf32, #tpu.memory_space<vmem>>
    %dma_start3A_237 = arith.constant 0 : i32
    %dma_start3A_238 = tpu.memref_slice %arg5[%rem3A_229, %dma_start3A_230, %dma_start3A_237] : memref<4x50x128xi32, #tpu.memory_space<vmem>> -> memref<1x1x128xi32, #tpu.memory_space<vmem>>
    %dma_start3A_239 = tpu.memref_squeeze %dma_start3A_238 : memref<1x1x128xi32, #tpu.memory_space<vmem>> -> memref<128xi32, #tpu.memory_space<vmem>>
    %dma_start3A_240 = arith.constant 0 : i32
    %dma_start3A_241 = arith.constant 0 : i32
    %dma_start3A_242 = tpu.memref_slice %arg3[%dma_start3A_240, %dma_start3A_241] : memref<1000000x128xf32, #tpu.memory_space<hbm>> -> memref<1000000x128xf32, #tpu.memory_space<hbm>>
    tpu.enqueue_indirect_dma source(%dma_start3A_242 : memref<1000000x128xf32, #tpu.memory_space<hbm>>) target(%dma_start3A_236 : memref<128x128xf32, #tpu.memory_space<vmem>>) offsets(%dma_start3A_239 : memref<128xi32, #tpu.memory_space<vmem>>) semaphore(%arg8 : memref<!tpu.dma_semaphore, #tpu.memory_space<semaphore_mem>>)
    %rem3A_243 = arith.constant 5 : i32
    %rem3A_244 = arith.constant 4 : i32
    %rem3A_245 = arith.remsi %rem3A_243, %rem3A_244 : i32
    %dma_start3A_246 = arith.constant 1 : i32
    %dma_start3A_247 = arith.constant 0 : i32
    %dma_start3A_248 = arith.constant 1 : i32
    %dma_start3A_249 = arith.constant 0 : i32
    %dma_start3A_250 = arith.constant 0 : i32
    %dma_start3A_251 = tpu.memref_slice %arg6[%dma_start3A_247, %dma_start3A_248, %dma_start3A_249, %dma_start3A_250] : memref<2x2x128x128xf32, #tpu.memory_space<vmem>> -> memref<1x1x128x128xf32, #tpu.memory_space<vmem>>
    %dma_start3A_252 = tpu.memref_squeeze %dma_start3A_251 : memref<1x1x128x128xf32, #tpu.memory_space<vmem>> -> memref<128x128xf32, #tpu.memory_space<vmem>>
    %dma_start3A_253 = arith.constant 0 : i32
    %dma_start3A_254 = tpu.memref_slice %arg5[%rem3A_245, %dma_start3A_246, %dma_start3A_253] : memref<4x50x128xi32, #tpu.memory_space<vmem>> -> memref<1x1x128xi32, #tpu.memory_space<vmem>>
    %dma_start3A_255 = tpu.memref_squeeze %dma_start3A_254 : memref<1x1x128xi32, #tpu.memory_space<vmem>> -> memref<128xi32, #tpu.memory_space<vmem>>
    %dma_start3A_256 = arith.constant 0 : i32
    %dma_start3A_257 = arith.constant 0 : i32
    %dma_start3A_258 = tpu.memref_slice %arg3[%dma_start3A_256, %dma_start3A_257] : memref<1000000x128xf32, #tpu.memory_space<hbm>> -> memref<1000000x128xf32, #tpu.memory_space<hbm>>
    tpu.enqueue_indirect_dma source(%dma_start3A_258 : memref<1000000x128xf32, #tpu.memory_space<hbm>>) target(%dma_start3A_252 : memref<128x128xf32, #tpu.memory_space<vmem>>) offsets(%dma_start3A_255 : memref<128xi32, #tpu.memory_space<vmem>>) semaphore(%arg8 : memref<!tpu.dma_semaphore, #tpu.memory_space<semaphore_mem>>)
    %rem3A_259 = arith.constant 2 : i32
    %rem3A_260 = arith.constant 4 : i32
    %rem3A_261 = arith.remsi %rem3A_259, %rem3A_260 : i32
    %dma_wait3A_262 = arith.constant 0 : i32
    %dma_wait3A_263 = arith.constant 1 : i32
    %dma_wait3A_264 = arith.constant 0 : i32
    %dma_wait3A_265 = arith.constant 0 : i32
    %dma_wait3A_266 = arith.constant 0 : i32
    %dma_wait3A_267 = tpu.memref_slice %arg6[%dma_wait3A_263, %dma_wait3A_264, %dma_wait3A_265, %dma_wait3A_266] : memref<2x2x128x128xf32, #tpu.memory_space<vmem>> -> memref<1x1x128x128xf32, #tpu.memory_space<vmem>>
    %dma_wait3A_268 = tpu.memref_squeeze %dma_wait3A_267 : memref<1x1x128x128xf32, #tpu.memory_space<vmem>> -> memref<128x128xf32, #tpu.memory_space<vmem>>
    %dma_wait3A_269 = arith.constant 0 : i32
    %dma_wait3A_270 = tpu.memref_slice %arg5[%rem3A_261, %dma_wait3A_262, %dma_wait3A_269] : memref<4x50x128xi32, #tpu.memory_space<vmem>> -> memref<1x1x128xi32, #tpu.memory_space<vmem>>
    %dma_wait3A_271 = tpu.memref_squeeze %dma_wait3A_270 : memref<1x1x128xi32, #tpu.memory_space<vmem>> -> memref<128xi32, #tpu.memory_space<vmem>>
    %dma_wait3A_272 = arith.constant 0 : i32
    %dma_wait3A_273 = arith.constant 0 : i32
    %dma_wait3A_274 = tpu.memref_slice %arg3[%dma_wait3A_272, %dma_wait3A_273] : memref<1000000x128xf32, #tpu.memory_space<hbm>> -> memref<1000000x128xf32, #tpu.memory_space<hbm>>
    tpu.wait_indirect_dma semaphore(%arg9 : memref<!tpu.dma_semaphore, #tpu.memory_space<semaphore_mem>>) src(%dma_wait3A_274 : memref<1000000x128xf32, #tpu.memory_space<hbm>>) dst(%dma_wait3A_268 : memref<128x128xf32, #tpu.memory_space<vmem>>)
    %rem3A_275 = arith.constant 3 : i32
    %rem3A_276 = arith.constant 4 : i32
    %rem3A_277 = arith.remsi %rem3A_275, %rem3A_276 : i32
    %dma_wait3A_278 = arith.constant 0 : i32
    %dma_wait3A_279 = arith.constant 1 : i32
    %dma_wait3A_280 = arith.constant 1 : i32
    %dma_wait3A_281 = arith.constant 0 : i32
    %dma_wait3A_282 = arith.constant 0 : i32
    %dma_wait3A_283 = tpu.memref_slice %arg6[%dma_wait3A_279, %dma_wait3A_280, %dma_wait3A_281, %dma_wait3A_282] : memref<2x2x128x128xf32, #tpu.memory_space<vmem>> -> memref<1x1x128x128xf32, #tpu.memory_space<vmem>>
    %dma_wait3A_284 = tpu.memref_squeeze %dma_wait3A_283 : memref<1x1x128x128xf32, #tpu.memory_space<vmem>> -> memref<128x128xf32, #tpu.memory_space<vmem>>
    %dma_wait3A_285 = arith.constant 0 : i32
    %dma_wait3A_286 = tpu.memref_slice %arg5[%rem3A_277, %dma_wait3A_278, %dma_wait3A_285] : memref<4x50x128xi32, #tpu.memory_space<vmem>> -> memref<1x1x128xi32, #tpu.memory_space<vmem>>
    %dma_wait3A_287 = tpu.memref_squeeze %dma_wait3A_286 : memref<1x1x128xi32, #tpu.memory_space<vmem>> -> memref<128xi32, #tpu.memory_space<vmem>>
    %dma_wait3A_288 = arith.constant 0 : i32
    %dma_wait3A_289 = arith.constant 0 : i32
    %dma_wait3A_290 = tpu.memref_slice %arg3[%dma_wait3A_288, %dma_wait3A_289] : memref<1000000x128xf32, #tpu.memory_space<hbm>> -> memref<1000000x128xf32, #tpu.memory_space<hbm>>
    tpu.wait_indirect_dma semaphore(%arg9 : memref<!tpu.dma_semaphore, #tpu.memory_space<semaphore_mem>>) src(%dma_wait3A_290 : memref<1000000x128xf32, #tpu.memory_space<hbm>>) dst(%dma_wait3A_284 : memref<128x128xf32, #tpu.memory_space<vmem>>)
    %parallel_loop3A_291 = arith.constant 0 : i32
    %parallel_loop3A_292 = arith.constant 128 : i32
    %parallel_loop3A_293 = arith.constant 1 : i32
    %parallel_loop3A_294 = arith.constant 1 : i32
    %parallel_loop3A_295 = arith.constant 0 : i32
    %parallel_loop3A_296 = arith.constant 1 : i32
    %parallel_loop3A_297 = arith.constant 0 : i32
    scf.for %parallel_loop3A_709 = %parallel_loop3A_291 to %parallel_loop3A_292 step %parallel_loop3A_293  : i32 {
      %parallel_loop3A_710 = arith.constant 0 : i32
      %parallel_loop3A_711 = vector.broadcast %parallel_loop3A_710 : i32 to vector<16xi32>
      %parallel_loop3A_712 = vector.broadcast %parallel_loop3A_709 : i32 to vector<16xi32>
      %parallel_loop3A_713 = arith.addi %parallel_loop3A_711, %parallel_loop3A_712 : vector<16xi32>
      %parallel_loop3A_714 = arith.constant 0 : i32
      %parallel_loop3A_715 = arith.constant 0 : i32
      %parallel_loop3A_716 = tpu.memref_slice %arg6[%parallel_loop3A_294, %parallel_loop3A_295, %parallel_loop3A_714, %parallel_loop3A_715] : memref<2x2x128x128xf32, #tpu.memory_space<vmem>> -> memref<1x1x128x128xf32, #tpu.memory_space<vmem>>
      %parallel_loop3A_717 = tpu.memref_squeeze %parallel_loop3A_716 : memref<1x1x128x128xf32, #tpu.memory_space<vmem>> -> memref<128x128xf32, #tpu.memory_space<vmem>>
      %parallel_loop3A_718 = arith.index_cast %parallel_loop3A_709 : i32 to index
      %parallel_loop3A_719 = arith.constant 0 : index
      %parallel_loop3A_720 = tpu.vector_load %parallel_loop3A_717[%parallel_loop3A_718, %parallel_loop3A_719] {strides = array<i32>} : memref<128x128xf32, #tpu.memory_space<vmem>>, vector<16xf32>,
      %parallel_loop3A_721 = arith.constant 0 : i32
      %parallel_loop3A_722 = arith.constant 0 : i32
      %parallel_loop3A_723 = tpu.memref_slice %arg7[%parallel_loop3A_296, %parallel_loop3A_297, %parallel_loop3A_721, %parallel_loop3A_722] : memref<2x2x64x128xf32, #tpu.memory_space<vmem>> -> memref<1x1x64x128xf32, #tpu.memory_space<vmem>>
      %parallel_loop3A_724 = tpu.memref_squeeze %parallel_loop3A_723 : memref<1x1x64x128xf32, #tpu.memory_space<vmem>> -> memref<64x128xf32, #tpu.memory_space<vmem>>
      tpu.vector_store_idx %parallel_loop3A_724[%add3A_16, %parallel_loop3A_713], %parallel_loop3A_720 : memref<64x128xf32, #tpu.memory_space<vmem>>[vector<16xi32>, vector<16xi32>], vector<16xf32>,
      %parallel_loop3A_725 = arith.constant 0 : i32
      %parallel_loop3A_726 = arith.constant 0 : i32
      %parallel_loop3A_727 = tpu.memref_slice %arg6[%parallel_loop3A_294, %parallel_loop3A_295, %parallel_loop3A_725, %parallel_loop3A_726] : memref<2x2x128x128xf32, #tpu.memory_space<vmem>> -> memref<1x1x128x128xf32, #tpu.memory_space<vmem>>
      %parallel_loop3A_728 = tpu.memref_squeeze %parallel_loop3A_727 : memref<1x1x128x128xf32, #tpu.memory_space<vmem>> -> memref<128x128xf32, #tpu.memory_space<vmem>>
      %parallel_loop3A_729 = arith.index_cast %parallel_loop3A_709 : i32 to index
      %parallel_loop3A_730 = arith.constant 16 : index
      %parallel_loop3A_731 = tpu.vector_load %parallel_loop3A_728[%parallel_loop3A_729, %parallel_loop3A_730] {strides = array<i32>} : memref<128x128xf32, #tpu.memory_space<vmem>>, vector<16xf32>,
      %parallel_loop3A_732 = arith.constant 0 : i32
      %parallel_loop3A_733 = arith.constant 0 : i32
      %parallel_loop3A_734 = tpu.memref_slice %arg7[%parallel_loop3A_296, %parallel_loop3A_297, %parallel_loop3A_732, %parallel_loop3A_733] : memref<2x2x64x128xf32, #tpu.memory_space<vmem>> -> memref<1x1x64x128xf32, #tpu.memory_space<vmem>>
      %parallel_loop3A_735 = tpu.memref_squeeze %parallel_loop3A_734 : memref<1x1x64x128xf32, #tpu.memory_space<vmem>> -> memref<64x128xf32, #tpu.memory_space<vmem>>
      tpu.vector_store_idx %parallel_loop3A_735[%add3A_20, %parallel_loop3A_713], %parallel_loop3A_731 : memref<64x128xf32, #tpu.memory_space<vmem>>[vector<16xi32>, vector<16xi32>], vector<16xf32>,
      %parallel_loop3A_736 = arith.constant 0 : i32
      %parallel_loop3A_737 = arith.constant 0 : i32
      %parallel_loop3A_738 = tpu.memref_slice %arg6[%parallel_loop3A_294, %parallel_loop3A_295, %parallel_loop3A_736, %parallel_loop3A_737] : memref<2x2x128x128xf32, #tpu.memory_space<vmem>> -> memref<1x1x128x128xf32, #tpu.memory_space<vmem>>
      %parallel_loop3A_739 = tpu.memref_squeeze %parallel_loop3A_738 : memref<1x1x128x128xf32, #tpu.memory_space<vmem>> -> memref<128x128xf32, #tpu.memory_space<vmem>>
      %parallel_loop3A_740 = arith.index_cast %parallel_loop3A_709 : i32 to index
      %parallel_loop3A_741 = arith.constant 32 : index
      %parallel_loop3A_742 = tpu.vector_load %parallel_loop3A_739[%parallel_loop3A_740, %parallel_loop3A_741] {strides = array<i32>} : memref<128x128xf32, #tpu.memory_space<vmem>>, vector<16xf32>,
      %parallel_loop3A_743 = arith.constant 0 : i32
      %parallel_loop3A_744 = arith.constant 0 : i32
      %parallel_loop3A_745 = tpu.memref_slice %arg7[%parallel_loop3A_296, %parallel_loop3A_297, %parallel_loop3A_743, %parallel_loop3A_744] : memref<2x2x64x128xf32, #tpu.memory_space<vmem>> -> memref<1x1x64x128xf32, #tpu.memory_space<vmem>>
      %parallel_loop3A_746 = tpu.memref_squeeze %parallel_loop3A_745 : memref<1x1x64x128xf32, #tpu.memory_space<vmem>> -> memref<64x128xf32, #tpu.memory_space<vmem>>
      tpu.vector_store_idx %parallel_loop3A_746[%add3A_24, %parallel_loop3A_713], %parallel_loop3A_742 : memref<64x128xf32, #tpu.memory_space<vmem>>[vector<16xi32>, vector<16xi32>], vector<16xf32>,
      %parallel_loop3A_747 = arith.constant 0 : i32
      %parallel_loop3A_748 = arith.constant 0 : i32
      %parallel_loop3A_749 = tpu.memref_slice %arg6[%parallel_loop3A_294, %parallel_loop3A_295, %parallel_loop3A_747, %parallel_loop3A_748] : memref<2x2x128x128xf32, #tpu.memory_space<vmem>> -> memref<1x1x128x128xf32, #tpu.memory_space<vmem>>
      %parallel_loop3A_750 = tpu.memref_squeeze %parallel_loop3A_749 : memref<1x1x128x128xf32, #tpu.memory_space<vmem>> -> memref<128x128xf32, #tpu.memory_space<vmem>>
      %parallel_loop3A_751 = arith.index_cast %parallel_loop3A_709 : i32 to index
      %parallel_loop3A_752 = arith.constant 48 : index
      %parallel_loop3A_753 = tpu.vector_load %parallel_loop3A_750[%parallel_loop3A_751, %parallel_loop3A_752] {strides = array<i32>} : memref<128x128xf32, #tpu.memory_space<vmem>>, vector<16xf32>,
      %parallel_loop3A_754 = arith.constant 0 : i32
      %parallel_loop3A_755 = arith.constant 0 : i32
      %parallel_loop3A_756 = tpu.memref_slice %arg7[%parallel_loop3A_296, %parallel_loop3A_297, %parallel_loop3A_754, %parallel_loop3A_755] : memref<2x2x64x128xf32, #tpu.memory_space<vmem>> -> memref<1x1x64x128xf32, #tpu.memory_space<vmem>>
      %parallel_loop3A_757 = tpu.memref_squeeze %parallel_loop3A_756 : memref<1x1x64x128xf32, #tpu.memory_space<vmem>> -> memref<64x128xf32, #tpu.memory_space<vmem>>
      tpu.vector_store_idx %parallel_loop3A_757[%add3A_28, %parallel_loop3A_713], %parallel_loop3A_753 : memref<64x128xf32, #tpu.memory_space<vmem>>[vector<16xi32>, vector<16xi32>], vector<16xf32>,
    } {sc.loop_unroll_factor = 8 : i64, sc.parallel_access}
    %parallel_loop3A_298 = arith.constant 0 : i32
    %parallel_loop3A_299 = arith.constant 128 : i32
    %parallel_loop3A_300 = arith.constant 1 : i32
    %parallel_loop3A_301 = arith.constant 1 : i32
    %parallel_loop3A_302 = arith.constant 1 : i32
    %parallel_loop3A_303 = arith.constant 1 : i32
    %parallel_loop3A_304 = arith.constant 1 : i32
    scf.for %parallel_loop3A_709 = %parallel_loop3A_298 to %parallel_loop3A_299 step %parallel_loop3A_300  : i32 {
      %parallel_loop3A_710 = arith.constant 0 : i32
      %parallel_loop3A_711 = vector.broadcast %parallel_loop3A_710 : i32 to vector<16xi32>
      %parallel_loop3A_712 = vector.broadcast %parallel_loop3A_709 : i32 to vector<16xi32>
      %parallel_loop3A_713 = arith.addi %parallel_loop3A_711, %parallel_loop3A_712 : vector<16xi32>
      %parallel_loop3A_714 = arith.constant 0 : i32
      %parallel_loop3A_715 = arith.constant 0 : i32
      %parallel_loop3A_716 = tpu.memref_slice %arg6[%parallel_loop3A_301, %parallel_loop3A_302, %parallel_loop3A_714, %parallel_loop3A_715] : memref<2x2x128x128xf32, #tpu.memory_space<vmem>> -> memref<1x1x128x128xf32, #tpu.memory_space<vmem>>
      %parallel_loop3A_717 = tpu.memref_squeeze %parallel_loop3A_716 : memref<1x1x128x128xf32, #tpu.memory_space<vmem>> -> memref<128x128xf32, #tpu.memory_space<vmem>>
      %parallel_loop3A_718 = arith.index_cast %parallel_loop3A_709 : i32 to index
      %parallel_loop3A_719 = arith.constant 0 : index
      %parallel_loop3A_720 = tpu.vector_load %parallel_loop3A_717[%parallel_loop3A_718, %parallel_loop3A_719] {strides = array<i32>} : memref<128x128xf32, #tpu.memory_space<vmem>>, vector<16xf32>,
      %parallel_loop3A_721 = arith.constant 0 : i32
      %parallel_loop3A_722 = arith.constant 0 : i32
      %parallel_loop3A_723 = tpu.memref_slice %arg7[%parallel_loop3A_303, %parallel_loop3A_304, %parallel_loop3A_721, %parallel_loop3A_722] : memref<2x2x64x128xf32, #tpu.memory_space<vmem>> -> memref<1x1x64x128xf32, #tpu.memory_space<vmem>>
      %parallel_loop3A_724 = tpu.memref_squeeze %parallel_loop3A_723 : memref<1x1x64x128xf32, #tpu.memory_space<vmem>> -> memref<64x128xf32, #tpu.memory_space<vmem>>
      tpu.vector_store_idx %parallel_loop3A_724[%add3A_16, %parallel_loop3A_713], %parallel_loop3A_720 : memref<64x128xf32, #tpu.memory_space<vmem>>[vector<16xi32>, vector<16xi32>], vector<16xf32>,
      %parallel_loop3A_725 = arith.constant 0 : i32
      %parallel_loop3A_726 = arith.constant 0 : i32
      %parallel_loop3A_727 = tpu.memref_slice %arg6[%parallel_loop3A_301, %parallel_loop3A_302, %parallel_loop3A_725, %parallel_loop3A_726] : memref<2x2x128x128xf32, #tpu.memory_space<vmem>> -> memref<1x1x128x128xf32, #tpu.memory_space<vmem>>
      %parallel_loop3A_728 = tpu.memref_squeeze %parallel_loop3A_727 : memref<1x1x128x128xf32, #tpu.memory_space<vmem>> -> memref<128x128xf32, #tpu.memory_space<vmem>>
      %parallel_loop3A_729 = arith.index_cast %parallel_loop3A_709 : i32 to index
      %parallel_loop3A_730 = arith.constant 16 : index
      %parallel_loop3A_731 = tpu.vector_load %parallel_loop3A_728[%parallel_loop3A_729, %parallel_loop3A_730] {strides = array<i32>} : memref<128x128xf32, #tpu.memory_space<vmem>>, vector<16xf32>,
      %parallel_loop3A_732 = arith.constant 0 : i32
      %parallel_loop3A_733 = arith.constant 0 : i32
      %parallel_loop3A_734 = tpu.memref_slice %arg7[%parallel_loop3A_303, %parallel_loop3A_304, %parallel_loop3A_732, %parallel_loop3A_733] : memref<2x2x64x128xf32, #tpu.memory_space<vmem>> -> memref<1x1x64x128xf32, #tpu.memory_space<vmem>>
      %parallel_loop3A_735 = tpu.memref_squeeze %parallel_loop3A_734 : memref<1x1x64x128xf32, #tpu.memory_space<vmem>> -> memref<64x128xf32, #tpu.memory_space<vmem>>
      tpu.vector_store_idx %parallel_loop3A_735[%add3A_20, %parallel_loop3A_713], %parallel_loop3A_731 : memref<64x128xf32, #tpu.memory_space<vmem>>[vector<16xi32>, vector<16xi32>], vector<16xf32>,
      %parallel_loop3A_736 = arith.constant 0 : i32
      %parallel_loop3A_737 = arith.constant 0 : i32
      %parallel_loop3A_738 = tpu.memref_slice %arg6[%parallel_loop3A_301, %parallel_loop3A_302, %parallel_loop3A_736, %parallel_loop3A_737] : memref<2x2x128x128xf32, #tpu.memory_space<vmem>> -> memref<1x1x128x128xf32, #tpu.memory_space<vmem>>
      %parallel_loop3A_739 = tpu.memref_squeeze %parallel_loop3A_738 : memref<1x1x128x128xf32, #tpu.memory_space<vmem>> -> memref<128x128xf32, #tpu.memory_space<vmem>>
      %parallel_loop3A_740 = arith.index_cast %parallel_loop3A_709 : i32 to index
      %parallel_loop3A_741 = arith.constant 32 : index
      %parallel_loop3A_742 = tpu.vector_load %parallel_loop3A_739[%parallel_loop3A_740, %parallel_loop3A_741] {strides = array<i32>} : memref<128x128xf32, #tpu.memory_space<vmem>>, vector<16xf32>,
      %parallel_loop3A_743 = arith.constant 0 : i32
      %parallel_loop3A_744 = arith.constant 0 : i32
      %parallel_loop3A_745 = tpu.memref_slice %arg7[%parallel_loop3A_303, %parallel_loop3A_304, %parallel_loop3A_743, %parallel_loop3A_744] : memref<2x2x64x128xf32, #tpu.memory_space<vmem>> -> memref<1x1x64x128xf32, #tpu.memory_space<vmem>>
      %parallel_loop3A_746 = tpu.memref_squeeze %parallel_loop3A_745 : memref<1x1x64x128xf32, #tpu.memory_space<vmem>> -> memref<64x128xf32, #tpu.memory_space<vmem>>
      tpu.vector_store_idx %parallel_loop3A_746[%add3A_24, %parallel_loop3A_713], %parallel_loop3A_742 : memref<64x128xf32, #tpu.memory_space<vmem>>[vector<16xi32>, vector<16xi32>], vector<16xf32>,
      %parallel_loop3A_747 = arith.constant 0 : i32
      %parallel_loop3A_748 = arith.constant 0 : i32
      %parallel_loop3A_749 = tpu.memref_slice %arg6[%parallel_loop3A_301, %parallel_loop3A_302, %parallel_loop3A_747, %parallel_loop3A_748] : memref<2x2x128x128xf32, #tpu.memory_space<vmem>> -> memref<1x1x128x128xf32, #tpu.memory_space<vmem>>
      %parallel_loop3A_750 = tpu.memref_squeeze %parallel_loop3A_749 : memref<1x1x128x128xf32, #tpu.memory_space<vmem>> -> memref<128x128xf32, #tpu.memory_space<vmem>>
      %parallel_loop3A_751 = arith.index_cast %parallel_loop3A_709 : i32 to index
      %parallel_loop3A_752 = arith.constant 48 : index
      %parallel_loop3A_753 = tpu.vector_load %parallel_loop3A_750[%parallel_loop3A_751, %parallel_loop3A_752] {strides = array<i32>} : memref<128x128xf32, #tpu.memory_space<vmem>>, vector<16xf32>,
      %parallel_loop3A_754 = arith.constant 0 : i32
      %parallel_loop3A_755 = arith.constant 0 : i32
      %parallel_loop3A_756 = tpu.memref_slice %arg7[%parallel_loop3A_303, %parallel_loop3A_304, %parallel_loop3A_754, %parallel_loop3A_755] : memref<2x2x64x128xf32, #tpu.memory_space<vmem>> -> memref<1x1x64x128xf32, #tpu.memory_space<vmem>>
      %parallel_loop3A_757 = tpu.memref_squeeze %parallel_loop3A_756 : memref<1x1x64x128xf32, #tpu.memory_space<vmem>> -> memref<64x128xf32, #tpu.memory_space<vmem>>
      tpu.vector_store_idx %parallel_loop3A_757[%add3A_28, %parallel_loop3A_713], %parallel_loop3A_753 : memref<64x128xf32, #tpu.memory_space<vmem>>[vector<16xi32>, vector<16xi32>], vector<16xf32>,
    } {sc.loop_unroll_factor = 8 : i64, sc.parallel_access}
    %rem3A_305 = arith.constant 2 : i32
    %rem3A_306 = arith.constant 4 : i32
    %rem3A_307 = arith.remsi %rem3A_305, %rem3A_306 : i32
    %mul3A_308 = arith.constant 128 : i32
    %mul3A_309 = arith.muli %rem3A_307, %mul3A_308 : i32
    %add3A_310 = arith.addi %mul3A_2, %mul3A_309 : i32
    %dma_start3A_311 = arith.constant 1 : i32
    %dma_start3A_312 = arith.constant 0 : i32
    %dma_start3A_313 = arith.constant 0 : i32
    %dma_start3A_314 = arith.constant 0 : i32
    %dma_start3A_315 = arith.constant 0 : i32
    %dma_start3A_316 = tpu.memref_slice %arg7[%dma_start3A_311, %dma_start3A_312, %dma_start3A_314, %dma_start3A_315] : memref<2x2x64x128xf32, #tpu.memory_space<vmem>> -> memref<1x1x64x128xf32, #tpu.memory_space<vmem>>
    %dma_start3A_317 = tpu.memref_squeeze %dma_start3A_316 : memref<1x1x64x128xf32, #tpu.memory_space<vmem>> -> memref<64x128xf32, #tpu.memory_space<vmem>>
    %dma_start3A_318 = arith.constant 0 : i32
    %dma_start3A_319 = tpu.memref_slice %arg4[%dma_start3A_313, %dma_start3A_318, %add3A_310] : memref<50x64x16384xf32, #tpu.memory_space<hbm>> -> memref<1x64x128xf32, #tpu.memory_space<hbm>>
    %dma_start3A_320 = tpu.memref_squeeze %dma_start3A_319 : memref<1x64x128xf32, #tpu.memory_space<hbm>> -> memref<64x128xf32, #tpu.memory_space<hbm>>
    %dma_start3A_321 = arith.constant 0 : i32
    %dma_start3A_322 = tpu.memref_slice %arg4[%dma_start3A_313, %dma_start3A_321, %add3A_310] : memref<50x64x16384xf32, #tpu.memory_space<hbm>> -> memref<1x64x128xf32, #tpu.memory_space<hbm>>
    %dma_start3A_323 = tpu.memref_squeeze %dma_start3A_322 : memref<1x64x128xf32, #tpu.memory_space<hbm>> -> memref<64x128xf32, #tpu.memory_space<hbm>>
    %dma_start3A_324 = arith.constant 0 : i32
    %dma_start3A_325 = arith.constant 0 : i32
    %dma_start3A_326 = tpu.memref_slice %arg7[%dma_start3A_311, %dma_start3A_312, %dma_start3A_324, %dma_start3A_325] : memref<2x2x64x128xf32, #tpu.memory_space<vmem>> -> memref<1x1x64x128xf32, #tpu.memory_space<vmem>>
    %dma_start3A_327 = tpu.memref_squeeze %dma_start3A_326 : memref<1x1x64x128xf32, #tpu.memory_space<vmem>> -> memref<64x128xf32, #tpu.memory_space<vmem>>
    tpu.enqueue_dma source(%dma_start3A_327 : memref<64x128xf32, #tpu.memory_space<vmem>>) target(%dma_start3A_323 : memref<64x128xf32, #tpu.memory_space<hbm>>) target_semaphore(%arg11 : memref<!tpu.dma_semaphore, #tpu.memory_space<semaphore_mem>>)
    %rem3A_328 = arith.constant 3 : i32
    %rem3A_329 = arith.constant 4 : i32
    %rem3A_330 = arith.remsi %rem3A_328, %rem3A_329 : i32
    %mul3A_331 = arith.constant 128 : i32
    %mul3A_332 = arith.muli %rem3A_330, %mul3A_331 : i32
    %add3A_333 = arith.addi %mul3A_2, %mul3A_332 : i32
    %dma_start3A_334 = arith.constant 1 : i32
    %dma_start3A_335 = arith.constant 1 : i32
    %dma_start3A_336 = arith.constant 0 : i32
    %dma_start3A_337 = arith.constant 0 : i32
    %dma_start3A_338 = arith.constant 0 : i32
    %dma_start3A_339 = tpu.memref_slice %arg7[%dma_start3A_334, %dma_start3A_335, %dma_start3A_337, %dma_start3A_338] : memref<2x2x64x128xf32, #tpu.memory_space<vmem>> -> memref<1x1x64x128xf32, #tpu.memory_space<vmem>>
    %dma_start3A_340 = tpu.memref_squeeze %dma_start3A_339 : memref<1x1x64x128xf32, #tpu.memory_space<vmem>> -> memref<64x128xf32, #tpu.memory_space<vmem>>
    %dma_start3A_341 = arith.constant 0 : i32
    %dma_start3A_342 = tpu.memref_slice %arg4[%dma_start3A_336, %dma_start3A_341, %add3A_333] : memref<50x64x16384xf32, #tpu.memory_space<hbm>> -> memref<1x64x128xf32, #tpu.memory_space<hbm>>
    %dma_start3A_343 = tpu.memref_squeeze %dma_start3A_342 : memref<1x64x128xf32, #tpu.memory_space<hbm>> -> memref<64x128xf32, #tpu.memory_space<hbm>>
    %dma_start3A_344 = arith.constant 0 : i32
    %dma_start3A_345 = tpu.memref_slice %arg4[%dma_start3A_336, %dma_start3A_344, %add3A_333] : memref<50x64x16384xf32, #tpu.memory_space<hbm>> -> memref<1x64x128xf32, #tpu.memory_space<hbm>>
    %dma_start3A_346 = tpu.memref_squeeze %dma_start3A_345 : memref<1x64x128xf32, #tpu.memory_space<hbm>> -> memref<64x128xf32, #tpu.memory_space<hbm>>
    %dma_start3A_347 = arith.constant 0 : i32
    %dma_start3A_348 = arith.constant 0 : i32
    %dma_start3A_349 = tpu.memref_slice %arg7[%dma_start3A_334, %dma_start3A_335, %dma_start3A_347, %dma_start3A_348] : memref<2x2x64x128xf32, #tpu.memory_space<vmem>> -> memref<1x1x64x128xf32, #tpu.memory_space<vmem>>
    %dma_start3A_350 = tpu.memref_squeeze %dma_start3A_349 : memref<1x1x64x128xf32, #tpu.memory_space<vmem>> -> memref<64x128xf32, #tpu.memory_space<vmem>>
    tpu.enqueue_dma source(%dma_start3A_350 : memref<64x128xf32, #tpu.memory_space<vmem>>) target(%dma_start3A_346 : memref<64x128xf32, #tpu.memory_space<hbm>>) target_semaphore(%arg11 : memref<!tpu.dma_semaphore, #tpu.memory_space<semaphore_mem>>)
    %scan3A = arith.constant 0 : i32
    %scan3A_351 = arith.constant 48 : i32
    %scan3A_352 = arith.addi %scan3A, %scan3A_351 : i32
    %scan3A_353 = arith.constant 1 : i32
    scf.for %scan3A_709 = %scan3A to %scan3A_352 step %scan3A_353  : i32 {
      %mul3A_710 = arith.constant 4 : i32
      %mul3A_711 = arith.muli %scan3A_709, %mul3A_710 : i32
      %add3A_712 = arith.constant 4 : i32
      %add3A_713 = arith.addi %add3A_712, %mul3A_711 : i32
      %sub3A = arith.constant 2 : i32
      %sub3A_714 = arith.subi %add3A_713, %sub3A : i32
      %add3A_715 = arith.constant 0 : i32
      %add3A_716 = arith.addi %sub3A_714, %add3A_715 : i32
      %jit3A = arith.constant 4 : i32
      %div3A = arith.divsi %add3A_716, %jit3A : i32
      %sign3A = arith.constant 0 : i32
      %sign3A_717 = arith.cmpi sgt, %add3A_716, %sign3A : i32
      %sign3A_718 = arith.extui %sign3A_717 : i1 to i32
      %sign3A_719 = arith.constant 0 : i32
      %sign3A_720 = arith.cmpi slt, %add3A_716, %sign3A_719 : i32
      %sign3A_721 = arith.extui %sign3A_720 : i1 to i32
      %sign3A_722 = arith.subi %sign3A_718, %sign3A_721 : i32
      %sign3A_723 = arith.constant 0 : i32
      %sign3A_724 = arith.cmpi sgt, %jit3A, %sign3A_723 : i32
      %sign3A_725 = arith.extui %sign3A_724 : i1 to i32
      %sign3A_726 = arith.constant 0 : i32
      %sign3A_727 = arith.cmpi slt, %jit3A, %sign3A_726 : i32
      %sign3A_728 = arith.extui %sign3A_727 : i1 to i32
      %sign3A_729 = arith.subi %sign3A_725, %sign3A_728 : i32
      %ne3A = arith.cmpi ne, %sign3A_722, %sign3A_729 : i32
      %rem3A_730 = arith.remsi %add3A_716, %jit3A : i32
      %ne3A_731 = arith.constant 0 : i32
      %ne3A_732 = arith.cmpi ne, %rem3A_730, %ne3A_731 : i32
      %and3A = arith.andi %ne3A, %ne3A_732 : i1
      %sub3A_733 = arith.constant 1 : i32
      %sub3A_734 = arith.subi %div3A, %sub3A_733 : i32
      %select_n3A = arith.select %and3A, %sub3A_734, %div3A : i32
      %rem3A_735 = arith.constant 4 : i32
      %rem3A_736 = arith.remsi %add3A_716, %rem3A_735 : i32
      %mul3A_737 = arith.constant 128 : i32
      %mul3A_738 = arith.muli %rem3A_736, %mul3A_737 : i32
      %add3A_739 = arith.addi %mul3A_2, %mul3A_738 : i32
      %dma_wait3A_740 = arith.constant 1 : i32
      %dma_wait3A_741 = arith.constant 0 : i32
      %dma_wait3A_742 = arith.constant 0 : i32
      %dma_wait3A_743 = arith.constant 0 : i32
      %dma_wait3A_744 = tpu.memref_slice %arg7[%dma_wait3A_740, %dma_wait3A_741, %dma_wait3A_742, %dma_wait3A_743] : memref<2x2x64x128xf32, #tpu.memory_space<vmem>> -> memref<1x1x64x128xf32, #tpu.memory_space<vmem>>
      %dma_wait3A_745 = tpu.memref_squeeze %dma_wait3A_744 : memref<1x1x64x128xf32, #tpu.memory_space<vmem>> -> memref<64x128xf32, #tpu.memory_space<vmem>>
      %dma_wait3A_746 = arith.constant 0 : i32
      %dma_wait3A_747 = tpu.memref_slice %arg4[%select_n3A, %dma_wait3A_746, %add3A_739] : memref<50x64x16384xf32, #tpu.memory_space<hbm>> -> memref<1x64x128xf32, #tpu.memory_space<hbm>>
      %dma_wait3A_748 = tpu.memref_squeeze %dma_wait3A_747 : memref<1x64x128xf32, #tpu.memory_space<hbm>> -> memref<64x128xf32, #tpu.memory_space<hbm>>
      %dma_wait3A_749 = arith.constant 0 : i32
      %dma_wait3A_750 = tpu.memref_slice %arg4[%select_n3A, %dma_wait3A_749, %add3A_739] : memref<50x64x16384xf32, #tpu.memory_space<hbm>> -> memref<1x64x128xf32, #tpu.memory_space<hbm>>
      %dma_wait3A_751 = tpu.memref_squeeze %dma_wait3A_750 : memref<1x64x128xf32, #tpu.memory_space<hbm>> -> memref<64x128xf32, #tpu.memory_space<hbm>>
      %dma_wait3A_752 = arith.constant 0 : i32
      %dma_wait3A_753 = arith.constant 0 : i32
      %dma_wait3A_754 = tpu.memref_slice %arg7[%dma_wait3A_740, %dma_wait3A_741, %dma_wait3A_752, %dma_wait3A_753] : memref<2x2x64x128xf32, #tpu.memory_space<vmem>> -> memref<1x1x64x128xf32, #tpu.memory_space<vmem>>
      %dma_wait3A_755 = tpu.memref_squeeze %dma_wait3A_754 : memref<1x1x64x128xf32, #tpu.memory_space<vmem>> -> memref<64x128xf32, #tpu.memory_space<vmem>>
      tpu.wait_dma2 semaphore(%arg11 : memref<!tpu.dma_semaphore, #tpu.memory_space<semaphore_mem>>) src(%dma_wait3A_755 : memref<64x128xf32, #tpu.memory_space<vmem>>) dst(%dma_wait3A_751 : memref<64x128xf32, #tpu.memory_space<hbm>>)
      %add3A_756 = arith.constant 1 : i32
      %add3A_757 = arith.addi %sub3A_714, %add3A_756 : i32
      %jit3A_758 = arith.constant 4 : i32
      %div3A_759 = arith.divsi %add3A_757, %jit3A_758 : i32
      %sign3A_760 = arith.constant 0 : i32
      %sign3A_761 = arith.cmpi sgt, %add3A_757, %sign3A_760 : i32
      %sign3A_762 = arith.extui %sign3A_761 : i1 to i32
      %sign3A_763 = arith.constant 0 : i32
      %sign3A_764 = arith.cmpi slt, %add3A_757, %sign3A_763 : i32
      %sign3A_765 = arith.extui %sign3A_764 : i1 to i32
      %sign3A_766 = arith.subi %sign3A_762, %sign3A_765 : i32
      %sign3A_767 = arith.constant 0 : i32
      %sign3A_768 = arith.cmpi sgt, %jit3A_758, %sign3A_767 : i32
      %sign3A_769 = arith.extui %sign3A_768 : i1 to i32
      %sign3A_770 = arith.constant 0 : i32
      %sign3A_771 = arith.cmpi slt, %jit3A_758, %sign3A_770 : i32
      %sign3A_772 = arith.extui %sign3A_771 : i1 to i32
      %sign3A_773 = arith.subi %sign3A_769, %sign3A_772 : i32
      %ne3A_774 = arith.cmpi ne, %sign3A_766, %sign3A_773 : i32
      %rem3A_775 = arith.remsi %add3A_757, %jit3A_758 : i32
      %ne3A_776 = arith.constant 0 : i32
      %ne3A_777 = arith.cmpi ne, %rem3A_775, %ne3A_776 : i32
      %and3A_778 = arith.andi %ne3A_774, %ne3A_777 : i1
      %sub3A_779 = arith.constant 1 : i32
      %sub3A_780 = arith.subi %div3A_759, %sub3A_779 : i32
      %select_n3A_781 = arith.select %and3A_778, %sub3A_780, %div3A_759 : i32
      %rem3A_782 = arith.constant 4 : i32
      %rem3A_783 = arith.remsi %add3A_757, %rem3A_782 : i32
      %mul3A_784 = arith.constant 128 : i32
      %mul3A_785 = arith.muli %rem3A_783, %mul3A_784 : i32
      %add3A_786 = arith.addi %mul3A_2, %mul3A_785 : i32
      %dma_wait3A_787 = arith.constant 1 : i32
      %dma_wait3A_788 = arith.constant 1 : i32
      %dma_wait3A_789 = arith.constant 0 : i32
      %dma_wait3A_790 = arith.constant 0 : i32
      %dma_wait3A_791 = tpu.memref_slice %arg7[%dma_wait3A_787, %dma_wait3A_788, %dma_wait3A_789, %dma_wait3A_790] : memref<2x2x64x128xf32, #tpu.memory_space<vmem>> -> memref<1x1x64x128xf32, #tpu.memory_space<vmem>>
      %dma_wait3A_792 = tpu.memref_squeeze %dma_wait3A_791 : memref<1x1x64x128xf32, #tpu.memory_space<vmem>> -> memref<64x128xf32, #tpu.memory_space<vmem>>
      %dma_wait3A_793 = arith.constant 0 : i32
      %dma_wait3A_794 = tpu.memref_slice %arg4[%select_n3A_781, %dma_wait3A_793, %add3A_786] : memref<50x64x16384xf32, #tpu.memory_space<hbm>> -> memref<1x64x128xf32, #tpu.memory_space<hbm>>
      %dma_wait3A_795 = tpu.memref_squeeze %dma_wait3A_794 : memref<1x64x128xf32, #tpu.memory_space<hbm>> -> memref<64x128xf32, #tpu.memory_space<hbm>>
      %dma_wait3A_796 = arith.constant 0 : i32
      %dma_wait3A_797 = tpu.memref_slice %arg4[%select_n3A_781, %dma_wait3A_796, %add3A_786] : memref<50x64x16384xf32, #tpu.memory_space<hbm>> -> memref<1x64x128xf32, #tpu.memory_space<hbm>>
      %dma_wait3A_798 = tpu.memref_squeeze %dma_wait3A_797 : memref<1x64x128xf32, #tpu.memory_space<hbm>> -> memref<64x128xf32, #tpu.memory_space<hbm>>
      %dma_wait3A_799 = arith.constant 0 : i32
      %dma_wait3A_800 = arith.constant 0 : i32
      %dma_wait3A_801 = tpu.memref_slice %arg7[%dma_wait3A_787, %dma_wait3A_788, %dma_wait3A_799, %dma_wait3A_800] : memref<2x2x64x128xf32, #tpu.memory_space<vmem>> -> memref<1x1x64x128xf32, #tpu.memory_space<vmem>>
      %dma_wait3A_802 = tpu.memref_squeeze %dma_wait3A_801 : memref<1x1x64x128xf32, #tpu.memory_space<vmem>> -> memref<64x128xf32, #tpu.memory_space<vmem>>
      tpu.wait_dma2 semaphore(%arg11 : memref<!tpu.dma_semaphore, #tpu.memory_space<semaphore_mem>>) src(%dma_wait3A_802 : memref<64x128xf32, #tpu.memory_space<vmem>>) dst(%dma_wait3A_798 : memref<64x128xf32, #tpu.memory_space<hbm>>)
      %add3A_803 = arith.constant 2 : i32
      %add3A_804 = arith.addi %add3A_713, %add3A_803 : i32
      %add3A_805 = arith.constant 0 : i32
      %add3A_806 = arith.addi %add3A_804, %add3A_805 : i32
      %jit3A_807 = arith.constant 4 : i32
      %div3A_808 = arith.divsi %add3A_806, %jit3A_807 : i32
      %sign3A_809 = arith.constant 0 : i32
      %sign3A_810 = arith.cmpi sgt, %add3A_806, %sign3A_809 : i32
      %sign3A_811 = arith.extui %sign3A_810 : i1 to i32
      %sign3A_812 = arith.constant 0 : i32
      %sign3A_813 = arith.cmpi slt, %add3A_806, %sign3A_812 : i32
      %sign3A_814 = arith.extui %sign3A_813 : i1 to i32
      %sign3A_815 = arith.subi %sign3A_811, %sign3A_814 : i32
      %sign3A_816 = arith.constant 0 : i32
      %sign3A_817 = arith.cmpi sgt, %jit3A_807, %sign3A_816 : i32
      %sign3A_818 = arith.extui %sign3A_817 : i1 to i32
      %sign3A_819 = arith.constant 0 : i32
      %sign3A_820 = arith.cmpi slt, %jit3A_807, %sign3A_819 : i32
      %sign3A_821 = arith.extui %sign3A_820 : i1 to i32
      %sign3A_822 = arith.subi %sign3A_818, %sign3A_821 : i32
      %ne3A_823 = arith.cmpi ne, %sign3A_815, %sign3A_822 : i32
      %rem3A_824 = arith.remsi %add3A_806, %jit3A_807 : i32
      %ne3A_825 = arith.constant 0 : i32
      %ne3A_826 = arith.cmpi ne, %rem3A_824, %ne3A_825 : i32
      %and3A_827 = arith.andi %ne3A_823, %ne3A_826 : i1
      %sub3A_828 = arith.constant 1 : i32
      %sub3A_829 = arith.subi %div3A_808, %sub3A_828 : i32
      %select_n3A_830 = arith.select %and3A_827, %sub3A_829, %div3A_808 : i32
      %rem3A_831 = arith.constant 4 : i32
      %rem3A_832 = arith.remsi %add3A_806, %rem3A_831 : i32
      %dma_start3A_833 = arith.constant 1 : i32
      %dma_start3A_834 = arith.constant 0 : i32
      %dma_start3A_835 = arith.constant 0 : i32
      %dma_start3A_836 = arith.constant 0 : i32
      %dma_start3A_837 = tpu.memref_slice %arg6[%dma_start3A_833, %dma_start3A_834, %dma_start3A_835, %dma_start3A_836] : memref<2x2x128x128xf32, #tpu.memory_space<vmem>> -> memref<1x1x128x128xf32, #tpu.memory_space<vmem>>
      %dma_start3A_838 = tpu.memref_squeeze %dma_start3A_837 : memref<1x1x128x128xf32, #tpu.memory_space<vmem>> -> memref<128x128xf32, #tpu.memory_space<vmem>>
      %dma_start3A_839 = arith.constant 0 : i32
      %dma_start3A_840 = tpu.memref_slice %arg5[%rem3A_832, %select_n3A_830, %dma_start3A_839] : memref<4x50x128xi32, #tpu.memory_space<vmem>> -> memref<1x1x128xi32, #tpu.memory_space<vmem>>
      %dma_start3A_841 = tpu.memref_squeeze %dma_start3A_840 : memref<1x1x128xi32, #tpu.memory_space<vmem>> -> memref<128xi32, #tpu.memory_space<vmem>>
      %dma_start3A_842 = arith.constant 0 : i32
      %dma_start3A_843 = arith.constant 0 : i32
      %dma_start3A_844 = tpu.memref_slice %arg3[%dma_start3A_842, %dma_start3A_843] : memref<1000000x128xf32, #tpu.memory_space<hbm>> -> memref<1000000x128xf32, #tpu.memory_space<hbm>>
      tpu.enqueue_indirect_dma source(%dma_start3A_844 : memref<1000000x128xf32, #tpu.memory_space<hbm>>) target(%dma_start3A_838 : memref<128x128xf32, #tpu.memory_space<vmem>>) offsets(%dma_start3A_841 : memref<128xi32, #tpu.memory_space<vmem>>) semaphore(%arg9 : memref<!tpu.dma_semaphore, #tpu.memory_space<semaphore_mem>>)
      %add3A_845 = arith.constant 1 : i32
      %add3A_846 = arith.addi %add3A_804, %add3A_845 : i32
      %jit3A_847 = arith.constant 4 : i32
      %div3A_848 = arith.divsi %add3A_846, %jit3A_847 : i32
      %sign3A_849 = arith.constant 0 : i32
      %sign3A_850 = arith.cmpi sgt, %add3A_846, %sign3A_849 : i32
      %sign3A_851 = arith.extui %sign3A_850 : i1 to i32
      %sign3A_852 = arith.constant 0 : i32
      %sign3A_853 = arith.cmpi slt, %add3A_846, %sign3A_852 : i32
      %sign3A_854 = arith.extui %sign3A_853 : i1 to i32
      %sign3A_855 = arith.subi %sign3A_851, %sign3A_854 : i32
      %sign3A_856 = arith.constant 0 : i32
      %sign3A_857 = arith.cmpi sgt, %jit3A_847, %sign3A_856 : i32
      %sign3A_858 = arith.extui %sign3A_857 : i1 to i32
      %sign3A_859 = arith.constant 0 : i32
      %sign3A_860 = arith.cmpi slt, %jit3A_847, %sign3A_859 : i32
      %sign3A_861 = arith.extui %sign3A_860 : i1 to i32
      %sign3A_862 = arith.subi %sign3A_858, %sign3A_861 : i32
      %ne3A_863 = arith.cmpi ne, %sign3A_855, %sign3A_862 : i32
      %rem3A_864 = arith.remsi %add3A_846, %jit3A_847 : i32
      %ne3A_865 = arith.constant 0 : i32
      %ne3A_866 = arith.cmpi ne, %rem3A_864, %ne3A_865 : i32
      %and3A_867 = arith.andi %ne3A_863, %ne3A_866 : i1
      %sub3A_868 = arith.constant 1 : i32
      %sub3A_869 = arith.subi %div3A_848, %sub3A_868 : i32
      %select_n3A_870 = arith.select %and3A_867, %sub3A_869, %div3A_848 : i32
      %rem3A_871 = arith.constant 4 : i32
      %rem3A_872 = arith.remsi %add3A_846, %rem3A_871 : i32
      %dma_start3A_873 = arith.constant 1 : i32
      %dma_start3A_874 = arith.constant 1 : i32
      %dma_start3A_875 = arith.constant 0 : i32
      %dma_start3A_876 = arith.constant 0 : i32
      %dma_start3A_877 = tpu.memref_slice %arg6[%dma_start3A_873, %dma_start3A_874, %dma_start3A_875, %dma_start3A_876] : memref<2x2x128x128xf32, #tpu.memory_space<vmem>> -> memref<1x1x128x128xf32, #tpu.memory_space<vmem>>
      %dma_start3A_878 = tpu.memref_squeeze %dma_start3A_877 : memref<1x1x128x128xf32, #tpu.memory_space<vmem>> -> memref<128x128xf32, #tpu.memory_space<vmem>>
      %dma_start3A_879 = arith.constant 0 : i32
      %dma_start3A_880 = tpu.memref_slice %arg5[%rem3A_872, %select_n3A_870, %dma_start3A_879] : memref<4x50x128xi32, #tpu.memory_space<vmem>> -> memref<1x1x128xi32, #tpu.memory_space<vmem>>
      %dma_start3A_881 = tpu.memref_squeeze %dma_start3A_880 : memref<1x1x128xi32, #tpu.memory_space<vmem>> -> memref<128xi32, #tpu.memory_space<vmem>>
      %dma_start3A_882 = arith.constant 0 : i32
      %dma_start3A_883 = arith.constant 0 : i32
      %dma_start3A_884 = tpu.memref_slice %arg3[%dma_start3A_882, %dma_start3A_883] : memref<1000000x128xf32, #tpu.memory_space<hbm>> -> memref<1000000x128xf32, #tpu.memory_space<hbm>>
      tpu.enqueue_indirect_dma source(%dma_start3A_884 : memref<1000000x128xf32, #tpu.memory_space<hbm>>) target(%dma_start3A_878 : memref<128x128xf32, #tpu.memory_space<vmem>>) offsets(%dma_start3A_881 : memref<128xi32, #tpu.memory_space<vmem>>) semaphore(%arg9 : memref<!tpu.dma_semaphore, #tpu.memory_space<semaphore_mem>>)
      %add3A_885 = arith.constant 0 : i32
      %add3A_886 = arith.addi %add3A_713, %add3A_885 : i32
      %jit3A_887 = arith.constant 4 : i32
      %div3A_888 = arith.divsi %add3A_886, %jit3A_887 : i32
      %sign3A_889 = arith.constant 0 : i32
      %sign3A_890 = arith.cmpi sgt, %add3A_886, %sign3A_889 : i32
      %sign3A_891 = arith.extui %sign3A_890 : i1 to i32
      %sign3A_892 = arith.constant 0 : i32
      %sign3A_893 = arith.cmpi slt, %add3A_886, %sign3A_892 : i32
      %sign3A_894 = arith.extui %sign3A_893 : i1 to i32
      %sign3A_895 = arith.subi %sign3A_891, %sign3A_894 : i32
      %sign3A_896 = arith.constant 0 : i32
      %sign3A_897 = arith.cmpi sgt, %jit3A_887, %sign3A_896 : i32
      %sign3A_898 = arith.extui %sign3A_897 : i1 to i32
      %sign3A_899 = arith.constant 0 : i32
      %sign3A_900 = arith.cmpi slt, %jit3A_887, %sign3A_899 : i32
      %sign3A_901 = arith.extui %sign3A_900 : i1 to i32
      %sign3A_902 = arith.subi %sign3A_898, %sign3A_901 : i32
      %ne3A_903 = arith.cmpi ne, %sign3A_895, %sign3A_902 : i32
      %rem3A_904 = arith.remsi %add3A_886, %jit3A_887 : i32
      %ne3A_905 = arith.constant 0 : i32
      %ne3A_906 = arith.cmpi ne, %rem3A_904, %ne3A_905 : i32
      %and3A_907 = arith.andi %ne3A_903, %ne3A_906 : i1
      %sub3A_908 = arith.constant 1 : i32
      %sub3A_909 = arith.subi %div3A_888, %sub3A_908 : i32
      %select_n3A_910 = arith.select %and3A_907, %sub3A_909, %div3A_888 : i32
      %rem3A_911 = arith.constant 4 : i32
      %rem3A_912 = arith.remsi %add3A_886, %rem3A_911 : i32
      %dma_wait3A_913 = arith.constant 0 : i32
      %dma_wait3A_914 = arith.constant 0 : i32
      %dma_wait3A_915 = arith.constant 0 : i32
      %dma_wait3A_916 = arith.constant 0 : i32
      %dma_wait3A_917 = tpu.memref_slice %arg6[%dma_wait3A_913, %dma_wait3A_914, %dma_wait3A_915, %dma_wait3A_916] : memref<2x2x128x128xf32, #tpu.memory_space<vmem>> -> memref<1x1x128x128xf32, #tpu.memory_space<vmem>>
      %dma_wait3A_918 = tpu.memref_squeeze %dma_wait3A_917 : memref<1x1x128x128xf32, #tpu.memory_space<vmem>> -> memref<128x128xf32, #tpu.memory_space<vmem>>
      %dma_wait3A_919 = arith.constant 0 : i32
      %dma_wait3A_920 = tpu.memref_slice %arg5[%rem3A_912, %select_n3A_910, %dma_wait3A_919] : memref<4x50x128xi32, #tpu.memory_space<vmem>> -> memref<1x1x128xi32, #tpu.memory_space<vmem>>
      %dma_wait3A_921 = tpu.memref_squeeze %dma_wait3A_920 : memref<1x1x128xi32, #tpu.memory_space<vmem>> -> memref<128xi32, #tpu.memory_space<vmem>>
      %dma_wait3A_922 = arith.constant 0 : i32
      %dma_wait3A_923 = arith.constant 0 : i32
      %dma_wait3A_924 = tpu.memref_slice %arg3[%dma_wait3A_922, %dma_wait3A_923] : memref<1000000x128xf32, #tpu.memory_space<hbm>> -> memref<1000000x128xf32, #tpu.memory_space<hbm>>
      tpu.wait_indirect_dma semaphore(%arg8 : memref<!tpu.dma_semaphore, #tpu.memory_space<semaphore_mem>>) src(%dma_wait3A_924 : memref<1000000x128xf32, #tpu.memory_space<hbm>>) dst(%dma_wait3A_918 : memref<128x128xf32, #tpu.memory_space<vmem>>)
      %add3A_925 = arith.constant 1 : i32
      %add3A_926 = arith.addi %add3A_713, %add3A_925 : i32
      %jit3A_927 = arith.constant 4 : i32
      %div3A_928 = arith.divsi %add3A_926, %jit3A_927 : i32
      %sign3A_929 = arith.constant 0 : i32
      %sign3A_930 = arith.cmpi sgt, %add3A_926, %sign3A_929 : i32
      %sign3A_931 = arith.extui %sign3A_930 : i1 to i32
      %sign3A_932 = arith.constant 0 : i32
      %sign3A_933 = arith.cmpi slt, %add3A_926, %sign3A_932 : i32
      %sign3A_934 = arith.extui %sign3A_933 : i1 to i32
      %sign3A_935 = arith.subi %sign3A_931, %sign3A_934 : i32
      %sign3A_936 = arith.constant 0 : i32
      %sign3A_937 = arith.cmpi sgt, %jit3A_927, %sign3A_936 : i32
      %sign3A_938 = arith.extui %sign3A_937 : i1 to i32
      %sign3A_939 = arith.constant 0 : i32
      %sign3A_940 = arith.cmpi slt, %jit3A_927, %sign3A_939 : i32
      %sign3A_941 = arith.extui %sign3A_940 : i1 to i32
      %sign3A_942 = arith.subi %sign3A_938, %sign3A_941 : i32
      %ne3A_943 = arith.cmpi ne, %sign3A_935, %sign3A_942 : i32
      %rem3A_944 = arith.remsi %add3A_926, %jit3A_927 : i32
      %ne3A_945 = arith.constant 0 : i32
      %ne3A_946 = arith.cmpi ne, %rem3A_944, %ne3A_945 : i32
      %and3A_947 = arith.andi %ne3A_943, %ne3A_946 : i1
      %sub3A_948 = arith.constant 1 : i32
      %sub3A_949 = arith.subi %div3A_928, %sub3A_948 : i32
      %select_n3A_950 = arith.select %and3A_947, %sub3A_949, %div3A_928 : i32
      %rem3A_951 = arith.constant 4 : i32
      %rem3A_952 = arith.remsi %add3A_926, %rem3A_951 : i32
      %dma_wait3A_953 = arith.constant 0 : i32
      %dma_wait3A_954 = arith.constant 1 : i32
      %dma_wait3A_955 = arith.constant 0 : i32
      %dma_wait3A_956 = arith.constant 0 : i32
      %dma_wait3A_957 = tpu.memref_slice %arg6[%dma_wait3A_953, %dma_wait3A_954, %dma_wait3A_955, %dma_wait3A_956] : memref<2x2x128x128xf32, #tpu.memory_space<vmem>> -> memref<1x1x128x128xf32, #tpu.memory_space<vmem>>
      %dma_wait3A_958 = tpu.memref_squeeze %dma_wait3A_957 : memref<1x1x128x128xf32, #tpu.memory_space<vmem>> -> memref<128x128xf32, #tpu.memory_space<vmem>>
      %dma_wait3A_959 = arith.constant 0 : i32
      %dma_wait3A_960 = tpu.memref_slice %arg5[%rem3A_952, %select_n3A_950, %dma_wait3A_959] : memref<4x50x128xi32, #tpu.memory_space<vmem>> -> memref<1x1x128xi32, #tpu.memory_space<vmem>>
      %dma_wait3A_961 = tpu.memref_squeeze %dma_wait3A_960 : memref<1x1x128xi32, #tpu.memory_space<vmem>> -> memref<128xi32, #tpu.memory_space<vmem>>
      %dma_wait3A_962 = arith.constant 0 : i32
      %dma_wait3A_963 = arith.constant 0 : i32
      %dma_wait3A_964 = tpu.memref_slice %arg3[%dma_wait3A_962, %dma_wait3A_963] : memref<1000000x128xf32, #tpu.memory_space<hbm>> -> memref<1000000x128xf32, #tpu.memory_space<hbm>>
      tpu.wait_indirect_dma semaphore(%arg8 : memref<!tpu.dma_semaphore, #tpu.memory_space<semaphore_mem>>) src(%dma_wait3A_964 : memref<1000000x128xf32, #tpu.memory_space<hbm>>) dst(%dma_wait3A_958 : memref<128x128xf32, #tpu.memory_space<vmem>>)
      %parallel_loop3A_965 = arith.constant 0 : i32
      %parallel_loop3A_966 = arith.constant 128 : i32
      %parallel_loop3A_967 = arith.constant 1 : i32
      %parallel_loop3A_968 = arith.constant 0 : i32
      %parallel_loop3A_969 = arith.constant 0 : i32
      %parallel_loop3A_970 = arith.constant 0 : i32
      %parallel_loop3A_971 = arith.constant 0 : i32
      scf.for %parallel_loop3A_1441 = %parallel_loop3A_965 to %parallel_loop3A_966 step %parallel_loop3A_967  : i32 {
        %parallel_loop3A_1442 = arith.constant 0 : i32
        %parallel_loop3A_1443 = vector.broadcast %parallel_loop3A_1442 : i32 to vector<16xi32>
        %parallel_loop3A_1444 = vector.broadcast %parallel_loop3A_1441 : i32 to vector<16xi32>
        %parallel_loop3A_1445 = arith.addi %parallel_loop3A_1443, %parallel_loop3A_1444 : vector<16xi32>
        %parallel_loop3A_1446 = arith.constant 0 : i32
        %parallel_loop3A_1447 = arith.constant 0 : i32
        %parallel_loop3A_1448 = tpu.memref_slice %arg6[%parallel_loop3A_968, %parallel_loop3A_969, %parallel_loop3A_1446, %parallel_loop3A_1447] : memref<2x2x128x128xf32, #tpu.memory_space<vmem>> -> memref<1x1x128x128xf32, #tpu.memory_space<vmem>>
        %parallel_loop3A_1449 = tpu.memref_squeeze %parallel_loop3A_1448 : memref<1x1x128x128xf32, #tpu.memory_space<vmem>> -> memref<128x128xf32, #tpu.memory_space<vmem>>
        %parallel_loop3A_1450 = arith.index_cast %parallel_loop3A_1441 : i32 to index
        %parallel_loop3A_1451 = arith.constant 0 : index
        %parallel_loop3A_1452 = tpu.vector_load %parallel_loop3A_1449[%parallel_loop3A_1450, %parallel_loop3A_1451] {strides = array<i32>} : memref<128x128xf32, #tpu.memory_space<vmem>>, vector<16xf32>,
        %parallel_loop3A_1453 = arith.constant 0 : i32
        %parallel_loop3A_1454 = arith.constant 0 : i32
        %parallel_loop3A_1455 = tpu.memref_slice %arg7[%parallel_loop3A_970, %parallel_loop3A_971, %parallel_loop3A_1453, %parallel_loop3A_1454] : memref<2x2x64x128xf32, #tpu.memory_space<vmem>> -> memref<1x1x64x128xf32, #tpu.memory_space<vmem>>
        %parallel_loop3A_1456 = tpu.memref_squeeze %parallel_loop3A_1455 : memref<1x1x64x128xf32, #tpu.memory_space<vmem>> -> memref<64x128xf32, #tpu.memory_space<vmem>>
        tpu.vector_store_idx %parallel_loop3A_1456[%add3A_16, %parallel_loop3A_1445], %parallel_loop3A_1452 : memref<64x128xf32, #tpu.memory_space<vmem>>[vector<16xi32>, vector<16xi32>], vector<16xf32>,
        %parallel_loop3A_1457 = arith.constant 0 : i32
        %parallel_loop3A_1458 = arith.constant 0 : i32
        %parallel_loop3A_1459 = tpu.memref_slice %arg6[%parallel_loop3A_968, %parallel_loop3A_969, %parallel_loop3A_1457, %parallel_loop3A_1458] : memref<2x2x128x128xf32, #tpu.memory_space<vmem>> -> memref<1x1x128x128xf32, #tpu.memory_space<vmem>>
        %parallel_loop3A_1460 = tpu.memref_squeeze %parallel_loop3A_1459 : memref<1x1x128x128xf32, #tpu.memory_space<vmem>> -> memref<128x128xf32, #tpu.memory_space<vmem>>
        %parallel_loop3A_1461 = arith.index_cast %parallel_loop3A_1441 : i32 to index
        %parallel_loop3A_1462 = arith.constant 16 : index
        %parallel_loop3A_1463 = tpu.vector_load %parallel_loop3A_1460[%parallel_loop3A_1461, %parallel_loop3A_1462] {strides = array<i32>} : memref<128x128xf32, #tpu.memory_space<vmem>>, vector<16xf32>,
        %parallel_loop3A_1464 = arith.constant 0 : i32
        %parallel_loop3A_1465 = arith.constant 0 : i32
        %parallel_loop3A_1466 = tpu.memref_slice %arg7[%parallel_loop3A_970, %parallel_loop3A_971, %parallel_loop3A_1464, %parallel_loop3A_1465] : memref<2x2x64x128xf32, #tpu.memory_space<vmem>> -> memref<1x1x64x128xf32, #tpu.memory_space<vmem>>
        %parallel_loop3A_1467 = tpu.memref_squeeze %parallel_loop3A_1466 : memref<1x1x64x128xf32, #tpu.memory_space<vmem>> -> memref<64x128xf32, #tpu.memory_space<vmem>>
        tpu.vector_store_idx %parallel_loop3A_1467[%add3A_20, %parallel_loop3A_1445], %parallel_loop3A_1463 : memref<64x128xf32, #tpu.memory_space<vmem>>[vector<16xi32>, vector<16xi32>], vector<16xf32>,
        %parallel_loop3A_1468 = arith.constant 0 : i32
        %parallel_loop3A_1469 = arith.constant 0 : i32
        %parallel_loop3A_1470 = tpu.memref_slice %arg6[%parallel_loop3A_968, %parallel_loop3A_969, %parallel_loop3A_1468, %parallel_loop3A_1469] : memref<2x2x128x128xf32, #tpu.memory_space<vmem>> -> memref<1x1x128x128xf32, #tpu.memory_space<vmem>>
        %parallel_loop3A_1471 = tpu.memref_squeeze %parallel_loop3A_1470 : memref<1x1x128x128xf32, #tpu.memory_space<vmem>> -> memref<128x128xf32, #tpu.memory_space<vmem>>
        %parallel_loop3A_1472 = arith.index_cast %parallel_loop3A_1441 : i32 to index
        %parallel_loop3A_1473 = arith.constant 32 : index
        %parallel_loop3A_1474 = tpu.vector_load %parallel_loop3A_1471[%parallel_loop3A_1472, %parallel_loop3A_1473] {strides = array<i32>} : memref<128x128xf32, #tpu.memory_space<vmem>>, vector<16xf32>,
        %parallel_loop3A_1475 = arith.constant 0 : i32
        %parallel_loop3A_1476 = arith.constant 0 : i32
        %parallel_loop3A_1477 = tpu.memref_slice %arg7[%parallel_loop3A_970, %parallel_loop3A_971, %parallel_loop3A_1475, %parallel_loop3A_1476] : memref<2x2x64x128xf32, #tpu.memory_space<vmem>> -> memref<1x1x64x128xf32, #tpu.memory_space<vmem>>
        %parallel_loop3A_1478 = tpu.memref_squeeze %parallel_loop3A_1477 : memref<1x1x64x128xf32, #tpu.memory_space<vmem>> -> memref<64x128xf32, #tpu.memory_space<vmem>>
        tpu.vector_store_idx %parallel_loop3A_1478[%add3A_24, %parallel_loop3A_1445], %parallel_loop3A_1474 : memref<64x128xf32, #tpu.memory_space<vmem>>[vector<16xi32>, vector<16xi32>], vector<16xf32>,
        %parallel_loop3A_1479 = arith.constant 0 : i32
        %parallel_loop3A_1480 = arith.constant 0 : i32
        %parallel_loop3A_1481 = tpu.memref_slice %arg6[%parallel_loop3A_968, %parallel_loop3A_969, %parallel_loop3A_1479, %parallel_loop3A_1480] : memref<2x2x128x128xf32, #tpu.memory_space<vmem>> -> memref<1x1x128x128xf32, #tpu.memory_space<vmem>>
        %parallel_loop3A_1482 = tpu.memref_squeeze %parallel_loop3A_1481 : memref<1x1x128x128xf32, #tpu.memory_space<vmem>> -> memref<128x128xf32, #tpu.memory_space<vmem>>
        %parallel_loop3A_1483 = arith.index_cast %parallel_loop3A_1441 : i32 to index
        %parallel_loop3A_1484 = arith.constant 48 : index
        %parallel_loop3A_1485 = tpu.vector_load %parallel_loop3A_1482[%parallel_loop3A_1483, %parallel_loop3A_1484] {strides = array<i32>} : memref<128x128xf32, #tpu.memory_space<vmem>>, vector<16xf32>,
        %parallel_loop3A_1486 = arith.constant 0 : i32
        %parallel_loop3A_1487 = arith.constant 0 : i32
        %parallel_loop3A_1488 = tpu.memref_slice %arg7[%parallel_loop3A_970, %parallel_loop3A_971, %parallel_loop3A_1486, %parallel_loop3A_1487] : memref<2x2x64x128xf32, #tpu.memory_space<vmem>> -> memref<1x1x64x128xf32, #tpu.memory_space<vmem>>
        %parallel_loop3A_1489 = tpu.memref_squeeze %parallel_loop3A_1488 : memref<1x1x64x128xf32, #tpu.memory_space<vmem>> -> memref<64x128xf32, #tpu.memory_space<vmem>>
        tpu.vector_store_idx %parallel_loop3A_1489[%add3A_28, %parallel_loop3A_1445], %parallel_loop3A_1485 : memref<64x128xf32, #tpu.memory_space<vmem>>[vector<16xi32>, vector<16xi32>], vector<16xf32>,
      } {sc.loop_unroll_factor = 8 : i64, sc.parallel_access}
      %parallel_loop3A_972 = arith.constant 0 : i32
      %parallel_loop3A_973 = arith.constant 128 : i32
      %parallel_loop3A_974 = arith.constant 1 : i32
      %parallel_loop3A_975 = arith.constant 0 : i32
      %parallel_loop3A_976 = arith.constant 1 : i32
      %parallel_loop3A_977 = arith.constant 0 : i32
      %parallel_loop3A_978 = arith.constant 1 : i32
      scf.for %parallel_loop3A_1441 = %parallel_loop3A_972 to %parallel_loop3A_973 step %parallel_loop3A_974  : i32 {
        %parallel_loop3A_1442 = arith.constant 0 : i32
        %parallel_loop3A_1443 = vector.broadcast %parallel_loop3A_1442 : i32 to vector<16xi32>
        %parallel_loop3A_1444 = vector.broadcast %parallel_loop3A_1441 : i32 to vector<16xi32>
        %parallel_loop3A_1445 = arith.addi %parallel_loop3A_1443, %parallel_loop3A_1444 : vector<16xi32>
        %parallel_loop3A_1446 = arith.constant 0 : i32
        %parallel_loop3A_1447 = arith.constant 0 : i32
        %parallel_loop3A_1448 = tpu.memref_slice %arg6[%parallel_loop3A_975, %parallel_loop3A_976, %parallel_loop3A_1446, %parallel_loop3A_1447] : memref<2x2x128x128xf32, #tpu.memory_space<vmem>> -> memref<1x1x128x128xf32, #tpu.memory_space<vmem>>
        %parallel_loop3A_1449 = tpu.memref_squeeze %parallel_loop3A_1448 : memref<1x1x128x128xf32, #tpu.memory_space<vmem>> -> memref<128x128xf32, #tpu.memory_space<vmem>>
        %parallel_loop3A_1450 = arith.index_cast %parallel_loop3A_1441 : i32 to index
        %parallel_loop3A_1451 = arith.constant 0 : index
        %parallel_loop3A_1452 = tpu.vector_load %parallel_loop3A_1449[%parallel_loop3A_1450, %parallel_loop3A_1451] {strides = array<i32>} : memref<128x128xf32, #tpu.memory_space<vmem>>, vector<16xf32>,
        %parallel_loop3A_1453 = arith.constant 0 : i32
        %parallel_loop3A_1454 = arith.constant 0 : i32
        %parallel_loop3A_1455 = tpu.memref_slice %arg7[%parallel_loop3A_977, %parallel_loop3A_978, %parallel_loop3A_1453, %parallel_loop3A_1454] : memref<2x2x64x128xf32, #tpu.memory_space<vmem>> -> memref<1x1x64x128xf32, #tpu.memory_space<vmem>>
        %parallel_loop3A_1456 = tpu.memref_squeeze %parallel_loop3A_1455 : memref<1x1x64x128xf32, #tpu.memory_space<vmem>> -> memref<64x128xf32, #tpu.memory_space<vmem>>
        tpu.vector_store_idx %parallel_loop3A_1456[%add3A_16, %parallel_loop3A_1445], %parallel_loop3A_1452 : memref<64x128xf32, #tpu.memory_space<vmem>>[vector<16xi32>, vector<16xi32>], vector<16xf32>,
        %parallel_loop3A_1457 = arith.constant 0 : i32
        %parallel_loop3A_1458 = arith.constant 0 : i32
        %parallel_loop3A_1459 = tpu.memref_slice %arg6[%parallel_loop3A_975, %parallel_loop3A_976, %parallel_loop3A_1457, %parallel_loop3A_1458] : memref<2x2x128x128xf32, #tpu.memory_space<vmem>> -> memref<1x1x128x128xf32, #tpu.memory_space<vmem>>
        %parallel_loop3A_1460 = tpu.memref_squeeze %parallel_loop3A_1459 : memref<1x1x128x128xf32, #tpu.memory_space<vmem>> -> memref<128x128xf32, #tpu.memory_space<vmem>>
        %parallel_loop3A_1461 = arith.index_cast %parallel_loop3A_1441 : i32 to index
        %parallel_loop3A_1462 = arith.constant 16 : index
        %parallel_loop3A_1463 = tpu.vector_load %parallel_loop3A_1460[%parallel_loop3A_1461, %parallel_loop3A_1462] {strides = array<i32>} : memref<128x128xf32, #tpu.memory_space<vmem>>, vector<16xf32>,
        %parallel_loop3A_1464 = arith.constant 0 : i32
        %parallel_loop3A_1465 = arith.constant 0 : i32
        %parallel_loop3A_1466 = tpu.memref_slice %arg7[%parallel_loop3A_977, %parallel_loop3A_978, %parallel_loop3A_1464, %parallel_loop3A_1465] : memref<2x2x64x128xf32, #tpu.memory_space<vmem>> -> memref<1x1x64x128xf32, #tpu.memory_space<vmem>>
        %parallel_loop3A_1467 = tpu.memref_squeeze %parallel_loop3A_1466 : memref<1x1x64x128xf32, #tpu.memory_space<vmem>> -> memref<64x128xf32, #tpu.memory_space<vmem>>
        tpu.vector_store_idx %parallel_loop3A_1467[%add3A_20, %parallel_loop3A_1445], %parallel_loop3A_1463 : memref<64x128xf32, #tpu.memory_space<vmem>>[vector<16xi32>, vector<16xi32>], vector<16xf32>,
        %parallel_loop3A_1468 = arith.constant 0 : i32
        %parallel_loop3A_1469 = arith.constant 0 : i32
        %parallel_loop3A_1470 = tpu.memref_slice %arg6[%parallel_loop3A_975, %parallel_loop3A_976, %parallel_loop3A_1468, %parallel_loop3A_1469] : memref<2x2x128x128xf32, #tpu.memory_space<vmem>> -> memref<1x1x128x128xf32, #tpu.memory_space<vmem>>
        %parallel_loop3A_1471 = tpu.memref_squeeze %parallel_loop3A_1470 : memref<1x1x128x128xf32, #tpu.memory_space<vmem>> -> memref<128x128xf32, #tpu.memory_space<vmem>>
        %parallel_loop3A_1472 = arith.index_cast %parallel_loop3A_1441 : i32 to index
        %parallel_loop3A_1473 = arith.constant 32 : index
        %parallel_loop3A_1474 = tpu.vector_load %parallel_loop3A_1471[%parallel_loop3A_1472, %parallel_loop3A_1473] {strides = array<i32>} : memref<128x128xf32, #tpu.memory_space<vmem>>, vector<16xf32>,
        %parallel_loop3A_1475 = arith.constant 0 : i32
        %parallel_loop3A_1476 = arith.constant 0 : i32
        %parallel_loop3A_1477 = tpu.memref_slice %arg7[%parallel_loop3A_977, %parallel_loop3A_978, %parallel_loop3A_1475, %parallel_loop3A_1476] : memref<2x2x64x128xf32, #tpu.memory_space<vmem>> -> memref<1x1x64x128xf32, #tpu.memory_space<vmem>>
        %parallel_loop3A_1478 = tpu.memref_squeeze %parallel_loop3A_1477 : memref<1x1x64x128xf32, #tpu.memory_space<vmem>> -> memref<64x128xf32, #tpu.memory_space<vmem>>
        tpu.vector_store_idx %parallel_loop3A_1478[%add3A_24, %parallel_loop3A_1445], %parallel_loop3A_1474 : memref<64x128xf32, #tpu.memory_space<vmem>>[vector<16xi32>, vector<16xi32>], vector<16xf32>,
        %parallel_loop3A_1479 = arith.constant 0 : i32
        %parallel_loop3A_1480 = arith.constant 0 : i32
        %parallel_loop3A_1481 = tpu.memref_slice %arg6[%parallel_loop3A_975, %parallel_loop3A_976, %parallel_loop3A_1479, %parallel_loop3A_1480] : memref<2x2x128x128xf32, #tpu.memory_space<vmem>> -> memref<1x1x128x128xf32, #tpu.memory_space<vmem>>
        %parallel_loop3A_1482 = tpu.memref_squeeze %parallel_loop3A_1481 : memref<1x1x128x128xf32, #tpu.memory_space<vmem>> -> memref<128x128xf32, #tpu.memory_space<vmem>>
        %parallel_loop3A_1483 = arith.index_cast %parallel_loop3A_1441 : i32 to index
        %parallel_loop3A_1484 = arith.constant 48 : index
        %parallel_loop3A_1485 = tpu.vector_load %parallel_loop3A_1482[%parallel_loop3A_1483, %parallel_loop3A_1484] {strides = array<i32>} : memref<128x128xf32, #tpu.memory_space<vmem>>, vector<16xf32>,
        %parallel_loop3A_1486 = arith.constant 0 : i32
        %parallel_loop3A_1487 = arith.constant 0 : i32
        %parallel_loop3A_1488 = tpu.memref_slice %arg7[%parallel_loop3A_977, %parallel_loop3A_978, %parallel_loop3A_1486, %parallel_loop3A_1487] : memref<2x2x64x128xf32, #tpu.memory_space<vmem>> -> memref<1x1x64x128xf32, #tpu.memory_space<vmem>>
        %parallel_loop3A_1489 = tpu.memref_squeeze %parallel_loop3A_1488 : memref<1x1x64x128xf32, #tpu.memory_space<vmem>> -> memref<64x128xf32, #tpu.memory_space<vmem>>
        tpu.vector_store_idx %parallel_loop3A_1489[%add3A_28, %parallel_loop3A_1445], %parallel_loop3A_1485 : memref<64x128xf32, #tpu.memory_space<vmem>>[vector<16xi32>, vector<16xi32>], vector<16xf32>,
      } {sc.loop_unroll_factor = 8 : i64, sc.parallel_access}
      %add3A_979 = arith.constant 0 : i32
      %add3A_980 = arith.addi %add3A_713, %add3A_979 : i32
      %jit3A_981 = arith.constant 4 : i32
      %div3A_982 = arith.divsi %add3A_980, %jit3A_981 : i32
      %sign3A_983 = arith.constant 0 : i32
      %sign3A_984 = arith.cmpi sgt, %add3A_980, %sign3A_983 : i32
      %sign3A_985 = arith.extui %sign3A_984 : i1 to i32
      %sign3A_986 = arith.constant 0 : i32
      %sign3A_987 = arith.cmpi slt, %add3A_980, %sign3A_986 : i32
      %sign3A_988 = arith.extui %sign3A_987 : i1 to i32
      %sign3A_989 = arith.subi %sign3A_985, %sign3A_988 : i32
      %sign3A_990 = arith.constant 0 : i32
      %sign3A_991 = arith.cmpi sgt, %jit3A_981, %sign3A_990 : i32
      %sign3A_992 = arith.extui %sign3A_991 : i1 to i32
      %sign3A_993 = arith.constant 0 : i32
      %sign3A_994 = arith.cmpi slt, %jit3A_981, %sign3A_993 : i32
      %sign3A_995 = arith.extui %sign3A_994 : i1 to i32
      %sign3A_996 = arith.subi %sign3A_992, %sign3A_995 : i32
      %ne3A_997 = arith.cmpi ne, %sign3A_989, %sign3A_996 : i32
      %rem3A_998 = arith.remsi %add3A_980, %jit3A_981 : i32
      %ne3A_999 = arith.constant 0 : i32
      %ne3A_1000 = arith.cmpi ne, %rem3A_998, %ne3A_999 : i32
      %and3A_1001 = arith.andi %ne3A_997, %ne3A_1000 : i1
      %sub3A_1002 = arith.constant 1 : i32
      %sub3A_1003 = arith.subi %div3A_982, %sub3A_1002 : i32
      %select_n3A_1004 = arith.select %and3A_1001, %sub3A_1003, %div3A_982 : i32
      %rem3A_1005 = arith.constant 4 : i32
      %rem3A_1006 = arith.remsi %add3A_980, %rem3A_1005 : i32
      %mul3A_1007 = arith.constant 128 : i32
      %mul3A_1008 = arith.muli %rem3A_1006, %mul3A_1007 : i32
      %add3A_1009 = arith.addi %mul3A_2, %mul3A_1008 : i32
      %dma_start3A_1010 = arith.constant 0 : i32
      %dma_start3A_1011 = arith.constant 0 : i32
      %dma_start3A_1012 = arith.constant 0 : i32
      %dma_start3A_1013 = arith.constant 0 : i32
      %dma_start3A_1014 = tpu.memref_slice %arg7[%dma_start3A_1010, %dma_start3A_1011, %dma_start3A_1012, %dma_start3A_1013] : memref<2x2x64x128xf32, #tpu.memory_space<vmem>> -> memref<1x1x64x128xf32, #tpu.memory_space<vmem>>
      %dma_start3A_1015 = tpu.memref_squeeze %dma_start3A_1014 : memref<1x1x64x128xf32, #tpu.memory_space<vmem>> -> memref<64x128xf32, #tpu.memory_space<vmem>>
      %dma_start3A_1016 = arith.constant 0 : i32
      %dma_start3A_1017 = tpu.memref_slice %arg4[%select_n3A_1004, %dma_start3A_1016, %add3A_1009] : memref<50x64x16384xf32, #tpu.memory_space<hbm>> -> memref<1x64x128xf32, #tpu.memory_space<hbm>>
      %dma_start3A_1018 = tpu.memref_squeeze %dma_start3A_1017 : memref<1x64x128xf32, #tpu.memory_space<hbm>> -> memref<64x128xf32, #tpu.memory_space<hbm>>
      %dma_start3A_1019 = arith.constant 0 : i32
      %dma_start3A_1020 = tpu.memref_slice %arg4[%select_n3A_1004, %dma_start3A_1019, %add3A_1009] : memref<50x64x16384xf32, #tpu.memory_space<hbm>> -> memref<1x64x128xf32, #tpu.memory_space<hbm>>
      %dma_start3A_1021 = tpu.memref_squeeze %dma_start3A_1020 : memref<1x64x128xf32, #tpu.memory_space<hbm>> -> memref<64x128xf32, #tpu.memory_space<hbm>>
      %dma_start3A_1022 = arith.constant 0 : i32
      %dma_start3A_1023 = arith.constant 0 : i32
      %dma_start3A_1024 = tpu.memref_slice %arg7[%dma_start3A_1010, %dma_start3A_1011, %dma_start3A_1022, %dma_start3A_1023] : memref<2x2x64x128xf32, #tpu.memory_space<vmem>> -> memref<1x1x64x128xf32, #tpu.memory_space<vmem>>
      %dma_start3A_1025 = tpu.memref_squeeze %dma_start3A_1024 : memref<1x1x64x128xf32, #tpu.memory_space<vmem>> -> memref<64x128xf32, #tpu.memory_space<vmem>>
      tpu.enqueue_dma source(%dma_start3A_1025 : memref<64x128xf32, #tpu.memory_space<vmem>>) target(%dma_start3A_1021 : memref<64x128xf32, #tpu.memory_space<hbm>>) target_semaphore(%arg10 : memref<!tpu.dma_semaphore, #tpu.memory_space<semaphore_mem>>)
      %add3A_1026 = arith.constant 1 : i32
      %add3A_1027 = arith.addi %add3A_713, %add3A_1026 : i32
      %jit3A_1028 = arith.constant 4 : i32
      %div3A_1029 = arith.divsi %add3A_1027, %jit3A_1028 : i32
      %sign3A_1030 = arith.constant 0 : i32
      %sign3A_1031 = arith.cmpi sgt, %add3A_1027, %sign3A_1030 : i32
      %sign3A_1032 = arith.extui %sign3A_1031 : i1 to i32
      %sign3A_1033 = arith.constant 0 : i32
      %sign3A_1034 = arith.cmpi slt, %add3A_1027, %sign3A_1033 : i32
      %sign3A_1035 = arith.extui %sign3A_1034 : i1 to i32
      %sign3A_1036 = arith.subi %sign3A_1032, %sign3A_1035 : i32
      %sign3A_1037 = arith.constant 0 : i32
      %sign3A_1038 = arith.cmpi sgt, %jit3A_1028, %sign3A_1037 : i32
      %sign3A_1039 = arith.extui %sign3A_1038 : i1 to i32
      %sign3A_1040 = arith.constant 0 : i32
      %sign3A_1041 = arith.cmpi slt, %jit3A_1028, %sign3A_1040 : i32
      %sign3A_1042 = arith.extui %sign3A_1041 : i1 to i32
      %sign3A_1043 = arith.subi %sign3A_1039, %sign3A_1042 : i32
      %ne3A_1044 = arith.cmpi ne, %sign3A_1036, %sign3A_1043 : i32
      %rem3A_1045 = arith.remsi %add3A_1027, %jit3A_1028 : i32
      %ne3A_1046 = arith.constant 0 : i32
      %ne3A_1047 = arith.cmpi ne, %rem3A_1045, %ne3A_1046 : i32
      %and3A_1048 = arith.andi %ne3A_1044, %ne3A_1047 : i1
      %sub3A_1049 = arith.constant 1 : i32
      %sub3A_1050 = arith.subi %div3A_1029, %sub3A_1049 : i32
      %select_n3A_1051 = arith.select %and3A_1048, %sub3A_1050, %div3A_1029 : i32
      %rem3A_1052 = arith.constant 4 : i32
      %rem3A_1053 = arith.remsi %add3A_1027, %rem3A_1052 : i32
      %mul3A_1054 = arith.constant 128 : i32
      %mul3A_1055 = arith.muli %rem3A_1053, %mul3A_1054 : i32
      %add3A_1056 = arith.addi %mul3A_2, %mul3A_1055 : i32
      %dma_start3A_1057 = arith.constant 0 : i32
      %dma_start3A_1058 = arith.constant 1 : i32
      %dma_start3A_1059 = arith.constant 0 : i32
      %dma_start3A_1060 = arith.constant 0 : i32
      %dma_start3A_1061 = tpu.memref_slice %arg7[%dma_start3A_1057, %dma_start3A_1058, %dma_start3A_1059, %dma_start3A_1060] : memref<2x2x64x128xf32, #tpu.memory_space<vmem>> -> memref<1x1x64x128xf32, #tpu.memory_space<vmem>>
      %dma_start3A_1062 = tpu.memref_squeeze %dma_start3A_1061 : memref<1x1x64x128xf32, #tpu.memory_space<vmem>> -> memref<64x128xf32, #tpu.memory_space<vmem>>
      %dma_start3A_1063 = arith.constant 0 : i32
      %dma_start3A_1064 = tpu.memref_slice %arg4[%select_n3A_1051, %dma_start3A_1063, %add3A_1056] : memref<50x64x16384xf32, #tpu.memory_space<hbm>> -> memref<1x64x128xf32, #tpu.memory_space<hbm>>
      %dma_start3A_1065 = tpu.memref_squeeze %dma_start3A_1064 : memref<1x64x128xf32, #tpu.memory_space<hbm>> -> memref<64x128xf32, #tpu.memory_space<hbm>>
      %dma_start3A_1066 = arith.constant 0 : i32
      %dma_start3A_1067 = tpu.memref_slice %arg4[%select_n3A_1051, %dma_start3A_1066, %add3A_1056] : memref<50x64x16384xf32, #tpu.memory_space<hbm>> -> memref<1x64x128xf32, #tpu.memory_space<hbm>>
      %dma_start3A_1068 = tpu.memref_squeeze %dma_start3A_1067 : memref<1x64x128xf32, #tpu.memory_space<hbm>> -> memref<64x128xf32, #tpu.memory_space<hbm>>
      %dma_start3A_1069 = arith.constant 0 : i32
      %dma_start3A_1070 = arith.constant 0 : i32
      %dma_start3A_1071 = tpu.memref_slice %arg7[%dma_start3A_1057, %dma_start3A_1058, %dma_start3A_1069, %dma_start3A_1070] : memref<2x2x64x128xf32, #tpu.memory_space<vmem>> -> memref<1x1x64x128xf32, #tpu.memory_space<vmem>>
      %dma_start3A_1072 = tpu.memref_squeeze %dma_start3A_1071 : memref<1x1x64x128xf32, #tpu.memory_space<vmem>> -> memref<64x128xf32, #tpu.memory_space<vmem>>
      tpu.enqueue_dma source(%dma_start3A_1072 : memref<64x128xf32, #tpu.memory_space<vmem>>) target(%dma_start3A_1068 : memref<64x128xf32, #tpu.memory_space<hbm>>) target_semaphore(%arg10 : memref<!tpu.dma_semaphore, #tpu.memory_space<semaphore_mem>>)
      %add3A_1073 = arith.constant 2 : i32
      %add3A_1074 = arith.addi %add3A_713, %add3A_1073 : i32
      %sub3A_1075 = arith.constant 2 : i32
      %sub3A_1076 = arith.subi %add3A_1074, %sub3A_1075 : i32
      %add3A_1077 = arith.constant 0 : i32
      %add3A_1078 = arith.addi %sub3A_1076, %add3A_1077 : i32
      %jit3A_1079 = arith.constant 4 : i32
      %div3A_1080 = arith.divsi %add3A_1078, %jit3A_1079 : i32
      %sign3A_1081 = arith.constant 0 : i32
      %sign3A_1082 = arith.cmpi sgt, %add3A_1078, %sign3A_1081 : i32
      %sign3A_1083 = arith.extui %sign3A_1082 : i1 to i32
      %sign3A_1084 = arith.constant 0 : i32
      %sign3A_1085 = arith.cmpi slt, %add3A_1078, %sign3A_1084 : i32
      %sign3A_1086 = arith.extui %sign3A_1085 : i1 to i32
      %sign3A_1087 = arith.subi %sign3A_1083, %sign3A_1086 : i32
      %sign3A_1088 = arith.constant 0 : i32
      %sign3A_1089 = arith.cmpi sgt, %jit3A_1079, %sign3A_1088 : i32
      %sign3A_1090 = arith.extui %sign3A_1089 : i1 to i32
      %sign3A_1091 = arith.constant 0 : i32
      %sign3A_1092 = arith.cmpi slt, %jit3A_1079, %sign3A_1091 : i32
      %sign3A_1093 = arith.extui %sign3A_1092 : i1 to i32
      %sign3A_1094 = arith.subi %sign3A_1090, %sign3A_1093 : i32
      %ne3A_1095 = arith.cmpi ne, %sign3A_1087, %sign3A_1094 : i32
      %rem3A_1096 = arith.remsi %add3A_1078, %jit3A_1079 : i32
      %ne3A_1097 = arith.constant 0 : i32
      %ne3A_1098 = arith.cmpi ne, %rem3A_1096, %ne3A_1097 : i32
      %and3A_1099 = arith.andi %ne3A_1095, %ne3A_1098 : i1
      %sub3A_1100 = arith.constant 1 : i32
      %sub3A_1101 = arith.subi %div3A_1080, %sub3A_1100 : i32
      %select_n3A_1102 = arith.select %and3A_1099, %sub3A_1101, %div3A_1080 : i32
      %rem3A_1103 = arith.constant 4 : i32
      %rem3A_1104 = arith.remsi %add3A_1078, %rem3A_1103 : i32
      %mul3A_1105 = arith.constant 128 : i32
      %mul3A_1106 = arith.muli %rem3A_1104, %mul3A_1105 : i32
      %add3A_1107 = arith.addi %mul3A_2, %mul3A_1106 : i32
      %dma_wait3A_1108 = arith.constant 0 : i32
      %dma_wait3A_1109 = arith.constant 0 : i32
      %dma_wait3A_1110 = arith.constant 0 : i32
      %dma_wait3A_1111 = arith.constant 0 : i32
      %dma_wait3A_1112 = tpu.memref_slice %arg7[%dma_wait3A_1108, %dma_wait3A_1109, %dma_wait3A_1110, %dma_wait3A_1111] : memref<2x2x64x128xf32, #tpu.memory_space<vmem>> -> memref<1x1x64x128xf32, #tpu.memory_space<vmem>>
      %dma_wait3A_1113 = tpu.memref_squeeze %dma_wait3A_1112 : memref<1x1x64x128xf32, #tpu.memory_space<vmem>> -> memref<64x128xf32, #tpu.memory_space<vmem>>
      %dma_wait3A_1114 = arith.constant 0 : i32
      %dma_wait3A_1115 = tpu.memref_slice %arg4[%select_n3A_1102, %dma_wait3A_1114, %add3A_1107] : memref<50x64x16384xf32, #tpu.memory_space<hbm>> -> memref<1x64x128xf32, #tpu.memory_space<hbm>>
      %dma_wait3A_1116 = tpu.memref_squeeze %dma_wait3A_1115 : memref<1x64x128xf32, #tpu.memory_space<hbm>> -> memref<64x128xf32, #tpu.memory_space<hbm>>
      %dma_wait3A_1117 = arith.constant 0 : i32
      %dma_wait3A_1118 = tpu.memref_slice %arg4[%select_n3A_1102, %dma_wait3A_1117, %add3A_1107] : memref<50x64x16384xf32, #tpu.memory_space<hbm>> -> memref<1x64x128xf32, #tpu.memory_space<hbm>>
      %dma_wait3A_1119 = tpu.memref_squeeze %dma_wait3A_1118 : memref<1x64x128xf32, #tpu.memory_space<hbm>> -> memref<64x128xf32, #tpu.memory_space<hbm>>
      %dma_wait3A_1120 = arith.constant 0 : i32
      %dma_wait3A_1121 = arith.constant 0 : i32
      %dma_wait3A_1122 = tpu.memref_slice %arg7[%dma_wait3A_1108, %dma_wait3A_1109, %dma_wait3A_1120, %dma_wait3A_1121] : memref<2x2x64x128xf32, #tpu.memory_space<vmem>> -> memref<1x1x64x128xf32, #tpu.memory_space<vmem>>
      %dma_wait3A_1123 = tpu.memref_squeeze %dma_wait3A_1122 : memref<1x1x64x128xf32, #tpu.memory_space<vmem>> -> memref<64x128xf32, #tpu.memory_space<vmem>>
      tpu.wait_dma2 semaphore(%arg10 : memref<!tpu.dma_semaphore, #tpu.memory_space<semaphore_mem>>) src(%dma_wait3A_1123 : memref<64x128xf32, #tpu.memory_space<vmem>>) dst(%dma_wait3A_1119 : memref<64x128xf32, #tpu.memory_space<hbm>>)
      %add3A_1124 = arith.constant 1 : i32
      %add3A_1125 = arith.addi %sub3A_1076, %add3A_1124 : i32
      %jit3A_1126 = arith.constant 4 : i32
      %div3A_1127 = arith.divsi %add3A_1125, %jit3A_1126 : i32
      %sign3A_1128 = arith.constant 0 : i32
      %sign3A_1129 = arith.cmpi sgt, %add3A_1125, %sign3A_1128 : i32
      %sign3A_1130 = arith.extui %sign3A_1129 : i1 to i32
      %sign3A_1131 = arith.constant 0 : i32
      %sign3A_1132 = arith.cmpi slt, %add3A_1125, %sign3A_1131 : i32
      %sign3A_1133 = arith.extui %sign3A_1132 : i1 to i32
      %sign3A_1134 = arith.subi %sign3A_1130, %sign3A_1133 : i32
      %sign3A_1135 = arith.constant 0 : i32
      %sign3A_1136 = arith.cmpi sgt, %jit3A_1126, %sign3A_1135 : i32
      %sign3A_1137 = arith.extui %sign3A_1136 : i1 to i32
      %sign3A_1138 = arith.constant 0 : i32
      %sign3A_1139 = arith.cmpi slt, %jit3A_1126, %sign3A_1138 : i32
      %sign3A_1140 = arith.extui %sign3A_1139 : i1 to i32
      %sign3A_1141 = arith.subi %sign3A_1137, %sign3A_1140 : i32
      %ne3A_1142 = arith.cmpi ne, %sign3A_1134, %sign3A_1141 : i32
      %rem3A_1143 = arith.remsi %add3A_1125, %jit3A_1126 : i32
      %ne3A_1144 = arith.constant 0 : i32
      %ne3A_1145 = arith.cmpi ne, %rem3A_1143, %ne3A_1144 : i32
      %and3A_1146 = arith.andi %ne3A_1142, %ne3A_1145 : i1
      %sub3A_1147 = arith.constant 1 : i32
      %sub3A_1148 = arith.subi %div3A_1127, %sub3A_1147 : i32
      %select_n3A_1149 = arith.select %and3A_1146, %sub3A_1148, %div3A_1127 : i32
      %rem3A_1150 = arith.constant 4 : i32
      %rem3A_1151 = arith.remsi %add3A_1125, %rem3A_1150 : i32
      %mul3A_1152 = arith.constant 128 : i32
      %mul3A_1153 = arith.muli %rem3A_1151, %mul3A_1152 : i32
      %add3A_1154 = arith.addi %mul3A_2, %mul3A_1153 : i32
      %dma_wait3A_1155 = arith.constant 0 : i32
      %dma_wait3A_1156 = arith.constant 1 : i32
      %dma_wait3A_1157 = arith.constant 0 : i32
      %dma_wait3A_1158 = arith.constant 0 : i32
      %dma_wait3A_1159 = tpu.memref_slice %arg7[%dma_wait3A_1155, %dma_wait3A_1156, %dma_wait3A_1157, %dma_wait3A_1158] : memref<2x2x64x128xf32, #tpu.memory_space<vmem>> -> memref<1x1x64x128xf32, #tpu.memory_space<vmem>>
      %dma_wait3A_1160 = tpu.memref_squeeze %dma_wait3A_1159 : memref<1x1x64x128xf32, #tpu.memory_space<vmem>> -> memref<64x128xf32, #tpu.memory_space<vmem>>
      %dma_wait3A_1161 = arith.constant 0 : i32
      %dma_wait3A_1162 = tpu.memref_slice %arg4[%select_n3A_1149, %dma_wait3A_1161, %add3A_1154] : memref<50x64x16384xf32, #tpu.memory_space<hbm>> -> memref<1x64x128xf32, #tpu.memory_space<hbm>>
      %dma_wait3A_1163 = tpu.memref_squeeze %dma_wait3A_1162 : memref<1x64x128xf32, #tpu.memory_space<hbm>> -> memref<64x128xf32, #tpu.memory_space<hbm>>
      %dma_wait3A_1164 = arith.constant 0 : i32
      %dma_wait3A_1165 = tpu.memref_slice %arg4[%select_n3A_1149, %dma_wait3A_1164, %add3A_1154] : memref<50x64x16384xf32, #tpu.memory_space<hbm>> -> memref<1x64x128xf32, #tpu.memory_space<hbm>>
      %dma_wait3A_1166 = tpu.memref_squeeze %dma_wait3A_1165 : memref<1x64x128xf32, #tpu.memory_space<hbm>> -> memref<64x128xf32, #tpu.memory_space<hbm>>
      %dma_wait3A_1167 = arith.constant 0 : i32
      %dma_wait3A_1168 = arith.constant 0 : i32
      %dma_wait3A_1169 = tpu.memref_slice %arg7[%dma_wait3A_1155, %dma_wait3A_1156, %dma_wait3A_1167, %dma_wait3A_1168] : memref<2x2x64x128xf32, #tpu.memory_space<vmem>> -> memref<1x1x64x128xf32, #tpu.memory_space<vmem>>
      %dma_wait3A_1170 = tpu.memref_squeeze %dma_wait3A_1169 : memref<1x1x64x128xf32, #tpu.memory_space<vmem>> -> memref<64x128xf32, #tpu.memory_space<vmem>>
      tpu.wait_dma2 semaphore(%arg10 : memref<!tpu.dma_semaphore, #tpu.memory_space<semaphore_mem>>) src(%dma_wait3A_1170 : memref<64x128xf32, #tpu.memory_space<vmem>>) dst(%dma_wait3A_1166 : memref<64x128xf32, #tpu.memory_space<hbm>>)
      %add3A_1171 = arith.constant 2 : i32
      %add3A_1172 = arith.addi %add3A_1074, %add3A_1171 : i32
      %add3A_1173 = arith.constant 0 : i32
      %add3A_1174 = arith.addi %add3A_1172, %add3A_1173 : i32
      %jit3A_1175 = arith.constant 4 : i32
      %div3A_1176 = arith.divsi %add3A_1174, %jit3A_1175 : i32
      %sign3A_1177 = arith.constant 0 : i32
      %sign3A_1178 = arith.cmpi sgt, %add3A_1174, %sign3A_1177 : i32
      %sign3A_1179 = arith.extui %sign3A_1178 : i1 to i32
      %sign3A_1180 = arith.constant 0 : i32
      %sign3A_1181 = arith.cmpi slt, %add3A_1174, %sign3A_1180 : i32
      %sign3A_1182 = arith.extui %sign3A_1181 : i1 to i32
      %sign3A_1183 = arith.subi %sign3A_1179, %sign3A_1182 : i32
      %sign3A_1184 = arith.constant 0 : i32
      %sign3A_1185 = arith.cmpi sgt, %jit3A_1175, %sign3A_1184 : i32
      %sign3A_1186 = arith.extui %sign3A_1185 : i1 to i32
      %sign3A_1187 = arith.constant 0 : i32
      %sign3A_1188 = arith.cmpi slt, %jit3A_1175, %sign3A_1187 : i32
      %sign3A_1189 = arith.extui %sign3A_1188 : i1 to i32
      %sign3A_1190 = arith.subi %sign3A_1186, %sign3A_1189 : i32
      %ne3A_1191 = arith.cmpi ne, %sign3A_1183, %sign3A_1190 : i32
      %rem3A_1192 = arith.remsi %add3A_1174, %jit3A_1175 : i32
      %ne3A_1193 = arith.constant 0 : i32
      %ne3A_1194 = arith.cmpi ne, %rem3A_1192, %ne3A_1193 : i32
      %and3A_1195 = arith.andi %ne3A_1191, %ne3A_1194 : i1
      %sub3A_1196 = arith.constant 1 : i32
      %sub3A_1197 = arith.subi %div3A_1176, %sub3A_1196 : i32
      %select_n3A_1198 = arith.select %and3A_1195, %sub3A_1197, %div3A_1176 : i32
      %rem3A_1199 = arith.constant 4 : i32
      %rem3A_1200 = arith.remsi %add3A_1174, %rem3A_1199 : i32
      %dma_start3A_1201 = arith.constant 0 : i32
      %dma_start3A_1202 = arith.constant 0 : i32
      %dma_start3A_1203 = arith.constant 0 : i32
      %dma_start3A_1204 = arith.constant 0 : i32
      %dma_start3A_1205 = tpu.memref_slice %arg6[%dma_start3A_1201, %dma_start3A_1202, %dma_start3A_1203, %dma_start3A_1204] : memref<2x2x128x128xf32, #tpu.memory_space<vmem>> -> memref<1x1x128x128xf32, #tpu.memory_space<vmem>>
      %dma_start3A_1206 = tpu.memref_squeeze %dma_start3A_1205 : memref<1x1x128x128xf32, #tpu.memory_space<vmem>> -> memref<128x128xf32, #tpu.memory_space<vmem>>
      %dma_start3A_1207 = arith.constant 0 : i32
      %dma_start3A_1208 = tpu.memref_slice %arg5[%rem3A_1200, %select_n3A_1198, %dma_start3A_1207] : memref<4x50x128xi32, #tpu.memory_space<vmem>> -> memref<1x1x128xi32, #tpu.memory_space<vmem>>
      %dma_start3A_1209 = tpu.memref_squeeze %dma_start3A_1208 : memref<1x1x128xi32, #tpu.memory_space<vmem>> -> memref<128xi32, #tpu.memory_space<vmem>>
      %dma_start3A_1210 = arith.constant 0 : i32
      %dma_start3A_1211 = arith.constant 0 : i32
      %dma_start3A_1212 = tpu.memref_slice %arg3[%dma_start3A_1210, %dma_start3A_1211] : memref<1000000x128xf32, #tpu.memory_space<hbm>> -> memref<1000000x128xf32, #tpu.memory_space<hbm>>
      tpu.enqueue_indirect_dma source(%dma_start3A_1212 : memref<1000000x128xf32, #tpu.memory_space<hbm>>) target(%dma_start3A_1206 : memref<128x128xf32, #tpu.memory_space<vmem>>) offsets(%dma_start3A_1209 : memref<128xi32, #tpu.memory_space<vmem>>) semaphore(%arg8 : memref<!tpu.dma_semaphore, #tpu.memory_space<semaphore_mem>>)
      %add3A_1213 = arith.constant 1 : i32
      %add3A_1214 = arith.addi %add3A_1172, %add3A_1213 : i32
      %jit3A_1215 = arith.constant 4 : i32
      %div3A_1216 = arith.divsi %add3A_1214, %jit3A_1215 : i32
      %sign3A_1217 = arith.constant 0 : i32
      %sign3A_1218 = arith.cmpi sgt, %add3A_1214, %sign3A_1217 : i32
      %sign3A_1219 = arith.extui %sign3A_1218 : i1 to i32
      %sign3A_1220 = arith.constant 0 : i32
      %sign3A_1221 = arith.cmpi slt, %add3A_1214, %sign3A_1220 : i32
      %sign3A_1222 = arith.extui %sign3A_1221 : i1 to i32
      %sign3A_1223 = arith.subi %sign3A_1219, %sign3A_1222 : i32
      %sign3A_1224 = arith.constant 0 : i32
      %sign3A_1225 = arith.cmpi sgt, %jit3A_1215, %sign3A_1224 : i32
      %sign3A_1226 = arith.extui %sign3A_1225 : i1 to i32
      %sign3A_1227 = arith.constant 0 : i32
      %sign3A_1228 = arith.cmpi slt, %jit3A_1215, %sign3A_1227 : i32
      %sign3A_1229 = arith.extui %sign3A_1228 : i1 to i32
      %sign3A_1230 = arith.subi %sign3A_1226, %sign3A_1229 : i32
      %ne3A_1231 = arith.cmpi ne, %sign3A_1223, %sign3A_1230 : i32
      %rem3A_1232 = arith.remsi %add3A_1214, %jit3A_1215 : i32
      %ne3A_1233 = arith.constant 0 : i32
      %ne3A_1234 = arith.cmpi ne, %rem3A_1232, %ne3A_1233 : i32
      %and3A_1235 = arith.andi %ne3A_1231, %ne3A_1234 : i1
      %sub3A_1236 = arith.constant 1 : i32
      %sub3A_1237 = arith.subi %div3A_1216, %sub3A_1236 : i32
      %select_n3A_1238 = arith.select %and3A_1235, %sub3A_1237, %div3A_1216 : i32
      %rem3A_1239 = arith.constant 4 : i32
      %rem3A_1240 = arith.remsi %add3A_1214, %rem3A_1239 : i32
      %dma_start3A_1241 = arith.constant 0 : i32
      %dma_start3A_1242 = arith.constant 1 : i32
      %dma_start3A_1243 = arith.constant 0 : i32
      %dma_start3A_1244 = arith.constant 0 : i32
      %dma_start3A_1245 = tpu.memref_slice %arg6[%dma_start3A_1241, %dma_start3A_1242, %dma_start3A_1243, %dma_start3A_1244] : memref<2x2x128x128xf32, #tpu.memory_space<vmem>> -> memref<1x1x128x128xf32, #tpu.memory_space<vmem>>
      %dma_start3A_1246 = tpu.memref_squeeze %dma_start3A_1245 : memref<1x1x128x128xf32, #tpu.memory_space<vmem>> -> memref<128x128xf32, #tpu.memory_space<vmem>>
      %dma_start3A_1247 = arith.constant 0 : i32
      %dma_start3A_1248 = tpu.memref_slice %arg5[%rem3A_1240, %select_n3A_1238, %dma_start3A_1247] : memref<4x50x128xi32, #tpu.memory_space<vmem>> -> memref<1x1x128xi32, #tpu.memory_space<vmem>>
      %dma_start3A_1249 = tpu.memref_squeeze %dma_start3A_1248 : memref<1x1x128xi32, #tpu.memory_space<vmem>> -> memref<128xi32, #tpu.memory_space<vmem>>
      %dma_start3A_1250 = arith.constant 0 : i32
      %dma_start3A_1251 = arith.constant 0 : i32
      %dma_start3A_1252 = tpu.memref_slice %arg3[%dma_start3A_1250, %dma_start3A_1251] : memref<1000000x128xf32, #tpu.memory_space<hbm>> -> memref<1000000x128xf32, #tpu.memory_space<hbm>>
      tpu.enqueue_indirect_dma source(%dma_start3A_1252 : memref<1000000x128xf32, #tpu.memory_space<hbm>>) target(%dma_start3A_1246 : memref<128x128xf32, #tpu.memory_space<vmem>>) offsets(%dma_start3A_1249 : memref<128xi32, #tpu.memory_space<vmem>>) semaphore(%arg8 : memref<!tpu.dma_semaphore, #tpu.memory_space<semaphore_mem>>)
      %add3A_1253 = arith.constant 0 : i32
      %add3A_1254 = arith.addi %add3A_1074, %add3A_1253 : i32
      %jit3A_1255 = arith.constant 4 : i32
      %div3A_1256 = arith.divsi %add3A_1254, %jit3A_1255 : i32
      %sign3A_1257 = arith.constant 0 : i32
      %sign3A_1258 = arith.cmpi sgt, %add3A_1254, %sign3A_1257 : i32
      %sign3A_1259 = arith.extui %sign3A_1258 : i1 to i32
      %sign3A_1260 = arith.constant 0 : i32
      %sign3A_1261 = arith.cmpi slt, %add3A_1254, %sign3A_1260 : i32
      %sign3A_1262 = arith.extui %sign3A_1261 : i1 to i32
      %sign3A_1263 = arith.subi %sign3A_1259, %sign3A_1262 : i32
      %sign3A_1264 = arith.constant 0 : i32
      %sign3A_1265 = arith.cmpi sgt, %jit3A_1255, %sign3A_1264 : i32
      %sign3A_1266 = arith.extui %sign3A_1265 : i1 to i32
      %sign3A_1267 = arith.constant 0 : i32
      %sign3A_1268 = arith.cmpi slt, %jit3A_1255, %sign3A_1267 : i32
      %sign3A_1269 = arith.extui %sign3A_1268 : i1 to i32
      %sign3A_1270 = arith.subi %sign3A_1266, %sign3A_1269 : i32
      %ne3A_1271 = arith.cmpi ne, %sign3A_1263, %sign3A_1270 : i32
      %rem3A_1272 = arith.remsi %add3A_1254, %jit3A_1255 : i32
      %ne3A_1273 = arith.constant 0 : i32
      %ne3A_1274 = arith.cmpi ne, %rem3A_1272, %ne3A_1273 : i32
      %and3A_1275 = arith.andi %ne3A_1271, %ne3A_1274 : i1
      %sub3A_1276 = arith.constant 1 : i32
      %sub3A_1277 = arith.subi %div3A_1256, %sub3A_1276 : i32
      %select_n3A_1278 = arith.select %and3A_1275, %sub3A_1277, %div3A_1256 : i32
      %rem3A_1279 = arith.constant 4 : i32
      %rem3A_1280 = arith.remsi %add3A_1254, %rem3A_1279 : i32
      %dma_wait3A_1281 = arith.constant 1 : i32
      %dma_wait3A_1282 = arith.constant 0 : i32
      %dma_wait3A_1283 = arith.constant 0 : i32
      %dma_wait3A_1284 = arith.constant 0 : i32
      %dma_wait3A_1285 = tpu.memref_slice %arg6[%dma_wait3A_1281, %dma_wait3A_1282, %dma_wait3A_1283, %dma_wait3A_1284] : memref<2x2x128x128xf32, #tpu.memory_space<vmem>> -> memref<1x1x128x128xf32, #tpu.memory_space<vmem>>
      %dma_wait3A_1286 = tpu.memref_squeeze %dma_wait3A_1285 : memref<1x1x128x128xf32, #tpu.memory_space<vmem>> -> memref<128x128xf32, #tpu.memory_space<vmem>>
      %dma_wait3A_1287 = arith.constant 0 : i32
      %dma_wait3A_1288 = tpu.memref_slice %arg5[%rem3A_1280, %select_n3A_1278, %dma_wait3A_1287] : memref<4x50x128xi32, #tpu.memory_space<vmem>> -> memref<1x1x128xi32, #tpu.memory_space<vmem>>
      %dma_wait3A_1289 = tpu.memref_squeeze %dma_wait3A_1288 : memref<1x1x128xi32, #tpu.memory_space<vmem>> -> memref<128xi32, #tpu.memory_space<vmem>>
      %dma_wait3A_1290 = arith.constant 0 : i32
      %dma_wait3A_1291 = arith.constant 0 : i32
      %dma_wait3A_1292 = tpu.memref_slice %arg3[%dma_wait3A_1290, %dma_wait3A_1291] : memref<1000000x128xf32, #tpu.memory_space<hbm>> -> memref<1000000x128xf32, #tpu.memory_space<hbm>>
      tpu.wait_indirect_dma semaphore(%arg9 : memref<!tpu.dma_semaphore, #tpu.memory_space<semaphore_mem>>) src(%dma_wait3A_1292 : memref<1000000x128xf32, #tpu.memory_space<hbm>>) dst(%dma_wait3A_1286 : memref<128x128xf32, #tpu.memory_space<vmem>>)
      %add3A_1293 = arith.constant 1 : i32
      %add3A_1294 = arith.addi %add3A_1074, %add3A_1293 : i32
      %jit3A_1295 = arith.constant 4 : i32
      %div3A_1296 = arith.divsi %add3A_1294, %jit3A_1295 : i32
      %sign3A_1297 = arith.constant 0 : i32
      %sign3A_1298 = arith.cmpi sgt, %add3A_1294, %sign3A_1297 : i32
      %sign3A_1299 = arith.extui %sign3A_1298 : i1 to i32
      %sign3A_1300 = arith.constant 0 : i32
      %sign3A_1301 = arith.cmpi slt, %add3A_1294, %sign3A_1300 : i32
      %sign3A_1302 = arith.extui %sign3A_1301 : i1 to i32
      %sign3A_1303 = arith.subi %sign3A_1299, %sign3A_1302 : i32
      %sign3A_1304 = arith.constant 0 : i32
      %sign3A_1305 = arith.cmpi sgt, %jit3A_1295, %sign3A_1304 : i32
      %sign3A_1306 = arith.extui %sign3A_1305 : i1 to i32
      %sign3A_1307 = arith.constant 0 : i32
      %sign3A_1308 = arith.cmpi slt, %jit3A_1295, %sign3A_1307 : i32
      %sign3A_1309 = arith.extui %sign3A_1308 : i1 to i32
      %sign3A_1310 = arith.subi %sign3A_1306, %sign3A_1309 : i32
      %ne3A_1311 = arith.cmpi ne, %sign3A_1303, %sign3A_1310 : i32
      %rem3A_1312 = arith.remsi %add3A_1294, %jit3A_1295 : i32
      %ne3A_1313 = arith.constant 0 : i32
      %ne3A_1314 = arith.cmpi ne, %rem3A_1312, %ne3A_1313 : i32
      %and3A_1315 = arith.andi %ne3A_1311, %ne3A_1314 : i1
      %sub3A_1316 = arith.constant 1 : i32
      %sub3A_1317 = arith.subi %div3A_1296, %sub3A_1316 : i32
      %select_n3A_1318 = arith.select %and3A_1315, %sub3A_1317, %div3A_1296 : i32
      %rem3A_1319 = arith.constant 4 : i32
      %rem3A_1320 = arith.remsi %add3A_1294, %rem3A_1319 : i32
      %dma_wait3A_1321 = arith.constant 1 : i32
      %dma_wait3A_1322 = arith.constant 1 : i32
      %dma_wait3A_1323 = arith.constant 0 : i32
      %dma_wait3A_1324 = arith.constant 0 : i32
      %dma_wait3A_1325 = tpu.memref_slice %arg6[%dma_wait3A_1321, %dma_wait3A_1322, %dma_wait3A_1323, %dma_wait3A_1324] : memref<2x2x128x128xf32, #tpu.memory_space<vmem>> -> memref<1x1x128x128xf32, #tpu.memory_space<vmem>>
      %dma_wait3A_1326 = tpu.memref_squeeze %dma_wait3A_1325 : memref<1x1x128x128xf32, #tpu.memory_space<vmem>> -> memref<128x128xf32, #tpu.memory_space<vmem>>
      %dma_wait3A_1327 = arith.constant 0 : i32
      %dma_wait3A_1328 = tpu.memref_slice %arg5[%rem3A_1320, %select_n3A_1318, %dma_wait3A_1327] : memref<4x50x128xi32, #tpu.memory_space<vmem>> -> memref<1x1x128xi32, #tpu.memory_space<vmem>>
      %dma_wait3A_1329 = tpu.memref_squeeze %dma_wait3A_1328 : memref<1x1x128xi32, #tpu.memory_space<vmem>> -> memref<128xi32, #tpu.memory_space<vmem>>
      %dma_wait3A_1330 = arith.constant 0 : i32
      %dma_wait3A_1331 = arith.constant 0 : i32
      %dma_wait3A_1332 = tpu.memref_slice %arg3[%dma_wait3A_1330, %dma_wait3A_1331] : memref<1000000x128xf32, #tpu.memory_space<hbm>> -> memref<1000000x128xf32, #tpu.memory_space<hbm>>
      tpu.wait_indirect_dma semaphore(%arg9 : memref<!tpu.dma_semaphore, #tpu.memory_space<semaphore_mem>>) src(%dma_wait3A_1332 : memref<1000000x128xf32, #tpu.memory_space<hbm>>) dst(%dma_wait3A_1326 : memref<128x128xf32, #tpu.memory_space<vmem>>)
      %parallel_loop3A_1333 = arith.constant 0 : i32
      %parallel_loop3A_1334 = arith.constant 128 : i32
      %parallel_loop3A_1335 = arith.constant 1 : i32
      %parallel_loop3A_1336 = arith.constant 1 : i32
      %parallel_loop3A_1337 = arith.constant 0 : i32
      %parallel_loop3A_1338 = arith.constant 1 : i32
      %parallel_loop3A_1339 = arith.constant 0 : i32
      scf.for %parallel_loop3A_1441 = %parallel_loop3A_1333 to %parallel_loop3A_1334 step %parallel_loop3A_1335  : i32 {
        %parallel_loop3A_1442 = arith.constant 0 : i32
        %parallel_loop3A_1443 = vector.broadcast %parallel_loop3A_1442 : i32 to vector<16xi32>
        %parallel_loop3A_1444 = vector.broadcast %parallel_loop3A_1441 : i32 to vector<16xi32>
        %parallel_loop3A_1445 = arith.addi %parallel_loop3A_1443, %parallel_loop3A_1444 : vector<16xi32>
        %parallel_loop3A_1446 = arith.constant 0 : i32
        %parallel_loop3A_1447 = arith.constant 0 : i32
        %parallel_loop3A_1448 = tpu.memref_slice %arg6[%parallel_loop3A_1336, %parallel_loop3A_1337, %parallel_loop3A_1446, %parallel_loop3A_1447] : memref<2x2x128x128xf32, #tpu.memory_space<vmem>> -> memref<1x1x128x128xf32, #tpu.memory_space<vmem>>
        %parallel_loop3A_1449 = tpu.memref_squeeze %parallel_loop3A_1448 : memref<1x1x128x128xf32, #tpu.memory_space<vmem>> -> memref<128x128xf32, #tpu.memory_space<vmem>>
        %parallel_loop3A_1450 = arith.index_cast %parallel_loop3A_1441 : i32 to index
        %parallel_loop3A_1451 = arith.constant 0 : index
        %parallel_loop3A_1452 = tpu.vector_load %parallel_loop3A_1449[%parallel_loop3A_1450, %parallel_loop3A_1451] {strides = array<i32>} : memref<128x128xf32, #tpu.memory_space<vmem>>, vector<16xf32>,
        %parallel_loop3A_1453 = arith.constant 0 : i32
        %parallel_loop3A_1454 = arith.constant 0 : i32
        %parallel_loop3A_1455 = tpu.memref_slice %arg7[%parallel_loop3A_1338, %parallel_loop3A_1339, %parallel_loop3A_1453, %parallel_loop3A_1454] : memref<2x2x64x128xf32, #tpu.memory_space<vmem>> -> memref<1x1x64x128xf32, #tpu.memory_space<vmem>>
        %parallel_loop3A_1456 = tpu.memref_squeeze %parallel_loop3A_1455 : memref<1x1x64x128xf32, #tpu.memory_space<vmem>> -> memref<64x128xf32, #tpu.memory_space<vmem>>
        tpu.vector_store_idx %parallel_loop3A_1456[%add3A_16, %parallel_loop3A_1445], %parallel_loop3A_1452 : memref<64x128xf32, #tpu.memory_space<vmem>>[vector<16xi32>, vector<16xi32>], vector<16xf32>,
        %parallel_loop3A_1457 = arith.constant 0 : i32
        %parallel_loop3A_1458 = arith.constant 0 : i32
        %parallel_loop3A_1459 = tpu.memref_slice %arg6[%parallel_loop3A_1336, %parallel_loop3A_1337, %parallel_loop3A_1457, %parallel_loop3A_1458] : memref<2x2x128x128xf32, #tpu.memory_space<vmem>> -> memref<1x1x128x128xf32, #tpu.memory_space<vmem>>
        %parallel_loop3A_1460 = tpu.memref_squeeze %parallel_loop3A_1459 : memref<1x1x128x128xf32, #tpu.memory_space<vmem>> -> memref<128x128xf32, #tpu.memory_space<vmem>>
        %parallel_loop3A_1461 = arith.index_cast %parallel_loop3A_1441 : i32 to index
        %parallel_loop3A_1462 = arith.constant 16 : index
        %parallel_loop3A_1463 = tpu.vector_load %parallel_loop3A_1460[%parallel_loop3A_1461, %parallel_loop3A_1462] {strides = array<i32>} : memref<128x128xf32, #tpu.memory_space<vmem>>, vector<16xf32>,
        %parallel_loop3A_1464 = arith.constant 0 : i32
        %parallel_loop3A_1465 = arith.constant 0 : i32
        %parallel_loop3A_1466 = tpu.memref_slice %arg7[%parallel_loop3A_1338, %parallel_loop3A_1339, %parallel_loop3A_1464, %parallel_loop3A_1465] : memref<2x2x64x128xf32, #tpu.memory_space<vmem>> -> memref<1x1x64x128xf32, #tpu.memory_space<vmem>>
        %parallel_loop3A_1467 = tpu.memref_squeeze %parallel_loop3A_1466 : memref<1x1x64x128xf32, #tpu.memory_space<vmem>> -> memref<64x128xf32, #tpu.memory_space<vmem>>
        tpu.vector_store_idx %parallel_loop3A_1467[%add3A_20, %parallel_loop3A_1445], %parallel_loop3A_1463 : memref<64x128xf32, #tpu.memory_space<vmem>>[vector<16xi32>, vector<16xi32>], vector<16xf32>,
        %parallel_loop3A_1468 = arith.constant 0 : i32
        %parallel_loop3A_1469 = arith.constant 0 : i32
        %parallel_loop3A_1470 = tpu.memref_slice %arg6[%parallel_loop3A_1336, %parallel_loop3A_1337, %parallel_loop3A_1468, %parallel_loop3A_1469] : memref<2x2x128x128xf32, #tpu.memory_space<vmem>> -> memref<1x1x128x128xf32, #tpu.memory_space<vmem>>
        %parallel_loop3A_1471 = tpu.memref_squeeze %parallel_loop3A_1470 : memref<1x1x128x128xf32, #tpu.memory_space<vmem>> -> memref<128x128xf32, #tpu.memory_space<vmem>>
        %parallel_loop3A_1472 = arith.index_cast %parallel_loop3A_1441 : i32 to index
        %parallel_loop3A_1473 = arith.constant 32 : index
        %parallel_loop3A_1474 = tpu.vector_load %parallel_loop3A_1471[%parallel_loop3A_1472, %parallel_loop3A_1473] {strides = array<i32>} : memref<128x128xf32, #tpu.memory_space<vmem>>, vector<16xf32>,
        %parallel_loop3A_1475 = arith.constant 0 : i32
        %parallel_loop3A_1476 = arith.constant 0 : i32
        %parallel_loop3A_1477 = tpu.memref_slice %arg7[%parallel_loop3A_1338, %parallel_loop3A_1339, %parallel_loop3A_1475, %parallel_loop3A_1476] : memref<2x2x64x128xf32, #tpu.memory_space<vmem>> -> memref<1x1x64x128xf32, #tpu.memory_space<vmem>>
        %parallel_loop3A_1478 = tpu.memref_squeeze %parallel_loop3A_1477 : memref<1x1x64x128xf32, #tpu.memory_space<vmem>> -> memref<64x128xf32, #tpu.memory_space<vmem>>
        tpu.vector_store_idx %parallel_loop3A_1478[%add3A_24, %parallel_loop3A_1445], %parallel_loop3A_1474 : memref<64x128xf32, #tpu.memory_space<vmem>>[vector<16xi32>, vector<16xi32>], vector<16xf32>,
        %parallel_loop3A_1479 = arith.constant 0 : i32
        %parallel_loop3A_1480 = arith.constant 0 : i32
        %parallel_loop3A_1481 = tpu.memref_slice %arg6[%parallel_loop3A_1336, %parallel_loop3A_1337, %parallel_loop3A_1479, %parallel_loop3A_1480] : memref<2x2x128x128xf32, #tpu.memory_space<vmem>> -> memref<1x1x128x128xf32, #tpu.memory_space<vmem>>
        %parallel_loop3A_1482 = tpu.memref_squeeze %parallel_loop3A_1481 : memref<1x1x128x128xf32, #tpu.memory_space<vmem>> -> memref<128x128xf32, #tpu.memory_space<vmem>>
        %parallel_loop3A_1483 = arith.index_cast %parallel_loop3A_1441 : i32 to index
        %parallel_loop3A_1484 = arith.constant 48 : index
        %parallel_loop3A_1485 = tpu.vector_load %parallel_loop3A_1482[%parallel_loop3A_1483, %parallel_loop3A_1484] {strides = array<i32>} : memref<128x128xf32, #tpu.memory_space<vmem>>, vector<16xf32>,
        %parallel_loop3A_1486 = arith.constant 0 : i32
        %parallel_loop3A_1487 = arith.constant 0 : i32
        %parallel_loop3A_1488 = tpu.memref_slice %arg7[%parallel_loop3A_1338, %parallel_loop3A_1339, %parallel_loop3A_1486, %parallel_loop3A_1487] : memref<2x2x64x128xf32, #tpu.memory_space<vmem>> -> memref<1x1x64x128xf32, #tpu.memory_space<vmem>>
        %parallel_loop3A_1489 = tpu.memref_squeeze %parallel_loop3A_1488 : memref<1x1x64x128xf32, #tpu.memory_space<vmem>> -> memref<64x128xf32, #tpu.memory_space<vmem>>
        tpu.vector_store_idx %parallel_loop3A_1489[%add3A_28, %parallel_loop3A_1445], %parallel_loop3A_1485 : memref<64x128xf32, #tpu.memory_space<vmem>>[vector<16xi32>, vector<16xi32>], vector<16xf32>,
      } {sc.loop_unroll_factor = 8 : i64, sc.parallel_access}
      %parallel_loop3A_1340 = arith.constant 0 : i32
      %parallel_loop3A_1341 = arith.constant 128 : i32
      %parallel_loop3A_1342 = arith.constant 1 : i32
      %parallel_loop3A_1343 = arith.constant 1 : i32
      %parallel_loop3A_1344 = arith.constant 1 : i32
      %parallel_loop3A_1345 = arith.constant 1 : i32
      %parallel_loop3A_1346 = arith.constant 1 : i32
      scf.for %parallel_loop3A_1441 = %parallel_loop3A_1340 to %parallel_loop3A_1341 step %parallel_loop3A_1342  : i32 {
        %parallel_loop3A_1442 = arith.constant 0 : i32
        %parallel_loop3A_1443 = vector.broadcast %parallel_loop3A_1442 : i32 to vector<16xi32>
        %parallel_loop3A_1444 = vector.broadcast %parallel_loop3A_1441 : i32 to vector<16xi32>
        %parallel_loop3A_1445 = arith.addi %parallel_loop3A_1443, %parallel_loop3A_1444 : vector<16xi32>
        %parallel_loop3A_1446 = arith.constant 0 : i32
        %parallel_loop3A_1447 = arith.constant 0 : i32
        %parallel_loop3A_1448 = tpu.memref_slice %arg6[%parallel_loop3A_1343, %parallel_loop3A_1344, %parallel_loop3A_1446, %parallel_loop3A_1447] : memref<2x2x128x128xf32, #tpu.memory_space<vmem>> -> memref<1x1x128x128xf32, #tpu.memory_space<vmem>>
        %parallel_loop3A_1449 = tpu.memref_squeeze %parallel_loop3A_1448 : memref<1x1x128x128xf32, #tpu.memory_space<vmem>> -> memref<128x128xf32, #tpu.memory_space<vmem>>
        %parallel_loop3A_1450 = arith.index_cast %parallel_loop3A_1441 : i32 to index
        %parallel_loop3A_1451 = arith.constant 0 : index
        %parallel_loop3A_1452 = tpu.vector_load %parallel_loop3A_1449[%parallel_loop3A_1450, %parallel_loop3A_1451] {strides = array<i32>} : memref<128x128xf32, #tpu.memory_space<vmem>>, vector<16xf32>,
        %parallel_loop3A_1453 = arith.constant 0 : i32
        %parallel_loop3A_1454 = arith.constant 0 : i32
        %parallel_loop3A_1455 = tpu.memref_slice %arg7[%parallel_loop3A_1345, %parallel_loop3A_1346, %parallel_loop3A_1453, %parallel_loop3A_1454] : memref<2x2x64x128xf32, #tpu.memory_space<vmem>> -> memref<1x1x64x128xf32, #tpu.memory_space<vmem>>
        %parallel_loop3A_1456 = tpu.memref_squeeze %parallel_loop3A_1455 : memref<1x1x64x128xf32, #tpu.memory_space<vmem>> -> memref<64x128xf32, #tpu.memory_space<vmem>>
        tpu.vector_store_idx %parallel_loop3A_1456[%add3A_16, %parallel_loop3A_1445], %parallel_loop3A_1452 : memref<64x128xf32, #tpu.memory_space<vmem>>[vector<16xi32>, vector<16xi32>], vector<16xf32>,
        %parallel_loop3A_1457 = arith.constant 0 : i32
        %parallel_loop3A_1458 = arith.constant 0 : i32
        %parallel_loop3A_1459 = tpu.memref_slice %arg6[%parallel_loop3A_1343, %parallel_loop3A_1344, %parallel_loop3A_1457, %parallel_loop3A_1458] : memref<2x2x128x128xf32, #tpu.memory_space<vmem>> -> memref<1x1x128x128xf32, #tpu.memory_space<vmem>>
        %parallel_loop3A_1460 = tpu.memref_squeeze %parallel_loop3A_1459 : memref<1x1x128x128xf32, #tpu.memory_space<vmem>> -> memref<128x128xf32, #tpu.memory_space<vmem>>
        %parallel_loop3A_1461 = arith.index_cast %parallel_loop3A_1441 : i32 to index
        %parallel_loop3A_1462 = arith.constant 16 : index
        %parallel_loop3A_1463 = tpu.vector_load %parallel_loop3A_1460[%parallel_loop3A_1461, %parallel_loop3A_1462] {strides = array<i32>} : memref<128x128xf32, #tpu.memory_space<vmem>>, vector<16xf32>,
        %parallel_loop3A_1464 = arith.constant 0 : i32
        %parallel_loop3A_1465 = arith.constant 0 : i32
        %parallel_loop3A_1466 = tpu.memref_slice %arg7[%parallel_loop3A_1345, %parallel_loop3A_1346, %parallel_loop3A_1464, %parallel_loop3A_1465] : memref<2x2x64x128xf32, #tpu.memory_space<vmem>> -> memref<1x1x64x128xf32, #tpu.memory_space<vmem>>
        %parallel_loop3A_1467 = tpu.memref_squeeze %parallel_loop3A_1466 : memref<1x1x64x128xf32, #tpu.memory_space<vmem>> -> memref<64x128xf32, #tpu.memory_space<vmem>>
        tpu.vector_store_idx %parallel_loop3A_1467[%add3A_20, %parallel_loop3A_1445], %parallel_loop3A_1463 : memref<64x128xf32, #tpu.memory_space<vmem>>[vector<16xi32>, vector<16xi32>], vector<16xf32>,
        %parallel_loop3A_1468 = arith.constant 0 : i32
        %parallel_loop3A_1469 = arith.constant 0 : i32
        %parallel_loop3A_1470 = tpu.memref_slice %arg6[%parallel_loop3A_1343, %parallel_loop3A_1344, %parallel_loop3A_1468, %parallel_loop3A_1469] : memref<2x2x128x128xf32, #tpu.memory_space<vmem>> -> memref<1x1x128x128xf32, #tpu.memory_space<vmem>>
        %parallel_loop3A_1471 = tpu.memref_squeeze %parallel_loop3A_1470 : memref<1x1x128x128xf32, #tpu.memory_space<vmem>> -> memref<128x128xf32, #tpu.memory_space<vmem>>
        %parallel_loop3A_1472 = arith.index_cast %parallel_loop3A_1441 : i32 to index
        %parallel_loop3A_1473 = arith.constant 32 : index
        %parallel_loop3A_1474 = tpu.vector_load %parallel_loop3A_1471[%parallel_loop3A_1472, %parallel_loop3A_1473] {strides = array<i32>} : memref<128x128xf32, #tpu.memory_space<vmem>>, vector<16xf32>,
        %parallel_loop3A_1475 = arith.constant 0 : i32
        %parallel_loop3A_1476 = arith.constant 0 : i32
        %parallel_loop3A_1477 = tpu.memref_slice %arg7[%parallel_loop3A_1345, %parallel_loop3A_1346, %parallel_loop3A_1475, %parallel_loop3A_1476] : memref<2x2x64x128xf32, #tpu.memory_space<vmem>> -> memref<1x1x64x128xf32, #tpu.memory_space<vmem>>
        %parallel_loop3A_1478 = tpu.memref_squeeze %parallel_loop3A_1477 : memref<1x1x64x128xf32, #tpu.memory_space<vmem>> -> memref<64x128xf32, #tpu.memory_space<vmem>>
        tpu.vector_store_idx %parallel_loop3A_1478[%add3A_24, %parallel_loop3A_1445], %parallel_loop3A_1474 : memref<64x128xf32, #tpu.memory_space<vmem>>[vector<16xi32>, vector<16xi32>], vector<16xf32>,
        %parallel_loop3A_1479 = arith.constant 0 : i32
        %parallel_loop3A_1480 = arith.constant 0 : i32
        %parallel_loop3A_1481 = tpu.memref_slice %arg6[%parallel_loop3A_1343, %parallel_loop3A_1344, %parallel_loop3A_1479, %parallel_loop3A_1480] : memref<2x2x128x128xf32, #tpu.memory_space<vmem>> -> memref<1x1x128x128xf32, #tpu.memory_space<vmem>>
        %parallel_loop3A_1482 = tpu.memref_squeeze %parallel_loop3A_1481 : memref<1x1x128x128xf32, #tpu.memory_space<vmem>> -> memref<128x128xf32, #tpu.memory_space<vmem>>
        %parallel_loop3A_1483 = arith.index_cast %parallel_loop3A_1441 : i32 to index
        %parallel_loop3A_1484 = arith.constant 48 : index
        %parallel_loop3A_1485 = tpu.vector_load %parallel_loop3A_1482[%parallel_loop3A_1483, %parallel_loop3A_1484] {strides = array<i32>} : memref<128x128xf32, #tpu.memory_space<vmem>>, vector<16xf32>,
        %parallel_loop3A_1486 = arith.constant 0 : i32
        %parallel_loop3A_1487 = arith.constant 0 : i32
        %parallel_loop3A_1488 = tpu.memref_slice %arg7[%parallel_loop3A_1345, %parallel_loop3A_1346, %parallel_loop3A_1486, %parallel_loop3A_1487] : memref<2x2x64x128xf32, #tpu.memory_space<vmem>> -> memref<1x1x64x128xf32, #tpu.memory_space<vmem>>
        %parallel_loop3A_1489 = tpu.memref_squeeze %parallel_loop3A_1488 : memref<1x1x64x128xf32, #tpu.memory_space<vmem>> -> memref<64x128xf32, #tpu.memory_space<vmem>>
        tpu.vector_store_idx %parallel_loop3A_1489[%add3A_28, %parallel_loop3A_1445], %parallel_loop3A_1485 : memref<64x128xf32, #tpu.memory_space<vmem>>[vector<16xi32>, vector<16xi32>], vector<16xf32>,
      } {sc.loop_unroll_factor = 8 : i64, sc.parallel_access}
      %add3A_1347 = arith.constant 0 : i32
      %add3A_1348 = arith.addi %add3A_1074, %add3A_1347 : i32
      %jit3A_1349 = arith.constant 4 : i32
      %div3A_1350 = arith.divsi %add3A_1348, %jit3A_1349 : i32
      %sign3A_1351 = arith.constant 0 : i32
      %sign3A_1352 = arith.cmpi sgt, %add3A_1348, %sign3A_1351 : i32
      %sign3A_1353 = arith.extui %sign3A_1352 : i1 to i32
      %sign3A_1354 = arith.constant 0 : i32
      %sign3A_1355 = arith.cmpi slt, %add3A_1348, %sign3A_1354 : i32
      %sign3A_1356 = arith.extui %sign3A_1355 : i1 to i32
      %sign3A_1357 = arith.subi %sign3A_1353, %sign3A_1356 : i32
      %sign3A_1358 = arith.constant 0 : i32
      %sign3A_1359 = arith.cmpi sgt, %jit3A_1349, %sign3A_1358 : i32
      %sign3A_1360 = arith.extui %sign3A_1359 : i1 to i32
      %sign3A_1361 = arith.constant 0 : i32
      %sign3A_1362 = arith.cmpi slt, %jit3A_1349, %sign3A_1361 : i32
      %sign3A_1363 = arith.extui %sign3A_1362 : i1 to i32
      %sign3A_1364 = arith.subi %sign3A_1360, %sign3A_1363 : i32
      %ne3A_1365 = arith.cmpi ne, %sign3A_1357, %sign3A_1364 : i32
      %rem3A_1366 = arith.remsi %add3A_1348, %jit3A_1349 : i32
      %ne3A_1367 = arith.constant 0 : i32
      %ne3A_1368 = arith.cmpi ne, %rem3A_1366, %ne3A_1367 : i32
      %and3A_1369 = arith.andi %ne3A_1365, %ne3A_1368 : i1
      %sub3A_1370 = arith.constant 1 : i32
      %sub3A_1371 = arith.subi %div3A_1350, %sub3A_1370 : i32
      %select_n3A_1372 = arith.select %and3A_1369, %sub3A_1371, %div3A_1350 : i32
      %rem3A_1373 = arith.constant 4 : i32
      %rem3A_1374 = arith.remsi %add3A_1348, %rem3A_1373 : i32
      %mul3A_1375 = arith.constant 128 : i32
      %mul3A_1376 = arith.muli %rem3A_1374, %mul3A_1375 : i32
      %add3A_1377 = arith.addi %mul3A_2, %mul3A_1376 : i32
      %dma_start3A_1378 = arith.constant 1 : i32
      %dma_start3A_1379 = arith.constant 0 : i32
      %dma_start3A_1380 = arith.constant 0 : i32
      %dma_start3A_1381 = arith.constant 0 : i32
      %dma_start3A_1382 = tpu.memref_slice %arg7[%dma_start3A_1378, %dma_start3A_1379, %dma_start3A_1380, %dma_start3A_1381] : memref<2x2x64x128xf32, #tpu.memory_space<vmem>> -> memref<1x1x64x128xf32, #tpu.memory_space<vmem>>
      %dma_start3A_1383 = tpu.memref_squeeze %dma_start3A_1382 : memref<1x1x64x128xf32, #tpu.memory_space<vmem>> -> memref<64x128xf32, #tpu.memory_space<vmem>>
      %dma_start3A_1384 = arith.constant 0 : i32
      %dma_start3A_1385 = tpu.memref_slice %arg4[%select_n3A_1372, %dma_start3A_1384, %add3A_1377] : memref<50x64x16384xf32, #tpu.memory_space<hbm>> -> memref<1x64x128xf32, #tpu.memory_space<hbm>>
      %dma_start3A_1386 = tpu.memref_squeeze %dma_start3A_1385 : memref<1x64x128xf32, #tpu.memory_space<hbm>> -> memref<64x128xf32, #tpu.memory_space<hbm>>
      %dma_start3A_1387 = arith.constant 0 : i32
      %dma_start3A_1388 = tpu.memref_slice %arg4[%select_n3A_1372, %dma_start3A_1387, %add3A_1377] : memref<50x64x16384xf32, #tpu.memory_space<hbm>> -> memref<1x64x128xf32, #tpu.memory_space<hbm>>
      %dma_start3A_1389 = tpu.memref_squeeze %dma_start3A_1388 : memref<1x64x128xf32, #tpu.memory_space<hbm>> -> memref<64x128xf32, #tpu.memory_space<hbm>>
      %dma_start3A_1390 = arith.constant 0 : i32
      %dma_start3A_1391 = arith.constant 0 : i32
      %dma_start3A_1392 = tpu.memref_slice %arg7[%dma_start3A_1378, %dma_start3A_1379, %dma_start3A_1390, %dma_start3A_1391] : memref<2x2x64x128xf32, #tpu.memory_space<vmem>> -> memref<1x1x64x128xf32, #tpu.memory_space<vmem>>
      %dma_start3A_1393 = tpu.memref_squeeze %dma_start3A_1392 : memref<1x1x64x128xf32, #tpu.memory_space<vmem>> -> memref<64x128xf32, #tpu.memory_space<vmem>>
      tpu.enqueue_dma source(%dma_start3A_1393 : memref<64x128xf32, #tpu.memory_space<vmem>>) target(%dma_start3A_1389 : memref<64x128xf32, #tpu.memory_space<hbm>>) target_semaphore(%arg11 : memref<!tpu.dma_semaphore, #tpu.memory_space<semaphore_mem>>)
      %add3A_1394 = arith.constant 1 : i32
      %add3A_1395 = arith.addi %add3A_1074, %add3A_1394 : i32
      %jit3A_1396 = arith.constant 4 : i32
      %div3A_1397 = arith.divsi %add3A_1395, %jit3A_1396 : i32
      %sign3A_1398 = arith.constant 0 : i32
      %sign3A_1399 = arith.cmpi sgt, %add3A_1395, %sign3A_1398 : i32
      %sign3A_1400 = arith.extui %sign3A_1399 : i1 to i32
      %sign3A_1401 = arith.constant 0 : i32
      %sign3A_1402 = arith.cmpi slt, %add3A_1395, %sign3A_1401 : i32
      %sign3A_1403 = arith.extui %sign3A_1402 : i1 to i32
      %sign3A_1404 = arith.subi %sign3A_1400, %sign3A_1403 : i32
      %sign3A_1405 = arith.constant 0 : i32
      %sign3A_1406 = arith.cmpi sgt, %jit3A_1396, %sign3A_1405 : i32
      %sign3A_1407 = arith.extui %sign3A_1406 : i1 to i32
      %sign3A_1408 = arith.constant 0 : i32
      %sign3A_1409 = arith.cmpi slt, %jit3A_1396, %sign3A_1408 : i32
      %sign3A_1410 = arith.extui %sign3A_1409 : i1 to i32
      %sign3A_1411 = arith.subi %sign3A_1407, %sign3A_1410 : i32
      %ne3A_1412 = arith.cmpi ne, %sign3A_1404, %sign3A_1411 : i32
      %rem3A_1413 = arith.remsi %add3A_1395, %jit3A_1396 : i32
      %ne3A_1414 = arith.constant 0 : i32
      %ne3A_1415 = arith.cmpi ne, %rem3A_1413, %ne3A_1414 : i32
      %and3A_1416 = arith.andi %ne3A_1412, %ne3A_1415 : i1
      %sub3A_1417 = arith.constant 1 : i32
      %sub3A_1418 = arith.subi %div3A_1397, %sub3A_1417 : i32
      %select_n3A_1419 = arith.select %and3A_1416, %sub3A_1418, %div3A_1397 : i32
      %rem3A_1420 = arith.constant 4 : i32
      %rem3A_1421 = arith.remsi %add3A_1395, %rem3A_1420 : i32
      %mul3A_1422 = arith.constant 128 : i32
      %mul3A_1423 = arith.muli %rem3A_1421, %mul3A_1422 : i32
      %add3A_1424 = arith.addi %mul3A_2, %mul3A_1423 : i32
      %dma_start3A_1425 = arith.constant 1 : i32
      %dma_start3A_1426 = arith.constant 1 : i32
      %dma_start3A_1427 = arith.constant 0 : i32
      %dma_start3A_1428 = arith.constant 0 : i32
      %dma_start3A_1429 = tpu.memref_slice %arg7[%dma_start3A_1425, %dma_start3A_1426, %dma_start3A_1427, %dma_start3A_1428] : memref<2x2x64x128xf32, #tpu.memory_space<vmem>> -> memref<1x1x64x128xf32, #tpu.memory_space<vmem>>
      %dma_start3A_1430 = tpu.memref_squeeze %dma_start3A_1429 : memref<1x1x64x128xf32, #tpu.memory_space<vmem>> -> memref<64x128xf32, #tpu.memory_space<vmem>>
      %dma_start3A_1431 = arith.constant 0 : i32
      %dma_start3A_1432 = tpu.memref_slice %arg4[%select_n3A_1419, %dma_start3A_1431, %add3A_1424] : memref<50x64x16384xf32, #tpu.memory_space<hbm>> -> memref<1x64x128xf32, #tpu.memory_space<hbm>>
      %dma_start3A_1433 = tpu.memref_squeeze %dma_start3A_1432 : memref<1x64x128xf32, #tpu.memory_space<hbm>> -> memref<64x128xf32, #tpu.memory_space<hbm>>
      %dma_start3A_1434 = arith.constant 0 : i32
      %dma_start3A_1435 = tpu.memref_slice %arg4[%select_n3A_1419, %dma_start3A_1434, %add3A_1424] : memref<50x64x16384xf32, #tpu.memory_space<hbm>> -> memref<1x64x128xf32, #tpu.memory_space<hbm>>
      %dma_start3A_1436 = tpu.memref_squeeze %dma_start3A_1435 : memref<1x64x128xf32, #tpu.memory_space<hbm>> -> memref<64x128xf32, #tpu.memory_space<hbm>>
      %dma_start3A_1437 = arith.constant 0 : i32
      %dma_start3A_1438 = arith.constant 0 : i32
      %dma_start3A_1439 = tpu.memref_slice %arg7[%dma_start3A_1425, %dma_start3A_1426, %dma_start3A_1437, %dma_start3A_1438] : memref<2x2x64x128xf32, #tpu.memory_space<vmem>> -> memref<1x1x64x128xf32, #tpu.memory_space<vmem>>
      %dma_start3A_1440 = tpu.memref_squeeze %dma_start3A_1439 : memref<1x1x64x128xf32, #tpu.memory_space<vmem>> -> memref<64x128xf32, #tpu.memory_space<vmem>>
      tpu.enqueue_dma source(%dma_start3A_1440 : memref<64x128xf32, #tpu.memory_space<vmem>>) target(%dma_start3A_1436 : memref<64x128xf32, #tpu.memory_space<hbm>>) target_semaphore(%arg11 : memref<!tpu.dma_semaphore, #tpu.memory_space<semaphore_mem>>)
    }
    %scan3A_354 = arith.constant 48 : i32
    %rem3A_355 = arith.constant 194 : i32
    %rem3A_356 = arith.constant 4 : i32
    %rem3A_357 = arith.remsi %rem3A_355, %rem3A_356 : i32
    %mul3A_358 = arith.constant 128 : i32
    %mul3A_359 = arith.muli %rem3A_357, %mul3A_358 : i32
    %add3A_360 = arith.addi %mul3A_2, %mul3A_359 : i32
    %dma_wait3A_361 = arith.constant 1 : i32
    %dma_wait3A_362 = arith.constant 0 : i32
    %dma_wait3A_363 = arith.constant 48 : i32
    %dma_wait3A_364 = arith.constant 0 : i32
    %dma_wait3A_365 = arith.constant 0 : i32
    %dma_wait3A_366 = tpu.memref_slice %arg7[%dma_wait3A_361, %dma_wait3A_362, %dma_wait3A_364, %dma_wait3A_365] : memref<2x2x64x128xf32, #tpu.memory_space<vmem>> -> memref<1x1x64x128xf32, #tpu.memory_space<vmem>>
    %dma_wait3A_367 = tpu.memref_squeeze %dma_wait3A_366 : memref<1x1x64x128xf32, #tpu.memory_space<vmem>> -> memref<64x128xf32, #tpu.memory_space<vmem>>
    %dma_wait3A_368 = arith.constant 0 : i32
    %dma_wait3A_369 = tpu.memref_slice %arg4[%dma_wait3A_363, %dma_wait3A_368, %add3A_360] : memref<50x64x16384xf32, #tpu.memory_space<hbm>> -> memref<1x64x128xf32, #tpu.memory_space<hbm>>
    %dma_wait3A_370 = tpu.memref_squeeze %dma_wait3A_369 : memref<1x64x128xf32, #tpu.memory_space<hbm>> -> memref<64x128xf32, #tpu.memory_space<hbm>>
    %dma_wait3A_371 = arith.constant 0 : i32
    %dma_wait3A_372 = tpu.memref_slice %arg4[%dma_wait3A_363, %dma_wait3A_371, %add3A_360] : memref<50x64x16384xf32, #tpu.memory_space<hbm>> -> memref<1x64x128xf32, #tpu.memory_space<hbm>>
    %dma_wait3A_373 = tpu.memref_squeeze %dma_wait3A_372 : memref<1x64x128xf32, #tpu.memory_space<hbm>> -> memref<64x128xf32, #tpu.memory_space<hbm>>
    %dma_wait3A_374 = arith.constant 0 : i32
    %dma_wait3A_375 = arith.constant 0 : i32
    %dma_wait3A_376 = tpu.memref_slice %arg7[%dma_wait3A_361, %dma_wait3A_362, %dma_wait3A_374, %dma_wait3A_375] : memref<2x2x64x128xf32, #tpu.memory_space<vmem>> -> memref<1x1x64x128xf32, #tpu.memory_space<vmem>>
    %dma_wait3A_377 = tpu.memref_squeeze %dma_wait3A_376 : memref<1x1x64x128xf32, #tpu.memory_space<vmem>> -> memref<64x128xf32, #tpu.memory_space<vmem>>
    tpu.wait_dma2 semaphore(%arg11 : memref<!tpu.dma_semaphore, #tpu.memory_space<semaphore_mem>>) src(%dma_wait3A_377 : memref<64x128xf32, #tpu.memory_space<vmem>>) dst(%dma_wait3A_373 : memref<64x128xf32, #tpu.memory_space<hbm>>)
    %rem3A_378 = arith.constant 195 : i32
    %rem3A_379 = arith.constant 4 : i32
    %rem3A_380 = arith.remsi %rem3A_378, %rem3A_379 : i32
    %mul3A_381 = arith.constant 128 : i32
    %mul3A_382 = arith.muli %rem3A_380, %mul3A_381 : i32
    %add3A_383 = arith.addi %mul3A_2, %mul3A_382 : i32
    %dma_wait3A_384 = arith.constant 1 : i32
    %dma_wait3A_385 = arith.constant 1 : i32
    %dma_wait3A_386 = arith.constant 48 : i32
    %dma_wait3A_387 = arith.constant 0 : i32
    %dma_wait3A_388 = arith.constant 0 : i32
    %dma_wait3A_389 = tpu.memref_slice %arg7[%dma_wait3A_384, %dma_wait3A_385, %dma_wait3A_387, %dma_wait3A_388] : memref<2x2x64x128xf32, #tpu.memory_space<vmem>> -> memref<1x1x64x128xf32, #tpu.memory_space<vmem>>
    %dma_wait3A_390 = tpu.memref_squeeze %dma_wait3A_389 : memref<1x1x64x128xf32, #tpu.memory_space<vmem>> -> memref<64x128xf32, #tpu.memory_space<vmem>>
    %dma_wait3A_391 = arith.constant 0 : i32
    %dma_wait3A_392 = tpu.memref_slice %arg4[%dma_wait3A_386, %dma_wait3A_391, %add3A_383] : memref<50x64x16384xf32, #tpu.memory_space<hbm>> -> memref<1x64x128xf32, #tpu.memory_space<hbm>>
    %dma_wait3A_393 = tpu.memref_squeeze %dma_wait3A_392 : memref<1x64x128xf32, #tpu.memory_space<hbm>> -> memref<64x128xf32, #tpu.memory_space<hbm>>
    %dma_wait3A_394 = arith.constant 0 : i32
    %dma_wait3A_395 = tpu.memref_slice %arg4[%dma_wait3A_386, %dma_wait3A_394, %add3A_383] : memref<50x64x16384xf32, #tpu.memory_space<hbm>> -> memref<1x64x128xf32, #tpu.memory_space<hbm>>
    %dma_wait3A_396 = tpu.memref_squeeze %dma_wait3A_395 : memref<1x64x128xf32, #tpu.memory_space<hbm>> -> memref<64x128xf32, #tpu.memory_space<hbm>>
    %dma_wait3A_397 = arith.constant 0 : i32
    %dma_wait3A_398 = arith.constant 0 : i32
    %dma_wait3A_399 = tpu.memref_slice %arg7[%dma_wait3A_384, %dma_wait3A_385, %dma_wait3A_397, %dma_wait3A_398] : memref<2x2x64x128xf32, #tpu.memory_space<vmem>> -> memref<1x1x64x128xf32, #tpu.memory_space<vmem>>
    %dma_wait3A_400 = tpu.memref_squeeze %dma_wait3A_399 : memref<1x1x64x128xf32, #tpu.memory_space<vmem>> -> memref<64x128xf32, #tpu.memory_space<vmem>>
    tpu.wait_dma2 semaphore(%arg11 : memref<!tpu.dma_semaphore, #tpu.memory_space<semaphore_mem>>) src(%dma_wait3A_400 : memref<64x128xf32, #tpu.memory_space<vmem>>) dst(%dma_wait3A_396 : memref<64x128xf32, #tpu.memory_space<hbm>>)
    %rem3A_401 = arith.constant 198 : i32
    %rem3A_402 = arith.constant 4 : i32
    %rem3A_403 = arith.remsi %rem3A_401, %rem3A_402 : i32
    %dma_start3A_404 = arith.constant 49 : i32
    %dma_start3A_405 = arith.constant 1 : i32
    %dma_start3A_406 = arith.constant 0 : i32
    %dma_start3A_407 = arith.constant 0 : i32
    %dma_start3A_408 = arith.constant 0 : i32
    %dma_start3A_409 = tpu.memref_slice %arg6[%dma_start3A_405, %dma_start3A_406, %dma_start3A_407, %dma_start3A_408] : memref<2x2x128x128xf32, #tpu.memory_space<vmem>> -> memref<1x1x128x128xf32, #tpu.memory_space<vmem>>
    %dma_start3A_410 = tpu.memref_squeeze %dma_start3A_409 : memref<1x1x128x128xf32, #tpu.memory_space<vmem>> -> memref<128x128xf32, #tpu.memory_space<vmem>>
    %dma_start3A_411 = arith.constant 0 : i32
    %dma_start3A_412 = tpu.memref_slice %arg5[%rem3A_403, %dma_start3A_404, %dma_start3A_411] : memref<4x50x128xi32, #tpu.memory_space<vmem>> -> memref<1x1x128xi32, #tpu.memory_space<vmem>>
    %dma_start3A_413 = tpu.memref_squeeze %dma_start3A_412 : memref<1x1x128xi32, #tpu.memory_space<vmem>> -> memref<128xi32, #tpu.memory_space<vmem>>
    %dma_start3A_414 = arith.constant 0 : i32
    %dma_start3A_415 = arith.constant 0 : i32
    %dma_start3A_416 = tpu.memref_slice %arg3[%dma_start3A_414, %dma_start3A_415] : memref<1000000x128xf32, #tpu.memory_space<hbm>> -> memref<1000000x128xf32, #tpu.memory_space<hbm>>
    tpu.enqueue_indirect_dma source(%dma_start3A_416 : memref<1000000x128xf32, #tpu.memory_space<hbm>>) target(%dma_start3A_410 : memref<128x128xf32, #tpu.memory_space<vmem>>) offsets(%dma_start3A_413 : memref<128xi32, #tpu.memory_space<vmem>>) semaphore(%arg9 : memref<!tpu.dma_semaphore, #tpu.memory_space<semaphore_mem>>)
    %rem3A_417 = arith.constant 199 : i32
    %rem3A_418 = arith.constant 4 : i32
    %rem3A_419 = arith.remsi %rem3A_417, %rem3A_418 : i32
    %dma_start3A_420 = arith.constant 49 : i32
    %dma_start3A_421 = arith.constant 1 : i32
    %dma_start3A_422 = arith.constant 1 : i32
    %dma_start3A_423 = arith.constant 0 : i32
    %dma_start3A_424 = arith.constant 0 : i32
    %dma_start3A_425 = tpu.memref_slice %arg6[%dma_start3A_421, %dma_start3A_422, %dma_start3A_423, %dma_start3A_424] : memref<2x2x128x128xf32, #tpu.memory_space<vmem>> -> memref<1x1x128x128xf32, #tpu.memory_space<vmem>>
    %dma_start3A_426 = tpu.memref_squeeze %dma_start3A_425 : memref<1x1x128x128xf32, #tpu.memory_space<vmem>> -> memref<128x128xf32, #tpu.memory_space<vmem>>
    %dma_start3A_427 = arith.constant 0 : i32
    %dma_start3A_428 = tpu.memref_slice %arg5[%rem3A_419, %dma_start3A_420, %dma_start3A_427] : memref<4x50x128xi32, #tpu.memory_space<vmem>> -> memref<1x1x128xi32, #tpu.memory_space<vmem>>
    %dma_start3A_429 = tpu.memref_squeeze %dma_start3A_428 : memref<1x1x128xi32, #tpu.memory_space<vmem>> -> memref<128xi32, #tpu.memory_space<vmem>>
    %dma_start3A_430 = arith.constant 0 : i32
    %dma_start3A_431 = arith.constant 0 : i32
    %dma_start3A_432 = tpu.memref_slice %arg3[%dma_start3A_430, %dma_start3A_431] : memref<1000000x128xf32, #tpu.memory_space<hbm>> -> memref<1000000x128xf32, #tpu.memory_space<hbm>>
    tpu.enqueue_indirect_dma source(%dma_start3A_432 : memref<1000000x128xf32, #tpu.memory_space<hbm>>) target(%dma_start3A_426 : memref<128x128xf32, #tpu.memory_space<vmem>>) offsets(%dma_start3A_429 : memref<128xi32, #tpu.memory_space<vmem>>) semaphore(%arg9 : memref<!tpu.dma_semaphore, #tpu.memory_space<semaphore_mem>>)
    %rem3A_433 = arith.constant 196 : i32
    %rem3A_434 = arith.constant 4 : i32
    %rem3A_435 = arith.remsi %rem3A_433, %rem3A_434 : i32
    %dma_wait3A_436 = arith.constant 49 : i32
    %dma_wait3A_437 = arith.constant 0 : i32
    %dma_wait3A_438 = arith.constant 0 : i32
    %dma_wait3A_439 = arith.constant 0 : i32
    %dma_wait3A_440 = arith.constant 0 : i32
    %dma_wait3A_441 = tpu.memref_slice %arg6[%dma_wait3A_437, %dma_wait3A_438, %dma_wait3A_439, %dma_wait3A_440] : memref<2x2x128x128xf32, #tpu.memory_space<vmem>> -> memref<1x1x128x128xf32, #tpu.memory_space<vmem>>
    %dma_wait3A_442 = tpu.memref_squeeze %dma_wait3A_441 : memref<1x1x128x128xf32, #tpu.memory_space<vmem>> -> memref<128x128xf32, #tpu.memory_space<vmem>>
    %dma_wait3A_443 = arith.constant 0 : i32
    %dma_wait3A_444 = tpu.memref_slice %arg5[%rem3A_435, %dma_wait3A_436, %dma_wait3A_443] : memref<4x50x128xi32, #tpu.memory_space<vmem>> -> memref<1x1x128xi32, #tpu.memory_space<vmem>>
    %dma_wait3A_445 = tpu.memref_squeeze %dma_wait3A_444 : memref<1x1x128xi32, #tpu.memory_space<vmem>> -> memref<128xi32, #tpu.memory_space<vmem>>
    %dma_wait3A_446 = arith.constant 0 : i32
    %dma_wait3A_447 = arith.constant 0 : i32
    %dma_wait3A_448 = tpu.memref_slice %arg3[%dma_wait3A_446, %dma_wait3A_447] : memref<1000000x128xf32, #tpu.memory_space<hbm>> -> memref<1000000x128xf32, #tpu.memory_space<hbm>>
    tpu.wait_indirect_dma semaphore(%arg8 : memref<!tpu.dma_semaphore, #tpu.memory_space<semaphore_mem>>) src(%dma_wait3A_448 : memref<1000000x128xf32, #tpu.memory_space<hbm>>) dst(%dma_wait3A_442 : memref<128x128xf32, #tpu.memory_space<vmem>>)
    %rem3A_449 = arith.constant 197 : i32
    %rem3A_450 = arith.constant 4 : i32
    %rem3A_451 = arith.remsi %rem3A_449, %rem3A_450 : i32
    %dma_wait3A_452 = arith.constant 49 : i32
    %dma_wait3A_453 = arith.constant 0 : i32
    %dma_wait3A_454 = arith.constant 1 : i32
    %dma_wait3A_455 = arith.constant 0 : i32
    %dma_wait3A_456 = arith.constant 0 : i32
    %dma_wait3A_457 = tpu.memref_slice %arg6[%dma_wait3A_453, %dma_wait3A_454, %dma_wait3A_455, %dma_wait3A_456] : memref<2x2x128x128xf32, #tpu.memory_space<vmem>> -> memref<1x1x128x128xf32, #tpu.memory_space<vmem>>
    %dma_wait3A_458 = tpu.memref_squeeze %dma_wait3A_457 : memref<1x1x128x128xf32, #tpu.memory_space<vmem>> -> memref<128x128xf32, #tpu.memory_space<vmem>>
    %dma_wait3A_459 = arith.constant 0 : i32
    %dma_wait3A_460 = tpu.memref_slice %arg5[%rem3A_451, %dma_wait3A_452, %dma_wait3A_459] : memref<4x50x128xi32, #tpu.memory_space<vmem>> -> memref<1x1x128xi32, #tpu.memory_space<vmem>>
    %dma_wait3A_461 = tpu.memref_squeeze %dma_wait3A_460 : memref<1x1x128xi32, #tpu.memory_space<vmem>> -> memref<128xi32, #tpu.memory_space<vmem>>
    %dma_wait3A_462 = arith.constant 0 : i32
    %dma_wait3A_463 = arith.constant 0 : i32
    %dma_wait3A_464 = tpu.memref_slice %arg3[%dma_wait3A_462, %dma_wait3A_463] : memref<1000000x128xf32, #tpu.memory_space<hbm>> -> memref<1000000x128xf32, #tpu.memory_space<hbm>>
    tpu.wait_indirect_dma semaphore(%arg8 : memref<!tpu.dma_semaphore, #tpu.memory_space<semaphore_mem>>) src(%dma_wait3A_464 : memref<1000000x128xf32, #tpu.memory_space<hbm>>) dst(%dma_wait3A_458 : memref<128x128xf32, #tpu.memory_space<vmem>>)
    %parallel_loop3A_465 = arith.constant 0 : i32
    %parallel_loop3A_466 = arith.constant 128 : i32
    %parallel_loop3A_467 = arith.constant 1 : i32
    %parallel_loop3A_468 = arith.constant 0 : i32
    %parallel_loop3A_469 = arith.constant 0 : i32
    %parallel_loop3A_470 = arith.constant 0 : i32
    %parallel_loop3A_471 = arith.constant 0 : i32
    scf.for %parallel_loop3A_709 = %parallel_loop3A_465 to %parallel_loop3A_466 step %parallel_loop3A_467  : i32 {
      %parallel_loop3A_710 = arith.constant 0 : i32
      %parallel_loop3A_711 = vector.broadcast %parallel_loop3A_710 : i32 to vector<16xi32>
      %parallel_loop3A_712 = vector.broadcast %parallel_loop3A_709 : i32 to vector<16xi32>
      %parallel_loop3A_713 = arith.addi %parallel_loop3A_711, %parallel_loop3A_712 : vector<16xi32>
      %parallel_loop3A_714 = arith.constant 0 : i32
      %parallel_loop3A_715 = arith.constant 0 : i32
      %parallel_loop3A_716 = tpu.memref_slice %arg6[%parallel_loop3A_468, %parallel_loop3A_469, %parallel_loop3A_714, %parallel_loop3A_715] : memref<2x2x128x128xf32, #tpu.memory_space<vmem>> -> memref<1x1x128x128xf32, #tpu.memory_space<vmem>>
      %parallel_loop3A_717 = tpu.memref_squeeze %parallel_loop3A_716 : memref<1x1x128x128xf32, #tpu.memory_space<vmem>> -> memref<128x128xf32, #tpu.memory_space<vmem>>
      %parallel_loop3A_718 = arith.index_cast %parallel_loop3A_709 : i32 to index
      %parallel_loop3A_719 = arith.constant 0 : index
      %parallel_loop3A_720 = tpu.vector_load %parallel_loop3A_717[%parallel_loop3A_718, %parallel_loop3A_719] {strides = array<i32>} : memref<128x128xf32, #tpu.memory_space<vmem>>, vector<16xf32>,
      %parallel_loop3A_721 = arith.constant 0 : i32
      %parallel_loop3A_722 = arith.constant 0 : i32
      %parallel_loop3A_723 = tpu.memref_slice %arg7[%parallel_loop3A_470, %parallel_loop3A_471, %parallel_loop3A_721, %parallel_loop3A_722] : memref<2x2x64x128xf32, #tpu.memory_space<vmem>> -> memref<1x1x64x128xf32, #tpu.memory_space<vmem>>
      %parallel_loop3A_724 = tpu.memref_squeeze %parallel_loop3A_723 : memref<1x1x64x128xf32, #tpu.memory_space<vmem>> -> memref<64x128xf32, #tpu.memory_space<vmem>>
      tpu.vector_store_idx %parallel_loop3A_724[%add3A_16, %parallel_loop3A_713], %parallel_loop3A_720 : memref<64x128xf32, #tpu.memory_space<vmem>>[vector<16xi32>, vector<16xi32>], vector<16xf32>,
      %parallel_loop3A_725 = arith.constant 0 : i32
      %parallel_loop3A_726 = arith.constant 0 : i32
      %parallel_loop3A_727 = tpu.memref_slice %arg6[%parallel_loop3A_468, %parallel_loop3A_469, %parallel_loop3A_725, %parallel_loop3A_726] : memref<2x2x128x128xf32, #tpu.memory_space<vmem>> -> memref<1x1x128x128xf32, #tpu.memory_space<vmem>>
      %parallel_loop3A_728 = tpu.memref_squeeze %parallel_loop3A_727 : memref<1x1x128x128xf32, #tpu.memory_space<vmem>> -> memref<128x128xf32, #tpu.memory_space<vmem>>
      %parallel_loop3A_729 = arith.index_cast %parallel_loop3A_709 : i32 to index
      %parallel_loop3A_730 = arith.constant 16 : index
      %parallel_loop3A_731 = tpu.vector_load %parallel_loop3A_728[%parallel_loop3A_729, %parallel_loop3A_730] {strides = array<i32>} : memref<128x128xf32, #tpu.memory_space<vmem>>, vector<16xf32>,
      %parallel_loop3A_732 = arith.constant 0 : i32
      %parallel_loop3A_733 = arith.constant 0 : i32
      %parallel_loop3A_734 = tpu.memref_slice %arg7[%parallel_loop3A_470, %parallel_loop3A_471, %parallel_loop3A_732, %parallel_loop3A_733] : memref<2x2x64x128xf32, #tpu.memory_space<vmem>> -> memref<1x1x64x128xf32, #tpu.memory_space<vmem>>
      %parallel_loop3A_735 = tpu.memref_squeeze %parallel_loop3A_734 : memref<1x1x64x128xf32, #tpu.memory_space<vmem>> -> memref<64x128xf32, #tpu.memory_space<vmem>>
      tpu.vector_store_idx %parallel_loop3A_735[%add3A_20, %parallel_loop3A_713], %parallel_loop3A_731 : memref<64x128xf32, #tpu.memory_space<vmem>>[vector<16xi32>, vector<16xi32>], vector<16xf32>,
      %parallel_loop3A_736 = arith.constant 0 : i32
      %parallel_loop3A_737 = arith.constant 0 : i32
      %parallel_loop3A_738 = tpu.memref_slice %arg6[%parallel_loop3A_468, %parallel_loop3A_469, %parallel_loop3A_736, %parallel_loop3A_737] : memref<2x2x128x128xf32, #tpu.memory_space<vmem>> -> memref<1x1x128x128xf32, #tpu.memory_space<vmem>>
      %parallel_loop3A_739 = tpu.memref_squeeze %parallel_loop3A_738 : memref<1x1x128x128xf32, #tpu.memory_space<vmem>> -> memref<128x128xf32, #tpu.memory_space<vmem>>
      %parallel_loop3A_740 = arith.index_cast %parallel_loop3A_709 : i32 to index
      %parallel_loop3A_741 = arith.constant 32 : index
      %parallel_loop3A_742 = tpu.vector_load %parallel_loop3A_739[%parallel_loop3A_740, %parallel_loop3A_741] {strides = array<i32>} : memref<128x128xf32, #tpu.memory_space<vmem>>, vector<16xf32>,
      %parallel_loop3A_743 = arith.constant 0 : i32
      %parallel_loop3A_744 = arith.constant 0 : i32
      %parallel_loop3A_745 = tpu.memref_slice %arg7[%parallel_loop3A_470, %parallel_loop3A_471, %parallel_loop3A_743, %parallel_loop3A_744] : memref<2x2x64x128xf32, #tpu.memory_space<vmem>> -> memref<1x1x64x128xf32, #tpu.memory_space<vmem>>
      %parallel_loop3A_746 = tpu.memref_squeeze %parallel_loop3A_745 : memref<1x1x64x128xf32, #tpu.memory_space<vmem>> -> memref<64x128xf32, #tpu.memory_space<vmem>>
      tpu.vector_store_idx %parallel_loop3A_746[%add3A_24, %parallel_loop3A_713], %parallel_loop3A_742 : memref<64x128xf32, #tpu.memory_space<vmem>>[vector<16xi32>, vector<16xi32>], vector<16xf32>,
      %parallel_loop3A_747 = arith.constant 0 : i32
      %parallel_loop3A_748 = arith.constant 0 : i32
      %parallel_loop3A_749 = tpu.memref_slice %arg6[%parallel_loop3A_468, %parallel_loop3A_469, %parallel_loop3A_747, %parallel_loop3A_748] : memref<2x2x128x128xf32, #tpu.memory_space<vmem>> -> memref<1x1x128x128xf32, #tpu.memory_space<vmem>>
      %parallel_loop3A_750 = tpu.memref_squeeze %parallel_loop3A_749 : memref<1x1x128x128xf32, #tpu.memory_space<vmem>> -> memref<128x128xf32, #tpu.memory_space<vmem>>
      %parallel_loop3A_751 = arith.index_cast %parallel_loop3A_709 : i32 to index
      %parallel_loop3A_752 = arith.constant 48 : index
      %parallel_loop3A_753 = tpu.vector_load %parallel_loop3A_750[%parallel_loop3A_751, %parallel_loop3A_752] {strides = array<i32>} : memref<128x128xf32, #tpu.memory_space<vmem>>, vector<16xf32>,
      %parallel_loop3A_754 = arith.constant 0 : i32
      %parallel_loop3A_755 = arith.constant 0 : i32
      %parallel_loop3A_756 = tpu.memref_slice %arg7[%parallel_loop3A_470, %parallel_loop3A_471, %parallel_loop3A_754, %parallel_loop3A_755] : memref<2x2x64x128xf32, #tpu.memory_space<vmem>> -> memref<1x1x64x128xf32, #tpu.memory_space<vmem>>
      %parallel_loop3A_757 = tpu.memref_squeeze %parallel_loop3A_756 : memref<1x1x64x128xf32, #tpu.memory_space<vmem>> -> memref<64x128xf32, #tpu.memory_space<vmem>>
      tpu.vector_store_idx %parallel_loop3A_757[%add3A_28, %parallel_loop3A_713], %parallel_loop3A_753 : memref<64x128xf32, #tpu.memory_space<vmem>>[vector<16xi32>, vector<16xi32>], vector<16xf32>,
    } {sc.loop_unroll_factor = 8 : i64, sc.parallel_access}
    %parallel_loop3A_472 = arith.constant 0 : i32
    %parallel_loop3A_473 = arith.constant 128 : i32
    %parallel_loop3A_474 = arith.constant 1 : i32
    %parallel_loop3A_475 = arith.constant 0 : i32
    %parallel_loop3A_476 = arith.constant 1 : i32
    %parallel_loop3A_477 = arith.constant 0 : i32
    %parallel_loop3A_478 = arith.constant 1 : i32
    scf.for %parallel_loop3A_709 = %parallel_loop3A_472 to %parallel_loop3A_473 step %parallel_loop3A_474  : i32 {
      %parallel_loop3A_710 = arith.constant 0 : i32
      %parallel_loop3A_711 = vector.broadcast %parallel_loop3A_710 : i32 to vector<16xi32>
      %parallel_loop3A_712 = vector.broadcast %parallel_loop3A_709 : i32 to vector<16xi32>
      %parallel_loop3A_713 = arith.addi %parallel_loop3A_711, %parallel_loop3A_712 : vector<16xi32>
      %parallel_loop3A_714 = arith.constant 0 : i32
      %parallel_loop3A_715 = arith.constant 0 : i32
      %parallel_loop3A_716 = tpu.memref_slice %arg6[%parallel_loop3A_475, %parallel_loop3A_476, %parallel_loop3A_714, %parallel_loop3A_715] : memref<2x2x128x128xf32, #tpu.memory_space<vmem>> -> memref<1x1x128x128xf32, #tpu.memory_space<vmem>>
      %parallel_loop3A_717 = tpu.memref_squeeze %parallel_loop3A_716 : memref<1x1x128x128xf32, #tpu.memory_space<vmem>> -> memref<128x128xf32, #tpu.memory_space<vmem>>
      %parallel_loop3A_718 = arith.index_cast %parallel_loop3A_709 : i32 to index
      %parallel_loop3A_719 = arith.constant 0 : index
      %parallel_loop3A_720 = tpu.vector_load %parallel_loop3A_717[%parallel_loop3A_718, %parallel_loop3A_719] {strides = array<i32>} : memref<128x128xf32, #tpu.memory_space<vmem>>, vector<16xf32>,
      %parallel_loop3A_721 = arith.constant 0 : i32
      %parallel_loop3A_722 = arith.constant 0 : i32
      %parallel_loop3A_723 = tpu.memref_slice %arg7[%parallel_loop3A_477, %parallel_loop3A_478, %parallel_loop3A_721, %parallel_loop3A_722] : memref<2x2x64x128xf32, #tpu.memory_space<vmem>> -> memref<1x1x64x128xf32, #tpu.memory_space<vmem>>
      %parallel_loop3A_724 = tpu.memref_squeeze %parallel_loop3A_723 : memref<1x1x64x128xf32, #tpu.memory_space<vmem>> -> memref<64x128xf32, #tpu.memory_space<vmem>>
      tpu.vector_store_idx %parallel_loop3A_724[%add3A_16, %parallel_loop3A_713], %parallel_loop3A_720 : memref<64x128xf32, #tpu.memory_space<vmem>>[vector<16xi32>, vector<16xi32>], vector<16xf32>,
      %parallel_loop3A_725 = arith.constant 0 : i32
      %parallel_loop3A_726 = arith.constant 0 : i32
      %parallel_loop3A_727 = tpu.memref_slice %arg6[%parallel_loop3A_475, %parallel_loop3A_476, %parallel_loop3A_725, %parallel_loop3A_726] : memref<2x2x128x128xf32, #tpu.memory_space<vmem>> -> memref<1x1x128x128xf32, #tpu.memory_space<vmem>>
      %parallel_loop3A_728 = tpu.memref_squeeze %parallel_loop3A_727 : memref<1x1x128x128xf32, #tpu.memory_space<vmem>> -> memref<128x128xf32, #tpu.memory_space<vmem>>
      %parallel_loop3A_729 = arith.index_cast %parallel_loop3A_709 : i32 to index
      %parallel_loop3A_730 = arith.constant 16 : index
      %parallel_loop3A_731 = tpu.vector_load %parallel_loop3A_728[%parallel_loop3A_729, %parallel_loop3A_730] {strides = array<i32>} : memref<128x128xf32, #tpu.memory_space<vmem>>, vector<16xf32>,
      %parallel_loop3A_732 = arith.constant 0 : i32
      %parallel_loop3A_733 = arith.constant 0 : i32
      %parallel_loop3A_734 = tpu.memref_slice %arg7[%parallel_loop3A_477, %parallel_loop3A_478, %parallel_loop3A_732, %parallel_loop3A_733] : memref<2x2x64x128xf32, #tpu.memory_space<vmem>> -> memref<1x1x64x128xf32, #tpu.memory_space<vmem>>
      %parallel_loop3A_735 = tpu.memref_squeeze %parallel_loop3A_734 : memref<1x1x64x128xf32, #tpu.memory_space<vmem>> -> memref<64x128xf32, #tpu.memory_space<vmem>>
      tpu.vector_store_idx %parallel_loop3A_735[%add3A_20, %parallel_loop3A_713], %parallel_loop3A_731 : memref<64x128xf32, #tpu.memory_space<vmem>>[vector<16xi32>, vector<16xi32>], vector<16xf32>,
      %parallel_loop3A_736 = arith.constant 0 : i32
      %parallel_loop3A_737 = arith.constant 0 : i32
      %parallel_loop3A_738 = tpu.memref_slice %arg6[%parallel_loop3A_475, %parallel_loop3A_476, %parallel_loop3A_736, %parallel_loop3A_737] : memref<2x2x128x128xf32, #tpu.memory_space<vmem>> -> memref<1x1x128x128xf32, #tpu.memory_space<vmem>>
      %parallel_loop3A_739 = tpu.memref_squeeze %parallel_loop3A_738 : memref<1x1x128x128xf32, #tpu.memory_space<vmem>> -> memref<128x128xf32, #tpu.memory_space<vmem>>
      %parallel_loop3A_740 = arith.index_cast %parallel_loop3A_709 : i32 to index
      %parallel_loop3A_741 = arith.constant 32 : index
      %parallel_loop3A_742 = tpu.vector_load %parallel_loop3A_739[%parallel_loop3A_740, %parallel_loop3A_741] {strides = array<i32>} : memref<128x128xf32, #tpu.memory_space<vmem>>, vector<16xf32>,
      %parallel_loop3A_743 = arith.constant 0 : i32
      %parallel_loop3A_744 = arith.constant 0 : i32
      %parallel_loop3A_745 = tpu.memref_slice %arg7[%parallel_loop3A_477, %parallel_loop3A_478, %parallel_loop3A_743, %parallel_loop3A_744] : memref<2x2x64x128xf32, #tpu.memory_space<vmem>> -> memref<1x1x64x128xf32, #tpu.memory_space<vmem>>
      %parallel_loop3A_746 = tpu.memref_squeeze %parallel_loop3A_745 : memref<1x1x64x128xf32, #tpu.memory_space<vmem>> -> memref<64x128xf32, #tpu.memory_space<vmem>>
      tpu.vector_store_idx %parallel_loop3A_746[%add3A_24, %parallel_loop3A_713], %parallel_loop3A_742 : memref<64x128xf32, #tpu.memory_space<vmem>>[vector<16xi32>, vector<16xi32>], vector<16xf32>,
      %parallel_loop3A_747 = arith.constant 0 : i32
      %parallel_loop3A_748 = arith.constant 0 : i32
      %parallel_loop3A_749 = tpu.memref_slice %arg6[%parallel_loop3A_475, %parallel_loop3A_476, %parallel_loop3A_747, %parallel_loop3A_748] : memref<2x2x128x128xf32, #tpu.memory_space<vmem>> -> memref<1x1x128x128xf32, #tpu.memory_space<vmem>>
      %parallel_loop3A_750 = tpu.memref_squeeze %parallel_loop3A_749 : memref<1x1x128x128xf32, #tpu.memory_space<vmem>> -> memref<128x128xf32, #tpu.memory_space<vmem>>
      %parallel_loop3A_751 = arith.index_cast %parallel_loop3A_709 : i32 to index
      %parallel_loop3A_752 = arith.constant 48 : index
      %parallel_loop3A_753 = tpu.vector_load %parallel_loop3A_750[%parallel_loop3A_751, %parallel_loop3A_752] {strides = array<i32>} : memref<128x128xf32, #tpu.memory_space<vmem>>, vector<16xf32>,
      %parallel_loop3A_754 = arith.constant 0 : i32
      %parallel_loop3A_755 = arith.constant 0 : i32
      %parallel_loop3A_756 = tpu.memref_slice %arg7[%parallel_loop3A_477, %parallel_loop3A_478, %parallel_loop3A_754, %parallel_loop3A_755] : memref<2x2x64x128xf32, #tpu.memory_space<vmem>> -> memref<1x1x64x128xf32, #tpu.memory_space<vmem>>
      %parallel_loop3A_757 = tpu.memref_squeeze %parallel_loop3A_756 : memref<1x1x64x128xf32, #tpu.memory_space<vmem>> -> memref<64x128xf32, #tpu.memory_space<vmem>>
      tpu.vector_store_idx %parallel_loop3A_757[%add3A_28, %parallel_loop3A_713], %parallel_loop3A_753 : memref<64x128xf32, #tpu.memory_space<vmem>>[vector<16xi32>, vector<16xi32>], vector<16xf32>,
    } {sc.loop_unroll_factor = 8 : i64, sc.parallel_access}
    %rem3A_479 = arith.constant 196 : i32
    %rem3A_480 = arith.constant 4 : i32
    %rem3A_481 = arith.remsi %rem3A_479, %rem3A_480 : i32
    %mul3A_482 = arith.constant 128 : i32
    %mul3A_483 = arith.muli %rem3A_481, %mul3A_482 : i32
    %add3A_484 = arith.addi %mul3A_2, %mul3A_483 : i32
    %dma_start3A_485 = arith.constant 0 : i32
    %dma_start3A_486 = arith.constant 0 : i32
    %dma_start3A_487 = arith.constant 49 : i32
    %dma_start3A_488 = arith.constant 0 : i32
    %dma_start3A_489 = arith.constant 0 : i32
    %dma_start3A_490 = tpu.memref_slice %arg7[%dma_start3A_485, %dma_start3A_486, %dma_start3A_488, %dma_start3A_489] : memref<2x2x64x128xf32, #tpu.memory_space<vmem>> -> memref<1x1x64x128xf32, #tpu.memory_space<vmem>>
    %dma_start3A_491 = tpu.memref_squeeze %dma_start3A_490 : memref<1x1x64x128xf32, #tpu.memory_space<vmem>> -> memref<64x128xf32, #tpu.memory_space<vmem>>
    %dma_start3A_492 = arith.constant 0 : i32
    %dma_start3A_493 = tpu.memref_slice %arg4[%dma_start3A_487, %dma_start3A_492, %add3A_484] : memref<50x64x16384xf32, #tpu.memory_space<hbm>> -> memref<1x64x128xf32, #tpu.memory_space<hbm>>
    %dma_start3A_494 = tpu.memref_squeeze %dma_start3A_493 : memref<1x64x128xf32, #tpu.memory_space<hbm>> -> memref<64x128xf32, #tpu.memory_space<hbm>>
    %dma_start3A_495 = arith.constant 0 : i32
    %dma_start3A_496 = tpu.memref_slice %arg4[%dma_start3A_487, %dma_start3A_495, %add3A_484] : memref<50x64x16384xf32, #tpu.memory_space<hbm>> -> memref<1x64x128xf32, #tpu.memory_space<hbm>>
    %dma_start3A_497 = tpu.memref_squeeze %dma_start3A_496 : memref<1x64x128xf32, #tpu.memory_space<hbm>> -> memref<64x128xf32, #tpu.memory_space<hbm>>
    %dma_start3A_498 = arith.constant 0 : i32
    %dma_start3A_499 = arith.constant 0 : i32
    %dma_start3A_500 = tpu.memref_slice %arg7[%dma_start3A_485, %dma_start3A_486, %dma_start3A_498, %dma_start3A_499] : memref<2x2x64x128xf32, #tpu.memory_space<vmem>> -> memref<1x1x64x128xf32, #tpu.memory_space<vmem>>
    %dma_start3A_501 = tpu.memref_squeeze %dma_start3A_500 : memref<1x1x64x128xf32, #tpu.memory_space<vmem>> -> memref<64x128xf32, #tpu.memory_space<vmem>>
    tpu.enqueue_dma source(%dma_start3A_501 : memref<64x128xf32, #tpu.memory_space<vmem>>) target(%dma_start3A_497 : memref<64x128xf32, #tpu.memory_space<hbm>>) target_semaphore(%arg10 : memref<!tpu.dma_semaphore, #tpu.memory_space<semaphore_mem>>)
    %rem3A_502 = arith.constant 197 : i32
    %rem3A_503 = arith.constant 4 : i32
    %rem3A_504 = arith.remsi %rem3A_502, %rem3A_503 : i32
    %mul3A_505 = arith.constant 128 : i32
    %mul3A_506 = arith.muli %rem3A_504, %mul3A_505 : i32
    %add3A_507 = arith.addi %mul3A_2, %mul3A_506 : i32
    %dma_start3A_508 = arith.constant 0 : i32
    %dma_start3A_509 = arith.constant 1 : i32
    %dma_start3A_510 = arith.constant 49 : i32
    %dma_start3A_511 = arith.constant 0 : i32
    %dma_start3A_512 = arith.constant 0 : i32
    %dma_start3A_513 = tpu.memref_slice %arg7[%dma_start3A_508, %dma_start3A_509, %dma_start3A_511, %dma_start3A_512] : memref<2x2x64x128xf32, #tpu.memory_space<vmem>> -> memref<1x1x64x128xf32, #tpu.memory_space<vmem>>
    %dma_start3A_514 = tpu.memref_squeeze %dma_start3A_513 : memref<1x1x64x128xf32, #tpu.memory_space<vmem>> -> memref<64x128xf32, #tpu.memory_space<vmem>>
    %dma_start3A_515 = arith.constant 0 : i32
    %dma_start3A_516 = tpu.memref_slice %arg4[%dma_start3A_510, %dma_start3A_515, %add3A_507] : memref<50x64x16384xf32, #tpu.memory_space<hbm>> -> memref<1x64x128xf32, #tpu.memory_space<hbm>>
    %dma_start3A_517 = tpu.memref_squeeze %dma_start3A_516 : memref<1x64x128xf32, #tpu.memory_space<hbm>> -> memref<64x128xf32, #tpu.memory_space<hbm>>
    %dma_start3A_518 = arith.constant 0 : i32
    %dma_start3A_519 = tpu.memref_slice %arg4[%dma_start3A_510, %dma_start3A_518, %add3A_507] : memref<50x64x16384xf32, #tpu.memory_space<hbm>> -> memref<1x64x128xf32, #tpu.memory_space<hbm>>
    %dma_start3A_520 = tpu.memref_squeeze %dma_start3A_519 : memref<1x64x128xf32, #tpu.memory_space<hbm>> -> memref<64x128xf32, #tpu.memory_space<hbm>>
    %dma_start3A_521 = arith.constant 0 : i32
    %dma_start3A_522 = arith.constant 0 : i32
    %dma_start3A_523 = tpu.memref_slice %arg7[%dma_start3A_508, %dma_start3A_509, %dma_start3A_521, %dma_start3A_522] : memref<2x2x64x128xf32, #tpu.memory_space<vmem>> -> memref<1x1x64x128xf32, #tpu.memory_space<vmem>>
    %dma_start3A_524 = tpu.memref_squeeze %dma_start3A_523 : memref<1x1x64x128xf32, #tpu.memory_space<vmem>> -> memref<64x128xf32, #tpu.memory_space<vmem>>
    tpu.enqueue_dma source(%dma_start3A_524 : memref<64x128xf32, #tpu.memory_space<vmem>>) target(%dma_start3A_520 : memref<64x128xf32, #tpu.memory_space<hbm>>) target_semaphore(%arg10 : memref<!tpu.dma_semaphore, #tpu.memory_space<semaphore_mem>>)
    %rem3A_525 = arith.constant 196 : i32
    %rem3A_526 = arith.constant 4 : i32
    %rem3A_527 = arith.remsi %rem3A_525, %rem3A_526 : i32
    %mul3A_528 = arith.constant 128 : i32
    %mul3A_529 = arith.muli %rem3A_527, %mul3A_528 : i32
    %add3A_530 = arith.addi %mul3A_2, %mul3A_529 : i32
    %dma_wait3A_531 = arith.constant 0 : i32
    %dma_wait3A_532 = arith.constant 0 : i32
    %dma_wait3A_533 = arith.constant 49 : i32
    %dma_wait3A_534 = arith.constant 0 : i32
    %dma_wait3A_535 = arith.constant 0 : i32
    %dma_wait3A_536 = tpu.memref_slice %arg7[%dma_wait3A_531, %dma_wait3A_532, %dma_wait3A_534, %dma_wait3A_535] : memref<2x2x64x128xf32, #tpu.memory_space<vmem>> -> memref<1x1x64x128xf32, #tpu.memory_space<vmem>>
    %dma_wait3A_537 = tpu.memref_squeeze %dma_wait3A_536 : memref<1x1x64x128xf32, #tpu.memory_space<vmem>> -> memref<64x128xf32, #tpu.memory_space<vmem>>
    %dma_wait3A_538 = arith.constant 0 : i32
    %dma_wait3A_539 = tpu.memref_slice %arg4[%dma_wait3A_533, %dma_wait3A_538, %add3A_530] : memref<50x64x16384xf32, #tpu.memory_space<hbm>> -> memref<1x64x128xf32, #tpu.memory_space<hbm>>
    %dma_wait3A_540 = tpu.memref_squeeze %dma_wait3A_539 : memref<1x64x128xf32, #tpu.memory_space<hbm>> -> memref<64x128xf32, #tpu.memory_space<hbm>>
    %dma_wait3A_541 = arith.constant 0 : i32
    %dma_wait3A_542 = tpu.memref_slice %arg4[%dma_wait3A_533, %dma_wait3A_541, %add3A_530] : memref<50x64x16384xf32, #tpu.memory_space<hbm>> -> memref<1x64x128xf32, #tpu.memory_space<hbm>>
    %dma_wait3A_543 = tpu.memref_squeeze %dma_wait3A_542 : memref<1x64x128xf32, #tpu.memory_space<hbm>> -> memref<64x128xf32, #tpu.memory_space<hbm>>
    %dma_wait3A_544 = arith.constant 0 : i32
    %dma_wait3A_545 = arith.constant 0 : i32
    %dma_wait3A_546 = tpu.memref_slice %arg7[%dma_wait3A_531, %dma_wait3A_532, %dma_wait3A_544, %dma_wait3A_545] : memref<2x2x64x128xf32, #tpu.memory_space<vmem>> -> memref<1x1x64x128xf32, #tpu.memory_space<vmem>>
    %dma_wait3A_547 = tpu.memref_squeeze %dma_wait3A_546 : memref<1x1x64x128xf32, #tpu.memory_space<vmem>> -> memref<64x128xf32, #tpu.memory_space<vmem>>
    tpu.wait_dma2 semaphore(%arg10 : memref<!tpu.dma_semaphore, #tpu.memory_space<semaphore_mem>>) src(%dma_wait3A_547 : memref<64x128xf32, #tpu.memory_space<vmem>>) dst(%dma_wait3A_543 : memref<64x128xf32, #tpu.memory_space<hbm>>)
    %rem3A_548 = arith.constant 197 : i32
    %rem3A_549 = arith.constant 4 : i32
    %rem3A_550 = arith.remsi %rem3A_548, %rem3A_549 : i32
    %mul3A_551 = arith.constant 128 : i32
    %mul3A_552 = arith.muli %rem3A_550, %mul3A_551 : i32
    %add3A_553 = arith.addi %mul3A_2, %mul3A_552 : i32
    %dma_wait3A_554 = arith.constant 0 : i32
    %dma_wait3A_555 = arith.constant 1 : i32
    %dma_wait3A_556 = arith.constant 49 : i32
    %dma_wait3A_557 = arith.constant 0 : i32
    %dma_wait3A_558 = arith.constant 0 : i32
    %dma_wait3A_559 = tpu.memref_slice %arg7[%dma_wait3A_554, %dma_wait3A_555, %dma_wait3A_557, %dma_wait3A_558] : memref<2x2x64x128xf32, #tpu.memory_space<vmem>> -> memref<1x1x64x128xf32, #tpu.memory_space<vmem>>
    %dma_wait3A_560 = tpu.memref_squeeze %dma_wait3A_559 : memref<1x1x64x128xf32, #tpu.memory_space<vmem>> -> memref<64x128xf32, #tpu.memory_space<vmem>>
    %dma_wait3A_561 = arith.constant 0 : i32
    %dma_wait3A_562 = tpu.memref_slice %arg4[%dma_wait3A_556, %dma_wait3A_561, %add3A_553] : memref<50x64x16384xf32, #tpu.memory_space<hbm>> -> memref<1x64x128xf32, #tpu.memory_space<hbm>>
    %dma_wait3A_563 = tpu.memref_squeeze %dma_wait3A_562 : memref<1x64x128xf32, #tpu.memory_space<hbm>> -> memref<64x128xf32, #tpu.memory_space<hbm>>
    %dma_wait3A_564 = arith.constant 0 : i32
    %dma_wait3A_565 = tpu.memref_slice %arg4[%dma_wait3A_556, %dma_wait3A_564, %add3A_553] : memref<50x64x16384xf32, #tpu.memory_space<hbm>> -> memref<1x64x128xf32, #tpu.memory_space<hbm>>
    %dma_wait3A_566 = tpu.memref_squeeze %dma_wait3A_565 : memref<1x64x128xf32, #tpu.memory_space<hbm>> -> memref<64x128xf32, #tpu.memory_space<hbm>>
    %dma_wait3A_567 = arith.constant 0 : i32
    %dma_wait3A_568 = arith.constant 0 : i32
    %dma_wait3A_569 = tpu.memref_slice %arg7[%dma_wait3A_554, %dma_wait3A_555, %dma_wait3A_567, %dma_wait3A_568] : memref<2x2x64x128xf32, #tpu.memory_space<vmem>> -> memref<1x1x64x128xf32, #tpu.memory_space<vmem>>
    %dma_wait3A_570 = tpu.memref_squeeze %dma_wait3A_569 : memref<1x1x64x128xf32, #tpu.memory_space<vmem>> -> memref<64x128xf32, #tpu.memory_space<vmem>>
    tpu.wait_dma2 semaphore(%arg10 : memref<!tpu.dma_semaphore, #tpu.memory_space<semaphore_mem>>) src(%dma_wait3A_570 : memref<64x128xf32, #tpu.memory_space<vmem>>) dst(%dma_wait3A_566 : memref<64x128xf32, #tpu.memory_space<hbm>>)
    %rem3A_571 = arith.constant 198 : i32
    %rem3A_572 = arith.constant 4 : i32
    %rem3A_573 = arith.remsi %rem3A_571, %rem3A_572 : i32
    %dma_wait3A_574 = arith.constant 49 : i32
    %dma_wait3A_575 = arith.constant 1 : i32
    %dma_wait3A_576 = arith.constant 0 : i32
    %dma_wait3A_577 = arith.constant 0 : i32
    %dma_wait3A_578 = arith.constant 0 : i32
    %dma_wait3A_579 = tpu.memref_slice %arg6[%dma_wait3A_575, %dma_wait3A_576, %dma_wait3A_577, %dma_wait3A_578] : memref<2x2x128x128xf32, #tpu.memory_space<vmem>> -> memref<1x1x128x128xf32, #tpu.memory_space<vmem>>
    %dma_wait3A_580 = tpu.memref_squeeze %dma_wait3A_579 : memref<1x1x128x128xf32, #tpu.memory_space<vmem>> -> memref<128x128xf32, #tpu.memory_space<vmem>>
    %dma_wait3A_581 = arith.constant 0 : i32
    %dma_wait3A_582 = tpu.memref_slice %arg5[%rem3A_573, %dma_wait3A_574, %dma_wait3A_581] : memref<4x50x128xi32, #tpu.memory_space<vmem>> -> memref<1x1x128xi32, #tpu.memory_space<vmem>>
    %dma_wait3A_583 = tpu.memref_squeeze %dma_wait3A_582 : memref<1x1x128xi32, #tpu.memory_space<vmem>> -> memref<128xi32, #tpu.memory_space<vmem>>
    %dma_wait3A_584 = arith.constant 0 : i32
    %dma_wait3A_585 = arith.constant 0 : i32
    %dma_wait3A_586 = tpu.memref_slice %arg3[%dma_wait3A_584, %dma_wait3A_585] : memref<1000000x128xf32, #tpu.memory_space<hbm>> -> memref<1000000x128xf32, #tpu.memory_space<hbm>>
    tpu.wait_indirect_dma semaphore(%arg9 : memref<!tpu.dma_semaphore, #tpu.memory_space<semaphore_mem>>) src(%dma_wait3A_586 : memref<1000000x128xf32, #tpu.memory_space<hbm>>) dst(%dma_wait3A_580 : memref<128x128xf32, #tpu.memory_space<vmem>>)
    %rem3A_587 = arith.constant 199 : i32
    %rem3A_588 = arith.constant 4 : i32
    %rem3A_589 = arith.remsi %rem3A_587, %rem3A_588 : i32
    %dma_wait3A_590 = arith.constant 49 : i32
    %dma_wait3A_591 = arith.constant 1 : i32
    %dma_wait3A_592 = arith.constant 1 : i32
    %dma_wait3A_593 = arith.constant 0 : i32
    %dma_wait3A_594 = arith.constant 0 : i32
    %dma_wait3A_595 = tpu.memref_slice %arg6[%dma_wait3A_591, %dma_wait3A_592, %dma_wait3A_593, %dma_wait3A_594] : memref<2x2x128x128xf32, #tpu.memory_space<vmem>> -> memref<1x1x128x128xf32, #tpu.memory_space<vmem>>
    %dma_wait3A_596 = tpu.memref_squeeze %dma_wait3A_595 : memref<1x1x128x128xf32, #tpu.memory_space<vmem>> -> memref<128x128xf32, #tpu.memory_space<vmem>>
    %dma_wait3A_597 = arith.constant 0 : i32
    %dma_wait3A_598 = tpu.memref_slice %arg5[%rem3A_589, %dma_wait3A_590, %dma_wait3A_597] : memref<4x50x128xi32, #tpu.memory_space<vmem>> -> memref<1x1x128xi32, #tpu.memory_space<vmem>>
    %dma_wait3A_599 = tpu.memref_squeeze %dma_wait3A_598 : memref<1x1x128xi32, #tpu.memory_space<vmem>> -> memref<128xi32, #tpu.memory_space<vmem>>
    %dma_wait3A_600 = arith.constant 0 : i32
    %dma_wait3A_601 = arith.constant 0 : i32
    %dma_wait3A_602 = tpu.memref_slice %arg3[%dma_wait3A_600, %dma_wait3A_601] : memref<1000000x128xf32, #tpu.memory_space<hbm>> -> memref<1000000x128xf32, #tpu.memory_space<hbm>>
    tpu.wait_indirect_dma semaphore(%arg9 : memref<!tpu.dma_semaphore, #tpu.memory_space<semaphore_mem>>) src(%dma_wait3A_602 : memref<1000000x128xf32, #tpu.memory_space<hbm>>) dst(%dma_wait3A_596 : memref<128x128xf32, #tpu.memory_space<vmem>>)
    %parallel_loop3A_603 = arith.constant 0 : i32
    %parallel_loop3A_604 = arith.constant 128 : i32
    %parallel_loop3A_605 = arith.constant 1 : i32
    %parallel_loop3A_606 = arith.constant 1 : i32
    %parallel_loop3A_607 = arith.constant 0 : i32
    %parallel_loop3A_608 = arith.constant 1 : i32
    %parallel_loop3A_609 = arith.constant 0 : i32
    scf.for %parallel_loop3A_709 = %parallel_loop3A_603 to %parallel_loop3A_604 step %parallel_loop3A_605  : i32 {
      %parallel_loop3A_710 = arith.constant 0 : i32
      %parallel_loop3A_711 = vector.broadcast %parallel_loop3A_710 : i32 to vector<16xi32>
      %parallel_loop3A_712 = vector.broadcast %parallel_loop3A_709 : i32 to vector<16xi32>
      %parallel_loop3A_713 = arith.addi %parallel_loop3A_711, %parallel_loop3A_712 : vector<16xi32>
      %parallel_loop3A_714 = arith.constant 0 : i32
      %parallel_loop3A_715 = arith.constant 0 : i32
      %parallel_loop3A_716 = tpu.memref_slice %arg6[%parallel_loop3A_606, %parallel_loop3A_607, %parallel_loop3A_714, %parallel_loop3A_715] : memref<2x2x128x128xf32, #tpu.memory_space<vmem>> -> memref<1x1x128x128xf32, #tpu.memory_space<vmem>>
      %parallel_loop3A_717 = tpu.memref_squeeze %parallel_loop3A_716 : memref<1x1x128x128xf32, #tpu.memory_space<vmem>> -> memref<128x128xf32, #tpu.memory_space<vmem>>
      %parallel_loop3A_718 = arith.index_cast %parallel_loop3A_709 : i32 to index
      %parallel_loop3A_719 = arith.constant 0 : index
      %parallel_loop3A_720 = tpu.vector_load %parallel_loop3A_717[%parallel_loop3A_718, %parallel_loop3A_719] {strides = array<i32>} : memref<128x128xf32, #tpu.memory_space<vmem>>, vector<16xf32>,
      %parallel_loop3A_721 = arith.constant 0 : i32
      %parallel_loop3A_722 = arith.constant 0 : i32
      %parallel_loop3A_723 = tpu.memref_slice %arg7[%parallel_loop3A_608, %parallel_loop3A_609, %parallel_loop3A_721, %parallel_loop3A_722] : memref<2x2x64x128xf32, #tpu.memory_space<vmem>> -> memref<1x1x64x128xf32, #tpu.memory_space<vmem>>
      %parallel_loop3A_724 = tpu.memref_squeeze %parallel_loop3A_723 : memref<1x1x64x128xf32, #tpu.memory_space<vmem>> -> memref<64x128xf32, #tpu.memory_space<vmem>>
      tpu.vector_store_idx %parallel_loop3A_724[%add3A_16, %parallel_loop3A_713], %parallel_loop3A_720 : memref<64x128xf32, #tpu.memory_space<vmem>>[vector<16xi32>, vector<16xi32>], vector<16xf32>,
      %parallel_loop3A_725 = arith.constant 0 : i32
      %parallel_loop3A_726 = arith.constant 0 : i32
      %parallel_loop3A_727 = tpu.memref_slice %arg6[%parallel_loop3A_606, %parallel_loop3A_607, %parallel_loop3A_725, %parallel_loop3A_726] : memref<2x2x128x128xf32, #tpu.memory_space<vmem>> -> memref<1x1x128x128xf32, #tpu.memory_space<vmem>>
      %parallel_loop3A_728 = tpu.memref_squeeze %parallel_loop3A_727 : memref<1x1x128x128xf32, #tpu.memory_space<vmem>> -> memref<128x128xf32, #tpu.memory_space<vmem>>
      %parallel_loop3A_729 = arith.index_cast %parallel_loop3A_709 : i32 to index
      %parallel_loop3A_730 = arith.constant 16 : index
      %parallel_loop3A_731 = tpu.vector_load %parallel_loop3A_728[%parallel_loop3A_729, %parallel_loop3A_730] {strides = array<i32>} : memref<128x128xf32, #tpu.memory_space<vmem>>, vector<16xf32>,
      %parallel_loop3A_732 = arith.constant 0 : i32
      %parallel_loop3A_733 = arith.constant 0 : i32
      %parallel_loop3A_734 = tpu.memref_slice %arg7[%parallel_loop3A_608, %parallel_loop3A_609, %parallel_loop3A_732, %parallel_loop3A_733] : memref<2x2x64x128xf32, #tpu.memory_space<vmem>> -> memref<1x1x64x128xf32, #tpu.memory_space<vmem>>
      %parallel_loop3A_735 = tpu.memref_squeeze %parallel_loop3A_734 : memref<1x1x64x128xf32, #tpu.memory_space<vmem>> -> memref<64x128xf32, #tpu.memory_space<vmem>>
      tpu.vector_store_idx %parallel_loop3A_735[%add3A_20, %parallel_loop3A_713], %parallel_loop3A_731 : memref<64x128xf32, #tpu.memory_space<vmem>>[vector<16xi32>, vector<16xi32>], vector<16xf32>,
      %parallel_loop3A_736 = arith.constant 0 : i32
      %parallel_loop3A_737 = arith.constant 0 : i32
      %parallel_loop3A_738 = tpu.memref_slice %arg6[%parallel_loop3A_606, %parallel_loop3A_607, %parallel_loop3A_736, %parallel_loop3A_737] : memref<2x2x128x128xf32, #tpu.memory_space<vmem>> -> memref<1x1x128x128xf32, #tpu.memory_space<vmem>>
      %parallel_loop3A_739 = tpu.memref_squeeze %parallel_loop3A_738 : memref<1x1x128x128xf32, #tpu.memory_space<vmem>> -> memref<128x128xf32, #tpu.memory_space<vmem>>
      %parallel_loop3A_740 = arith.index_cast %parallel_loop3A_709 : i32 to index
      %parallel_loop3A_741 = arith.constant 32 : index
      %parallel_loop3A_742 = tpu.vector_load %parallel_loop3A_739[%parallel_loop3A_740, %parallel_loop3A_741] {strides = array<i32>} : memref<128x128xf32, #tpu.memory_space<vmem>>, vector<16xf32>,
      %parallel_loop3A_743 = arith.constant 0 : i32
      %parallel_loop3A_744 = arith.constant 0 : i32
      %parallel_loop3A_745 = tpu.memref_slice %arg7[%parallel_loop3A_608, %parallel_loop3A_609, %parallel_loop3A_743, %parallel_loop3A_744] : memref<2x2x64x128xf32, #tpu.memory_space<vmem>> -> memref<1x1x64x128xf32, #tpu.memory_space<vmem>>
      %parallel_loop3A_746 = tpu.memref_squeeze %parallel_loop3A_745 : memref<1x1x64x128xf32, #tpu.memory_space<vmem>> -> memref<64x128xf32, #tpu.memory_space<vmem>>
      tpu.vector_store_idx %parallel_loop3A_746[%add3A_24, %parallel_loop3A_713], %parallel_loop3A_742 : memref<64x128xf32, #tpu.memory_space<vmem>>[vector<16xi32>, vector<16xi32>], vector<16xf32>,
      %parallel_loop3A_747 = arith.constant 0 : i32
      %parallel_loop3A_748 = arith.constant 0 : i32
      %parallel_loop3A_749 = tpu.memref_slice %arg6[%parallel_loop3A_606, %parallel_loop3A_607, %parallel_loop3A_747, %parallel_loop3A_748] : memref<2x2x128x128xf32, #tpu.memory_space<vmem>> -> memref<1x1x128x128xf32, #tpu.memory_space<vmem>>
      %parallel_loop3A_750 = tpu.memref_squeeze %parallel_loop3A_749 : memref<1x1x128x128xf32, #tpu.memory_space<vmem>> -> memref<128x128xf32, #tpu.memory_space<vmem>>
      %parallel_loop3A_751 = arith.index_cast %parallel_loop3A_709 : i32 to index
      %parallel_loop3A_752 = arith.constant 48 : index
      %parallel_loop3A_753 = tpu.vector_load %parallel_loop3A_750[%parallel_loop3A_751, %parallel_loop3A_752] {strides = array<i32>} : memref<128x128xf32, #tpu.memory_space<vmem>>, vector<16xf32>,
      %parallel_loop3A_754 = arith.constant 0 : i32
      %parallel_loop3A_755 = arith.constant 0 : i32
      %parallel_loop3A_756 = tpu.memref_slice %arg7[%parallel_loop3A_608, %parallel_loop3A_609, %parallel_loop3A_754, %parallel_loop3A_755] : memref<2x2x64x128xf32, #tpu.memory_space<vmem>> -> memref<1x1x64x128xf32, #tpu.memory_space<vmem>>
      %parallel_loop3A_757 = tpu.memref_squeeze %parallel_loop3A_756 : memref<1x1x64x128xf32, #tpu.memory_space<vmem>> -> memref<64x128xf32, #tpu.memory_space<vmem>>
      tpu.vector_store_idx %parallel_loop3A_757[%add3A_28, %parallel_loop3A_713], %parallel_loop3A_753 : memref<64x128xf32, #tpu.memory_space<vmem>>[vector<16xi32>, vector<16xi32>], vector<16xf32>,
    } {sc.loop_unroll_factor = 8 : i64, sc.parallel_access}
    %parallel_loop3A_610 = arith.constant 0 : i32
    %parallel_loop3A_611 = arith.constant 128 : i32
    %parallel_loop3A_612 = arith.constant 1 : i32
    %parallel_loop3A_613 = arith.constant 1 : i32
    %parallel_loop3A_614 = arith.constant 1 : i32
    %parallel_loop3A_615 = arith.constant 1 : i32
    %parallel_loop3A_616 = arith.constant 1 : i32
    scf.for %parallel_loop3A_709 = %parallel_loop3A_610 to %parallel_loop3A_611 step %parallel_loop3A_612  : i32 {
      %parallel_loop3A_710 = arith.constant 0 : i32
      %parallel_loop3A_711 = vector.broadcast %parallel_loop3A_710 : i32 to vector<16xi32>
      %parallel_loop3A_712 = vector.broadcast %parallel_loop3A_709 : i32 to vector<16xi32>
      %parallel_loop3A_713 = arith.addi %parallel_loop3A_711, %parallel_loop3A_712 : vector<16xi32>
      %parallel_loop3A_714 = arith.constant 0 : i32
      %parallel_loop3A_715 = arith.constant 0 : i32
      %parallel_loop3A_716 = tpu.memref_slice %arg6[%parallel_loop3A_613, %parallel_loop3A_614, %parallel_loop3A_714, %parallel_loop3A_715] : memref<2x2x128x128xf32, #tpu.memory_space<vmem>> -> memref<1x1x128x128xf32, #tpu.memory_space<vmem>>
      %parallel_loop3A_717 = tpu.memref_squeeze %parallel_loop3A_716 : memref<1x1x128x128xf32, #tpu.memory_space<vmem>> -> memref<128x128xf32, #tpu.memory_space<vmem>>
      %parallel_loop3A_718 = arith.index_cast %parallel_loop3A_709 : i32 to index
      %parallel_loop3A_719 = arith.constant 0 : index
      %parallel_loop3A_720 = tpu.vector_load %parallel_loop3A_717[%parallel_loop3A_718, %parallel_loop3A_719] {strides = array<i32>} : memref<128x128xf32, #tpu.memory_space<vmem>>, vector<16xf32>,
      %parallel_loop3A_721 = arith.constant 0 : i32
      %parallel_loop3A_722 = arith.constant 0 : i32
      %parallel_loop3A_723 = tpu.memref_slice %arg7[%parallel_loop3A_615, %parallel_loop3A_616, %parallel_loop3A_721, %parallel_loop3A_722] : memref<2x2x64x128xf32, #tpu.memory_space<vmem>> -> memref<1x1x64x128xf32, #tpu.memory_space<vmem>>
      %parallel_loop3A_724 = tpu.memref_squeeze %parallel_loop3A_723 : memref<1x1x64x128xf32, #tpu.memory_space<vmem>> -> memref<64x128xf32, #tpu.memory_space<vmem>>
      tpu.vector_store_idx %parallel_loop3A_724[%add3A_16, %parallel_loop3A_713], %parallel_loop3A_720 : memref<64x128xf32, #tpu.memory_space<vmem>>[vector<16xi32>, vector<16xi32>], vector<16xf32>,
      %parallel_loop3A_725 = arith.constant 0 : i32
      %parallel_loop3A_726 = arith.constant 0 : i32
      %parallel_loop3A_727 = tpu.memref_slice %arg6[%parallel_loop3A_613, %parallel_loop3A_614, %parallel_loop3A_725, %parallel_loop3A_726] : memref<2x2x128x128xf32, #tpu.memory_space<vmem>> -> memref<1x1x128x128xf32, #tpu.memory_space<vmem>>
      %parallel_loop3A_728 = tpu.memref_squeeze %parallel_loop3A_727 : memref<1x1x128x128xf32, #tpu.memory_space<vmem>> -> memref<128x128xf32, #tpu.memory_space<vmem>>
      %parallel_loop3A_729 = arith.index_cast %parallel_loop3A_709 : i32 to index
      %parallel_loop3A_730 = arith.constant 16 : index
      %parallel_loop3A_731 = tpu.vector_load %parallel_loop3A_728[%parallel_loop3A_729, %parallel_loop3A_730] {strides = array<i32>} : memref<128x128xf32, #tpu.memory_space<vmem>>, vector<16xf32>,
      %parallel_loop3A_732 = arith.constant 0 : i32
      %parallel_loop3A_733 = arith.constant 0 : i32
      %parallel_loop3A_734 = tpu.memref_slice %arg7[%parallel_loop3A_615, %parallel_loop3A_616, %parallel_loop3A_732, %parallel_loop3A_733] : memref<2x2x64x128xf32, #tpu.memory_space<vmem>> -> memref<1x1x64x128xf32, #tpu.memory_space<vmem>>
      %parallel_loop3A_735 = tpu.memref_squeeze %parallel_loop3A_734 : memref<1x1x64x128xf32, #tpu.memory_space<vmem>> -> memref<64x128xf32, #tpu.memory_space<vmem>>
      tpu.vector_store_idx %parallel_loop3A_735[%add3A_20, %parallel_loop3A_713], %parallel_loop3A_731 : memref<64x128xf32, #tpu.memory_space<vmem>>[vector<16xi32>, vector<16xi32>], vector<16xf32>,
      %parallel_loop3A_736 = arith.constant 0 : i32
      %parallel_loop3A_737 = arith.constant 0 : i32
      %parallel_loop3A_738 = tpu.memref_slice %arg6[%parallel_loop3A_613, %parallel_loop3A_614, %parallel_loop3A_736, %parallel_loop3A_737] : memref<2x2x128x128xf32, #tpu.memory_space<vmem>> -> memref<1x1x128x128xf32, #tpu.memory_space<vmem>>
      %parallel_loop3A_739 = tpu.memref_squeeze %parallel_loop3A_738 : memref<1x1x128x128xf32, #tpu.memory_space<vmem>> -> memref<128x128xf32, #tpu.memory_space<vmem>>
      %parallel_loop3A_740 = arith.index_cast %parallel_loop3A_709 : i32 to index
      %parallel_loop3A_741 = arith.constant 32 : index
      %parallel_loop3A_742 = tpu.vector_load %parallel_loop3A_739[%parallel_loop3A_740, %parallel_loop3A_741] {strides = array<i32>} : memref<128x128xf32, #tpu.memory_space<vmem>>, vector<16xf32>,
      %parallel_loop3A_743 = arith.constant 0 : i32
      %parallel_loop3A_744 = arith.constant 0 : i32
      %parallel_loop3A_745 = tpu.memref_slice %arg7[%parallel_loop3A_615, %parallel_loop3A_616, %parallel_loop3A_743, %parallel_loop3A_744] : memref<2x2x64x128xf32, #tpu.memory_space<vmem>> -> memref<1x1x64x128xf32, #tpu.memory_space<vmem>>
      %parallel_loop3A_746 = tpu.memref_squeeze %parallel_loop3A_745 : memref<1x1x64x128xf32, #tpu.memory_space<vmem>> -> memref<64x128xf32, #tpu.memory_space<vmem>>
      tpu.vector_store_idx %parallel_loop3A_746[%add3A_24, %parallel_loop3A_713], %parallel_loop3A_742 : memref<64x128xf32, #tpu.memory_space<vmem>>[vector<16xi32>, vector<16xi32>], vector<16xf32>,
      %parallel_loop3A_747 = arith.constant 0 : i32
      %parallel_loop3A_748 = arith.constant 0 : i32
      %parallel_loop3A_749 = tpu.memref_slice %arg6[%parallel_loop3A_613, %parallel_loop3A_614, %parallel_loop3A_747, %parallel_loop3A_748] : memref<2x2x128x128xf32, #tpu.memory_space<vmem>> -> memref<1x1x128x128xf32, #tpu.memory_space<vmem>>
      %parallel_loop3A_750 = tpu.memref_squeeze %parallel_loop3A_749 : memref<1x1x128x128xf32, #tpu.memory_space<vmem>> -> memref<128x128xf32, #tpu.memory_space<vmem>>
      %parallel_loop3A_751 = arith.index_cast %parallel_loop3A_709 : i32 to index
      %parallel_loop3A_752 = arith.constant 48 : index
      %parallel_loop3A_753 = tpu.vector_load %parallel_loop3A_750[%parallel_loop3A_751, %parallel_loop3A_752] {strides = array<i32>} : memref<128x128xf32, #tpu.memory_space<vmem>>, vector<16xf32>,
      %parallel_loop3A_754 = arith.constant 0 : i32
      %parallel_loop3A_755 = arith.constant 0 : i32
      %parallel_loop3A_756 = tpu.memref_slice %arg7[%parallel_loop3A_615, %parallel_loop3A_616, %parallel_loop3A_754, %parallel_loop3A_755] : memref<2x2x64x128xf32, #tpu.memory_space<vmem>> -> memref<1x1x64x128xf32, #tpu.memory_space<vmem>>
      %parallel_loop3A_757 = tpu.memref_squeeze %parallel_loop3A_756 : memref<1x1x64x128xf32, #tpu.memory_space<vmem>> -> memref<64x128xf32, #tpu.memory_space<vmem>>
      tpu.vector_store_idx %parallel_loop3A_757[%add3A_28, %parallel_loop3A_713], %parallel_loop3A_753 : memref<64x128xf32, #tpu.memory_space<vmem>>[vector<16xi32>, vector<16xi32>], vector<16xf32>,
    } {sc.loop_unroll_factor = 8 : i64, sc.parallel_access}
    %rem3A_617 = arith.constant 198 : i32
    %rem3A_618 = arith.constant 4 : i32
    %rem3A_619 = arith.remsi %rem3A_617, %rem3A_618 : i32
    %mul3A_620 = arith.constant 128 : i32
    %mul3A_621 = arith.muli %rem3A_619, %mul3A_620 : i32
    %add3A_622 = arith.addi %mul3A_2, %mul3A_621 : i32
    %dma_start3A_623 = arith.constant 1 : i32
    %dma_start3A_624 = arith.constant 0 : i32
    %dma_start3A_625 = arith.constant 49 : i32
    %dma_start3A_626 = arith.constant 0 : i32
    %dma_start3A_627 = arith.constant 0 : i32
    %dma_start3A_628 = tpu.memref_slice %arg7[%dma_start3A_623, %dma_start3A_624, %dma_start3A_626, %dma_start3A_627] : memref<2x2x64x128xf32, #tpu.memory_space<vmem>> -> memref<1x1x64x128xf32, #tpu.memory_space<vmem>>
    %dma_start3A_629 = tpu.memref_squeeze %dma_start3A_628 : memref<1x1x64x128xf32, #tpu.memory_space<vmem>> -> memref<64x128xf32, #tpu.memory_space<vmem>>
    %dma_start3A_630 = arith.constant 0 : i32
    %dma_start3A_631 = tpu.memref_slice %arg4[%dma_start3A_625, %dma_start3A_630, %add3A_622] : memref<50x64x16384xf32, #tpu.memory_space<hbm>> -> memref<1x64x128xf32, #tpu.memory_space<hbm>>
    %dma_start3A_632 = tpu.memref_squeeze %dma_start3A_631 : memref<1x64x128xf32, #tpu.memory_space<hbm>> -> memref<64x128xf32, #tpu.memory_space<hbm>>
    %dma_start3A_633 = arith.constant 0 : i32
    %dma_start3A_634 = tpu.memref_slice %arg4[%dma_start3A_625, %dma_start3A_633, %add3A_622] : memref<50x64x16384xf32, #tpu.memory_space<hbm>> -> memref<1x64x128xf32, #tpu.memory_space<hbm>>
    %dma_start3A_635 = tpu.memref_squeeze %dma_start3A_634 : memref<1x64x128xf32, #tpu.memory_space<hbm>> -> memref<64x128xf32, #tpu.memory_space<hbm>>
    %dma_start3A_636 = arith.constant 0 : i32
    %dma_start3A_637 = arith.constant 0 : i32
    %dma_start3A_638 = tpu.memref_slice %arg7[%dma_start3A_623, %dma_start3A_624, %dma_start3A_636, %dma_start3A_637] : memref<2x2x64x128xf32, #tpu.memory_space<vmem>> -> memref<1x1x64x128xf32, #tpu.memory_space<vmem>>
    %dma_start3A_639 = tpu.memref_squeeze %dma_start3A_638 : memref<1x1x64x128xf32, #tpu.memory_space<vmem>> -> memref<64x128xf32, #tpu.memory_space<vmem>>
    tpu.enqueue_dma source(%dma_start3A_639 : memref<64x128xf32, #tpu.memory_space<vmem>>) target(%dma_start3A_635 : memref<64x128xf32, #tpu.memory_space<hbm>>) target_semaphore(%arg11 : memref<!tpu.dma_semaphore, #tpu.memory_space<semaphore_mem>>)
    %rem3A_640 = arith.constant 199 : i32
    %rem3A_641 = arith.constant 4 : i32
    %rem3A_642 = arith.remsi %rem3A_640, %rem3A_641 : i32
    %mul3A_643 = arith.constant 128 : i32
    %mul3A_644 = arith.muli %rem3A_642, %mul3A_643 : i32
    %add3A_645 = arith.addi %mul3A_2, %mul3A_644 : i32
    %dma_start3A_646 = arith.constant 1 : i32
    %dma_start3A_647 = arith.constant 1 : i32
    %dma_start3A_648 = arith.constant 49 : i32
    %dma_start3A_649 = arith.constant 0 : i32
    %dma_start3A_650 = arith.constant 0 : i32
    %dma_start3A_651 = tpu.memref_slice %arg7[%dma_start3A_646, %dma_start3A_647, %dma_start3A_649, %dma_start3A_650] : memref<2x2x64x128xf32, #tpu.memory_space<vmem>> -> memref<1x1x64x128xf32, #tpu.memory_space<vmem>>
    %dma_start3A_652 = tpu.memref_squeeze %dma_start3A_651 : memref<1x1x64x128xf32, #tpu.memory_space<vmem>> -> memref<64x128xf32, #tpu.memory_space<vmem>>
    %dma_start3A_653 = arith.constant 0 : i32
    %dma_start3A_654 = tpu.memref_slice %arg4[%dma_start3A_648, %dma_start3A_653, %add3A_645] : memref<50x64x16384xf32, #tpu.memory_space<hbm>> -> memref<1x64x128xf32, #tpu.memory_space<hbm>>
    %dma_start3A_655 = tpu.memref_squeeze %dma_start3A_654 : memref<1x64x128xf32, #tpu.memory_space<hbm>> -> memref<64x128xf32, #tpu.memory_space<hbm>>
    %dma_start3A_656 = arith.constant 0 : i32
    %dma_start3A_657 = tpu.memref_slice %arg4[%dma_start3A_648, %dma_start3A_656, %add3A_645] : memref<50x64x16384xf32, #tpu.memory_space<hbm>> -> memref<1x64x128xf32, #tpu.memory_space<hbm>>
    %dma_start3A_658 = tpu.memref_squeeze %dma_start3A_657 : memref<1x64x128xf32, #tpu.memory_space<hbm>> -> memref<64x128xf32, #tpu.memory_space<hbm>>
    %dma_start3A_659 = arith.constant 0 : i32
    %dma_start3A_660 = arith.constant 0 : i32
    %dma_start3A_661 = tpu.memref_slice %arg7[%dma_start3A_646, %dma_start3A_647, %dma_start3A_659, %dma_start3A_660] : memref<2x2x64x128xf32, #tpu.memory_space<vmem>> -> memref<1x1x64x128xf32, #tpu.memory_space<vmem>>
    %dma_start3A_662 = tpu.memref_squeeze %dma_start3A_661 : memref<1x1x64x128xf32, #tpu.memory_space<vmem>> -> memref<64x128xf32, #tpu.memory_space<vmem>>
    tpu.enqueue_dma source(%dma_start3A_662 : memref<64x128xf32, #tpu.memory_space<vmem>>) target(%dma_start3A_658 : memref<64x128xf32, #tpu.memory_space<hbm>>) target_semaphore(%arg11 : memref<!tpu.dma_semaphore, #tpu.memory_space<semaphore_mem>>)
    %rem3A_663 = arith.constant 198 : i32
    %rem3A_664 = arith.constant 4 : i32
    %rem3A_665 = arith.remsi %rem3A_663, %rem3A_664 : i32
    %mul3A_666 = arith.constant 128 : i32
    %mul3A_667 = arith.muli %rem3A_665, %mul3A_666 : i32
    %add3A_668 = arith.addi %mul3A_2, %mul3A_667 : i32
    %dma_wait3A_669 = arith.constant 1 : i32
    %dma_wait3A_670 = arith.constant 0 : i32
    %dma_wait3A_671 = arith.constant 49 : i32
    %dma_wait3A_672 = arith.constant 0 : i32
    %dma_wait3A_673 = arith.constant 0 : i32
    %dma_wait3A_674 = tpu.memref_slice %arg7[%dma_wait3A_669, %dma_wait3A_670, %dma_wait3A_672, %dma_wait3A_673] : memref<2x2x64x128xf32, #tpu.memory_space<vmem>> -> memref<1x1x64x128xf32, #tpu.memory_space<vmem>>
    %dma_wait3A_675 = tpu.memref_squeeze %dma_wait3A_674 : memref<1x1x64x128xf32, #tpu.memory_space<vmem>> -> memref<64x128xf32, #tpu.memory_space<vmem>>
    %dma_wait3A_676 = arith.constant 0 : i32
    %dma_wait3A_677 = tpu.memref_slice %arg4[%dma_wait3A_671, %dma_wait3A_676, %add3A_668] : memref<50x64x16384xf32, #tpu.memory_space<hbm>> -> memref<1x64x128xf32, #tpu.memory_space<hbm>>
    %dma_wait3A_678 = tpu.memref_squeeze %dma_wait3A_677 : memref<1x64x128xf32, #tpu.memory_space<hbm>> -> memref<64x128xf32, #tpu.memory_space<hbm>>
    %dma_wait3A_679 = arith.constant 0 : i32
    %dma_wait3A_680 = tpu.memref_slice %arg4[%dma_wait3A_671, %dma_wait3A_679, %add3A_668] : memref<50x64x16384xf32, #tpu.memory_space<hbm>> -> memref<1x64x128xf32, #tpu.memory_space<hbm>>
    %dma_wait3A_681 = tpu.memref_squeeze %dma_wait3A_680 : memref<1x64x128xf32, #tpu.memory_space<hbm>> -> memref<64x128xf32, #tpu.memory_space<hbm>>
    %dma_wait3A_682 = arith.constant 0 : i32
    %dma_wait3A_683 = arith.constant 0 : i32
    %dma_wait3A_684 = tpu.memref_slice %arg7[%dma_wait3A_669, %dma_wait3A_670, %dma_wait3A_682, %dma_wait3A_683] : memref<2x2x64x128xf32, #tpu.memory_space<vmem>> -> memref<1x1x64x128xf32, #tpu.memory_space<vmem>>
    %dma_wait3A_685 = tpu.memref_squeeze %dma_wait3A_684 : memref<1x1x64x128xf32, #tpu.memory_space<vmem>> -> memref<64x128xf32, #tpu.memory_space<vmem>>
    tpu.wait_dma2 semaphore(%arg11 : memref<!tpu.dma_semaphore, #tpu.memory_space<semaphore_mem>>) src(%dma_wait3A_685 : memref<64x128xf32, #tpu.memory_space<vmem>>) dst(%dma_wait3A_681 : memref<64x128xf32, #tpu.memory_space<hbm>>)
    %rem3A_686 = arith.constant 199 : i32
    %rem3A_687 = arith.constant 4 : i32
    %rem3A_688 = arith.remsi %rem3A_686, %rem3A_687 : i32
    %mul3A_689 = arith.constant 128 : i32
    %mul3A_690 = arith.muli %rem3A_688, %mul3A_689 : i32
    %add3A_691 = arith.addi %mul3A_2, %mul3A_690 : i32
    %dma_wait3A_692 = arith.constant 1 : i32
    %dma_wait3A_693 = arith.constant 1 : i32
    %dma_wait3A_694 = arith.constant 49 : i32
    %dma_wait3A_695 = arith.constant 0 : i32
    %dma_wait3A_696 = arith.constant 0 : i32
    %dma_wait3A_697 = tpu.memref_slice %arg7[%dma_wait3A_692, %dma_wait3A_693, %dma_wait3A_695, %dma_wait3A_696] : memref<2x2x64x128xf32, #tpu.memory_space<vmem>> -> memref<1x1x64x128xf32, #tpu.memory_space<vmem>>
    %dma_wait3A_698 = tpu.memref_squeeze %dma_wait3A_697 : memref<1x1x64x128xf32, #tpu.memory_space<vmem>> -> memref<64x128xf32, #tpu.memory_space<vmem>>
    %dma_wait3A_699 = arith.constant 0 : i32
    %dma_wait3A_700 = tpu.memref_slice %arg4[%dma_wait3A_694, %dma_wait3A_699, %add3A_691] : memref<50x64x16384xf32, #tpu.memory_space<hbm>> -> memref<1x64x128xf32, #tpu.memory_space<hbm>>
    %dma_wait3A_701 = tpu.memref_squeeze %dma_wait3A_700 : memref<1x64x128xf32, #tpu.memory_space<hbm>> -> memref<64x128xf32, #tpu.memory_space<hbm>>
    %dma_wait3A_702 = arith.constant 0 : i32
    %dma_wait3A_703 = tpu.memref_slice %arg4[%dma_wait3A_694, %dma_wait3A_702, %add3A_691] : memref<50x64x16384xf32, #tpu.memory_space<hbm>> -> memref<1x64x128xf32, #tpu.memory_space<hbm>>
    %dma_wait3A_704 = tpu.memref_squeeze %dma_wait3A_703 : memref<1x64x128xf32, #tpu.memory_space<hbm>> -> memref<64x128xf32, #tpu.memory_space<hbm>>
    %dma_wait3A_705 = arith.constant 0 : i32
    %dma_wait3A_706 = arith.constant 0 : i32
    %dma_wait3A_707 = tpu.memref_slice %arg7[%dma_wait3A_692, %dma_wait3A_693, %dma_wait3A_705, %dma_wait3A_706] : memref<2x2x64x128xf32, #tpu.memory_space<vmem>> -> memref<1x1x64x128xf32, #tpu.memory_space<vmem>>
    %dma_wait3A_708 = tpu.memref_squeeze %dma_wait3A_707 : memref<1x1x64x128xf32, #tpu.memory_space<vmem>> -> memref<64x128xf32, #tpu.memory_space<vmem>>
    tpu.wait_dma2 semaphore(%arg11 : memref<!tpu.dma_semaphore, #tpu.memory_space<semaphore_mem>>) src(%dma_wait3A_708 : memref<64x128xf32, #tpu.memory_space<vmem>>) dst(%dma_wait3A_704 : memref<64x128xf32, #tpu.memory_space<hbm>>)
    return
  }
}

</mosaic_0001>

<sc_bundles>
// kernel: kernel.3.cloned.1.call-start
scs
__scs_entry_jumppad:
0x0: {  	(pc) =	sbr.rel $0x88, $3  }
0x1: {  	(tag) =	ssettag $0x0;
	lr =	simm.s32 $0x1  }
0x2: {  	[smem:$0x3F9F] =	sst lr;
	_ =	strace $0xD0000000  }
0x3: {  	_ = 	snop  }
0x4: {  	_ = 	snop  }
0x5: {  	_ = 	snop  }
0x6: {  	_ = 	snop  }
0x7: {  	_ = 	snop  }
__scs_overlays_trampoline_lowered:
0x8: {  	[smem:$0x3FAE] =	sst s0  }
0x9: {  	[smem:$0x3FAF] =	sst s1  }
0xa: {  	[smem:$0x3FB0] =	sst s2  }
0xb: {  	[smem:$0x3FB1] =	sst s3  }
0xc: {  	[smem:$0x3FB2] =	sst s4  }
0xd: {  	[smem:$0x3FB3] =	sst s5  }
0xe: {  	[smem:$0x3FB4] =	sst s6  }
0xf: {  	[smem:$0x3FB5] =	sst s7  }
0x10: {  	[smem:$0x3FB6] =	sst s8  }
0x11: {  	[smem:$0x3FB7] =	sst s9;
	s0 =	simm.s32 @!p0 $0x0  }
0x12: {  	s1 =	sld [smem:$0x3F9D];
	s0 =	simm.s32 @p0 $0x1  }
0x13: {  	[smem:$0x3FB8] =	sst s0;
	s0 =	simm.s32 @!p1 $0x0  }
0x14: {  	s2 =	sld [smem:$0x3F9C];
	s0 =	simm.s32 @p1 $0x1  }
0x15: {  	[smem:$0x3FB9] =	sst s0;
	s0 =	simm.s32 @!p2 $0x0  }
0x16: {  	s3 =	sld [smem:$0x3FDB];
	s0 =	simm.s32 @p2 $0x1  }
0x17: {  	s4 =	simm.s32 $0x1BF5;
	[smem:$0x3FBB] =	sst s0  }
0x18: {  	s0 =	sld [smem:$0x3F9E];
	_ =	swait.ge [sflag:s4], $0x0  }
0x19: {  	s7 =	sld [smem:$0x3F9F]  }
0x1a: {  	s8 =	sadd.s32 $0xFFFFE003, lr  }
0x1b: {  	s9 =	sadd.s32 $0xFFFFFEF7, lr;
	s5 =	simm.s32 $0xFFFFFFFF;
	p2 =	slt.u32 s8, $0xFFFFF086  }
0x1c: {  	p1 =	slt.u32 s9, $0xF7A;
	s5 =	simm.s32 @!p2 $0x0  }
0x1d: {  	s5 =	simm.s32 @p1 $0x1;
	p0 =	seq.s32 s7, s2  }
0x1e: {  	s7 =	smul.u32 @!p0 $0xF7A, s2;
	p2 =	seq.s32 @!p0 s5, $0x0  }
0x1f: {  	s9 =	smul.u32 $0xF7A, s1;
	s8 =	simm.s32 @!p0 $0x1BF5;
	p2 =	por !p2, p0  }
0x20: {  	[sflag:s8] =	ssyncset.s32 @!p0 $0xFFFFF086;
	s6 =	sadd.s32 @!p0 s3, s7;
	s7 =	simm.s32 @!p0 $0x108  }
0x21: {  	s3 =	sadd.s32 s3, s9;
	s6 =	sadd.s32 @!p0 $0x88, s6;
	s7 =	simm.s32 @p2 $0x1082  }
0x22: {  	[simem:s7], [sflag:s8] =	dma.local @!p0 [hbm:s6], $0xF7A  }
0x23: {  	s9 =	sor.u32 $0xD0000000, s2;
	s6 =	simm.s32 $0x108;
	_ =	swait.ge @!p0 [sflag:s8], $0x0  }
0x24: {  	s3 =	sadd.s32 $0x88, s3;
	s6 =	simm.s32 @!p1 $0x1082;
	[sflag:s4] =	ssyncset.s32 $0xFFFFF086  }
0x25: {  	[simem:s6], [sflag:s4] =	dma.local [hbm:s3], $0xF7A  }
0x26: {  	[smem:$0x3F9F] =	sst s1;
	(tag) =	ssettag s2;
	_ =	strace s9  }
0x27: {  	s1 =	sld [smem:$0x3FAF]  }
0x28: {  	s2 =	sld [smem:$0x3FB0]  }
0x29: {  	s4 =	sld [smem:$0x3FB2]  }
0x2a: {  	p0 =	seq.s32 s5, $0x0;
	s5 =	sld [smem:$0x3FB3]  }
0x2b: {  	s6 =	sld [smem:$0x3FB4]  }
0x2c: {  	s7 =	sld [smem:$0x3FB5]  }
0x2d: {  	s3 =	simm.s32 $0x108;
	s8 =	sld [smem:$0x3FB6]  }
0x2e: {  	s3 =	simm.s32 @!p0 $0x1082;
	s9 =	sld [smem:$0x3FB7]  }
0x2f: {  	lr =	sadd.s32 s0, s3;
	s0 =	sld [smem:$0x3FAE]  }
0x30: {  	s3 =	sld [smem:$0x3FB1]  }
0x31: {  	[smem:$0x3FBA] =	sst s10  }
0x32: {  	s10 =	sld [smem:$0x3FB8];
	_ =	sdelay $0x3  }
0x33: {  	p0 =	seq.s32 s10, $0x1;
	s10 =	sld [smem:$0x3FBA];
	_ =	sdelay $0x3  }
0x34: {  	[smem:$0x3FBA] =	sst s10  }
0x35: {  	s10 =	sld [smem:$0x3FB9];
	_ =	sdelay $0x3  }
0x36: {  	p1 =	seq.s32 s10, $0x1;
	s10 =	sld [smem:$0x3FBA];
	_ =	sdelay $0x3  }
0x37: {  	[smem:$0x3FBA] =	sst s10  }
0x38: {  	s10 =	sld [smem:$0x3FBB]  }
0x39: {  	_ = 	snop;
	(pc) =	sbr.ind lr, $3  }
0x3a: {  	_ = 	snop  }
0x3b: {  	_ = 	snop  }
0x3c: {  	p2 =	seq.s32 s10, $0x1;
	s10 =	sld [smem:$0x3FBA]  }
0x3d: {  	_ =	shalt  }
0x3e: {  	_ =	shalt  }
0x3f: {  	_ =	shalt  }
0x40: {  	_ =	shalt  }
0x41: {  	_ =	shalt  }
0x42: {  	_ =	shalt  }
0x43: {  	_ =	shalt  }
0x44: {  	_ =	shalt  }
0x45: {  	_ =	shalt  }
0x46: {  	_ =	shalt  }
0x47: {  	_ =	shalt  }
0x48: {  	_ =	shalt  }
0x49: {  	_ =	shalt  }
0x4a: {  	_ =	shalt  }
0x4b: {  	_ =	shalt  }
0x4c: {  	_ =	shalt  }
0x4d: {  	_ =	shalt  }
0x4e: {  	_ =	shalt  }
0x4f: {  	_ =	shalt  }
0x50: {  	_ =	shalt  }
0x51: {  	_ =	shalt  }
0x52: {  	_ =	shalt  }
0x53: {  	_ =	shalt  }
0x54: {  	_ =	shalt  }
0x55: {  	_ =	shalt  }
0x56: {  	_ =	shalt  }
0x57: {  	_ =	shalt  }
0x58: {  	_ =	shalt  }
0x59: {  	_ =	shalt  }
0x5a: {  	_ =	shalt  }
0x5b: {  	_ =	shalt  }
0x5c: {  	_ =	shalt  }
0x5d: {  	_ =	shalt  }
0x5e: {  	_ =	shalt  }
0x5f: {  	_ =	shalt  }
0x60: {  	_ =	shalt  }
0x61: {  	_ =	shalt  }
0x62: {  	_ =	shalt  }
0x63: {  	_ =	shalt  }
0x64: {  	_ =	shalt  }
0x65: {  	_ =	shalt  }
0x66: {  	_ =	shalt  }
0x67: {  	_ =	shalt  }
0x68: {  	_ =	shalt  }
0x69: {  	_ =	shalt  }
0x6a: {  	_ =	shalt  }
0x6b: {  	_ =	shalt  }
0x6c: {  	_ =	shalt  }
0x6d: {  	_ =	shalt  }
0x6e: {  	_ =	shalt  }
0x6f: {  	_ =	shalt  }
0x70: {  	_ =	shalt  }
0x71: {  	_ =	shalt  }
0x72: {  	_ =	shalt  }
0x73: {  	_ =	shalt  }
0x74: {  	_ =	shalt  }
0x75: {  	_ =	shalt  }
0x76: {  	_ =	shalt  }
0x77: {  	_ =	shalt  }
0x78: {  	_ =	shalt  }
0x79: {  	_ =	shalt  }
0x7a: {  	_ =	shalt  }
0x7b: {  	_ =	shalt  }
0x7c: {  	_ =	shalt  }
0x7d: {  	_ =	shalt  }
0x7e: {  	_ =	shalt  }
0x7f: {  	_ =	shalt  }
0x80: {  	_ =	shalt  }
0x81: {  	_ =	shalt  }
0x82: {  	_ =	shalt  }
0x83: {  	_ =	shalt  }
0x84: {  	_ =	shalt  }
0x85: {  	_ =	shalt  }
0x86: {  	_ =	shalt  }
0x87: {  	_ =	shalt  }
.Lfunc_end0:
.L_simem_size_0:
called_computation_lowered:
.L_overlay_start_0:
0x88: {  	s2 =	sld [smem:$0x3FD9]  }
0x89: {  	s3 =	sld [smem:$0x3FFE];
	_ =	sdelay $0x1  }
0x8a: {  	s1 =	srdreg.scid  }
0x8b: {  	s0 =	sand.u32 $0x1, s1  }
0x8c: {  	s17 =	sshll.u32 s0, $0xA;
	s2 =	sadd.s32 s3, s2  }
0x8d: {  	s2 =	sadd.s32 s2, s17  }
0x8e: {  	[smem:$0x3FC6] =	sst s2  }
0x8f: {  	_ = 	snop  }
0x90: {  	s2 =	sld [smem:$0x3FC9]  }
0x91: {  	s18 =	sld [smem:$0x3FD0];
	(tm) =	ssettm $0x1  }
0x92: {  	s4 =	sld [smem:$0x3FFB];
	_ =	sdelay $0x3  }
0x93: {  	_ =	strace s4  }
0x94: {  	s4 =	sld [smem:$0x3FFC];
	_ =	sdelay $0x3  }
0x95: {  	_ =	strace s4  }
0x96: {  	s4 =	sld [smem:$0x3FFD];
	_ =	sdelay $0x3  }
0x97: {  	_ =	strace s4  }
0x98: {  	_ =	strace $0x8FFFFFFF  }
0x99: {  	s19 =	sld [smem:$0x3FDB];
	_ =	sdelay $0x1  }
0x9a: {  	s5 =	simm.s32 $_scs_section_size  }
0x9b: {  	s6 =	simm.s32 $_size__tile_overlayer_lowered;
	s7 =	simm.s32 $_tile_overlayer_lowered  }
0x9c: {  	s22 =	simm.s32 $0x1BFF;
	s21 =	sshll.u32 s7, $0x1;
	s4 =	sadd.s32 s5, s19  }
0x9d: {  	s8 =	simm.s32 $0x0;
	s20 =	sshll.u32 s6, $0x1;
	s6 =	sadd.s32 s21, s4  }
0x9e: {  	[timem:s8], [sflag:s22] =	dma.local [hbm:s6], s20  }
0x9f: {  	_ =	swait.ge [sflag:s22], s20  }
0xa0: {  	s5 =	ssub.s32 $0x0, s20;
	[sflag:s22] =	ssyncset.done $0x0  }
0xa1: {  	[sflag:s22] =	ssyncadd.s32 s5;
	_ =	sdelay $0x1  }
0xa2: {  	s23 =	simm.s32 $0x1B8B  }
0xa3: {  	_ =	swait.ge [sflag:s23], $0x1  }
0xa4: {  	[sflag:s23] =	ssyncset.done $0x0  }
0xa5: {  	s25 =	simm.s32 $0x1B8E;
	s24 =	sld [smem:$0x3FFE];
	[sflag:s23] =	ssyncadd.s32 $0xFFFFFFFF  }
0xa6: {  	s26 =	simm.s32 $execute0_lowered;
	[smem:$0x3FD2] =	sst s25  }
0xa7: {  	s6 =	sshll.u32 s26, $0x1;
	_ =	strace $0x80000046;
	[dreg:$0x1] =	wrdreg $0xFFFFFFFF  }
0xa8: {  	s28 =	simm.s32 $_size_execute0_lowered;
	s4 =	sadd.s32 s4, s6;
	[dreg:$0x0] =	wrdreg $0x0  }
0xa9: {  	s6 =	sshll.u32 s28, $0x1;
	[dreg:$0x2] =	wrdreg s4  }
0xaa: {  	[dreg:$0x3] =	wrdreg s6  }
0xab: {  	[dreg:$0x4] =	wrdreg $0xC0  }
0xac: {  	_ =	task [dreg:s8], $0x5FFFF  }
0xad: {  	[dreg:$0x1] =	wrdreg $0xFFFFFFFF  }
0xae: {  	[dreg:$0x0] =	wrdreg $0x60  }
0xaf: {  	[dreg:$0x2] =	wrdreg s2  }
0xb0: {  	[dreg:$0x3] =	wrdreg s24  }
0xb1: {  	[dreg:$0x4] =	wrdreg s18  }
0xb2: {  	[dreg:$0x5] =	wrdreg $0x9  }
0xb3: {  	_ =	task.clear_ibuf [dreg:s8], $0x6FFFF;
	_ =	strace $0x90000046  }
0xb4: {  	s29 =	simm.s32 $0x9;
	_ =	strace $0x80000048  }
0xb5: {  	_ =	swait.ge [sflag:s29], $0x1  }
0xb6: {  	[sflag:s29] =	ssyncadd.s32 $0xFFFFFFFF  }
0xb7: {  	_ =	strace $0x90000048  }
0xb8: {  	_ =	sfence  }
0xb9: {  	s30 =	sld [smem:$0x0];
	_ =	sdelay $0x2  }
0xba: {  	s31 =	sshll.u32 s1, $0xD;
	s1 =	sshrl.u32 s1, $0x2  }
0xbb: {  	s3 =	sand.u32 $0x4000, s31;
	s1 =	sadd.s32 s1, s30  }
0xbc: {  	s0 =	sor.u32 s3, s0;
	s1 =	sshll.u32 s1, $0x11  }
0xbd: {  	s0 =	sor.u32 s1, s0  }
0xbe: {  	s0 =	sadd.s32 $0x8F2B, s0  }
0xbf: {  	[sflag:s0] =	ssyncadd.remote.s32 $0x1  }
0xc0: {  	_ =	sfence.sel $0xFFFF  }
0xc1: {  	[dreg:$0x0] =	wrdreg $0xFFFFFFFF;
	(pc) =	sbr.abs _section_cstart, $3  }
0xc2: {  	[dreg:$0x1] =	wrdreg $0xFFFFFFFF  }
0xc3: {  	_ =	task.clear_ibuf [dreg:s8], $0x2FFFF;
	_ =	strace $0x9FFFFFFF  }
0xc4: {  	(tm) =	ssettm $0x7FFFFFFF  }
0xc5: {  	_ =	shalt  }
tec
execute0_lowered:
.L_overlay_start_1:
0x0: {  	(tag) =	ssettag $0x1  }
0x1: {  	s0 =	rddreg [dreg:$0x0]  }
0x2: {  	s1 =	rddreg [dreg:$0x1]  }
0x3: {  	s2 =	rddreg [dreg:$0x2]  }
0x4: {  	s3 =	srdreg.scid;
	s4 =	stileid.u32;
	s6 =	simm.s32 $0x0  }
0x5: {  	s29 =	simm.s32 $0x80;
	s28 =	simm.s32 $0x3;
	s3 =	sand.u32 $0x1, s3  }
0x6: {  	s4 =	sshll.u32 s4, $0xA;
	[smem:$0x7FF] =	sst s6;
	s5 =	sshll.u32 s3, $0x9  }
0x7: {  	s3 =	ssub.s32 $0x2, s3;
	_ =	strace $0x80000047;
	s5 =	sor.u32 s5, s4  }
0x8: {  	s17 =	sshrl.u32 s3, $0x1;
	s4 =	sadd.s32 $0xF42800, s1;
	s1 =	simm.s32 $0x13000  }
0x9: {  	s7 =	sadd.s32 s0, s5;
	s18 =	ssub.s32 s3, s17;
	s20 =	sor.u32 $0x80, s5  }
0xa: {  	s21 =	sor.u32 $0x100, s5;
	[dreg:$0x4] =	wrdreg s7;
	s19 =	sadd.s32 $0x18000, s7  }
0xb: {  	s22 =	sor.u32 $0x180, s5;
	s8 =	sadd.s32 s0, s20;
	[dreg:$0x5] =	wrdreg s19  }
0xc: {  	s9 =	sadd.s32 s2, s5;
	s23 =	sadd.s32 s0, s21;
	[dreg:$0x6] =	wrdreg s8  }
0xd: {  	s5 =	simm.s32 $0x4;
	s0 =	sadd.s32 s0, s22;
	[dreg:$0x7] =	wrdreg s23  }
0xe: {  	s3 =	simm.s32 $0x0;
	s24 =	sadd.s32 $0x620000, s9;
	[dreg:$0x8] =	wrdreg s0  }
0xf: {  	s10 =	sadd.s32 s2, s20;
	s25 =	sadd.s32 $0x620080, s9;
	[dreg:$0x9] =	wrdreg s24  }
0x10: {  	s11 =	sadd.s32 s2, s21;
	s26 =	sadd.s32 $0x620100, s9;
	[dreg:$0xa] =	wrdreg s25  }
0x11: {  	s12 =	sadd.s32 s2, s22;
	s30 =	sadd.s32 $0x620180, s9;
	[dreg:$0xb] =	wrdreg s26  }
0x12: {  	v0 =	vlaneseq.u32;
	s31 =	smax.u32 s18, $0x1;
	s18 =	simm.s32 $0x400;
	[dreg:$0xc] =	wrdreg s30  }
0x13: {  	v0 =	vmul.u32 $0x80, v0;
	s20 =	simm.s32 $0x1;
	s22 =	simm.s32 $0x2;
	[dreg:$0xd] =	wrdreg s31  }
0x14: {  	s19 =	simm.s32 $0x20000;
	s0 =	simm.s32 $0xF000;
	s23 =	simm.s32 $0x17000  }
0x15: {  	v1 =	vor.u32 $0x800, v0;
	v2 =	vor.u32 $0x1000, v0;
	v3 =	vor.u32 $0x1800, v0;
	s25 =	simm.s32 $0x19000;
	s24 =	simm.s32 $0x1B000;
	s26 =	simm.s32 $0x1D000  }
.LBB2_1:
0x16: {  	[dreg:$0xe] =	wrdreg s3  }
0x17: {  	s3 =	simm.s32 $0x0;
	s2 =	rddreg [dreg:$0x4]  }
0x18: {  	[tilespmem:s3], [sflag:$0x5] =	stream.strided.gather [hbm4b:s2+s18], $0x1800, s19, s18, $0x38;
	[tilespmem:$0x1F000] =	vst v63  }
0x19: {  	s30 =	rddreg [dreg:$0x5];
	s6 =	simm.s32 $0x1800;
	s31 =	simm.s32 $0x5  }
0x1a: {  	[tilespmem:s6], [sflag:$0x5] =	stream.linear.gather [hbm4b:s30+s3], $0x100, $0x38;
	[tilespmem:$0x1F000] =	vst v63  }
0x1b: {  	_ =	swait.ge [sflag:s31], $0x1900  }
0x1c: {  	[sflag:s31] =	ssyncset.done $0x0  }
0x1d: {  	s7 =	simm.s32 $0x1C00;
	s15 =	rddreg [dreg:$0x6];
	[sflag:s31] =	ssyncadd.s32 $0xFFFFE700  }
0x1e: {  	[tilespmem:s7], [sflag:$0x5] =	stream.strided.gather [hbm4b:s15+s18], $0x1800, s19, s18, $0x38;
	[tilespmem:$0x1F000] =	vst v63  }
0x1f: {  	s8 =	simm.s32 $0x3400;
	s2 =	sadd.s32 $0x18000, s15  }
0x20: {  	[tilespmem:s8], [sflag:$0x5] =	stream.linear.gather [hbm4b:s2+s3], $0x100, $0x38;
	[tilespmem:$0x1F000] =	vst v63  }
0x21: {  	_ =	swait.ge [sflag:s31], $0x1900  }
0x22: {  	[sflag:s31] =	ssyncset.done $0x0  }
0x23: {  	s17 =	simm.s32 $0x3800;
	s16 =	rddreg [dreg:$0x7];
	[sflag:s31] =	ssyncadd.s32 $0xFFFFE700  }
0x24: {  	[tilespmem:s17], [sflag:$0x5] =	stream.strided.gather [hbm4b:s16+s18], $0x1800, s19, s18, $0x38;
	[tilespmem:$0x1F000] =	vst v63  }
0x25: {  	s13 =	simm.s32 $0x5000;
	s2 =	sadd.s32 $0x18000, s16  }
0x26: {  	[tilespmem:s13], [sflag:$0x5] =	stream.linear.gather [hbm4b:s2+s3], $0x100, $0x38;
	[tilespmem:$0x1F000] =	vst v63  }
0x27: {  	_ =	swait.ge [sflag:s31], $0x1900  }
0x28: {  	[sflag:s31] =	ssyncset.done $0x0  }
0x29: {  	s30 =	simm.s32 $0x5400;
	s21 =	rddreg [dreg:$0x8];
	[sflag:s31] =	ssyncadd.s32 $0xFFFFE700  }
0x2a: {  	[tilespmem:s30], [sflag:$0x5] =	stream.strided.gather [hbm4b:s21+s18], $0x1800, s19, s18, $0x38;
	[tilespmem:$0x1F000] =	vst v63  }
0x2b: {  	s14 =	simm.s32 $0x6C00;
	s2 =	sadd.s32 $0x18000, s21  }
0x2c: {  	[tilespmem:s14], [sflag:$0x5] =	stream.linear.gather [hbm4b:s2+s3], $0x100, $0x38;
	[tilespmem:$0x1F000] =	vst v63  }
0x2d: {  	_ =	swait.ge [sflag:s31], $0x1900  }
0x2e: {  	[sflag:s31] =	ssyncset.done $0x0  }
0x2f: {  	[sflag:s31] =	ssyncadd.s32 $0xFFFFE700;
	s31 =	simm.s32 $0x7000  }
0x30: {  	[tilespmem:s31], [sflag:$0x1] =	stream.indirect.gather [hbm4b:s4+s29], $0x80, s3, s29, $0xb8;
	[tilespmem:$0x1F000] =	vst v63  }
0x31: {  	s6 =	simm.s32 $0xB000  }
0x32: {  	[tilespmem:s6], [sflag:$0x1] =	stream.indirect.gather [hbm4b:s4+s29], $0x80, s7, s29, $0xb8;
	[tilespmem:$0x1F000] =	vst v63  }
0x33: {  	_ = 	snop  }
0x34: {  	[tilespmem:s0], [sflag:$0x2] =	stream.indirect.gather [hbm4b:s4+s29], $0x80, s17, s29, $0xb8;
	[tilespmem:$0x1F000] =	vst v63  }
0x35: {  	_ = 	snop  }
0x36: {  	[tilespmem:s1], [sflag:$0x2] =	stream.indirect.gather [hbm4b:s4+s29], $0x80, s30, s29, $0xb8;
	[tilespmem:$0x1F000] =	vst v63  }
0x37: {  	_ =	swait.ge [sflag:s20], $0x4000  }
0x38: {  	s13 =	simm.s32 $0x7;
	[sflag:s20] =	ssyncset.done $0x0  }
0x39: {  	v5 =	vmov s13;
	[sflag:s20] =	ssyncadd.s32 $0xFFFFC000  }
0x3a: {  	v4 =	vmov s3;
	v5 =	vand.u32 $0x7F, v5;
	s14 =	simm.s32 $0x1;
	_ =	swait.ge [sflag:s20], $0x4000  }
0x3b: {  	v4 =	vand.u32 $0x78, v4;
	s15 =	simm.s32 $0x2;
	v9 =	vbroadcast v5, $0x0;
	v6 =	vmov s14;
	[sflag:s20] =	ssyncset.done $0x0  }
0x3c: {  	v4 =	vbroadcast v4, $0x0;
	v7 =	vmov s15;
	v6 =	vand.u32 $0x79, v6;
	s3 =	simm.s32 $0x7200;
	[sflag:s20] =	ssyncadd.s32 $0xFFFFC000  }
0x3d: {  	s16 =	simm.s32 $0x3;
	v12 =	vor.u32 v0, v9;
	v11 =	vbroadcast v6, $0x0;
	v6 =	vand.u32 $0x7A, v7;
	v10 =	vld [tilespmem:s3+$0x180]  }
0x3e: {  	v14 =	vor.u32 v0, v4;
	v8 =	vmov s16;
	v17 =	vbroadcast v6, $0x0;
	s17 =	simm.s32 $0x4;
	v13 =	vld [tilespmem:s3+$0xFFFFFE00]  }
0x3f: {  	s21 =	simm.s32 $0x5;
	v6 =	vand.u32 $0x7B, v8;
	v15 =	vor.u32 v0, v11;
	v5 =	vmov s17;
	v8 =	vld [tilespmem:s3+$0xFFFFFE80]  }
0x40: {  	v20 =	vbroadcast v6, $0x0;
	v6 =	vmov s21;
	v5 =	vand.u32 $0x7C, v5  }
0x41: {  	v18 =	vor.u32 v0, v17;
	v6 =	vand.u32 $0x7D, v6;
	s30 =	simm.s32 $0x6;
	v5 =	vbroadcast v5, $0x0;
	v16 =	vld [tilespmem:s3+$0xFFFFFF00]  }
0x42: {  	v21 =	vor.u32 v0, v20;
	v7 =	vbroadcast v6, $0x0;
	v22 =	vmov s30;
	v19 =	vld [tilespmem:s3+$0xFFFFFF80];
	[tilespmem:v12+s23+$0x0] =	vst.idx.msk $0xffff, v10  }
0x43: {  	v6 =	vand.u32 $0x7E, v22;
	v24 =	vor.u32 v0, v5;
	v23 =	vld [tilespmem:s3+$0x0];
	[tilespmem:v14+s23+$0x0] =	vst.idx.msk $0xffff, v13  }
0x44: {  	v6 =	vbroadcast v6, $0x0;
	[tilespmem:v15+s23+$0x0] =	vst.idx.msk $0xffff, v8;
	v8 =	vld [tilespmem:s3+$0x80];
	v13 =	vor.u32 v0, v7  }
0x45: {  	v12 =	vor.u32 v1, v9;
	v10 =	vld [tilespmem:s3+$0x190]  }
0x46: {  	[tilespmem:v18+s23+$0x0] =	vst.idx.msk $0xffff, v16;
	v14 =	vld [tilespmem:s3+$0x100];
	v15 =	vor.u32 v0, v6  }
0x47: {  	v18 =	vor.u32 v1, v11;
	[tilespmem:v21+s23+$0x0] =	vst.idx.msk $0xffff, v19;
	v16 =	vld [tilespmem:s3+$0xFFFFFE90]  }
0x48: {  	v54 =	vor.u32 v1, v17;
	[tilespmem:v24+s23+$0x0] =	vst.idx.msk $0xffff, v23;
	v19 =	vld [tilespmem:s3+$0xFFFFFF10]  }
0x49: {  	v56 =	vor.u32 v1, v20;
	v55 =	vld [tilespmem:s3+$0xFFFFFF90];
	[tilespmem:v13+s23+$0x0] =	vst.idx.msk $0xffff, v8  }
0x4a: {  	v13 =	vor.u32 v1, v5;
	[tilespmem:v12+s23+$0x0] =	vst.idx.msk $0xffff, v10;
	v12 =	vld [tilespmem:s3+$0x10]  }
0x4b: {  	[tilespmem:v15+s23+$0x0] =	vst.idx.msk $0xffff, v14;
	v15 =	vor.u32 v1, v7;
	v14 =	vld [tilespmem:s3+$0x90]  }
0x4c: {  	v10 =	vor.u32 v2, v9;
	[tilespmem:v18+s23+$0x0] =	vst.idx.msk $0xffff, v16;
	v8 =	vld [tilespmem:s3+$0x1A0]  }
0x4d: {  	v57 =	vor.u32 v1, v4;
	[tilespmem:v54+s23+$0x0] =	vst.idx.msk $0xffff, v19;
	v19 =	vld [tilespmem:s3+$0xFFFFFE10]  }
0x4e: {  	v16 =	vld [tilespmem:s3+$0x110];
	v18 =	vor.u32 v1, v6;
	[tilespmem:v56+s23+$0x0] =	vst.idx.msk $0xffff, v55  }
0x4f: {  	v59 =	vor.u32 v2, v11;
	v58 =	vld [tilespmem:s3+$0xFFFFFEA0];
	[tilespmem:v13+s23+$0x0] =	vst.idx.msk $0xffff, v12  }
0x50: {  	v60 =	vor.u32 v2, v20;
	[tilespmem:v15+s23+$0x0] =	vst.idx.msk $0xffff, v14;
	v14 =	vld [tilespmem:s3+$0xFFFFFFA0]  }
0x51: {  	v13 =	vor.u32 v2, v17;
	[tilespmem:v10+s23+$0x0] =	vst.idx.msk $0xffff, v8;
	v10 =	vld [tilespmem:s3+$0xFFFFFF20]  }
0x52: {  	v61 =	vor.u32 v2, v5;
	[tilespmem:v57+s23+$0x0] =	vst.idx.msk $0xffff, v19;
	v19 =	vld [tilespmem:s3+$0x20]  }
0x53: {  	v9 =	vor.u32 v3, v9;
	[tilespmem:v18+s23+$0x0] =	vst.idx.msk $0xffff, v16;
	v8 =	vld [tilespmem:s3+$0x1B0]  }
0x54: {  	v63 =	vor.u32 v2, v7;
	[tilespmem:v59+s23+$0x0] =	vst.idx.msk $0xffff, v58;
	v62 =	vld [tilespmem:s3+$0xA0]  }
0x55: {  	v18 =	vor.u32 v2, v6;
	v15 =	vld [tilespmem:s3+$0x120];
	[tilespmem:v60+s23+$0x0] =	vst.idx.msk $0xffff, v14  }
0x56: {  	v16 =	vor.u32 v2, v4;
	v12 =	vld [tilespmem:s3+$0xFFFFFE20];
	[tilespmem:v13+s23+$0x0] =	vst.idx.msk $0xffff, v10  }
0x57: {  	s2 =	simm.s32 $0x8;
	v14 =	vor.u32 v3, v11;
	v10 =	vld [tilespmem:s3+$0xFFFFFEB0];
	[tilespmem:v61+s23+$0x0] =	vst.idx.msk $0xffff, v19  }
0x58: {  	s31 =	simm.s32 $0x9;
	v11 =	vmov s2;
	[tilespmem:v9+s23+$0x0] =	vst.idx.msk $0xffff, v8;
	v8 =	vld [tilespmem:s3+$0xFFFFFF30];
	v9 =	vor.u32 v3, v17  }
0x59: {  	s8 =	simm.s32 $0xA;
	s7 =	simm.s32 $0xF;
	s6 =	simm.s32 $0x10;
	v19 =	vmov s31;
	v13 =	vor.u32 v3, v20;
	[tilespmem:v63+s23+$0x0] =	vst.idx.msk $0xffff, v62;
	v17 =	vand.u32 $0x78, v11;
	v11 =	vld [tilespmem:s3+$0xFFFFFFB0]  }
.LBB2_2:
0x5a: {  	p0 =	slt.u32 s6, $0x78;
	v20 =	vmov s8;
	s8 =	sadd.s32 $0x3, s2;
	v21 =	vmov s7;
	v22 =	vld [tilespmem:s3+$0x30];
	v5 =	vor.u32 v3, v5;
	[tilespmem:v18+s23+$0x0] =	vst.idx.msk $0xffff, v15  }
0x5b: {  	s7 =	sadd.s32 $0x4, s2;
	v7 =	vor.u32 v3, v7;
	v15 =	vmov s8;
	v18 =	vand.u32 $0x7F, v21;
	[tilespmem:v16+s23+$0x0] =	vst.idx.msk $0xffff, v12;
	v12 =	vld [tilespmem:s3+$0xB0]  }
0x5c: {  	v6 =	vor.u32 v3, v6;
	v16 =	vmov s7;
	v18 =	vbroadcast v18, $0x0;
	[tilespmem:v14+s23+$0x0] =	vst.idx.msk $0xffff, v10;
	v10 =	vld [tilespmem:s3+$0x130]  }
0x5d: {  	v21 =	vor.u32 v3, v4;
	v4 =	vbroadcast v17, $0x0;
	v14 =	vand.u32 $0x79, v19;
	v19 =	vld [tilespmem:s3+$0xFFFFFE30];
	[tilespmem:v9+s23+$0x0] =	vst.idx.msk $0xffff, v8;
	s3 =	sadd.s32 $0x400, s3  }
0x5e: {  	v8 =	vbroadcast v14, $0x0;
	v9 =	vand.u32 $0x7A, v20;
	v14 =	vld [tilespmem:s3+$0x180];
	v17 =	vor.u32 v0, v18;
	[tilespmem:v13+s23+$0x0] =	vst.idx.msk $0xffff, v11  }
0x5f: {  	v15 =	vand.u32 $0x7B, v15;
	v13 =	vor.u32 v0, v4;
	v9 =	vbroadcast v9, $0x0;
	v11 =	vld [tilespmem:s3+$0xFFFFFE00];
	[tilespmem:v5+s23+$0x0] =	vst.idx.msk $0xffff, v22  }
0x60: {  	s7 =	sadd.s32 $0x5, s2;
	v23 =	vbroadcast v15, $0x0;
	v22 =	vor.u32 v0, v8;
	v5 =	vand.u32 $0x7C, v16;
	v20 =	vld [tilespmem:s3+$0xFFFFFE80];
	[tilespmem:v7+s23+$0x0] =	vst.idx.msk $0xffff, v12  }
0x61: {  	v15 =	vor.u32 v0, v9;
	v5 =	vbroadcast v5, $0x0;
	v7 =	vmov s7;
	s7 =	sadd.s32 $0x6, s2;
	s2 =	smov.u32 s6;
	v12 =	vld [tilespmem:s3+$0xFFFFFF00];
	[tilespmem:v6+s23+$0x0] =	vst.idx.msk $0xffff, v10  }
0x62: {  	v16 =	vor.u32 v0, v23;
	v6 =	vand.u32 $0x7D, v7;
	v24 =	vmov s7;
	v10 =	vld [tilespmem:s3+$0xFFFFFF80];
	[tilespmem:v21+s23+$0x0] =	vst.idx.msk $0xffff, v19  }
0x63: {  	v21 =	vor.u32 v0, v5;
	v7 =	vbroadcast v6, $0x0;
	v6 =	vand.u32 $0x7E, v24;
	v19 =	vld [tilespmem:s3+$0x0];
	[tilespmem:v17+s23+$0x0] =	vst.idx.msk $0xffff, v14  }
0x64: {  	v6 =	vbroadcast v6, $0x0;
	[tilespmem:v13+s23+$0x0] =	vst.idx.msk $0xffff, v11;
	v11 =	vld [tilespmem:s3+$0x190];
	v13 =	vor.u32 v1, v18  }
0x65: {  	v17 =	vor.u32 v0, v7;
	[tilespmem:v22+s23+$0x0] =	vst.idx.msk $0xffff, v20;
	v14 =	vld [tilespmem:s3+$0x80]  }
0x66: {  	[tilespmem:v15+s23+$0x0] =	vst.idx.msk $0xffff, v12;
	v12 =	vld [tilespmem:s3+$0x100];
	v15 =	vor.u32 v0, v6  }
0x67: {  	v22 =	vor.u32 v1, v8;
	v20 =	vld [tilespmem:s3+$0xFFFFFE90];
	[tilespmem:v16+s23+$0x0] =	vst.idx.msk $0xffff, v10  }
0x68: {  	v16 =	vor.u32 v1, v9;
	v10 =	vld [tilespmem:s3+$0xFFFFFF10];
	[tilespmem:v21+s23+$0x0] =	vst.idx.msk $0xffff, v19  }
0x69: {  	v21 =	vor.u32 v1, v23;
	v19 =	vld [tilespmem:s3+$0xFFFFFF90];
	[tilespmem:v13+s23+$0x0] =	vst.idx.msk $0xffff, v11  }
0x6a: {  	v13 =	vor.u32 v2, v18;
	[tilespmem:v17+s23+$0x0] =	vst.idx.msk $0xffff, v14;
	v11 =	vld [tilespmem:s3+$0x1A0]  }
0x6b: {  	v17 =	vor.u32 v1, v5;
	v14 =	vld [tilespmem:s3+$0x10];
	[tilespmem:v15+s23+$0x0] =	vst.idx.msk $0xffff, v12  }
0x6c: {  	v15 =	vor.u32 v1, v7;
	[tilespmem:v22+s23+$0x0] =	vst.idx.msk $0xffff, v20;
	v12 =	vld [tilespmem:s3+$0x90]  }
0x6d: {  	[tilespmem:v16+s23+$0x0] =	vst.idx.msk $0xffff, v10;
	v10 =	vld [tilespmem:s3+$0x110];
	v16 =	vor.u32 v1, v6  }
0x6e: {  	v22 =	vor.u32 v1, v4;
	v20 =	vld [tilespmem:s3+$0xFFFFFE10];
	[tilespmem:v21+s23+$0x0] =	vst.idx.msk $0xffff, v19  }
0x6f: {  	v21 =	vor.u32 v2, v8;
	v19 =	vld [tilespmem:s3+$0xFFFFFEA0];
	[tilespmem:v13+s23+$0x0] =	vst.idx.msk $0xffff, v11  }
0x70: {  	v13 =	vor.u32 v3, v18;
	[tilespmem:v17+s23+$0x0] =	vst.idx.msk $0xffff, v14;
	v11 =	vld [tilespmem:s3+$0x1B0]  }
0x71: {  	v17 =	vor.u32 v2, v9;
	v14 =	vld [tilespmem:s3+$0xFFFFFF20];
	[tilespmem:v15+s23+$0x0] =	vst.idx.msk $0xffff, v12  }
0x72: {  	v25 =	vor.u32 v2, v23;
	v24 =	vld [tilespmem:s3+$0xFFFFFFA0];
	[tilespmem:v16+s23+$0x0] =	vst.idx.msk $0xffff, v10  }
0x73: {  	[tilespmem:v22+s23+$0x0] =	vst.idx.msk $0xffff, v20;
	v20 =	vld [tilespmem:s3+$0x20];
	v22 =	vor.u32 v2, v5  }
0x74: {  	v26 =	vor.u32 v2, v7;
	[tilespmem:v21+s23+$0x0] =	vst.idx.msk $0xffff, v19;
	v21 =	vld [tilespmem:s3+$0xA0]  }
.Ltmp0:
0x75: {  	v18 =	vor.u32 v2, v6;
	v15 =	vld [tilespmem:s3+$0x120];
	[tilespmem:v13+s23+$0x0] =	vst.idx.msk $0xffff, v11;
	(pc) =	sbr.rel @p0 .LBB2_2-.Ltmp0, $4  }
0x76: {  	v16 =	vor.u32 v2, v4;
	v12 =	vld [tilespmem:s3+$0xFFFFFE20];
	[tilespmem:v17+s23+$0x0] =	vst.idx.msk $0xffff, v14  }
0x77: {  	v14 =	vor.u32 v3, v8;
	v10 =	vld [tilespmem:s3+$0xFFFFFEB0];
	[tilespmem:v25+s23+$0x0] =	vst.idx.msk $0xffff, v24  }
0x78: {  	s7 =	sadd.s32 $0x1, s6;
	v9 =	vor.u32 v3, v9;
	v11 =	vmov s6;
	v8 =	vld [tilespmem:s3+$0xFFFFFF30];
	[tilespmem:v22+s23+$0x0] =	vst.idx.msk $0xffff, v20  }
0x79: {  	s8 =	sadd.s32 $0x2, s2;
	v19 =	vmov s7;
	s7 =	sadd.s32 $0x7, s2;
	s6 =	sadd.s32 $0x8, s6;
	v13 =	vor.u32 v3, v23;
	v17 =	vand.u32 $0x78, v11;
	v11 =	vld [tilespmem:s3+$0xFFFFFFB0];
	[tilespmem:v26+s23+$0x0] =	vst.idx.msk $0xffff, v21  }
0x7a: {  	_ =	sdelay $0x3  }
0x7b: {  	v20 =	vmov s8;
	v21 =	vmov s7;
	v22 =	vld [tilespmem:s3+$0x30];
	v5 =	vor.u32 v3, v5;
	[tilespmem:v18+s23+$0x0] =	vst.idx.msk $0xffff, v15  }
0x7c: {  	s6 =	sadd.s32 $0x3, s2;
	v7 =	vor.u32 v3, v7;
	v6 =	vor.u32 v3, v6;
	v18 =	vand.u32 $0x7F, v21;
	[tilespmem:v16+s23+$0x0] =	vst.idx.msk $0xffff, v12;
	v12 =	vld [tilespmem:s3+$0xB0]  }
0x7d: {  	s17 =	sadd.s32 $0x4, s2;
	v4 =	vor.u32 v3, v4;
	v15 =	vmov s6;
	v18 =	vbroadcast v18, $0x0;
	[tilespmem:v14+s23+$0x0] =	vst.idx.msk $0xffff, v10;
	v10 =	vld [tilespmem:s3+$0x130]  }
0x7e: {  	s21 =	sadd.s32 $0x400, s3;
	v16 =	vmov s17;
	v14 =	vbroadcast v17, $0x0;
	v17 =	vand.u32 $0x79, v19;
	v19 =	vld [tilespmem:s3+$0xFFFFFE30];
	[tilespmem:v9+s23+$0x0] =	vst.idx.msk $0xffff, v8  }
0x7f: {  	v8 =	vbroadcast v17, $0x0;
	v9 =	vand.u32 $0x7A, v20;
	v17 =	vld [tilespmem:s21+$0x180];
	v20 =	vor.u32 v0, v18;
	[tilespmem:v13+s23+$0x0] =	vst.idx.msk $0xffff, v11  }
0x80: {  	v15 =	vand.u32 $0x7B, v15;
	v11 =	vld [tilespmem:s21+$0xFFFFFE00];
	v13 =	vor.u32 v0, v14;
	v9 =	vbroadcast v9, $0x0;
	[tilespmem:v5+s23+$0x0] =	vst.idx.msk $0xffff, v22  }
0x81: {  	s30 =	sadd.s32 $0x5, s2;
	v16 =	vand.u32 $0x7C, v16;
	v15 =	vbroadcast v15, $0x0;
	v5 =	vld [tilespmem:s21+$0xFFFFFE80];
	v21 =	vor.u32 v0, v8;
	[tilespmem:v7+s23+$0x0] =	vst.idx.msk $0xffff, v12  }
0x82: {  	s31 =	sadd.s32 $0x6, s2;
	v16 =	vbroadcast v16, $0x0;
	v22 =	vmov s30;
	v7 =	vld [tilespmem:s21+$0xFFFFFF00];
	v12 =	vor.u32 v0, v9;
	[tilespmem:v6+s23+$0x0] =	vst.idx.msk $0xffff, v10  }
0x83: {  	v23 =	vmov s31;
	v22 =	vand.u32 $0x7D, v22;
	v6 =	vld [tilespmem:s21+$0xFFFFFF80];
	v10 =	vor.u32 v0, v15;
	[tilespmem:v4+s23+$0x0] =	vst.idx.msk $0xffff, v19  }
0x84: {  	v23 =	vand.u32 $0x7E, v23;
	v4 =	vld [tilespmem:s21+$0x0];
	v19 =	vor.u32 v0, v16;
	v22 =	vbroadcast v22, $0x0;
	[tilespmem:v20+s23+$0x0] =	vst.idx.msk $0xffff, v17  }
0x85: {  	[tilespmem:v13+s23+$0x0] =	vst.idx.msk $0xffff, v11;
	v11 =	vbroadcast v23, $0x0;
	v17 =	vor.u32 v1, v18;
	v13 =	vld [tilespmem:s21+$0x190]  }
0x86: {  	v20 =	vor.u32 v0, v22;
	[tilespmem:v21+s23+$0x0] =	vst.idx.msk $0xffff, v5;
	v5 =	vld [tilespmem:s21+$0x80]  }
0x87: {  	[tilespmem:v12+s23+$0x0] =	vst.idx.msk $0xffff, v7;
	v7 =	vld [tilespmem:s21+$0x100];
	v12 =	vor.u32 v0, v11  }
0x88: {  	v23 =	vor.u32 v1, v8;
	v21 =	vld [tilespmem:s21+$0xFFFFFE90];
	[tilespmem:v10+s23+$0x0] =	vst.idx.msk $0xffff, v6  }
0x89: {  	v6 =	vld [tilespmem:s21+$0xFFFFFF10];
	v10 =	vor.u32 v1, v9;
	[tilespmem:v19+s23+$0x0] =	vst.idx.msk $0xffff, v4  }
0x8a: {  	v19 =	vor.u32 v1, v15;
	v4 =	vld [tilespmem:s21+$0xFFFFFF90];
	[tilespmem:v17+s23+$0x0] =	vst.idx.msk $0xffff, v13  }
0x8b: {  	[tilespmem:v20+s23+$0x0] =	vst.idx.msk $0xffff, v5;
	v17 =	vld [tilespmem:s21+$0x10];
	v20 =	vor.u32 v1, v16  }
0x8c: {  	v13 =	vor.u32 v2, v18;
	v5 =	vld [tilespmem:s21+$0x1A0];
	[tilespmem:v12+s23+$0x0] =	vst.idx.msk $0xffff, v7  }
0x8d: {  	[tilespmem:v23+s23+$0x0] =	vst.idx.msk $0xffff, v21;
	v7 =	vld [tilespmem:s21+$0x90];
	v12 =	vor.u32 v1, v22  }
0x8e: {  	v21 =	vld [tilespmem:s21+$0xFFFFFE10];
	v23 =	vor.u32 v1, v14;
	[tilespmem:v10+s23+$0x0] =	vst.idx.msk $0xffff, v6  }
0x8f: {  	v6 =	vld [tilespmem:s21+$0x110];
	v10 =	vor.u32 v1, v11;
	[tilespmem:v19+s23+$0x0] =	vst.idx.msk $0xffff, v4  }
0x90: {  	v4 =	vld [tilespmem:s21+$0xFFFFFEA0];
	v19 =	vor.u32 v2, v8;
	[tilespmem:v20+s23+$0x0] =	vst.idx.msk $0xffff, v17  }
0x91: {  	v17 =	vld [tilespmem:s21+$0xFFFFFF20];
	[tilespmem:v13+s23+$0x0] =	vst.idx.msk $0xffff, v5;
	v13 =	vor.u32 v3, v18;
	v18 =	vor.u32 v2, v9  }
0x92: {  	[tilespmem:v12+s23+$0x0] =	vst.idx.msk $0xffff, v7;
	v7 =	vld [tilespmem:s21+$0xFFFFFFA0];
	v12 =	vor.u32 v2, v15  }
0x93: {  	[tilespmem:v23+s23+$0x0] =	vst.idx.msk $0xffff, v21;
	v5 =	vld [tilespmem:s21+$0x1B0]  }
0x94: {  	[tilespmem:v10+s23+$0x0] =	vst.idx.msk $0xffff, v6;
	v6 =	vld [tilespmem:s21+$0x20];
	v10 =	vor.u32 v2, v16  }
0x95: {  	[tilespmem:v19+s23+$0x0] =	vst.idx.msk $0xffff, v4;
	v4 =	vld [tilespmem:s21+$0xA0];
	v19 =	vor.u32 v2, v22  }
0x96: {  	v21 =	vor.u32 v2, v11;
	v20 =	vld [tilespmem:s21+$0x120];
	[tilespmem:v18+s23+$0x0] =	vst.idx.msk $0xffff, v17  }
0x97: {  	v8 =	vor.u32 v3, v8;
	v17 =	vld [tilespmem:s21+$0xFFFFFEB0];
	[tilespmem:v12+s23+$0x0] =	vst.idx.msk $0xffff, v7  }
0x98: {  	[tilespmem:v13+s23+$0x0] =	vst.idx.msk $0xffff, v5;
	v5 =	vld [tilespmem:s21+$0xFFFFFE20];
	v13 =	vor.u32 v2, v14  }
0x99: {  	v9 =	vor.u32 v3, v9;
	v7 =	vld [tilespmem:s21+$0xFFFFFF30];
	[tilespmem:v10+s23+$0x0] =	vst.idx.msk $0xffff, v6  }
0x9a: {  	v6 =	vld [tilespmem:s21+$0xFFFFFFB0];
	v10 =	vor.u32 v3, v15;
	[tilespmem:v19+s23+$0x0] =	vst.idx.msk $0xffff, v4  }
0x9b: {  	v12 =	vor.u32 v3, v16;
	v4 =	vld [tilespmem:s21+$0x30];
	[tilespmem:v21+s23+$0x0] =	vst.idx.msk $0xffff, v20  }
0x9c: {  	v11 =	vor.u32 v3, v11;
	[tilespmem:v8+s23+$0x0] =	vst.idx.msk $0xffff, v17;
	v8 =	vld [tilespmem:s21+$0x130]  }
0x9d: {  	[tilespmem:v13+s23+$0x0] =	vst.idx.msk $0xffff, v5;
	v5 =	vld [tilespmem:s21+$0xB0];
	v13 =	vor.u32 v3, v22  }
0x9e: {  	p1 =	por $0x1, $0x1;
	v14 =	vor.u32 v3, v14;
	[tilespmem:v9+s23+$0x0] =	vst.idx.msk $0xffff, v7;
	v15 =	vld [tilespmem:s21+$0xFFFFFE30]  }
.Ltmp1:
0x9f: {  	[tilespmem:v10+s23+$0x0] =	vst.idx.msk $0xffff, v6;
	(pc) =	sbr.rel @!p1 .LBB2_7-.Ltmp1, $4  }
0xa0: {  	s8 =	simm.s32 $0x0;
	[tilespmem:v12+s23+$0x0] =	vst.idx.msk $0xffff, v4  }
0xa1: {  	s15 =	simm.s32 $0xB3B0;
	s7 =	simm.s32 $0x7;
	s3 =	simm.s32 $0x1;
	v4 =	vmov s8;
	[tilespmem:v11+s23+$0x0] =	vst.idx.msk $0xffff, v8  }
0xa2: {  	s14 =	simm.s32 $0x8;
	p0 =	por $0x0, $0x0;
	s13 =	simm.s32 $0x7;
	v6 =	vmov s3;
	[tilespmem:v13+s23+$0x0] =	vst.idx.msk $0xffff, v5;
	v5 =	vand.u32 $0x78, v4  }
0xa3: {  	s2 =	simm.s32 $0xB3B0;
	s6 =	simm.s32 $0x2;
	s17 =	simm.s32 $0x2;
	v22 =	vmov v6;
	[tilespmem:v14+s23+$0x0] =	vst.idx.msk $0xffff, v15;
	v21 =	vmov v5  }
0xa4: {  	v7 =	vmov s7  }
0xa5: {  	s2 =	simm.s32 $0x3;
	v8 =	vmov s6;
	v7 =	vand.u32 $0x7F, v7  }
0xa6: {  	s17 =	simm.s32 $0x4;
	v12 =	vand.u32 $0x79, v6;
	v9 =	vmov s2;
	v11 =	vbroadcast v7, $0x0  }
0xa7: {  	v10 =	vmov s17;
	v8 =	vand.u32 $0x7A, v8;
	v7 =	vbroadcast v5, $0x0  }
0xa8: {  	s21 =	simm.s32 $0x5;
	v14 =	vbroadcast v12, $0x0;
	v12 =	vld [tilespmem:s15+$0xFFFFFFD0];
	v19 =	vbroadcast v8, $0x0;
	v13 =	vor.u32 v0, v11  }
0xa9: {  	v15 =	vld [tilespmem:s15+$0xFFFFFC50];
	v8 =	vand.u32 $0x7B, v9;
	v9 =	vmov s21;
	v16 =	vor.u32 v0, v7  }
0xaa: {  	v17 =	vld [tilespmem:s15+$0xFFFFFCD0];
	v18 =	vor.u32 v0, v14;
	v20 =	vbroadcast v8, $0x0;
	v8 =	vand.u32 $0x7C, v10  }
0xab: {  	v21 =	vld [tilespmem:s15+$0xFFFFFD50];
	s30 =	simm.s32 $0x6;
	v9 =	vand.u32 $0x7D, v9;
	v22 =	vor.u32 v0, v19;
	v8 =	vbroadcast v8, $0x0  }
0xac: {  	v23 =	vld [tilespmem:s15+$0xFFFFFDD0];
	v10 =	vmov s30;
	v9 =	vbroadcast v9, $0x0;
	v24 =	vor.u32 v0, v20  }
0xad: {  	v25 =	vld [tilespmem:s15+$0xFFFFFE50];
	v10 =	vand.u32 $0x7E, v10;
	v26 =	vor.u32 v0, v8;
	[tilespmem:v13+s25+$0x0] =	vst.idx.msk $0xffff, v12  }
0xae: {  	v10 =	vbroadcast v10, $0x0;
	[tilespmem:v16+s25+$0x0] =	vst.idx.msk $0xffff, v15;
	v15 =	vld [tilespmem:s15+$0xFFFFFED0];
	v16 =	vor.u32 v0, v9  }
0xaf: {  	[tilespmem:v18+s25+$0x0] =	vst.idx.msk $0xffff, v17;
	v13 =	vor.u32 v1, v11;
	v12 =	vld [tilespmem:s15+$0xFFFFFFE0]  }
0xb0: {  	v17 =	vld [tilespmem:s15+$0xFFFFFF50];
	v18 =	vor.u32 v0, v10;
	[tilespmem:v22+s25+$0x0] =	vst.idx.msk $0xffff, v21  }
0xb1: {  	v21 =	vld [tilespmem:s15+$0xFFFFFCE0];
	v22 =	vor.u32 v1, v14;
	[tilespmem:v24+s25+$0x0] =	vst.idx.msk $0xffff, v23  }
0xb2: {  	v56 =	vor.u32 v1, v19;
	v23 =	vld [tilespmem:s15+$0xFFFFFD60];
	[tilespmem:v26+s25+$0x0] =	vst.idx.msk $0xffff, v25  }
0xb3: {  	v58 =	vor.u32 v1, v20;
	v57 =	vld [tilespmem:s15+$0xFFFFFDE0];
	[tilespmem:v16+s25+$0x0] =	vst.idx.msk $0xffff, v15  }
0xb4: {  	v15 =	vld [tilespmem:s15+$0xFFFFFE60];
	v16 =	vor.u32 v1, v8;
	[tilespmem:v13+s25+$0x0] =	vst.idx.msk $0xffff, v12  }
0xb5: {  	[tilespmem:v18+s25+$0x0] =	vst.idx.msk $0xffff, v17;
	v13 =	vor.u32 v2, v11;
	v12 =	vld [tilespmem:s15+$0xFFFFFFF0]  }
0xb6: {  	[tilespmem:v22+s25+$0x0] =	vst.idx.msk $0xffff, v21;
	v21 =	vld [tilespmem:s15+$0xFFFFFF60];
	v22 =	vor.u32 v1, v10  }
0xb7: {  	v18 =	vor.u32 v1, v9;
	v17 =	vld [tilespmem:s15+$0xFFFFFEE0];
	[tilespmem:v56+s25+$0x0] =	vst.idx.msk $0xffff, v23  }
0xb8: {  	v59 =	vor.u32 v1, v7;
	v23 =	vld [tilespmem:s15+$0xFFFFFC60];
	[tilespmem:v58+s25+$0x0] =	vst.idx.msk $0xffff, v57  }
0xb9: {  	v61 =	vor.u32 v2, v14;
	v60 =	vld [tilespmem:s15+$0xFFFFFCF0];
	[tilespmem:v16+s25+$0x0] =	vst.idx.msk $0xffff, v15  }
0xba: {  	v15 =	vld [tilespmem:s15+$0xFFFFFD70];
	v16 =	vor.u32 v2, v19;
	[tilespmem:v13+s25+$0x0] =	vst.idx.msk $0xffff, v12  }
0xbb: {  	v11 =	vor.u32 v3, v11;
	[tilespmem:v22+s25+$0x0] =	vst.idx.msk $0xffff, v21;
	v13 =	vld [tilespmem:s15+$0x0]  }
0xbc: {  	v27 =	vor.u32 v2, v20;
	[tilespmem:v18+s25+$0x0] =	vst.idx.msk $0xffff, v17;
	v17 =	vld [tilespmem:s15+$0xFFFFFDF0]  }
0xbd: {  	v22 =	vor.u32 v2, v8;
	[tilespmem:v59+s25+$0x0] =	vst.idx.msk $0xffff, v23;
	v21 =	vld [tilespmem:s15+$0xFFFFFE70]  }
0xbe: {  	p1 =	por $0x1, $0x1;
	v62 =	vor.u32 v2, v9;
	[tilespmem:v61+s25+$0x0] =	vst.idx.msk $0xffff, v60;
	v23 =	vld [tilespmem:s15+$0xFFFFFEF0]  }
.Ltmp2:
0xbf: {  	v18 =	vor.u32 v2, v10;
	v12 =	vld [tilespmem:s15+$0xFFFFFF70];
	[tilespmem:v16+s25+$0x0] =	vst.idx.msk $0xffff, v15;
	(pc) =	sbr.rel @!p1 .LBB2_5-.Ltmp2, $4  }
0xc0: {  	v16 =	vor.u32 v2, v7;
	[tilespmem:v11+s25+$0x0] =	vst.idx.msk $0xffff, v13;
	v11 =	vld [tilespmem:s15+$0xFFFFFC70]  }
0xc1: {  	s31 =	simm.s32 $0x9;
	[tilespmem:v27+s25+$0x0] =	vst.idx.msk $0xffff, v17;
	v17 =	vor.u32 v3, v14;
	v13 =	vld [tilespmem:s15+$0xFFFFFD00]  }
0xc2: {  	v63 =	vmov s14;
	s13 =	simm.s32 $0xF;
	s16 =	simm.s32 $0x10;
	p0 =	por $0x1, $0x1;
	v15 =	vor.u32 v3, v19;
	v14 =	vld [tilespmem:s15+$0xFFFFFD80];
	[tilespmem:v22+s25+$0x0] =	vst.idx.msk $0xffff, v21  }
0xc3: {  	s8 =	simm.s32 $0x8;
	s17 =	simm.s32 $0xA;
	s2 =	simm.s32 $0xB3B0;
	v20 =	vor.u32 v3, v20;
	v21 =	vand.u32 $0x78, v63;
	v22 =	vmov s31;
	v19 =	vld [tilespmem:s15+$0xFFFFFE00];
	[tilespmem:v62+s25+$0x0] =	vst.idx.msk $0xffff, v23  }
.LBB2_6:
0xc4: {  	p1 =	slt.u32 s16, $0x78;
	v23 =	vmov s17;
	s17 =	sadd.s32 $0x3, s8;
	v24 =	vmov s13;
	v25 =	vld [tilespmem:s2+$0xFFFFFE80];
	v8 =	vor.u32 v3, v8;
	[tilespmem:v18+s25+$0x0] =	vst.idx.msk $0xffff, v12  }
0xc5: {  	s13 =	sadd.s32 $0x4, s8;
	v9 =	vor.u32 v3, v9;
	v12 =	vmov s17;
	v18 =	vand.u32 $0x7F, v24;
	[tilespmem:v16+s25+$0x0] =	vst.idx.msk $0xffff, v11;
	v11 =	vld [tilespmem:s2+$0xFFFFFF00]  }
0xc6: {  	v10 =	vor.u32 v3, v10;
	v16 =	vmov s13;
	v18 =	vbroadcast v18, $0x0;
	[tilespmem:v17+s25+$0x0] =	vst.idx.msk $0xffff, v13;
	v13 =	vld [tilespmem:s2+$0xFFFFFF80]  }
0xc7: {  	v24 =	vor.u32 v3, v7;
	v7 =	vbroadcast v21, $0x0;
	v17 =	vand.u32 $0x79, v22;
	v22 =	vld [tilespmem:s2+$0xFFFFFC80];
	[tilespmem:v15+s25+$0x0] =	vst.idx.msk $0xffff, v14;
	s2 =	sadd.s32 $0x400, s2  }
0xc8: {  	v14 =	vbroadcast v17, $0x0;
	v15 =	vand.u32 $0x7A, v23;
	v17 =	vld [tilespmem:s2+$0xFFFFFFD0];
	v21 =	vor.u32 v0, v18;
	[tilespmem:v20+s25+$0x0] =	vst.idx.msk $0xffff, v19  }
0xc9: {  	v12 =	vand.u32 $0x7B, v12;
	v20 =	vor.u32 v0, v7;
	v15 =	vbroadcast v15, $0x0;
	v19 =	vld [tilespmem:s2+$0xFFFFFC50];
	[tilespmem:v8+s25+$0x0] =	vst.idx.msk $0xffff, v25  }
0xca: {  	s13 =	sadd.s32 $0x5, s8;
	v26 =	vbroadcast v12, $0x0;
	v25 =	vor.u32 v0, v14;
	v8 =	vand.u32 $0x7C, v16;
	v23 =	vld [tilespmem:s2+$0xFFFFFCD0];
	[tilespmem:v9+s25+$0x0] =	vst.idx.msk $0xffff, v11  }
0xcb: {  	v12 =	vor.u32 v0, v15;
	v8 =	vbroadcast v8, $0x0;
	v9 =	vmov s13;
	s13 =	sadd.s32 $0x6, s8;
	s8 =	smov.u32 s16;
	v11 =	vld [tilespmem:s2+$0xFFFFFD50];
	[tilespmem:v10+s25+$0x0] =	vst.idx.msk $0xffff, v13  }
0xcc: {  	v16 =	vor.u32 v0, v26;
	v9 =	vand.u32 $0x7D, v9;
	v10 =	vmov s13;
	v13 =	vld [tilespmem:s2+$0xFFFFFDD0];
	[tilespmem:v24+s25+$0x0] =	vst.idx.msk $0xffff, v22  }
0xcd: {  	v24 =	vor.u32 v0, v8;
	v9 =	vbroadcast v9, $0x0;
	v10 =	vand.u32 $0x7E, v10;
	v22 =	vld [tilespmem:s2+$0xFFFFFE50];
	[tilespmem:v21+s25+$0x0] =	vst.idx.msk $0xffff, v17  }
0xce: {  	v10 =	vbroadcast v10, $0x0;
	[tilespmem:v20+s25+$0x0] =	vst.idx.msk $0xffff, v19;
	v17 =	vld [tilespmem:s2+$0xFFFFFFE0];
	v19 =	vor.u32 v1, v18  }
0xcf: {  	v21 =	vor.u32 v0, v9;
	[tilespmem:v25+s25+$0x0] =	vst.idx.msk $0xffff, v23;
	v20 =	vld [tilespmem:s2+$0xFFFFFED0]  }
0xd0: {  	[tilespmem:v12+s25+$0x0] =	vst.idx.msk $0xffff, v11;
	v11 =	vld [tilespmem:s2+$0xFFFFFF50];
	v12 =	vor.u32 v0, v10  }
0xd1: {  	v25 =	vor.u32 v1, v14;
	v23 =	vld [tilespmem:s2+$0xFFFFFCE0];
	[tilespmem:v16+s25+$0x0] =	vst.idx.msk $0xffff, v13  }
0xd2: {  	v16 =	vor.u32 v1, v15;
	v13 =	vld [tilespmem:s2+$0xFFFFFD60];
	[tilespmem:v24+s25+$0x0] =	vst.idx.msk $0xffff, v22  }
0xd3: {  	v24 =	vor.u32 v1, v26;
	v22 =	vld [tilespmem:s2+$0xFFFFFDE0];
	[tilespmem:v19+s25+$0x0] =	vst.idx.msk $0xffff, v17  }
0xd4: {  	v19 =	vor.u32 v2, v18;
	[tilespmem:v21+s25+$0x0] =	vst.idx.msk $0xffff, v20;
	v17 =	vld [tilespmem:s2+$0xFFFFFFF0]  }
0xd5: {  	v21 =	vor.u32 v1, v8;
	v20 =	vld [tilespmem:s2+$0xFFFFFE60];
	[tilespmem:v12+s25+$0x0] =	vst.idx.msk $0xffff, v11  }
0xd6: {  	v12 =	vor.u32 v1, v9;
	[tilespmem:v25+s25+$0x0] =	vst.idx.msk $0xffff, v23;
	v11 =	vld [tilespmem:s2+$0xFFFFFEE0]  }
0xd7: {  	[tilespmem:v16+s25+$0x0] =	vst.idx.msk $0xffff, v13;
	v13 =	vld [tilespmem:s2+$0xFFFFFF60];
	v16 =	vor.u32 v1, v10  }
0xd8: {  	v25 =	vor.u32 v1, v7;
	v23 =	vld [tilespmem:s2+$0xFFFFFC60];
	[tilespmem:v24+s25+$0x0] =	vst.idx.msk $0xffff, v22  }
0xd9: {  	v24 =	vor.u32 v2, v14;
	v22 =	vld [tilespmem:s2+$0xFFFFFCF0];
	[tilespmem:v19+s25+$0x0] =	vst.idx.msk $0xffff, v17  }
0xda: {  	v19 =	vor.u32 v3, v18;
	[tilespmem:v21+s25+$0x0] =	vst.idx.msk $0xffff, v20;
	v17 =	vld [tilespmem:s2+$0x0]  }
0xdb: {  	v21 =	vor.u32 v2, v15;
	v20 =	vld [tilespmem:s2+$0xFFFFFD70];
	[tilespmem:v12+s25+$0x0] =	vst.idx.msk $0xffff, v11  }
0xdc: {  	v28 =	vor.u32 v2, v26;
	v27 =	vld [tilespmem:s2+$0xFFFFFDF0];
	[tilespmem:v16+s25+$0x0] =	vst.idx.msk $0xffff, v13  }
0xdd: {  	[tilespmem:v25+s25+$0x0] =	vst.idx.msk $0xffff, v23;
	v23 =	vld [tilespmem:s2+$0xFFFFFE70];
	v25 =	vor.u32 v2, v8  }
0xde: {  	v29 =	vor.u32 v2, v9;
	[tilespmem:v24+s25+$0x0] =	vst.idx.msk $0xffff, v22;
	v24 =	vld [tilespmem:s2+$0xFFFFFEF0]  }
.Ltmp3:
0xdf: {  	v18 =	vor.u32 v2, v10;
	v12 =	vld [tilespmem:s2+$0xFFFFFF70];
	[tilespmem:v19+s25+$0x0] =	vst.idx.msk $0xffff, v17;
	(pc) =	sbr.rel @p1 .LBB2_6-.Ltmp3, $4  }
0xe0: {  	v16 =	vor.u32 v2, v7;
	v11 =	vld [tilespmem:s2+$0xFFFFFC70];
	[tilespmem:v21+s25+$0x0] =	vst.idx.msk $0xffff, v20  }
0xe1: {  	v17 =	vor.u32 v3, v14;
	v13 =	vld [tilespmem:s2+$0xFFFFFD00];
	[tilespmem:v28+s25+$0x0] =	vst.idx.msk $0xffff, v27  }
0xe2: {  	s13 =	sadd.s32 $0x1, s16;
	v15 =	vor.u32 v3, v15;
	v19 =	vmov s16;
	v14 =	vld [tilespmem:s2+$0xFFFFFD80];
	[tilespmem:v25+s25+$0x0] =	vst.idx.msk $0xffff, v23  }
0xe3: {  	s17 =	sadd.s32 $0x2, s8;
	v22 =	vmov s13;
	s13 =	sadd.s32 $0x7, s8;
	s16 =	sadd.s32 $0x8, s16;
	v21 =	vand.u32 $0x78, v19;
	v20 =	vor.u32 v3, v26;
	v19 =	vld [tilespmem:s2+$0xFFFFFE00];
	[tilespmem:v29+s25+$0x0] =	vst.idx.msk $0xffff, v24  }
.LBB2_7:
0xe4: {  	_ =	sdelay $0x3  }
0xe5: {  	v23 =	vmov s17;
	v24 =	vmov s13;
	v25 =	vld @p0 [tilespmem:s2+$0xFFFFFE80];
	v8 =	vor.u32 @p0 v3, v8;
	[tilespmem:v18+s25+$0x0] =	vst.idx.msk @p0 $0xffff, v12  }
0xe6: {  	s16 =	sadd.s32 $0x3, s8;
	v9 =	vor.u32 @p0 v3, v9;
	v10 =	vor.u32 @p0 v3, v10;
	v18 =	vand.u32 $0x7F, v24;
	[tilespmem:v16+s25+$0x0] =	vst.idx.msk @p0 $0xffff, v11;
	v11 =	vld @p0 [tilespmem:s2+$0xFFFFFF00]  }
0xe7: {  	s30 =	sadd.s32 $0x4, s8;
	s13 =	sadd.s32 @p0 $0x400, s2;
	v7 =	vor.u32 @p0 v3, v7;
	v12 =	vmov s16;
	v18 =	vbroadcast v18, $0x0;
	[tilespmem:v17+s25+$0x0] =	vst.idx.msk @p0 $0xffff, v13;
	v13 =	vld @p0 [tilespmem:s2+$0xFFFFFF80]  }
0xe8: {  	v16 =	vmov s30;
	s15 =	smov.u32 @p0 s13;
	v17 =	vbroadcast v21, $0x0;
	v21 =	vand.u32 $0x79, v22;
	v22 =	vld @p0 [tilespmem:s2+$0xFFFFFC80];
	[tilespmem:v15+s25+$0x0] =	vst.idx.msk @p0 $0xffff, v14  }
0xe9: {  	v14 =	vbroadcast v21, $0x0;
	v15 =	vand.u32 $0x7A, v23;
	v21 =	vld [tilespmem:s15+$0xFFFFFFD0];
	v23 =	vor.u32 v0, v18;
	[tilespmem:v20+s25+$0x0] =	vst.idx.msk @p0 $0xffff, v19  }
0xea: {  	v12 =	vand.u32 $0x7B, v12;
	v19 =	vld [tilespmem:s15+$0xFFFFFC50];
	v20 =	vor.u32 v0, v17;
	v15 =	vbroadcast v15, $0x0;
	[tilespmem:v8+s25+$0x0] =	vst.idx.msk @p0 $0xffff, v25  }
0xeb: {  	s31 =	sadd.s32 $0x5, s8;
	v16 =	vand.u32 $0x7C, v16;
	v12 =	vbroadcast v12, $0x0;
	v8 =	vld [tilespmem:s15+$0xFFFFFCD0];
	v53 =	vor.u32 v0, v14;
	[tilespmem:v9+s25+$0x0] =	vst.idx.msk @p0 $0xffff, v11  }
0xec: {  	s8 =	sadd.s32 $0x6, s8;
	v54 =	vmov s31;
	v16 =	vbroadcast v16, $0x0;
	v9 =	vld [tilespmem:s15+$0xFFFFFD50];
	v11 =	vor.u32 v0, v15;
	[tilespmem:v10+s25+$0x0] =	vst.idx.msk @p0 $0xffff, v13  }
0xed: {  	v26 =	vmov s8;
	v25 =	vand.u32 $0x7D, v54;
	v10 =	vld [tilespmem:s15+$0xFFFFFDD0];
	v13 =	vor.u32 v0, v12;
	[tilespmem:v7+s25+$0x0] =	vst.idx.msk @p0 $0xffff, v22  }
0xee: {  	v26 =	vand.u32 $0x7E, v26;
	v25 =	vbroadcast v25, $0x0;
	v7 =	vld [tilespmem:s15+$0xFFFFFE50];
	v22 =	vor.u32 v0, v16;
	[tilespmem:v23+s25+$0x0] =	vst.idx.msk $0xffff, v21  }
0xef: {  	[tilespmem:v20+s25+$0x0] =	vst.idx.msk $0xffff, v19;
	v19 =	vbroadcast v26, $0x0;
	v21 =	vor.u32 v1, v18;
	v20 =	vld [tilespmem:s15+$0xFFFFFFE0]  }
0xf0: {  	v23 =	vor.u32 v0, v25;
	[tilespmem:v53+s25+$0x0] =	vst.idx.msk $0xffff, v8;
	v8 =	vld [tilespmem:s15+$0xFFFFFED0]  }
0xf1: {  	[tilespmem:v11+s25+$0x0] =	vst.idx.msk $0xffff, v9;
	v9 =	vld [tilespmem:s15+$0xFFFFFF50];
	v11 =	vor.u32 v0, v19  }
0xf2: {  	v55 =	vor.u32 v1, v14;
	v24 =	vld [tilespmem:s15+$0xFFFFFCE0];
	[tilespmem:v13+s25+$0x0] =	vst.idx.msk $0xffff, v10  }
0xf3: {  	v10 =	vld [tilespmem:s15+$0xFFFFFD60];
	v13 =	vor.u32 v1, v15;
	[tilespmem:v22+s25+$0x0] =	vst.idx.msk $0xffff, v7  }
0xf4: {  	v22 =	vor.u32 v1, v12;
	v7 =	vld [tilespmem:s15+$0xFFFFFDE0];
	[tilespmem:v21+s25+$0x0] =	vst.idx.msk $0xffff, v20  }
0xf5: {  	[tilespmem:v23+s25+$0x0] =	vst.idx.msk $0xffff, v8;
	v21 =	vld [tilespmem:s15+$0xFFFFFE60];
	v23 =	vor.u32 v1, v16  }
0xf6: {  	v20 =	vor.u32 v2, v18;
	v8 =	vld [tilespmem:s15+$0xFFFFFFF0];
	[tilespmem:v11+s25+$0x0] =	vst.idx.msk $0xffff, v9  }
0xf7: {  	[tilespmem:v55+s25+$0x0] =	vst.idx.msk $0xffff, v24;
	v9 =	vld [tilespmem:s15+$0xFFFFFEE0];
	v11 =	vor.u32 v1, v25  }
0xf8: {  	v57 =	vor.u32 v1, v17;
	v56 =	vld [tilespmem:s15+$0xFFFFFC60];
	[tilespmem:v13+s25+$0x0] =	vst.idx.msk $0xffff, v10  }
0xf9: {  	v10 =	vld [tilespmem:s15+$0xFFFFFF60];
	v13 =	vor.u32 v1, v19;
	[tilespmem:v22+s25+$0x0] =	vst.idx.msk $0xffff, v7  }
0xfa: {  	v7 =	vld [tilespmem:s15+$0xFFFFFCF0];
	v22 =	vor.u32 v2, v14;
	[tilespmem:v23+s25+$0x0] =	vst.idx.msk $0xffff, v21  }
0xfb: {  	v21 =	vor.u32 v2, v15;
	[tilespmem:v20+s25+$0x0] =	vst.idx.msk $0xffff, v8;
	v20 =	vld [tilespmem:s15+$0xFFFFFD70]  }
0xfc: {  	[tilespmem:v11+s25+$0x0] =	vst.idx.msk $0xffff, v9;
	v9 =	vld [tilespmem:s15+$0xFFFFFDF0];
	v11 =	vor.u32 v2, v12  }
0xfd: {  	v18 =	vor.u32 v3, v18;
	[tilespmem:v57+s25+$0x0] =	vst.idx.msk $0xffff, v56;
	v8 =	vld [tilespmem:s15+$0x0]  }
0xfe: {  	[tilespmem:v13+s25+$0x0] =	vst.idx.msk $0xffff, v10;
	v10 =	vld [tilespmem:s15+$0xFFFFFE70];
	v13 =	vor.u32 v2, v16  }
0xff: {  	[tilespmem:v22+s25+$0x0] =	vst.idx.msk $0xffff, v7;
	v7 =	vld [tilespmem:s15+$0xFFFFFEF0];
	v22 =	vor.u32 v2, v25  }
0x100: {  	v58 =	vor.u32 v2, v19;
	v23 =	vld [tilespmem:s15+$0xFFFFFF70];
	[tilespmem:v21+s25+$0x0] =	vst.idx.msk $0xffff, v20  }
0x101: {  	v14 =	vor.u32 v3, v14;
	v20 =	vld [tilespmem:s15+$0xFFFFFD00];
	[tilespmem:v11+s25+$0x0] =	vst.idx.msk $0xffff, v9  }
0x102: {  	[tilespmem:v18+s25+$0x0] =	vst.idx.msk $0xffff, v8;
	v8 =	vld [tilespmem:s15+$0xFFFFFC70];
	v18 =	vor.u32 v2, v17  }
0x103: {  	v11 =	vor.u32 v3, v15;
	v9 =	vld [tilespmem:s15+$0xFFFFFD80];
	[tilespmem:v13+s25+$0x0] =	vst.idx.msk $0xffff, v10  }
0x104: {  	v12 =	vor.u32 v3, v12;
	v10 =	vld [tilespmem:s15+$0xFFFFFE00];
	[tilespmem:v22+s25+$0x0] =	vst.idx.msk $0xffff, v7  }
0x105: {  	v13 =	vor.u32 v3, v16;
	v7 =	vld [tilespmem:s15+$0xFFFFFE80];
	[tilespmem:v58+s25+$0x0] =	vst.idx.msk $0xffff, v23  }
0x106: {  	v16 =	vor.u32 v3, v19;
	[tilespmem:v14+s25+$0x0] =	vst.idx.msk $0xffff, v20;
	v14 =	vld [tilespmem:s15+$0xFFFFFF80]  }
0x107: {  	v15 =	vor.u32 v3, v25;
	[tilespmem:v18+s25+$0x0] =	vst.idx.msk $0xffff, v8;
	v8 =	vld [tilespmem:s15+$0xFFFFFF00]  }
0x108: {  	v17 =	vor.u32 v3, v17;
	[tilespmem:v11+s25+$0x0] =	vst.idx.msk $0xffff, v9;
	v18 =	vld [tilespmem:s15+$0xFFFFFC80]  }
0x109: {  	[tilespmem:v12+s25+$0x0] =	vst.idx.msk $0xffff, v10  }
0x10a: {  	[tilespmem:v13+s25+$0x0] =	vst.idx.msk $0xffff, v7  }
0x10b: {  	[tilespmem:v16+s25+$0x0] =	vst.idx.msk $0xffff, v14  }
0x10c: {  	[tilespmem:v15+s25+$0x0] =	vst.idx.msk $0xffff, v8  }
0x10d: {  	[tilespmem:v17+s25+$0x0] =	vst.idx.msk $0xffff, v18  }
0x10e: {  	[hbm4b:s9+s18] =	stream.strided.scatter [tilespmem:s23], [sflag:$0x3], $0x2000, s19, s18, $0x38;
	[tilespmem:$0x1F000] =	vst v63  }
0x10f: {  	_ = 	snop  }
0x110: {  	[hbm4b:s10+s18] =	stream.strided.scatter [tilespmem:s25], [sflag:$0x3], $0x2000, s19, s18, $0x38;
	[tilespmem:$0x1F000] =	vst v63  }
0x111: {  	_ =	swait.ge [sflag:s28], $0x2000  }
0x112: {  	[sflag:s28] =	ssyncset.done $0x0  }
0x113: {  	[sflag:s28] =	ssyncadd.s32 $0xFFFFE000  }
0x114: {  	_ =	swait.ge [sflag:s28], $0x2000  }
0x115: {  	[sflag:s28] =	ssyncset.done $0x0  }
0x116: {  	s13 =	simm.s32 $0x7000;
	[sflag:s28] =	ssyncadd.s32 $0xFFFFE000  }
0x117: {  	[tilespmem:s13], [sflag:$0x1] =	stream.indirect.gather [hbm4b:s4+s29], $0x80, s29, s29, $0xb8;
	[tilespmem:$0x1F000] =	vst v63  }
0x118: {  	s16 =	simm.s32 $0x1C80;
	s15 =	simm.s32 $0xB000  }
0x119: {  	[tilespmem:s15], [sflag:$0x1] =	stream.indirect.gather [hbm4b:s4+s29], $0x80, s16, s29, $0xb8;
	[tilespmem:$0x1F000] =	vst v63  }
0x11a: {  	_ =	swait.ge [sflag:s22], $0x4000  }
0x11b: {  	[sflag:s22] =	ssyncset.done $0x0  }
0x11c: {  	v7 =	vmov s7;
	[sflag:s22] =	ssyncadd.s32 $0xFFFFC000  }
0x11d: {  	v7 =	vand.u32 $0x7F, v7;
	_ =	swait.ge [sflag:s22], $0x4000  }
0x11e: {  	v10 =	vbroadcast v7, $0x0;
	[sflag:s22] =	ssyncset.done $0x0  }
0x11f: {  	s7 =	simm.s32 $0xF3B0;
	v7 =	vbroadcast v5, $0x0;
	v5 =	vand.u32 $0x79, v6;
	v8 =	vmov s6;
	[sflag:s22] =	ssyncadd.s32 $0xFFFFC000  }
0x120: {  	s17 =	simm.s32 $0x3;
	s21 =	simm.s32 $0x4;
	v5 =	vbroadcast v5, $0x0;
	v12 =	vor.u32 v0, v10;
	v6 =	vand.u32 $0x7A, v8;
	v8 =	vld [tilespmem:s7+$0xFFFFFFD0]  }
0x121: {  	v9 =	vmov s17;
	v11 =	vmov s21;
	v14 =	vor.u32 v0, v7;
	v13 =	vld [tilespmem:s7+$0xFFFFFC50]  }
0x122: {  	s30 =	simm.s32 $0x5;
	v16 =	vor.u32 v0, v5;
	v19 =	vbroadcast v6, $0x0;
	v6 =	vand.u32 $0x7B, v9;
	v15 =	vld [tilespmem:s7+$0xFFFFFCD0]  }
0x123: {  	v9 =	vmov s30;
	v22 =	vbroadcast v6, $0x0;
	v6 =	vand.u32 $0x7C, v11  }
0x124: {  	v9 =	vand.u32 $0x7D, v9;
	v17 =	vor.u32 v0, v19;
	v6 =	vbroadcast v6, $0x0;
	v11 =	vld [tilespmem:s7+$0xFFFFFD50]  }
0x125: {  	s31 =	simm.s32 $0x6;
	v9 =	vbroadcast v9, $0x0;
	v20 =	vor.u32 v0, v22;
	v18 =	vld [tilespmem:s7+$0xFFFFFDD0];
	[tilespmem:v12+s24+$0x0] =	vst.idx.msk $0xffff, v8  }
0x126: {  	v21 =	vmov s31;
	v59 =	vor.u32 v0, v6;
	v23 =	vld [tilespmem:s7+$0xFFFFFE50];
	[tilespmem:v14+s24+$0x0] =	vst.idx.msk $0xffff, v13  }
0x127: {  	v21 =	vand.u32 $0x7E, v21;
	[tilespmem:v16+s24+$0x0] =	vst.idx.msk $0xffff, v15;
	v14 =	vld [tilespmem:s7+$0xFFFFFED0];
	v15 =	vor.u32 v0, v9  }
0x128: {  	v8 =	vbroadcast v21, $0x0;
	v13 =	vor.u32 v1, v10;
	v12 =	vld [tilespmem:s7+$0xFFFFFFE0]  }
0x129: {  	[tilespmem:v17+s24+$0x0] =	vst.idx.msk $0xffff, v11;
	v21 =	vor.u32 v1, v5;
	v17 =	vld [tilespmem:s7+$0xFFFFFCE0]  }
0x12a: {  	v11 =	vld [tilespmem:s7+$0xFFFFFF50];
	[tilespmem:v20+s24+$0x0] =	vst.idx.msk $0xffff, v18;
	v16 =	vor.u32 v0, v8  }
0x12b: {  	v20 =	vor.u32 v1, v19;
	[tilespmem:v59+s24+$0x0] =	vst.idx.msk $0xffff, v23;
	v18 =	vld [tilespmem:s7+$0xFFFFFD60]  }
0x12c: {  	v60 =	vor.u32 v1, v22;
	v23 =	vld [tilespmem:s7+$0xFFFFFDE0];
	[tilespmem:v15+s24+$0x0] =	vst.idx.msk $0xffff, v14  }
0x12d: {  	v14 =	vld [tilespmem:s7+$0xFFFFFE60];
	v15 =	vor.u32 v1, v6;
	[tilespmem:v13+s24+$0x0] =	vst.idx.msk $0xffff, v12  }
0x12e: {  	v13 =	vor.u32 v2, v10;
	[tilespmem:v21+s24+$0x0] =	vst.idx.msk $0xffff, v17;
	v12 =	vld [tilespmem:s7+$0xFFFFFFF0]  }
0x12f: {  	[tilespmem:v16+s24+$0x0] =	vst.idx.msk $0xffff, v11;
	v11 =	vld [tilespmem:s7+$0xFFFFFEE0];
	v16 =	vor.u32 v1, v9  }
0x130: {  	[tilespmem:v20+s24+$0x0] =	vst.idx.msk $0xffff, v18;
	v20 =	vld [tilespmem:s7+$0xFFFFFC60];
	v21 =	vor.u32 v1, v7  }
0x131: {  	v61 =	vor.u32 v2, v5;
	[tilespmem:v60+s24+$0x0] =	vst.idx.msk $0xffff, v23;
	v23 =	vld [tilespmem:s7+$0xFFFFFCF0]  }
0x132: {  	v18 =	vor.u32 v1, v8;
	v17 =	vld [tilespmem:s7+$0xFFFFFF60];
	[tilespmem:v15+s24+$0x0] =	vst.idx.msk $0xffff, v14  }
0x133: {  	v14 =	vor.u32 v2, v19;
	[tilespmem:v13+s24+$0x0] =	vst.idx.msk $0xffff, v12;
	v13 =	vld [tilespmem:s7+$0xFFFFFD70]  }
0x134: {  	[tilespmem:v16+s24+$0x0] =	vst.idx.msk $0xffff, v11;
	v11 =	vld [tilespmem:s7+$0xFFFFFDF0];
	v16 =	vor.u32 v2, v22  }
0x135: {  	v10 =	vor.u32 v3, v10;
	[tilespmem:v21+s24+$0x0] =	vst.idx.msk $0xffff, v20;
	v12 =	vld [tilespmem:s7+$0x0]  }
0x136: {  	v62 =	vor.u32 v2, v6;
	v21 =	vld [tilespmem:s7+$0xFFFFFE70];
	[tilespmem:v61+s24+$0x0] =	vst.idx.msk $0xffff, v23  }
0x137: {  	v63 =	vor.u32 v2, v9;
	[tilespmem:v18+s24+$0x0] =	vst.idx.msk $0xffff, v17;
	v23 =	vld [tilespmem:s7+$0xFFFFFEF0]  }
0x138: {  	v20 =	vor.u32 v2, v8;
	v17 =	vld [tilespmem:s7+$0xFFFFFF70];
	[tilespmem:v14+s24+$0x0] =	vst.idx.msk $0xffff, v13  }
0x139: {  	v15 =	vld [tilespmem:s7+$0xFFFFFC70];
	v18 =	vor.u32 v2, v7;
	[tilespmem:v16+s24+$0x0] =	vst.idx.msk $0xffff, v11  }
0x13a: {  	v16 =	vor.u32 v3, v5;
	[tilespmem:v10+s24+$0x0] =	vst.idx.msk $0xffff, v12;
	v12 =	vld [tilespmem:s7+$0xFFFFFD00]  }
0x13b: {  	s8 =	simm.s32 $0x10;
	s6 =	simm.s32 $0x9;
	[tilespmem:v62+s24+$0x0] =	vst.idx.msk $0xffff, v21;
	v5 =	vmov s14;
	v11 =	vor.u32 v3, v19;
	v10 =	vld [tilespmem:s7+$0xFFFFFD80]  }
0x13c: {  	s2 =	simm.s32 $0x8;
	s13 =	simm.s32 $0xA;
	s15 =	simm.s32 $0xF;
	v21 =	vmov s6;
	v14 =	vor.u32 v3, v22;
	v19 =	vand.u32 $0x78, v5;
	v13 =	vld [tilespmem:s7+$0xFFFFFE00];
	[tilespmem:v63+s24+$0x0] =	vst.idx.msk $0xffff, v23  }
.LBB2_8:
0x13d: {  	p0 =	slt.u32 s8, $0x78;
	v22 =	vmov s13;
	s13 =	sadd.s32 $0x3, s2;
	v23 =	vmov s15;
	v24 =	vld [tilespmem:s7+$0xFFFFFE80];
	v6 =	vor.u32 v3, v6;
	[tilespmem:v20+s24+$0x0] =	vst.idx.msk $0xffff, v17  }
0x13e: {  	v9 =	vor.u32 v3, v9;
	v17 =	vmov s13;
	s13 =	sadd.s32 $0x4, s2;
	v20 =	vand.u32 $0x7F, v23;
	[tilespmem:v18+s24+$0x0] =	vst.idx.msk $0xffff, v15;
	v15 =	vld [tilespmem:s7+$0xFFFFFF00]  }
0x13f: {  	v8 =	vor.u32 v3, v8;
	v18 =	vmov s13;
	v20 =	vbroadcast v20, $0x0;
	[tilespmem:v16+s24+$0x0] =	vst.idx.msk $0xffff, v12;
	v12 =	vld [tilespmem:s7+$0xFFFFFF80]  }
0x140: {  	v23 =	vor.u32 v3, v7;
	v7 =	vbroadcast v19, $0x0;
	v16 =	vand.u32 $0x79, v21;
	v21 =	vld [tilespmem:s7+$0xFFFFFC80];
	[tilespmem:v11+s24+$0x0] =	vst.idx.msk $0xffff, v10;
	s7 =	sadd.s32 $0x400, s7  }
0x141: {  	v10 =	vbroadcast v16, $0x0;
	v11 =	vand.u32 $0x7A, v22;
	v16 =	vld [tilespmem:s7+$0xFFFFFFD0];
	v19 =	vor.u32 v0, v20;
	[tilespmem:v14+s24+$0x0] =	vst.idx.msk $0xffff, v13  }
0x142: {  	v17 =	vand.u32 $0x7B, v17;
	v14 =	vor.u32 v0, v7;
	v11 =	vbroadcast v11, $0x0;
	v13 =	vld [tilespmem:s7+$0xFFFFFC50];
	[tilespmem:v6+s24+$0x0] =	vst.idx.msk $0xffff, v24  }
0x143: {  	s13 =	sadd.s32 $0x5, s2;
	v25 =	vbroadcast v17, $0x0;
	v24 =	vor.u32 v0, v10;
	v6 =	vand.u32 $0x7C, v18;
	v22 =	vld [tilespmem:s7+$0xFFFFFCD0];
	[tilespmem:v9+s24+$0x0] =	vst.idx.msk $0xffff, v15  }
0x144: {  	v17 =	vor.u32 v0, v11;
	v6 =	vbroadcast v6, $0x0;
	v9 =	vmov s13;
	s13 =	sadd.s32 $0x6, s2;
	s2 =	smov.u32 s8;
	v15 =	vld [tilespmem:s7+$0xFFFFFD50];
	[tilespmem:v8+s24+$0x0] =	vst.idx.msk $0xffff, v12  }
0x145: {  	v18 =	vor.u32 v0, v25;
	v8 =	vand.u32 $0x7D, v9;
	v26 =	vmov s13;
	v12 =	vld [tilespmem:s7+$0xFFFFFDD0];
	[tilespmem:v23+s24+$0x0] =	vst.idx.msk $0xffff, v21  }
0x146: {  	v23 =	vor.u32 v0, v6;
	v9 =	vbroadcast v8, $0x0;
	v8 =	vand.u32 $0x7E, v26;
	v21 =	vld [tilespmem:s7+$0xFFFFFE50];
	[tilespmem:v19+s24+$0x0] =	vst.idx.msk $0xffff, v16  }
0x147: {  	v8 =	vbroadcast v8, $0x0;
	[tilespmem:v14+s24+$0x0] =	vst.idx.msk $0xffff, v13;
	v13 =	vld [tilespmem:s7+$0xFFFFFFE0];
	v14 =	vor.u32 v1, v20  }
0x148: {  	v19 =	vor.u32 v0, v9;
	[tilespmem:v24+s24+$0x0] =	vst.idx.msk $0xffff, v22;
	v16 =	vld [tilespmem:s7+$0xFFFFFED0]  }
0x149: {  	[tilespmem:v17+s24+$0x0] =	vst.idx.msk $0xffff, v15;
	v15 =	vld [tilespmem:s7+$0xFFFFFF50];
	v17 =	vor.u32 v0, v8  }
0x14a: {  	v24 =	vor.u32 v1, v10;
	v22 =	vld [tilespmem:s7+$0xFFFFFCE0];
	[tilespmem:v18+s24+$0x0] =	vst.idx.msk $0xffff, v12  }
0x14b: {  	v18 =	vor.u32 v1, v11;
	v12 =	vld [tilespmem:s7+$0xFFFFFD60];
	[tilespmem:v23+s24+$0x0] =	vst.idx.msk $0xffff, v21  }
0x14c: {  	v23 =	vor.u32 v1, v25;
	v21 =	vld [tilespmem:s7+$0xFFFFFDE0];
	[tilespmem:v14+s24+$0x0] =	vst.idx.msk $0xffff, v13  }
0x14d: {  	v14 =	vor.u32 v2, v20;
	[tilespmem:v19+s24+$0x0] =	vst.idx.msk $0xffff, v16;
	v13 =	vld [tilespmem:s7+$0xFFFFFFF0]  }
0x14e: {  	v19 =	vor.u32 v1, v6;
	v16 =	vld [tilespmem:s7+$0xFFFFFE60];
	[tilespmem:v17+s24+$0x0] =	vst.idx.msk $0xffff, v15  }
0x14f: {  	v17 =	vor.u32 v1, v9;
	[tilespmem:v24+s24+$0x0] =	vst.idx.msk $0xffff, v22;
	v15 =	vld [tilespmem:s7+$0xFFFFFEE0]  }
0x150: {  	[tilespmem:v18+s24+$0x0] =	vst.idx.msk $0xffff, v12;
	v12 =	vld [tilespmem:s7+$0xFFFFFF60];
	v18 =	vor.u32 v1, v8  }
0x151: {  	v24 =	vor.u32 v1, v7;
	v22 =	vld [tilespmem:s7+$0xFFFFFC60];
	[tilespmem:v23+s24+$0x0] =	vst.idx.msk $0xffff, v21  }
0x152: {  	v23 =	vor.u32 v2, v10;
	v21 =	vld [tilespmem:s7+$0xFFFFFCF0];
	[tilespmem:v14+s24+$0x0] =	vst.idx.msk $0xffff, v13  }
0x153: {  	v14 =	vor.u32 v3, v20;
	[tilespmem:v19+s24+$0x0] =	vst.idx.msk $0xffff, v16;
	v13 =	vld [tilespmem:s7+$0x0]  }
0x154: {  	v19 =	vor.u32 v2, v11;
	v16 =	vld [tilespmem:s7+$0xFFFFFD70];
	[tilespmem:v17+s24+$0x0] =	vst.idx.msk $0xffff, v15  }
0x155: {  	v27 =	vor.u32 v2, v25;
	v26 =	vld [tilespmem:s7+$0xFFFFFDF0];
	[tilespmem:v18+s24+$0x0] =	vst.idx.msk $0xffff, v12  }
0x156: {  	[tilespmem:v24+s24+$0x0] =	vst.idx.msk $0xffff, v22;
	v22 =	vld [tilespmem:s7+$0xFFFFFE70];
	v24 =	vor.u32 v2, v6  }
0x157: {  	v28 =	vor.u32 v2, v9;
	[tilespmem:v23+s24+$0x0] =	vst.idx.msk $0xffff, v21;
	v23 =	vld [tilespmem:s7+$0xFFFFFEF0]  }
.Ltmp4:
0x158: {  	v20 =	vor.u32 v2, v8;
	v17 =	vld [tilespmem:s7+$0xFFFFFF70];
	[tilespmem:v14+s24+$0x0] =	vst.idx.msk $0xffff, v13;
	(pc) =	sbr.rel @p0 .LBB2_8-.Ltmp4, $4  }
0x159: {  	v18 =	vor.u32 v2, v7;
	v15 =	vld [tilespmem:s7+$0xFFFFFC70];
	[tilespmem:v19+s24+$0x0] =	vst.idx.msk $0xffff, v16  }
0x15a: {  	v16 =	vor.u32 v3, v10;
	v12 =	vld [tilespmem:s7+$0xFFFFFD00];
	[tilespmem:v27+s24+$0x0] =	vst.idx.msk $0xffff, v26  }
0x15b: {  	s13 =	sadd.s32 $0x1, s8;
	v11 =	vor.u32 v3, v11;
	v13 =	vmov s8;
	v10 =	vld [tilespmem:s7+$0xFFFFFD80];
	[tilespmem:v24+s24+$0x0] =	vst.idx.msk $0xffff, v22  }
0x15c: {  	s15 =	sadd.s32 $0x7, s2;
	v21 =	vmov s13;
	s13 =	sadd.s32 $0x2, s2;
	s8 =	sadd.s32 $0x8, s8;
	v14 =	vor.u32 v3, v25;
	v19 =	vand.u32 $0x78, v13;
	v13 =	vld [tilespmem:s7+$0xFFFFFE00];
	[tilespmem:v28+s24+$0x0] =	vst.idx.msk $0xffff, v23  }
0x15d: {  	_ =	sdelay $0x3  }
0x15e: {  	v22 =	vmov s13;
	v23 =	vmov s15;
	v24 =	vld [tilespmem:s7+$0xFFFFFE80];
	v6 =	vor.u32 v3, v6;
	[tilespmem:v20+s24+$0x0] =	vst.idx.msk $0xffff, v17  }
0x15f: {  	s8 =	sadd.s32 $0x3, s2;
	v9 =	vor.u32 v3, v9;
	v8 =	vor.u32 v3, v8;
	v20 =	vand.u32 $0x7F, v23;
	[tilespmem:v18+s24+$0x0] =	vst.idx.msk $0xffff, v15;
	v15 =	vld [tilespmem:s7+$0xFFFFFF00]  }
0x160: {  	s21 =	sadd.s32 $0x4, s2;
	v7 =	vor.u32 v3, v7;
	v17 =	vmov s8;
	v20 =	vbroadcast v20, $0x0;
	[tilespmem:v16+s24+$0x0] =	vst.idx.msk $0xffff, v12;
	v12 =	vld [tilespmem:s7+$0xFFFFFF80]  }
0x161: {  	s30 =	sadd.s32 $0x400, s7;
	v18 =	vmov s21;
	v16 =	vbroadcast v19, $0x0;
	v19 =	vand.u32 $0x79, v21;
	v33 =	vld [tilespmem:s7+$0xFFFFFC80];
	[tilespmem:v11+s24+$0x0] =	vst.idx.msk $0xffff, v10  }
0x162: {  	v10 =	vbroadcast v19, $0x0;
	v11 =	vand.u32 $0x7A, v22;
	v19 =	vld [tilespmem:s30+$0xFFFFFFD0];
	v34 =	vor.u32 v0, v20;
	[tilespmem:v14+s24+$0x0] =	vst.idx.msk $0xffff, v13  }
0x163: {  	v17 =	vand.u32 $0x7B, v17;
	v13 =	vld [tilespmem:s30+$0xFFFFFC50];
	v14 =	vor.u32 v0, v16;
	v11 =	vbroadcast v11, $0x0;
	[tilespmem:v6+s24+$0x0] =	vst.idx.msk $0xffff, v24  }
0x164: {  	s31 =	sadd.s32 $0x5, s2;
	v18 =	vand.u32 $0x7C, v18;
	v17 =	vbroadcast v17, $0x0;
	v6 =	vld [tilespmem:s30+$0xFFFFFCD0];
	v35 =	vor.u32 v0, v10;
	[tilespmem:v9+s24+$0x0] =	vst.idx.msk $0xffff, v15  }
0x165: {  	s13 =	sadd.s32 $0x6, s2;
	v36 =	vmov s31;
	v18 =	vbroadcast v18, $0x0;
	v9 =	vld [tilespmem:s30+$0xFFFFFD50];
	v15 =	vor.u32 v0, v11;
	[tilespmem:v8+s24+$0x0] =	vst.idx.msk $0xffff, v12  }
0x166: {  	v25 =	vmov s13;
	v24 =	vand.u32 $0x7D, v36;
	v8 =	vld [tilespmem:s30+$0xFFFFFDD0];
	v12 =	vor.u32 v0, v17;
	[tilespmem:v7+s24+$0x0] =	vst.idx.msk $0xffff, v33  }
0x167: {  	v25 =	vand.u32 $0x7E, v25;
	v37 =	vor.u32 v0, v18;
	v24 =	vbroadcast v24, $0x0;
	v7 =	vld [tilespmem:s30+$0xFFFFFE50];
	[tilespmem:v34+s24+$0x0] =	vst.idx.msk $0xffff, v19  }
0x168: {  	[tilespmem:v14+s24+$0x0] =	vst.idx.msk $0xffff, v13;
	v13 =	vbroadcast v25, $0x0;
	v19 =	vor.u32 v1, v20;
	v14 =	vld [tilespmem:s30+$0xFFFFFFE0]  }
0x169: {  	v38 =	vor.u32 v0, v24;
	[tilespmem:v35+s24+$0x0] =	vst.idx.msk $0xffff, v6;
	v6 =	vld [tilespmem:s30+$0xFFFFFED0]  }
0x16a: {  	[tilespmem:v15+s24+$0x0] =	vst.idx.msk $0xffff, v9;
	v9 =	vld [tilespmem:s30+$0xFFFFFF50];
	v15 =	vor.u32 v0, v13  }
0x16b: {  	v39 =	vor.u32 v1, v10;
	v23 =	vld [tilespmem:s30+$0xFFFFFCE0];
	[tilespmem:v12+s24+$0x0] =	vst.idx.msk $0xffff, v8  }
0x16c: {  	v8 =	vld [tilespmem:s30+$0xFFFFFD60];
	v12 =	vor.u32 v1, v11;
	[tilespmem:v37+s24+$0x0] =	vst.idx.msk $0xffff, v7  }
0x16d: {  	v40 =	vor.u32 v1, v17;
	v7 =	vld [tilespmem:s30+$0xFFFFFDE0];
	[tilespmem:v19+s24+$0x0] =	vst.idx.msk $0xffff, v14  }
0x16e: {  	v41 =	vor.u32 v1, v18;
	[tilespmem:v38+s24+$0x0] =	vst.idx.msk $0xffff, v6;
	v19 =	vld [tilespmem:s30+$0xFFFFFE60]  }
0x16f: {  	v14 =	vor.u32 v2, v20;
	v6 =	vld [tilespmem:s30+$0xFFFFFFF0];
	[tilespmem:v15+s24+$0x0] =	vst.idx.msk $0xffff, v9  }
0x170: {  	[tilespmem:v39+s24+$0x0] =	vst.idx.msk $0xffff, v23;
	v9 =	vld [tilespmem:s30+$0xFFFFFEE0];
	v15 =	vor.u32 v1, v24  }
0x171: {  	v43 =	vor.u32 v1, v16;
	v42 =	vld [tilespmem:s30+$0xFFFFFC60];
	[tilespmem:v12+s24+$0x0] =	vst.idx.msk $0xffff, v8  }
0x172: {  	v8 =	vld [tilespmem:s30+$0xFFFFFF60];
	v12 =	vor.u32 v1, v13;
	[tilespmem:v40+s24+$0x0] =	vst.idx.msk $0xffff, v7  }
0x173: {  	v44 =	vor.u32 v2, v10;
	v7 =	vld [tilespmem:s30+$0xFFFFFCF0];
	[tilespmem:v41+s24+$0x0] =	vst.idx.msk $0xffff, v19  }
0x174: {  	v19 =	vld [tilespmem:s30+$0xFFFFFD70];
	[tilespmem:v14+s24+$0x0] =	vst.idx.msk $0xffff, v6;
	v14 =	vor.u32 v3, v20;
	v20 =	vor.u32 v2, v11  }
0x175: {  	[tilespmem:v15+s24+$0x0] =	vst.idx.msk $0xffff, v9;
	v9 =	vld [tilespmem:s30+$0xFFFFFDF0];
	v15 =	vor.u32 v2, v17  }
0x176: {  	[tilespmem:v43+s24+$0x0] =	vst.idx.msk $0xffff, v42;
	v6 =	vld [tilespmem:s30+$0x0]  }
0x177: {  	[tilespmem:v12+s24+$0x0] =	vst.idx.msk $0xffff, v8;
	v8 =	vld [tilespmem:s30+$0xFFFFFE70];
	v12 =	vor.u32 v2, v18  }
0x178: {  	v45 =	vor.u32 v2, v24;
	[tilespmem:v44+s24+$0x0] =	vst.idx.msk $0xffff, v7;
	v7 =	vld [tilespmem:s30+$0xFFFFFEF0]  }
0x179: {  	v47 =	vor.u32 v2, v13;
	v46 =	vld [tilespmem:s30+$0xFFFFFF70];
	[tilespmem:v20+s24+$0x0] =	vst.idx.msk $0xffff, v19  }
0x17a: {  	v10 =	vor.u32 v3, v10;
	v19 =	vld [tilespmem:s30+$0xFFFFFD00];
	[tilespmem:v15+s24+$0x0] =	vst.idx.msk $0xffff, v9  }
0x17b: {  	[tilespmem:v14+s24+$0x0] =	vst.idx.msk $0xffff, v6;
	v6 =	vld [tilespmem:s30+$0xFFFFFC70];
	v14 =	vor.u32 v2, v16  }
0x17c: {  	v11 =	vor.u32 v3, v11;
	v9 =	vld [tilespmem:s30+$0xFFFFFD80];
	[tilespmem:v12+s24+$0x0] =	vst.idx.msk $0xffff, v8  }
0x17d: {  	v8 =	vld [tilespmem:s30+$0xFFFFFE00];
	v12 =	vor.u32 v3, v17;
	[tilespmem:v45+s24+$0x0] =	vst.idx.msk $0xffff, v7  }
0x17e: {  	v15 =	vor.u32 v3, v18;
	v7 =	vld [tilespmem:s30+$0xFFFFFE80];
	[tilespmem:v47+s24+$0x0] =	vst.idx.msk $0xffff, v46  }
0x17f: {  	v13 =	vor.u32 v3, v13;
	[tilespmem:v10+s24+$0x0] =	vst.idx.msk $0xffff, v19;
	v10 =	vld [tilespmem:s30+$0xFFFFFF80]  }
0x180: {  	[tilespmem:v14+s24+$0x0] =	vst.idx.msk $0xffff, v6;
	v6 =	vld [tilespmem:s30+$0xFFFFFF00];
	v14 =	vor.u32 v3, v24  }
0x181: {  	v16 =	vor.u32 v3, v16;
	[tilespmem:v11+s24+$0x0] =	vst.idx.msk $0xffff, v9;
	v17 =	vld [tilespmem:s30+$0xFFFFFC80]  }
0x182: {  	s15 =	simm.s32 $0x7;
	[tilespmem:v12+s24+$0x0] =	vst.idx.msk $0xffff, v8  }
0x183: {  	v4 =	vand.u32 $0x78, v4;
	[tilespmem:v15+s24+$0x0] =	vst.idx.msk $0xffff, v7;
	v7 =	vmov s15  }
0x184: {  	s16 =	simm.s32 $0x2;
	v4 =	vbroadcast v4, $0x0;
	v7 =	vand.u32 $0x7F, v7;
	[tilespmem:v13+s24+$0x0] =	vst.idx.msk $0xffff, v10  }
0x185: {  	s17 =	simm.s32 $0x3;
	v8 =	vmov s16;
	v10 =	vbroadcast v7, $0x0;
	[tilespmem:v14+s24+$0x0] =	vst.idx.msk $0xffff, v6;
	v6 =	vmov s3  }
0x186: {  	v9 =	vmov s17;
	v15 =	vor.u32 v0, v4;
	s3 =	simm.s32 $0x133B0;
	[tilespmem:v16+s24+$0x0] =	vst.idx.msk $0xffff, v17;
	v6 =	vand.u32 $0x79, v6  }
0x187: {  	s21 =	simm.s32 $0x4;
	v13 =	vor.u32 v0, v10;
	v12 =	vbroadcast v6, $0x0;
	v6 =	vand.u32 $0x7A, v8;
	v11 =	vld [tilespmem:s3+$0xFFFFFFD0]  }
0x188: {  	v7 =	vmov s21;
	v14 =	vld [tilespmem:s3+$0xFFFFFC50];
	v16 =	vbroadcast v6, $0x0;
	v6 =	vand.u32 $0x7B, v9  }
0x189: {  	v9 =	vld [tilespmem:s3+$0xFFFFFCD0];
	v17 =	vor.u32 v0, v12;
	v20 =	vbroadcast v6, $0x0;
	v6 =	vand.u32 $0x7C, v7  }
0x18a: {  	s30 =	simm.s32 $0x5;
	v18 =	vld [tilespmem:s3+$0xFFFFFD50];
	v19 =	vor.u32 v0, v16;
	v6 =	vbroadcast v6, $0x0  }
0x18b: {  	s31 =	simm.s32 $0x6;
	v21 =	vld [tilespmem:s3+$0xFFFFFDD0];
	v7 =	vmov s30;
	v48 =	vor.u32 v0, v20  }
0x18c: {  	v49 =	vmov s31;
	v50 =	vld [tilespmem:s3+$0xFFFFFE50];
	v7 =	vand.u32 $0x7D, v7;
	v51 =	vor.u32 v0, v6;
	[tilespmem:v13+s26+$0x0] =	vst.idx.msk $0xffff, v11  }
0x18d: {  	v8 =	vbroadcast v7, $0x0;
	v7 =	vand.u32 $0x7E, v49;
	[tilespmem:v15+s26+$0x0] =	vst.idx.msk $0xffff, v14;
	v13 =	vor.u32 v1, v10;
	v11 =	vld [tilespmem:s3+$0xFFFFFFE0]  }
0x18e: {  	v57 =	vor.u32 v1, v4;
	v7 =	vbroadcast v7, $0x0;
	v56 =	vld [tilespmem:s3+$0xFFFFFC60];
	[tilespmem:v17+s26+$0x0] =	vst.idx.msk $0xffff, v9  }
0x18f: {  	v14 =	vor.u32 v0, v8;
	v9 =	vld [tilespmem:s3+$0xFFFFFED0];
	[tilespmem:v19+s26+$0x0] =	vst.idx.msk $0xffff, v18  }
0x190: {  	v15 =	vld [tilespmem:s3+$0xFFFFFF50];
	v17 =	vor.u32 v0, v7;
	[tilespmem:v48+s26+$0x0] =	vst.idx.msk $0xffff, v21  }
0x191: {  	v18 =	vld [tilespmem:s3+$0xFFFFFCE0];
	v19 =	vor.u32 v1, v12;
	[tilespmem:v51+s26+$0x0] =	vst.idx.msk $0xffff, v50  }
0x192: {  	v53 =	vor.u32 v1, v16;
	v52 =	vld [tilespmem:s3+$0xFFFFFD60];
	[tilespmem:v13+s26+$0x0] =	vst.idx.msk $0xffff, v11  }
0x193: {  	v55 =	vor.u32 v1, v20;
	v54 =	vld [tilespmem:s3+$0xFFFFFDE0];
	[tilespmem:v57+s26+$0x0] =	vst.idx.msk $0xffff, v56  }
0x194: {  	v11 =	vor.u32 v2, v10;
	[tilespmem:v14+s26+$0x0] =	vst.idx.msk $0xffff, v9;
	v9 =	vld [tilespmem:s3+$0xFFFFFFF0]  }
0x195: {  	v13 =	vld [tilespmem:s3+$0xFFFFFE60];
	v14 =	vor.u32 v1, v6;
	[tilespmem:v17+s26+$0x0] =	vst.idx.msk $0xffff, v15  }
0x196: {  	v17 =	vor.u32 v1, v8;
	[tilespmem:v19+s26+$0x0] =	vst.idx.msk $0xffff, v18;
	v15 =	vld [tilespmem:s3+$0xFFFFFEE0]  }
0x197: {  	v18 =	vld [tilespmem:s3+$0xFFFFFF60];
	v19 =	vor.u32 v1, v7;
	[tilespmem:v53+s26+$0x0] =	vst.idx.msk $0xffff, v52  }
0x198: {  	v59 =	vor.u32 v2, v12;
	v58 =	vld [tilespmem:s3+$0xFFFFFCF0];
	[tilespmem:v55+s26+$0x0] =	vst.idx.msk $0xffff, v54  }
0x199: {  	v26 =	vor.u32 v2, v20;
	v60 =	vld [tilespmem:s3+$0xFFFFFDF0];
	[tilespmem:v11+s26+$0x0] =	vst.idx.msk $0xffff, v9  }
0x19a: {  	[tilespmem:v14+s26+$0x0] =	vst.idx.msk $0xffff, v13;
	v11 =	vld [tilespmem:s3+$0xFFFFFD70];
	v14 =	vor.u32 v2, v16  }
0x19b: {  	v10 =	vor.u32 v3, v10;
	v9 =	vld [tilespmem:s3+$0x0];
	[tilespmem:v17+s26+$0x0] =	vst.idx.msk $0xffff, v15  }
0x19c: {  	v61 =	vor.u32 v2, v6;
	[tilespmem:v19+s26+$0x0] =	vst.idx.msk $0xffff, v18;
	v18 =	vld [tilespmem:s3+$0xFFFFFE70]  }
0x19d: {  	v63 =	vor.u32 v2, v8;
	[tilespmem:v59+s26+$0x0] =	vst.idx.msk $0xffff, v58;
	v62 =	vld [tilespmem:s3+$0xFFFFFEF0]  }
0x19e: {  	v19 =	vor.u32 v2, v7;
	v15 =	vld [tilespmem:s3+$0xFFFFFF70];
	[tilespmem:v26+s26+$0x0] =	vst.idx.msk $0xffff, v60  }
0x19f: {  	v13 =	vld [tilespmem:s3+$0xFFFFFC70];
	v17 =	vor.u32 v2, v4;
	[tilespmem:v14+s26+$0x0] =	vst.idx.msk $0xffff, v11  }
0x1a0: {  	v11 =	vld [tilespmem:s3+$0xFFFFFD00];
	v14 =	vor.u32 v3, v12;
	[tilespmem:v10+s26+$0x0] =	vst.idx.msk $0xffff, v9  }
0x1a1: {  	v9 =	vld [tilespmem:s3+$0xFFFFFD80];
	v10 =	vor.u32 v3, v16;
	[tilespmem:v61+s26+$0x0] =	vst.idx.msk $0xffff, v18  }
0x1a2: {  	s2 =	simm.s32 $0x10;
	s7 =	simm.s32 $0xA;
	v12 =	vor.u32 v3, v20;
	v16 =	vand.u32 $0x78, v5;
	v18 =	vmov s6;
	s6 =	simm.s32 $0xF;
	v5 =	vld [tilespmem:s3+$0xFFFFFE00];
	[tilespmem:v63+s26+$0x0] =	vst.idx.msk $0xffff, v62  }
.LBB2_10:
0x1a3: {  	p0 =	slt.u32 s2, $0x78;
	v20 =	vmov s7;
	s7 =	sadd.s32 $0x3, s14;
	v21 =	vmov s6;
	v22 =	vld [tilespmem:s3+$0xFFFFFE80];
	v6 =	vor.u32 v3, v6;
	[tilespmem:v19+s26+$0x0] =	vst.idx.msk $0xffff, v15  }
0x1a4: {  	s6 =	sadd.s32 $0x4, s14;
	v8 =	vor.u32 v3, v8;
	v15 =	vmov s7;
	v19 =	vand.u32 $0x7F, v21;
	[tilespmem:v17+s26+$0x0] =	vst.idx.msk $0xffff, v13;
	v13 =	vld [tilespmem:s3+$0xFFFFFF00]  }
0x1a5: {  	v7 =	vor.u32 v3, v7;
	v17 =	vmov s6;
	v19 =	vbroadcast v19, $0x0;
	[tilespmem:v14+s26+$0x0] =	vst.idx.msk $0xffff, v11;
	v11 =	vld [tilespmem:s3+$0xFFFFFF80]  }
0x1a6: {  	v21 =	vor.u32 v3, v4;
	v4 =	vbroadcast v16, $0x0;
	v14 =	vand.u32 $0x79, v18;
	v18 =	vld [tilespmem:s3+$0xFFFFFC80];
	[tilespmem:v10+s26+$0x0] =	vst.idx.msk $0xffff, v9;
	s3 =	sadd.s32 $0x400, s3  }
0x1a7: {  	v9 =	vbroadcast v14, $0x0;
	v10 =	vand.u32 $0x7A, v20;
	v14 =	vld [tilespmem:s3+$0xFFFFFFD0];
	v16 =	vor.u32 v0, v19;
	[tilespmem:v12+s26+$0x0] =	vst.idx.msk $0xffff, v5  }
0x1a8: {  	v15 =	vand.u32 $0x7B, v15;
	v12 =	vor.u32 v0, v4;
	v10 =	vbroadcast v10, $0x0;
	v5 =	vld [tilespmem:s3+$0xFFFFFC50];
	[tilespmem:v6+s26+$0x0] =	vst.idx.msk $0xffff, v22  }
0x1a9: {  	s6 =	sadd.s32 $0x5, s14;
	v23 =	vbroadcast v15, $0x0;
	v22 =	vor.u32 v0, v9;
	v6 =	vand.u32 $0x7C, v17;
	v20 =	vld [tilespmem:s3+$0xFFFFFCD0];
	[tilespmem:v8+s26+$0x0] =	vst.idx.msk $0xffff, v13  }
0x1aa: {  	v15 =	vor.u32 v0, v10;
	v6 =	vbroadcast v6, $0x0;
	v8 =	vmov s6;
	s6 =	sadd.s32 $0x6, s14;
	s14 =	smov.u32 s2;
	v13 =	vld [tilespmem:s3+$0xFFFFFD50];
	[tilespmem:v7+s26+$0x0] =	vst.idx.msk $0xffff, v11  }
0x1ab: {  	v17 =	vor.u32 v0, v23;
	v7 =	vand.u32 $0x7D, v8;
	v24 =	vmov s6;
	v11 =	vld [tilespmem:s3+$0xFFFFFDD0];
	[tilespmem:v21+s26+$0x0] =	vst.idx.msk $0xffff, v18  }
0x1ac: {  	v21 =	vor.u32 v0, v6;
	v8 =	vbroadcast v7, $0x0;
	v7 =	vand.u32 $0x7E, v24;
	v18 =	vld [tilespmem:s3+$0xFFFFFE50];
	[tilespmem:v16+s26+$0x0] =	vst.idx.msk $0xffff, v14  }
0x1ad: {  	v7 =	vbroadcast v7, $0x0;
	[tilespmem:v12+s26+$0x0] =	vst.idx.msk $0xffff, v5;
	v5 =	vld [tilespmem:s3+$0xFFFFFFE0];
	v12 =	vor.u32 v1, v19  }
0x1ae: {  	v16 =	vor.u32 v0, v8;
	[tilespmem:v22+s26+$0x0] =	vst.idx.msk $0xffff, v20;
	v14 =	vld [tilespmem:s3+$0xFFFFFED0]  }
0x1af: {  	[tilespmem:v15+s26+$0x0] =	vst.idx.msk $0xffff, v13;
	v13 =	vld [tilespmem:s3+$0xFFFFFF50];
	v15 =	vor.u32 v0, v7  }
0x1b0: {  	v22 =	vor.u32 v1, v9;
	v20 =	vld [tilespmem:s3+$0xFFFFFCE0];
	[tilespmem:v17+s26+$0x0] =	vst.idx.msk $0xffff, v11  }
0x1b1: {  	v17 =	vor.u32 v1, v10;
	v11 =	vld [tilespmem:s3+$0xFFFFFD60];
	[tilespmem:v21+s26+$0x0] =	vst.idx.msk $0xffff, v18  }
0x1b2: {  	v21 =	vor.u32 v1, v23;
	v18 =	vld [tilespmem:s3+$0xFFFFFDE0];
	[tilespmem:v12+s26+$0x0] =	vst.idx.msk $0xffff, v5  }
0x1b3: {  	v12 =	vor.u32 v2, v19;
	[tilespmem:v16+s26+$0x0] =	vst.idx.msk $0xffff, v14;
	v5 =	vld [tilespmem:s3+$0xFFFFFFF0]  }
0x1b4: {  	v16 =	vor.u32 v1, v6;
	v14 =	vld [tilespmem:s3+$0xFFFFFE60];
	[tilespmem:v15+s26+$0x0] =	vst.idx.msk $0xffff, v13  }
0x1b5: {  	v15 =	vor.u32 v1, v8;
	[tilespmem:v22+s26+$0x0] =	vst.idx.msk $0xffff, v20;
	v13 =	vld [tilespmem:s3+$0xFFFFFEE0]  }
0x1b6: {  	[tilespmem:v17+s26+$0x0] =	vst.idx.msk $0xffff, v11;
	v11 =	vld [tilespmem:s3+$0xFFFFFF60];
	v17 =	vor.u32 v1, v7  }
0x1b7: {  	v22 =	vor.u32 v1, v4;
	v20 =	vld [tilespmem:s3+$0xFFFFFC60];
	[tilespmem:v21+s26+$0x0] =	vst.idx.msk $0xffff, v18  }
0x1b8: {  	v21 =	vor.u32 v2, v9;
	v18 =	vld [tilespmem:s3+$0xFFFFFCF0];
	[tilespmem:v12+s26+$0x0] =	vst.idx.msk $0xffff, v5  }
0x1b9: {  	v12 =	vor.u32 v3, v19;
	[tilespmem:v16+s26+$0x0] =	vst.idx.msk $0xffff, v14;
	v5 =	vld [tilespmem:s3+$0x0]  }
0x1ba: {  	v16 =	vor.u32 v2, v10;
	v14 =	vld [tilespmem:s3+$0xFFFFFD70];
	[tilespmem:v15+s26+$0x0] =	vst.idx.msk $0xffff, v13  }
0x1bb: {  	v25 =	vor.u32 v2, v23;
	v24 =	vld [tilespmem:s3+$0xFFFFFDF0];
	[tilespmem:v17+s26+$0x0] =	vst.idx.msk $0xffff, v11  }
0x1bc: {  	[tilespmem:v22+s26+$0x0] =	vst.idx.msk $0xffff, v20;
	v20 =	vld [tilespmem:s3+$0xFFFFFE70];
	v22 =	vor.u32 v2, v6  }
0x1bd: {  	v26 =	vor.u32 v2, v8;
	[tilespmem:v21+s26+$0x0] =	vst.idx.msk $0xffff, v18;
	v21 =	vld [tilespmem:s3+$0xFFFFFEF0]  }
.Ltmp5:
0x1be: {  	v19 =	vor.u32 v2, v7;
	v15 =	vld [tilespmem:s3+$0xFFFFFF70];
	[tilespmem:v12+s26+$0x0] =	vst.idx.msk $0xffff, v5;
	(pc) =	sbr.rel @p0 .LBB2_10-.Ltmp5, $4  }
0x1bf: {  	v17 =	vor.u32 v2, v4;
	v13 =	vld [tilespmem:s3+$0xFFFFFC70];
	[tilespmem:v16+s26+$0x0] =	vst.idx.msk $0xffff, v14  }
0x1c0: {  	v14 =	vor.u32 v3, v9;
	v11 =	vld [tilespmem:s3+$0xFFFFFD00];
	[tilespmem:v25+s26+$0x0] =	vst.idx.msk $0xffff, v24  }
0x1c1: {  	s6 =	sadd.s32 $0x1, s2;
	v10 =	vor.u32 v3, v10;
	v5 =	vmov s2;
	v9 =	vld [tilespmem:s3+$0xFFFFFD80];
	[tilespmem:v22+s26+$0x0] =	vst.idx.msk $0xffff, v20  }
0x1c2: {  	s7 =	sadd.s32 $0x2, s14;
	v18 =	vmov s6;
	s6 =	sadd.s32 $0x7, s14;
	s2 =	sadd.s32 $0x8, s2;
	v12 =	vor.u32 v3, v23;
	v16 =	vand.u32 $0x78, v5;
	v5 =	vld [tilespmem:s3+$0xFFFFFE00];
	[tilespmem:v26+s26+$0x0] =	vst.idx.msk $0xffff, v21  }
0x1c3: {  	_ =	sdelay $0x2  }
0x1c4: {  	v20 =	vmov s7  }
0x1c5: {  	v21 =	vmov s6;
	v22 =	vld [tilespmem:s3+$0xFFFFFE80];
	v6 =	vor.u32 v3, v6;
	[tilespmem:v19+s26+$0x0] =	vst.idx.msk $0xffff, v15;
	v8 =	vor.u32 v3, v8  }
0x1c6: {  	s2 =	sadd.s32 $0x3, s14;
	v45 =	vld [tilespmem:s3+$0xFFFFFF00];
	v7 =	vor.u32 v3, v7;
	v48 =	vand.u32 $0x79, v18;
	v44 =	vand.u32 $0x7F, v21;
	[tilespmem:v17+s26+$0x0] =	vst.idx.msk $0xffff, v13  }
0x1c7: {  	s17 =	sadd.s32 $0x4, s14;
	v4 =	vor.u32 v3, v4;
	v43 =	vmov s2;
	v47 =	vld [tilespmem:s3+$0xFFFFFF80];
	v19 =	vbroadcast v44, $0x0;
	[tilespmem:v14+s26+$0x0] =	vst.idx.msk $0xffff, v11  }
0x1c8: {  	s21 =	sadd.s32 $0x400, s3;
	s30 =	sadd.s32 $0x5, s14;
	v46 =	vmov s17;
	v50 =	vand.u32 $0x7A, v20;
	v14 =	vbroadcast v16, $0x0;
	v49 =	vld [tilespmem:s3+$0xFFFFFC80];
	[tilespmem:v10+s26+$0x0] =	vst.idx.msk $0xffff, v9  }
0x1c9: {  	v51 =	vld [tilespmem:s21+$0xFFFFFFD0];
	v58 =	vmov s30;
	v9 =	vbroadcast v48, $0x0;
	v52 =	vor.u32 v0, v19;
	[tilespmem:v12+s26+$0x0] =	vst.idx.msk $0xffff, v5  }
0x1ca: {  	v15 =	vand.u32 $0x7B, v43;
	v10 =	vbroadcast v50, $0x0;
	v5 =	vld [tilespmem:s21+$0xFFFFFC50];
	v53 =	vor.u32 v0, v14;
	[tilespmem:v6+s26+$0x0] =	vst.idx.msk $0xffff, v22  }
0x1cb: {  	v54 =	vld [tilespmem:s21+$0xFFFFFCD0];
	v17 =	vand.u32 $0x7C, v46;
	v15 =	vbroadcast v15, $0x0;
	v55 =	vor.u32 v0, v9;
	[tilespmem:v8+s26+$0x0] =	vst.idx.msk $0xffff, v45  }
0x1cc: {  	v56 =	vld [tilespmem:s21+$0xFFFFFD50];
	v17 =	vbroadcast v17, $0x0;
	v57 =	vor.u32 v0, v10;
	v22 =	vand.u32 $0x7D, v58;
	[tilespmem:v7+s26+$0x0] =	vst.idx.msk $0xffff, v47  }
0x1cd: {  	s31 =	sadd.s32 $0x6, s14;
	v59 =	vld [tilespmem:s21+$0xFFFFFDD0];
	v60 =	vor.u32 v0, v15;
	v22 =	vbroadcast v22, $0x0;
	[tilespmem:v4+s26+$0x0] =	vst.idx.msk $0xffff, v49  }
0x1ce: {  	v23 =	vmov s31;
	v61 =	vor.u32 v0, v17;
	v4 =	vld [tilespmem:s21+$0xFFFFFE50];
	[tilespmem:v52+s26+$0x0] =	vst.idx.msk $0xffff, v51  }
0x1cf: {  	v24 =	vld [tilespmem:s21+$0xFFFFFED0];
	v23 =	vand.u32 $0x7E, v23;
	v25 =	vor.u32 v0, v22;
	[tilespmem:v53+s26+$0x0] =	vst.idx.msk $0xffff, v5  }
0x1d0: {  	v63 =	vor.u32 v1, v19;
	v5 =	vbroadcast v23, $0x0;
	v62 =	vld [tilespmem:s21+$0xFFFFFFE0];
	[tilespmem:v55+s26+$0x0] =	vst.idx.msk $0xffff, v54  }
0x1d1: {  	v41 =	vor.u32 v1, v14;
	[tilespmem:v57+s26+$0x0] =	vst.idx.msk $0xffff, v56;
	v40 =	vld [tilespmem:s21+$0xFFFFFC60]  }
0x1d2: {  	v26 =	vld [tilespmem:s21+$0xFFFFFF50];
	[tilespmem:v60+s26+$0x0] =	vst.idx.msk $0xffff, v59;
	v27 =	vor.u32 v0, v5  }
0x1d3: {  	v28 =	vor.u32 v1, v9;
	v21 =	vld [tilespmem:s21+$0xFFFFFCE0];
	[tilespmem:v61+s26+$0x0] =	vst.idx.msk $0xffff, v4  }
0x1d4: {  	v30 =	vor.u32 v1, v10;
	v29 =	vld [tilespmem:s21+$0xFFFFFD60];
	[tilespmem:v25+s26+$0x0] =	vst.idx.msk $0xffff, v24  }
0x1d5: {  	v31 =	vor.u32 v1, v15;
	v4 =	vld [tilespmem:s21+$0xFFFFFDE0];
	[tilespmem:v63+s26+$0x0] =	vst.idx.msk $0xffff, v62  }
0x1d6: {  	v35 =	vor.u32 v1, v17;
	v34 =	vld [tilespmem:s21+$0xFFFFFE60];
	[tilespmem:v41+s26+$0x0] =	vst.idx.msk $0xffff, v40  }
0x1d7: {  	v37 =	vor.u32 v1, v22;
	v36 =	vld [tilespmem:s21+$0xFFFFFEE0];
	[tilespmem:v27+s26+$0x0] =	vst.idx.msk $0xffff, v26  }
0x1d8: {  	v33 =	vor.u32 v2, v19;
	v32 =	vld [tilespmem:s21+$0xFFFFFFF0];
	[tilespmem:v28+s26+$0x0] =	vst.idx.msk $0xffff, v21  }
0x1d9: {  	v54 =	vor.u32 v2, v14;
	[tilespmem:v30+s26+$0x0] =	vst.idx.msk $0xffff, v29;
	v53 =	vld [tilespmem:s21+$0xFFFFFC70]  }
0x1da: {  	v39 =	vor.u32 v1, v5;
	v38 =	vld [tilespmem:s21+$0xFFFFFF60];
	[tilespmem:v31+s26+$0x0] =	vst.idx.msk $0xffff, v4  }
0x1db: {  	v42 =	vor.u32 v2, v9;
	v4 =	vld [tilespmem:s21+$0xFFFFFCF0];
	[tilespmem:v35+s26+$0x0] =	vst.idx.msk $0xffff, v34  }
0x1dc: {  	v45 =	vor.u32 v2, v10;
	v44 =	vld [tilespmem:s21+$0xFFFFFD70];
	[tilespmem:v37+s26+$0x0] =	vst.idx.msk $0xffff, v36  }
0x1dd: {  	v47 =	vor.u32 v2, v15;
	v46 =	vld [tilespmem:s21+$0xFFFFFDF0];
	[tilespmem:v33+s26+$0x0] =	vst.idx.msk $0xffff, v32  }
0x1de: {  	v49 =	vor.u32 v2, v17;
	v48 =	vld [tilespmem:s21+$0xFFFFFE70];
	[tilespmem:v54+s26+$0x0] =	vst.idx.msk $0xffff, v53  }
0x1df: {  	v43 =	vor.u32 v3, v19;
	v6 =	vld [tilespmem:s21+$0x0];
	[tilespmem:v39+s26+$0x0] =	vst.idx.msk $0xffff, v38  }
0x1e0: {  	v50 =	vor.u32 v2, v22;
	[tilespmem:v42+s26+$0x0] =	vst.idx.msk $0xffff, v4;
	v4 =	vld [tilespmem:s21+$0xFFFFFEF0]  }
0x1e1: {  	v14 =	vor.u32 v3, v14;
	[tilespmem:v45+s26+$0x0] =	vst.idx.msk $0xffff, v44;
	v63 =	vld [tilespmem:s21+$0xFFFFFC80]  }
0x1e2: {  	v52 =	vor.u32 v2, v5;
	v51 =	vld [tilespmem:s21+$0xFFFFFF70];
	[tilespmem:v47+s26+$0x0] =	vst.idx.msk $0xffff, v46  }
0x1e3: {  	v9 =	vor.u32 v3, v9;
	v55 =	vld [tilespmem:s21+$0xFFFFFD00];
	[tilespmem:v49+s26+$0x0] =	vst.idx.msk $0xffff, v48  }
0x1e4: {  	v10 =	vor.u32 v3, v10;
	v56 =	vld [tilespmem:s21+$0xFFFFFD80];
	[tilespmem:v43+s26+$0x0] =	vst.idx.msk $0xffff, v6  }
0x1e5: {  	v58 =	vor.u32 v3, v15;
	v57 =	vld [tilespmem:s21+$0xFFFFFE00];
	[tilespmem:v50+s26+$0x0] =	vst.idx.msk $0xffff, v4  }
0x1e6: {  	v59 =	vor.u32 v3, v17;
	v4 =	vld [tilespmem:s21+$0xFFFFFE80];
	[tilespmem:v14+s26+$0x0] =	vst.idx.msk $0xffff, v63  }
0x1e7: {  	v61 =	vor.u32 v3, v22;
	[tilespmem:v52+s26+$0x0] =	vst.idx.msk $0xffff, v51;
	v60 =	vld [tilespmem:s21+$0xFFFFFF00]  }
0x1e8: {  	v5 =	vor.u32 v3, v5;
	[tilespmem:v9+s26+$0x0] =	vst.idx.msk $0xffff, v55;
	v62 =	vld [tilespmem:s21+$0xFFFFFF80]  }
0x1e9: {  	[tilespmem:v10+s26+$0x0] =	vst.idx.msk $0xffff, v56  }
0x1ea: {  	[tilespmem:v58+s26+$0x0] =	vst.idx.msk $0xffff, v57  }
0x1eb: {  	[tilespmem:v59+s26+$0x0] =	vst.idx.msk $0xffff, v4  }
0x1ec: {  	[tilespmem:v61+s26+$0x0] =	vst.idx.msk $0xffff, v60  }
0x1ed: {  	[tilespmem:v5+s26+$0x0] =	vst.idx.msk $0xffff, v62  }
0x1ee: {  	[hbm4b:s11+s18] =	stream.strided.scatter [tilespmem:s24], [sflag:$0x4], $0x2000, s19, s18, $0x38;
	[tilespmem:$0x1F000] =	vst v63  }
0x1ef: {  	s14 =	simm.s32 $0x0;
	s15 =	simm.s32 $0x0  }
0x1f0: {  	[hbm4b:s12+s18] =	stream.strided.scatter [tilespmem:s26], [sflag:$0x4], $0x2000, s19, s18, $0x38;
	[tilespmem:$0x1F000] =	vst v63  }
.LBB2_12:
0x1f1: {  	_ =	swait.ge [sflag:s5], $0x2000  }
0x1f2: {  	[sflag:s5] =	ssyncset.done $0x0  }
0x1f3: {  	s17 =	sadd.s32 $0x1, s15;
	[sflag:s5] =	ssyncadd.s32 $0xFFFFE000  }
0x1f4: {  	s2 =	sshll.u32 s17, $0x7;
	_ =	swait.ge [sflag:s5], $0x2000  }
0x1f5: {  	s2 =	sand.u32 $0x3FFFFF80, s2;
	[sflag:s5] =	ssyncset.done $0x0  }
0x1f6: {  	s3 =	sadd.s32 $0x3800, s2;
	[sflag:s5] =	ssyncadd.s32 $0xFFFFE000  }
0x1f7: {  	[tilespmem:s0], [sflag:$0x2] =	stream.indirect.gather [hbm4b:s4+s29], $0x80, s3, s29, $0xb8;
	[tilespmem:$0x1F000] =	vst v63  }
0x1f8: {  	s2 =	sadd.s32 $0x5400, s2  }
0x1f9: {  	[tilespmem:s1], [sflag:$0x2] =	stream.indirect.gather [hbm4b:s4+s29], $0x80, s2, s29, $0xb8;
	[tilespmem:$0x1F000] =	vst v63  }
0x1fa: {  	_ =	swait.ge [sflag:s20], $0x4000  }
0x1fb: {  	s7 =	simm.s32 $0x7;
	[sflag:s20] =	ssyncset.done $0x0  }
0x1fc: {  	v5 =	vmov s7;
	[sflag:s20] =	ssyncadd.s32 $0xFFFFC000  }
0x1fd: {  	v4 =	vmov s14;
	s8 =	simm.s32 $0x1;
	v5 =	vand.u32 $0x7F, v5;
	_ =	swait.ge [sflag:s20], $0x4000  }
0x1fe: {  	s13 =	simm.s32 $0x2;
	v4 =	vand.u32 $0x78, v4;
	v6 =	vmov s8;
	v9 =	vbroadcast v5, $0x0;
	[sflag:s20] =	ssyncset.done $0x0  }
0x1ff: {  	s16 =	simm.s32 $0x3;
	v7 =	vmov s13;
	v4 =	vbroadcast v4, $0x0;
	v6 =	vand.u32 $0x79, v6;
	s3 =	simm.s32 $0x7200;
	[sflag:s20] =	ssyncadd.s32 $0xFFFFC000  }
0x200: {  	s21 =	simm.s32 $0x4;
	v8 =	vmov s16;
	v11 =	vbroadcast v6, $0x0;
	v12 =	vor.u32 v0, v9;
	v10 =	vld [tilespmem:s3+$0x180]  }
0x201: {  	v5 =	vmov s21;
	v6 =	vand.u32 $0x7A, v7;
	v14 =	vor.u32 v0, v4;
	v13 =	vld [tilespmem:s3+$0xFFFFFE00]  }
0x202: {  	s30 =	simm.s32 $0x5;
	v17 =	vbroadcast v6, $0x0;
	v6 =	vand.u32 $0x7B, v8;
	v15 =	vor.u32 v0, v11;
	v8 =	vld [tilespmem:s3+$0xFFFFFE80]  }
0x203: {  	v5 =	vand.u32 $0x7C, v5;
	v20 =	vbroadcast v6, $0x0;
	v6 =	vmov s30  }
0x204: {  	s31 =	simm.s32 $0x6;
	v5 =	vbroadcast v5, $0x0;
	v18 =	vor.u32 v0, v17;
	v6 =	vand.u32 $0x7D, v6;
	v16 =	vld [tilespmem:s3+$0xFFFFFF00]  }
0x205: {  	v22 =	vmov s31;
	v21 =	vor.u32 v0, v20;
	v7 =	vbroadcast v6, $0x0;
	v19 =	vld [tilespmem:s3+$0xFFFFFF80];
	[tilespmem:v12+s23+$0x0] =	vst.idx.msk $0xffff, v10  }
0x206: {  	v24 =	vor.u32 v0, v5;
	v6 =	vand.u32 $0x7E, v22;
	v23 =	vld [tilespmem:s3+$0x0];
	[tilespmem:v14+s23+$0x0] =	vst.idx.msk $0xffff, v13  }
0x207: {  	v6 =	vbroadcast v6, $0x0;
	[tilespmem:v15+s23+$0x0] =	vst.idx.msk $0xffff, v8;
	v8 =	vld [tilespmem:s3+$0x80];
	v13 =	vor.u32 v0, v7  }
0x208: {  	v12 =	vor.u32 v1, v9;
	v10 =	vld [tilespmem:s3+$0x190]  }
0x209: {  	[tilespmem:v18+s23+$0x0] =	vst.idx.msk $0xffff, v16;
	v14 =	vld [tilespmem:s3+$0x100];
	v15 =	vor.u32 v0, v6  }
0x20a: {  	v18 =	vor.u32 v1, v11;
	[tilespmem:v21+s23+$0x0] =	vst.idx.msk $0xffff, v19;
	v16 =	vld [tilespmem:s3+$0xFFFFFE90]  }
0x20b: {  	v54 =	vor.u32 v1, v17;
	[tilespmem:v24+s23+$0x0] =	vst.idx.msk $0xffff, v23;
	v19 =	vld [tilespmem:s3+$0xFFFFFF10]  }
0x20c: {  	v56 =	vor.u32 v1, v20;
	v55 =	vld [tilespmem:s3+$0xFFFFFF90];
	[tilespmem:v13+s23+$0x0] =	vst.idx.msk $0xffff, v8  }
0x20d: {  	v13 =	vor.u32 v1, v5;
	[tilespmem:v12+s23+$0x0] =	vst.idx.msk $0xffff, v10;
	v12 =	vld [tilespmem:s3+$0x10]  }
0x20e: {  	[tilespmem:v15+s23+$0x0] =	vst.idx.msk $0xffff, v14;
	v15 =	vor.u32 v1, v7;
	v14 =	vld [tilespmem:s3+$0x90]  }
0x20f: {  	v10 =	vor.u32 v2, v9;
	[tilespmem:v18+s23+$0x0] =	vst.idx.msk $0xffff, v16;
	v8 =	vld [tilespmem:s3+$0x1A0]  }
0x210: {  	v57 =	vor.u32 v1, v4;
	[tilespmem:v54+s23+$0x0] =	vst.idx.msk $0xffff, v19;
	v19 =	vld [tilespmem:s3+$0xFFFFFE10]  }
0x211: {  	v16 =	vld [tilespmem:s3+$0x110];
	v18 =	vor.u32 v1, v6;
	[tilespmem:v56+s23+$0x0] =	vst.idx.msk $0xffff, v55  }
0x212: {  	v59 =	vor.u32 v2, v11;
	v58 =	vld [tilespmem:s3+$0xFFFFFEA0];
	[tilespmem:v13+s23+$0x0] =	vst.idx.msk $0xffff, v12  }
0x213: {  	v60 =	vor.u32 v2, v20;
	[tilespmem:v15+s23+$0x0] =	vst.idx.msk $0xffff, v14;
	v14 =	vld [tilespmem:s3+$0xFFFFFFA0]  }
0x214: {  	v13 =	vor.u32 v2, v17;
	[tilespmem:v10+s23+$0x0] =	vst.idx.msk $0xffff, v8;
	v10 =	vld [tilespmem:s3+$0xFFFFFF20]  }
0x215: {  	v61 =	vor.u32 v2, v5;
	[tilespmem:v57+s23+$0x0] =	vst.idx.msk $0xffff, v19;
	v19 =	vld [tilespmem:s3+$0x20]  }
0x216: {  	v9 =	vor.u32 v3, v9;
	[tilespmem:v18+s23+$0x0] =	vst.idx.msk $0xffff, v16;
	v8 =	vld [tilespmem:s3+$0x1B0]  }
0x217: {  	v63 =	vor.u32 v2, v7;
	[tilespmem:v59+s23+$0x0] =	vst.idx.msk $0xffff, v58;
	v62 =	vld [tilespmem:s3+$0xA0]  }
0x218: {  	v18 =	vor.u32 v2, v6;
	v15 =	vld [tilespmem:s3+$0x120];
	[tilespmem:v60+s23+$0x0] =	vst.idx.msk $0xffff, v14  }
0x219: {  	v16 =	vor.u32 v2, v4;
	v12 =	vld [tilespmem:s3+$0xFFFFFE20];
	[tilespmem:v13+s23+$0x0] =	vst.idx.msk $0xffff, v10  }
0x21a: {  	s2 =	simm.s32 $0x8;
	v14 =	vor.u32 v3, v11;
	v10 =	vld [tilespmem:s3+$0xFFFFFEB0];
	[tilespmem:v61+s23+$0x0] =	vst.idx.msk $0xffff, v19  }
0x21b: {  	s6 =	simm.s32 $0x9;
	v11 =	vmov s2;
	[tilespmem:v9+s23+$0x0] =	vst.idx.msk $0xffff, v8;
	v8 =	vld [tilespmem:s3+$0xFFFFFF30];
	v9 =	vor.u32 v3, v17  }
0x21c: {  	s8 =	simm.s32 $0xA;
	s7 =	simm.s32 $0xF;
	v19 =	vmov s6;
	s6 =	simm.s32 $0x10;
	v13 =	vor.u32 v3, v20;
	[tilespmem:v63+s23+$0x0] =	vst.idx.msk $0xffff, v62;
	v17 =	vand.u32 $0x78, v11;
	v11 =	vld [tilespmem:s3+$0xFFFFFFB0]  }
.LBB2_13:
0x21d: {  	p0 =	slt.u32 s6, $0x78;
	v20 =	vmov s8;
	s8 =	sadd.s32 $0x3, s2;
	v21 =	vmov s7;
	v22 =	vld [tilespmem:s3+$0x30];
	v5 =	vor.u32 v3, v5;
	[tilespmem:v18+s23+$0x0] =	vst.idx.msk $0xffff, v15  }
0x21e: {  	s7 =	sadd.s32 $0x4, s2;
	v7 =	vor.u32 v3, v7;
	v15 =	vmov s8;
	v18 =	vand.u32 $0x7F, v21;
	[tilespmem:v16+s23+$0x0] =	vst.idx.msk $0xffff, v12;
	v12 =	vld [tilespmem:s3+$0xB0]  }
0x21f: {  	v6 =	vor.u32 v3, v6;
	v16 =	vmov s7;
	v18 =	vbroadcast v18, $0x0;
	[tilespmem:v14+s23+$0x0] =	vst.idx.msk $0xffff, v10;
	v10 =	vld [tilespmem:s3+$0x130]  }
0x220: {  	v21 =	vor.u32 v3, v4;
	v4 =	vbroadcast v17, $0x0;
	v14 =	vand.u32 $0x79, v19;
	v19 =	vld [tilespmem:s3+$0xFFFFFE30];
	[tilespmem:v9+s23+$0x0] =	vst.idx.msk $0xffff, v8;
	s3 =	sadd.s32 $0x400, s3  }
0x221: {  	v8 =	vbroadcast v14, $0x0;
	v9 =	vand.u32 $0x7A, v20;
	v14 =	vld [tilespmem:s3+$0x180];
	v17 =	vor.u32 v0, v18;
	[tilespmem:v13+s23+$0x0] =	vst.idx.msk $0xffff, v11  }
0x222: {  	v15 =	vand.u32 $0x7B, v15;
	v13 =	vor.u32 v0, v4;
	v9 =	vbroadcast v9, $0x0;
	v11 =	vld [tilespmem:s3+$0xFFFFFE00];
	[tilespmem:v5+s23+$0x0] =	vst.idx.msk $0xffff, v22  }
0x223: {  	s7 =	sadd.s32 $0x5, s2;
	v23 =	vbroadcast v15, $0x0;
	v22 =	vor.u32 v0, v8;
	v5 =	vand.u32 $0x7C, v16;
	v20 =	vld [tilespmem:s3+$0xFFFFFE80];
	[tilespmem:v7+s23+$0x0] =	vst.idx.msk $0xffff, v12  }
0x224: {  	v15 =	vor.u32 v0, v9;
	v5 =	vbroadcast v5, $0x0;
	v7 =	vmov s7;
	s7 =	sadd.s32 $0x6, s2;
	s2 =	smov.u32 s6;
	v12 =	vld [tilespmem:s3+$0xFFFFFF00];
	[tilespmem:v6+s23+$0x0] =	vst.idx.msk $0xffff, v10  }
0x225: {  	v16 =	vor.u32 v0, v23;
	v6 =	vand.u32 $0x7D, v7;
	v24 =	vmov s7;
	v10 =	vld [tilespmem:s3+$0xFFFFFF80];
	[tilespmem:v21+s23+$0x0] =	vst.idx.msk $0xffff, v19  }
0x226: {  	v21 =	vor.u32 v0, v5;
	v7 =	vbroadcast v6, $0x0;
	v6 =	vand.u32 $0x7E, v24;
	v19 =	vld [tilespmem:s3+$0x0];
	[tilespmem:v17+s23+$0x0] =	vst.idx.msk $0xffff, v14  }
0x227: {  	v6 =	vbroadcast v6, $0x0;
	[tilespmem:v13+s23+$0x0] =	vst.idx.msk $0xffff, v11;
	v11 =	vld [tilespmem:s3+$0x190];
	v13 =	vor.u32 v1, v18  }
0x228: {  	v17 =	vor.u32 v0, v7;
	[tilespmem:v22+s23+$0x0] =	vst.idx.msk $0xffff, v20;
	v14 =	vld [tilespmem:s3+$0x80]  }
0x229: {  	[tilespmem:v15+s23+$0x0] =	vst.idx.msk $0xffff, v12;
	v12 =	vld [tilespmem:s3+$0x100];
	v15 =	vor.u32 v0, v6  }
0x22a: {  	v22 =	vor.u32 v1, v8;
	v20 =	vld [tilespmem:s3+$0xFFFFFE90];
	[tilespmem:v16+s23+$0x0] =	vst.idx.msk $0xffff, v10  }
0x22b: {  	v16 =	vor.u32 v1, v9;
	v10 =	vld [tilespmem:s3+$0xFFFFFF10];
	[tilespmem:v21+s23+$0x0] =	vst.idx.msk $0xffff, v19  }
0x22c: {  	v21 =	vor.u32 v1, v23;
	v19 =	vld [tilespmem:s3+$0xFFFFFF90];
	[tilespmem:v13+s23+$0x0] =	vst.idx.msk $0xffff, v11  }
0x22d: {  	v13 =	vor.u32 v2, v18;
	[tilespmem:v17+s23+$0x0] =	vst.idx.msk $0xffff, v14;
	v11 =	vld [tilespmem:s3+$0x1A0]  }
0x22e: {  	v17 =	vor.u32 v1, v5;
	v14 =	vld [tilespmem:s3+$0x10];
	[tilespmem:v15+s23+$0x0] =	vst.idx.msk $0xffff, v12  }
0x22f: {  	v15 =	vor.u32 v1, v7;
	[tilespmem:v22+s23+$0x0] =	vst.idx.msk $0xffff, v20;
	v12 =	vld [tilespmem:s3+$0x90]  }
0x230: {  	[tilespmem:v16+s23+$0x0] =	vst.idx.msk $0xffff, v10;
	v10 =	vld [tilespmem:s3+$0x110];
	v16 =	vor.u32 v1, v6  }
0x231: {  	v22 =	vor.u32 v1, v4;
	v20 =	vld [tilespmem:s3+$0xFFFFFE10];
	[tilespmem:v21+s23+$0x0] =	vst.idx.msk $0xffff, v19  }
0x232: {  	v21 =	vor.u32 v2, v8;
	v19 =	vld [tilespmem:s3+$0xFFFFFEA0];
	[tilespmem:v13+s23+$0x0] =	vst.idx.msk $0xffff, v11  }
0x233: {  	v13 =	vor.u32 v3, v18;
	[tilespmem:v17+s23+$0x0] =	vst.idx.msk $0xffff, v14;
	v11 =	vld [tilespmem:s3+$0x1B0]  }
0x234: {  	v17 =	vor.u32 v2, v9;
	v14 =	vld [tilespmem:s3+$0xFFFFFF20];
	[tilespmem:v15+s23+$0x0] =	vst.idx.msk $0xffff, v12  }
0x235: {  	v25 =	vor.u32 v2, v23;
	v24 =	vld [tilespmem:s3+$0xFFFFFFA0];
	[tilespmem:v16+s23+$0x0] =	vst.idx.msk $0xffff, v10  }
0x236: {  	[tilespmem:v22+s23+$0x0] =	vst.idx.msk $0xffff, v20;
	v20 =	vld [tilespmem:s3+$0x20];
	v22 =	vor.u32 v2, v5  }
0x237: {  	v26 =	vor.u32 v2, v7;
	[tilespmem:v21+s23+$0x0] =	vst.idx.msk $0xffff, v19;
	v21 =	vld [tilespmem:s3+$0xA0]  }
.Ltmp6:
0x238: {  	v18 =	vor.u32 v2, v6;
	v15 =	vld [tilespmem:s3+$0x120];
	[tilespmem:v13+s23+$0x0] =	vst.idx.msk $0xffff, v11;
	(pc) =	sbr.rel @p0 .LBB2_13-.Ltmp6, $4  }
0x239: {  	v16 =	vor.u32 v2, v4;
	v12 =	vld [tilespmem:s3+$0xFFFFFE20];
	[tilespmem:v17+s23+$0x0] =	vst.idx.msk $0xffff, v14  }
0x23a: {  	v14 =	vor.u32 v3, v8;
	v10 =	vld [tilespmem:s3+$0xFFFFFEB0];
	[tilespmem:v25+s23+$0x0] =	vst.idx.msk $0xffff, v24  }
0x23b: {  	s7 =	sadd.s32 $0x1, s6;
	v9 =	vor.u32 v3, v9;
	v11 =	vmov s6;
	v8 =	vld [tilespmem:s3+$0xFFFFFF30];
	[tilespmem:v22+s23+$0x0] =	vst.idx.msk $0xffff, v20  }
0x23c: {  	s8 =	sadd.s32 $0x2, s2;
	v19 =	vmov s7;
	s7 =	sadd.s32 $0x7, s2;
	s6 =	sadd.s32 $0x8, s6;
	v13 =	vor.u32 v3, v23;
	v17 =	vand.u32 $0x78, v11;
	v11 =	vld [tilespmem:s3+$0xFFFFFFB0];
	[tilespmem:v26+s23+$0x0] =	vst.idx.msk $0xffff, v21  }
0x23d: {  	_ =	sdelay $0x3  }
0x23e: {  	v20 =	vmov s8;
	v21 =	vmov s7;
	v22 =	vld [tilespmem:s3+$0x30];
	v5 =	vor.u32 v3, v5;
	[tilespmem:v18+s23+$0x0] =	vst.idx.msk $0xffff, v15  }
0x23f: {  	s6 =	sadd.s32 $0x3, s2;
	v7 =	vor.u32 v3, v7;
	v6 =	vor.u32 v3, v6;
	v18 =	vand.u32 $0x7F, v21;
	[tilespmem:v16+s23+$0x0] =	vst.idx.msk $0xffff, v12;
	v12 =	vld [tilespmem:s3+$0xB0]  }
0x240: {  	s8 =	sadd.s32 $0x4, s2;
	v4 =	vor.u32 v3, v4;
	v15 =	vmov s6;
	v18 =	vbroadcast v18, $0x0;
	[tilespmem:v14+s23+$0x0] =	vst.idx.msk $0xffff, v10;
	v10 =	vld [tilespmem:s3+$0x130]  }
0x241: {  	s13 =	sadd.s32 $0x400, s3;
	v16 =	vmov s8;
	v14 =	vbroadcast v17, $0x0;
	v17 =	vand.u32 $0x79, v19;
	v19 =	vld [tilespmem:s3+$0xFFFFFE30];
	[tilespmem:v9+s23+$0x0] =	vst.idx.msk $0xffff, v8  }
0x242: {  	v8 =	vbroadcast v17, $0x0;
	v9 =	vand.u32 $0x7A, v20;
	v17 =	vld [tilespmem:s13+$0x180];
	v20 =	vor.u32 v0, v18;
	[tilespmem:v13+s23+$0x0] =	vst.idx.msk $0xffff, v11  }
0x243: {  	v15 =	vand.u32 $0x7B, v15;
	v11 =	vld [tilespmem:s13+$0xFFFFFE00];
	v13 =	vor.u32 v0, v14;
	v9 =	vbroadcast v9, $0x0;
	[tilespmem:v5+s23+$0x0] =	vst.idx.msk $0xffff, v22  }
0x244: {  	s16 =	sadd.s32 $0x5, s2;
	v16 =	vand.u32 $0x7C, v16;
	v15 =	vbroadcast v15, $0x0;
	v5 =	vld [tilespmem:s13+$0xFFFFFE80];
	v21 =	vor.u32 v0, v8;
	[tilespmem:v7+s23+$0x0] =	vst.idx.msk $0xffff, v12  }
0x245: {  	s21 =	sadd.s32 $0x6, s2;
	v16 =	vbroadcast v16, $0x0;
	v22 =	vmov s16;
	v7 =	vld [tilespmem:s13+$0xFFFFFF00];
	v12 =	vor.u32 v0, v9;
	[tilespmem:v6+s23+$0x0] =	vst.idx.msk $0xffff, v10  }
0x246: {  	v23 =	vmov s21;
	v22 =	vand.u32 $0x7D, v22;
	v6 =	vld [tilespmem:s13+$0xFFFFFF80];
	v10 =	vor.u32 v0, v15;
	[tilespmem:v4+s23+$0x0] =	vst.idx.msk $0xffff, v19  }
0x247: {  	v23 =	vand.u32 $0x7E, v23;
	v4 =	vld [tilespmem:s13+$0x0];
	v19 =	vor.u32 v0, v16;
	v22 =	vbroadcast v22, $0x0;
	[tilespmem:v20+s23+$0x0] =	vst.idx.msk $0xffff, v17  }
0x248: {  	[tilespmem:v13+s23+$0x0] =	vst.idx.msk $0xffff, v11;
	v11 =	vbroadcast v23, $0x0;
	v17 =	vor.u32 v1, v18;
	v13 =	vld [tilespmem:s13+$0x190]  }
0x249: {  	v20 =	vor.u32 v0, v22;
	[tilespmem:v21+s23+$0x0] =	vst.idx.msk $0xffff, v5;
	v5 =	vld [tilespmem:s13+$0x80]  }
0x24a: {  	[tilespmem:v12+s23+$0x0] =	vst.idx.msk $0xffff, v7;
	v7 =	vld [tilespmem:s13+$0x100];
	v12 =	vor.u32 v0, v11  }
0x24b: {  	v23 =	vor.u32 v1, v8;
	v21 =	vld [tilespmem:s13+$0xFFFFFE90];
	[tilespmem:v10+s23+$0x0] =	vst.idx.msk $0xffff, v6  }
0x24c: {  	v6 =	vld [tilespmem:s13+$0xFFFFFF10];
	v10 =	vor.u32 v1, v9;
	[tilespmem:v19+s23+$0x0] =	vst.idx.msk $0xffff, v4  }
0x24d: {  	v19 =	vor.u32 v1, v15;
	v4 =	vld [tilespmem:s13+$0xFFFFFF90];
	[tilespmem:v17+s23+$0x0] =	vst.idx.msk $0xffff, v13  }
0x24e: {  	[tilespmem:v20+s23+$0x0] =	vst.idx.msk $0xffff, v5;
	v17 =	vld [tilespmem:s13+$0x10];
	v20 =	vor.u32 v1, v16  }
0x24f: {  	v13 =	vor.u32 v2, v18;
	v5 =	vld [tilespmem:s13+$0x1A0];
	[tilespmem:v12+s23+$0x0] =	vst.idx.msk $0xffff, v7  }
0x250: {  	[tilespmem:v23+s23+$0x0] =	vst.idx.msk $0xffff, v21;
	v7 =	vld [tilespmem:s13+$0x90];
	v12 =	vor.u32 v1, v22  }
0x251: {  	v21 =	vld [tilespmem:s13+$0xFFFFFE10];
	v23 =	vor.u32 v1, v14;
	[tilespmem:v10+s23+$0x0] =	vst.idx.msk $0xffff, v6  }
0x252: {  	v6 =	vld [tilespmem:s13+$0x110];
	v10 =	vor.u32 v1, v11;
	[tilespmem:v19+s23+$0x0] =	vst.idx.msk $0xffff, v4  }
0x253: {  	v4 =	vld [tilespmem:s13+$0xFFFFFEA0];
	v19 =	vor.u32 v2, v8;
	[tilespmem:v20+s23+$0x0] =	vst.idx.msk $0xffff, v17  }
0x254: {  	v17 =	vld [tilespmem:s13+$0xFFFFFF20];
	[tilespmem:v13+s23+$0x0] =	vst.idx.msk $0xffff, v5;
	v13 =	vor.u32 v3, v18;
	v18 =	vor.u32 v2, v9  }
0x255: {  	[tilespmem:v12+s23+$0x0] =	vst.idx.msk $0xffff, v7;
	v7 =	vld [tilespmem:s13+$0xFFFFFFA0];
	v12 =	vor.u32 v2, v15  }
0x256: {  	[tilespmem:v23+s23+$0x0] =	vst.idx.msk $0xffff, v21;
	v5 =	vld [tilespmem:s13+$0x1B0]  }
0x257: {  	[tilespmem:v10+s23+$0x0] =	vst.idx.msk $0xffff, v6;
	v6 =	vld [tilespmem:s13+$0x20];
	v10 =	vor.u32 v2, v16  }
0x258: {  	[tilespmem:v19+s23+$0x0] =	vst.idx.msk $0xffff, v4;
	v4 =	vld [tilespmem:s13+$0xA0];
	v19 =	vor.u32 v2, v22  }
0x259: {  	v21 =	vor.u32 v2, v11;
	v20 =	vld [tilespmem:s13+$0x120];
	[tilespmem:v18+s23+$0x0] =	vst.idx.msk $0xffff, v17  }
0x25a: {  	v8 =	vor.u32 v3, v8;
	v17 =	vld [tilespmem:s13+$0xFFFFFEB0];
	[tilespmem:v12+s23+$0x0] =	vst.idx.msk $0xffff, v7  }
0x25b: {  	[tilespmem:v13+s23+$0x0] =	vst.idx.msk $0xffff, v5;
	v5 =	vld [tilespmem:s13+$0xFFFFFE20];
	v13 =	vor.u32 v2, v14  }
0x25c: {  	v9 =	vor.u32 v3, v9;
	v7 =	vld [tilespmem:s13+$0xFFFFFF30];
	[tilespmem:v10+s23+$0x0] =	vst.idx.msk $0xffff, v6  }
0x25d: {  	v6 =	vld [tilespmem:s13+$0xFFFFFFB0];
	v10 =	vor.u32 v3, v15;
	[tilespmem:v19+s23+$0x0] =	vst.idx.msk $0xffff, v4  }
0x25e: {  	v12 =	vor.u32 v3, v16;
	v4 =	vld [tilespmem:s13+$0x30];
	[tilespmem:v21+s23+$0x0] =	vst.idx.msk $0xffff, v20  }
0x25f: {  	v11 =	vor.u32 v3, v11;
	[tilespmem:v8+s23+$0x0] =	vst.idx.msk $0xffff, v17;
	v8 =	vld [tilespmem:s13+$0x130]  }
0x260: {  	[tilespmem:v13+s23+$0x0] =	vst.idx.msk $0xffff, v5;
	v5 =	vld [tilespmem:s13+$0xB0];
	v13 =	vor.u32 v3, v22  }
0x261: {  	p1 =	por $0x1, $0x1;
	v14 =	vor.u32 v3, v14;
	[tilespmem:v9+s23+$0x0] =	vst.idx.msk $0xffff, v7;
	v15 =	vld [tilespmem:s13+$0xFFFFFE30]  }
.Ltmp7:
0x262: {  	[tilespmem:v10+s23+$0x0] =	vst.idx.msk $0xffff, v6;
	(pc) =	sbr.rel @!p1 .LBB2_18-.Ltmp7, $4  }
0x263: {  	s2 =	simm.s32 $0x0;
	[tilespmem:v12+s23+$0x0] =	vst.idx.msk $0xffff, v4  }
0x264: {  	s7 =	simm.s32 $0x7;
	p0 =	por $0x0, $0x0;
	s3 =	simm.s32 $0x1;
	v4 =	vmov s2;
	[tilespmem:v11+s23+$0x0] =	vst.idx.msk $0xffff, v8  }
0x265: {  	s31 =	simm.s32 $0x2;
	s30 =	simm.s32 $0x7;
	s8 =	simm.s32 $0xB3B0;
	v6 =	vmov s3;
	[tilespmem:v13+s23+$0x0] =	vst.idx.msk $0xffff, v5;
	v5 =	vand.u32 $0x78, v4  }
0x266: {  	s6 =	simm.s32 $0x2;
	s21 =	simm.s32 $0xB3B0;
	s16 =	simm.s32 $0x8;
	v22 =	vmov v6;
	[tilespmem:v14+s23+$0x0] =	vst.idx.msk $0xffff, v15;
	v21 =	vmov v5  }
0x267: {  	v7 =	vmov s7  }
0x268: {  	s2 =	simm.s32 $0x3;
	v8 =	vmov s6;
	v7 =	vand.u32 $0x7F, v7  }
0x269: {  	s13 =	simm.s32 $0x4;
	v12 =	vand.u32 $0x79, v6;
	v9 =	vmov s2;
	v11 =	vbroadcast v7, $0x0  }
0x26a: {  	v10 =	vmov s13;
	v8 =	vand.u32 $0x7A, v8;
	v7 =	vbroadcast v5, $0x0  }
0x26b: {  	s21 =	simm.s32 $0x5;
	v14 =	vbroadcast v12, $0x0;
	v12 =	vld [tilespmem:s8+$0xFFFFFFD0];
	v19 =	vbroadcast v8, $0x0;
	v13 =	vor.u32 v0, v11  }
0x26c: {  	v15 =	vld [tilespmem:s8+$0xFFFFFC50];
	v8 =	vand.u32 $0x7B, v9;
	v9 =	vmov s21;
	v16 =	vor.u32 v0, v7  }
0x26d: {  	v17 =	vld [tilespmem:s8+$0xFFFFFCD0];
	v18 =	vor.u32 v0, v14;
	v20 =	vbroadcast v8, $0x0;
	v8 =	vand.u32 $0x7C, v10  }
0x26e: {  	v21 =	vld [tilespmem:s8+$0xFFFFFD50];
	s13 =	simm.s32 $0x6;
	v9 =	vand.u32 $0x7D, v9;
	v22 =	vor.u32 v0, v19;
	v8 =	vbroadcast v8, $0x0  }
0x26f: {  	v23 =	vld [tilespmem:s8+$0xFFFFFDD0];
	v10 =	vmov s13;
	v9 =	vbroadcast v9, $0x0;
	v24 =	vor.u32 v0, v20  }
0x270: {  	v25 =	vld [tilespmem:s8+$0xFFFFFE50];
	v10 =	vand.u32 $0x7E, v10;
	v26 =	vor.u32 v0, v8;
	[tilespmem:v13+s25+$0x0] =	vst.idx.msk $0xffff, v12  }
0x271: {  	v10 =	vbroadcast v10, $0x0;
	[tilespmem:v16+s25+$0x0] =	vst.idx.msk $0xffff, v15;
	v15 =	vld [tilespmem:s8+$0xFFFFFED0];
	v16 =	vor.u32 v0, v9  }
0x272: {  	[tilespmem:v18+s25+$0x0] =	vst.idx.msk $0xffff, v17;
	v13 =	vor.u32 v1, v11;
	v12 =	vld [tilespmem:s8+$0xFFFFFFE0]  }
0x273: {  	v17 =	vld [tilespmem:s8+$0xFFFFFF50];
	v18 =	vor.u32 v0, v10;
	[tilespmem:v22+s25+$0x0] =	vst.idx.msk $0xffff, v21  }
0x274: {  	v21 =	vld [tilespmem:s8+$0xFFFFFCE0];
	v22 =	vor.u32 v1, v14;
	[tilespmem:v24+s25+$0x0] =	vst.idx.msk $0xffff, v23  }
0x275: {  	v56 =	vor.u32 v1, v19;
	v23 =	vld [tilespmem:s8+$0xFFFFFD60];
	[tilespmem:v26+s25+$0x0] =	vst.idx.msk $0xffff, v25  }
0x276: {  	v58 =	vor.u32 v1, v20;
	v57 =	vld [tilespmem:s8+$0xFFFFFDE0];
	[tilespmem:v16+s25+$0x0] =	vst.idx.msk $0xffff, v15  }
0x277: {  	v15 =	vld [tilespmem:s8+$0xFFFFFE60];
	v16 =	vor.u32 v1, v8;
	[tilespmem:v13+s25+$0x0] =	vst.idx.msk $0xffff, v12  }
0x278: {  	[tilespmem:v18+s25+$0x0] =	vst.idx.msk $0xffff, v17;
	v13 =	vor.u32 v2, v11;
	v12 =	vld [tilespmem:s8+$0xFFFFFFF0]  }
0x279: {  	[tilespmem:v22+s25+$0x0] =	vst.idx.msk $0xffff, v21;
	v21 =	vld [tilespmem:s8+$0xFFFFFF60];
	v22 =	vor.u32 v1, v10  }
0x27a: {  	v18 =	vor.u32 v1, v9;
	v17 =	vld [tilespmem:s8+$0xFFFFFEE0];
	[tilespmem:v56+s25+$0x0] =	vst.idx.msk $0xffff, v23  }
0x27b: {  	v59 =	vor.u32 v1, v7;
	v23 =	vld [tilespmem:s8+$0xFFFFFC60];
	[tilespmem:v58+s25+$0x0] =	vst.idx.msk $0xffff, v57  }
0x27c: {  	v61 =	vor.u32 v2, v14;
	v60 =	vld [tilespmem:s8+$0xFFFFFCF0];
	[tilespmem:v16+s25+$0x0] =	vst.idx.msk $0xffff, v15  }
0x27d: {  	v15 =	vld [tilespmem:s8+$0xFFFFFD70];
	v16 =	vor.u32 v2, v19;
	[tilespmem:v13+s25+$0x0] =	vst.idx.msk $0xffff, v12  }
0x27e: {  	v11 =	vor.u32 v3, v11;
	[tilespmem:v22+s25+$0x0] =	vst.idx.msk $0xffff, v21;
	v13 =	vld [tilespmem:s8+$0x0]  }
0x27f: {  	v27 =	vor.u32 v2, v20;
	[tilespmem:v18+s25+$0x0] =	vst.idx.msk $0xffff, v17;
	v17 =	vld [tilespmem:s8+$0xFFFFFDF0]  }
0x280: {  	v22 =	vor.u32 v2, v8;
	[tilespmem:v59+s25+$0x0] =	vst.idx.msk $0xffff, v23;
	v21 =	vld [tilespmem:s8+$0xFFFFFE70]  }
0x281: {  	p1 =	por $0x1, $0x1;
	v62 =	vor.u32 v2, v9;
	[tilespmem:v61+s25+$0x0] =	vst.idx.msk $0xffff, v60;
	v23 =	vld [tilespmem:s8+$0xFFFFFEF0]  }
.Ltmp8:
0x282: {  	v18 =	vor.u32 v2, v10;
	v12 =	vld [tilespmem:s8+$0xFFFFFF70];
	[tilespmem:v16+s25+$0x0] =	vst.idx.msk $0xffff, v15;
	(pc) =	sbr.rel @!p1 .LBB2_16-.Ltmp8, $4  }
0x283: {  	v16 =	vor.u32 v2, v7;
	[tilespmem:v11+s25+$0x0] =	vst.idx.msk $0xffff, v13;
	v11 =	vld [tilespmem:s8+$0xFFFFFC70]  }
0x284: {  	s31 =	simm.s32 $0xA;
	[tilespmem:v27+s25+$0x0] =	vst.idx.msk $0xffff, v17;
	v17 =	vor.u32 v3, v14;
	v13 =	vld [tilespmem:s8+$0xFFFFFD00]  }
0x285: {  	v63 =	vmov s16;
	s30 =	simm.s32 $0xF;
	p0 =	por $0x1, $0x1;
	s21 =	simm.s32 $0x9;
	v15 =	vor.u32 v3, v19;
	v14 =	vld [tilespmem:s8+$0xFFFFFD80];
	[tilespmem:v22+s25+$0x0] =	vst.idx.msk $0xffff, v21  }
0x286: {  	s2 =	simm.s32 $0x8;
	s13 =	simm.s32 $0x10;
	v20 =	vor.u32 v3, v20;
	v21 =	vand.u32 $0x78, v63;
	v22 =	vmov s21;
	s21 =	simm.s32 $0xB3B0;
	v19 =	vld [tilespmem:s8+$0xFFFFFE00];
	[tilespmem:v62+s25+$0x0] =	vst.idx.msk $0xffff, v23  }
.LBB2_17:
0x287: {  	p1 =	slt.u32 s13, $0x78;
	v23 =	vmov s31;
	s31 =	sadd.s32 $0x3, s2;
	v24 =	vmov s30;
	v25 =	vld [tilespmem:s21+$0xFFFFFE80];
	v8 =	vor.u32 v3, v8;
	[tilespmem:v18+s25+$0x0] =	vst.idx.msk $0xffff, v12  }
0x288: {  	s30 =	sadd.s32 $0x4, s2;
	v9 =	vor.u32 v3, v9;
	v12 =	vmov s31;
	v18 =	vand.u32 $0x7F, v24;
	[tilespmem:v16+s25+$0x0] =	vst.idx.msk $0xffff, v11;
	v11 =	vld [tilespmem:s21+$0xFFFFFF00]  }
0x289: {  	v10 =	vor.u32 v3, v10;
	v16 =	vmov s30;
	v18 =	vbroadcast v18, $0x0;
	[tilespmem:v17+s25+$0x0] =	vst.idx.msk $0xffff, v13;
	v13 =	vld [tilespmem:s21+$0xFFFFFF80]  }
0x28a: {  	v24 =	vor.u32 v3, v7;
	v7 =	vbroadcast v21, $0x0;
	v17 =	vand.u32 $0x79, v22;
	v22 =	vld [tilespmem:s21+$0xFFFFFC80];
	[tilespmem:v15+s25+$0x0] =	vst.idx.msk $0xffff, v14;
	s21 =	sadd.s32 $0x400, s21  }
0x28b: {  	v14 =	vbroadcast v17, $0x0;
	v15 =	vand.u32 $0x7A, v23;
	v17 =	vld [tilespmem:s21+$0xFFFFFFD0];
	v21 =	vor.u32 v0, v18;
	[tilespmem:v20+s25+$0x0] =	vst.idx.msk $0xffff, v19  }
0x28c: {  	v12 =	vand.u32 $0x7B, v12;
	v20 =	vor.u32 v0, v7;
	v15 =	vbroadcast v15, $0x0;
	v19 =	vld [tilespmem:s21+$0xFFFFFC50];
	[tilespmem:v8+s25+$0x0] =	vst.idx.msk $0xffff, v25  }
0x28d: {  	s30 =	sadd.s32 $0x5, s2;
	v26 =	vbroadcast v12, $0x0;
	v25 =	vor.u32 v0, v14;
	v8 =	vand.u32 $0x7C, v16;
	v23 =	vld [tilespmem:s21+$0xFFFFFCD0];
	[tilespmem:v9+s25+$0x0] =	vst.idx.msk $0xffff, v11  }
0x28e: {  	v12 =	vor.u32 v0, v15;
	v8 =	vbroadcast v8, $0x0;
	v9 =	vmov s30;
	s30 =	sadd.s32 $0x6, s2;
	s2 =	smov.u32 s13;
	v11 =	vld [tilespmem:s21+$0xFFFFFD50];
	[tilespmem:v10+s25+$0x0] =	vst.idx.msk $0xffff, v13  }
0x28f: {  	v16 =	vor.u32 v0, v26;
	v9 =	vand.u32 $0x7D, v9;
	v10 =	vmov s30;
	v13 =	vld [tilespmem:s21+$0xFFFFFDD0];
	[tilespmem:v24+s25+$0x0] =	vst.idx.msk $0xffff, v22  }
0x290: {  	v24 =	vor.u32 v0, v8;
	v9 =	vbroadcast v9, $0x0;
	v10 =	vand.u32 $0x7E, v10;
	v22 =	vld [tilespmem:s21+$0xFFFFFE50];
	[tilespmem:v21+s25+$0x0] =	vst.idx.msk $0xffff, v17  }
0x291: {  	v10 =	vbroadcast v10, $0x0;
	[tilespmem:v20+s25+$0x0] =	vst.idx.msk $0xffff, v19;
	v17 =	vld [tilespmem:s21+$0xFFFFFFE0];
	v19 =	vor.u32 v1, v18  }
0x292: {  	v21 =	vor.u32 v0, v9;
	[tilespmem:v25+s25+$0x0] =	vst.idx.msk $0xffff, v23;
	v20 =	vld [tilespmem:s21+$0xFFFFFED0]  }
0x293: {  	[tilespmem:v12+s25+$0x0] =	vst.idx.msk $0xffff, v11;
	v11 =	vld [tilespmem:s21+$0xFFFFFF50];
	v12 =	vor.u32 v0, v10  }
0x294: {  	v25 =	vor.u32 v1, v14;
	v23 =	vld [tilespmem:s21+$0xFFFFFCE0];
	[tilespmem:v16+s25+$0x0] =	vst.idx.msk $0xffff, v13  }
0x295: {  	v16 =	vor.u32 v1, v15;
	v13 =	vld [tilespmem:s21+$0xFFFFFD60];
	[tilespmem:v24+s25+$0x0] =	vst.idx.msk $0xffff, v22  }
0x296: {  	v24 =	vor.u32 v1, v26;
	v22 =	vld [tilespmem:s21+$0xFFFFFDE0];
	[tilespmem:v19+s25+$0x0] =	vst.idx.msk $0xffff, v17  }
0x297: {  	v19 =	vor.u32 v2, v18;
	[tilespmem:v21+s25+$0x0] =	vst.idx.msk $0xffff, v20;
	v17 =	vld [tilespmem:s21+$0xFFFFFFF0]  }
0x298: {  	v21 =	vor.u32 v1, v8;
	v20 =	vld [tilespmem:s21+$0xFFFFFE60];
	[tilespmem:v12+s25+$0x0] =	vst.idx.msk $0xffff, v11  }
0x299: {  	v12 =	vor.u32 v1, v9;
	[tilespmem:v25+s25+$0x0] =	vst.idx.msk $0xffff, v23;
	v11 =	vld [tilespmem:s21+$0xFFFFFEE0]  }
0x29a: {  	[tilespmem:v16+s25+$0x0] =	vst.idx.msk $0xffff, v13;
	v13 =	vld [tilespmem:s21+$0xFFFFFF60];
	v16 =	vor.u32 v1, v10  }
0x29b: {  	v25 =	vor.u32 v1, v7;
	v23 =	vld [tilespmem:s21+$0xFFFFFC60];
	[tilespmem:v24+s25+$0x0] =	vst.idx.msk $0xffff, v22  }
0x29c: {  	v24 =	vor.u32 v2, v14;
	v22 =	vld [tilespmem:s21+$0xFFFFFCF0];
	[tilespmem:v19+s25+$0x0] =	vst.idx.msk $0xffff, v17  }
0x29d: {  	v19 =	vor.u32 v3, v18;
	[tilespmem:v21+s25+$0x0] =	vst.idx.msk $0xffff, v20;
	v17 =	vld [tilespmem:s21+$0x0]  }
0x29e: {  	v21 =	vor.u32 v2, v15;
	v20 =	vld [tilespmem:s21+$0xFFFFFD70];
	[tilespmem:v12+s25+$0x0] =	vst.idx.msk $0xffff, v11  }
0x29f: {  	v28 =	vor.u32 v2, v26;
	v27 =	vld [tilespmem:s21+$0xFFFFFDF0];
	[tilespmem:v16+s25+$0x0] =	vst.idx.msk $0xffff, v13  }
0x2a0: {  	[tilespmem:v25+s25+$0x0] =	vst.idx.msk $0xffff, v23;
	v23 =	vld [tilespmem:s21+$0xFFFFFE70];
	v25 =	vor.u32 v2, v8  }
0x2a1: {  	v29 =	vor.u32 v2, v9;
	[tilespmem:v24+s25+$0x0] =	vst.idx.msk $0xffff, v22;
	v24 =	vld [tilespmem:s21+$0xFFFFFEF0]  }
.Ltmp9:
0x2a2: {  	v18 =	vor.u32 v2, v10;
	v12 =	vld [tilespmem:s21+$0xFFFFFF70];
	[tilespmem:v19+s25+$0x0] =	vst.idx.msk $0xffff, v17;
	(pc) =	sbr.rel @p1 .LBB2_17-.Ltmp9, $4  }
0x2a3: {  	v16 =	vor.u32 v2, v7;
	v11 =	vld [tilespmem:s21+$0xFFFFFC70];
	[tilespmem:v21+s25+$0x0] =	vst.idx.msk $0xffff, v20  }
0x2a4: {  	v17 =	vor.u32 v3, v14;
	v13 =	vld [tilespmem:s21+$0xFFFFFD00];
	[tilespmem:v28+s25+$0x0] =	vst.idx.msk $0xffff, v27  }
0x2a5: {  	s30 =	sadd.s32 $0x1, s13;
	v15 =	vor.u32 v3, v15;
	v19 =	vmov s13;
	v14 =	vld [tilespmem:s21+$0xFFFFFD80];
	[tilespmem:v25+s25+$0x0] =	vst.idx.msk $0xffff, v23  }
0x2a6: {  	s31 =	sadd.s32 $0x2, s2;
	v22 =	vmov s30;
	s30 =	sadd.s32 $0x7, s2;
	s13 =	sadd.s32 $0x8, s13;
	v21 =	vand.u32 $0x78, v19;
	v20 =	vor.u32 v3, v26;
	v19 =	vld [tilespmem:s21+$0xFFFFFE00];
	[tilespmem:v29+s25+$0x0] =	vst.idx.msk $0xffff, v24  }
.LBB2_18:
0x2a7: {  	_ =	sdelay $0x3  }
0x2a8: {  	v23 =	vmov s31;
	v24 =	vmov s30;
	v25 =	vld @p0 [tilespmem:s21+$0xFFFFFE80];
	v8 =	vor.u32 @p0 v3, v8;
	[tilespmem:v18+s25+$0x0] =	vst.idx.msk @p0 $0xffff, v12  }
0x2a9: {  	s13 =	sadd.s32 $0x3, s2;
	v9 =	vor.u32 @p0 v3, v9;
	v10 =	vor.u32 @p0 v3, v10;
	v18 =	vand.u32 $0x7F, v24;
	[tilespmem:v16+s25+$0x0] =	vst.idx.msk @p0 $0xffff, v11;
	v11 =	vld @p0 [tilespmem:s21+$0xFFFFFF00]  }
0x2aa: {  	s31 =	sadd.s32 $0x4, s2;
	v7 =	vor.u32 @p0 v3, v7;
	v12 =	vmov s13;
	s13 =	sadd.s32 @p0 $0x400, s21;
	v18 =	vbroadcast v18, $0x0;
	[tilespmem:v17+s25+$0x0] =	vst.idx.msk @p0 $0xffff, v13;
	v13 =	vld @p0 [tilespmem:s21+$0xFFFFFF80]  }
0x2ab: {  	v16 =	vmov s31;
	v17 =	vbroadcast v21, $0x0;
	v21 =	vand.u32 $0x79, v22;
	v22 =	vld @p0 [tilespmem:s21+$0xFFFFFC80];
	s8 =	smov.u32 @p0 s13;
	[tilespmem:v15+s25+$0x0] =	vst.idx.msk @p0 $0xffff, v14  }
0x2ac: {  	v14 =	vbroadcast v21, $0x0;
	v15 =	vand.u32 $0x7A, v23;
	v21 =	vld [tilespmem:s8+$0xFFFFFFD0];
	v23 =	vor.u32 v0, v18;
	[tilespmem:v20+s25+$0x0] =	vst.idx.msk @p0 $0xffff, v19  }
0x2ad: {  	v12 =	vand.u32 $0x7B, v12;
	v19 =	vld [tilespmem:s8+$0xFFFFFC50];
	v20 =	vor.u32 v0, v17;
	v15 =	vbroadcast v15, $0x0;
	[tilespmem:v8+s25+$0x0] =	vst.idx.msk @p0 $0xffff, v25  }
0x2ae: {  	s30 =	sadd.s32 $0x5, s2;
	v16 =	vand.u32 $0x7C, v16;
	v12 =	vbroadcast v12, $0x0;
	v8 =	vld [tilespmem:s8+$0xFFFFFCD0];
	v53 =	vor.u32 v0, v14;
	[tilespmem:v9+s25+$0x0] =	vst.idx.msk @p0 $0xffff, v11  }
0x2af: {  	v54 =	vmov s30;
	s31 =	sadd.s32 $0x6, s2;
	v16 =	vbroadcast v16, $0x0;
	v9 =	vld [tilespmem:s8+$0xFFFFFD50];
	v11 =	vor.u32 v0, v15;
	[tilespmem:v10+s25+$0x0] =	vst.idx.msk @p0 $0xffff, v13  }
0x2b0: {  	v26 =	vmov s31;
	v25 =	vand.u32 $0x7D, v54;
	v10 =	vld [tilespmem:s8+$0xFFFFFDD0];
	v13 =	vor.u32 v0, v12;
	[tilespmem:v7+s25+$0x0] =	vst.idx.msk @p0 $0xffff, v22  }
0x2b1: {  	v26 =	vand.u32 $0x7E, v26;
	v25 =	vbroadcast v25, $0x0;
	v7 =	vld [tilespmem:s8+$0xFFFFFE50];
	v22 =	vor.u32 v0, v16;
	[tilespmem:v23+s25+$0x0] =	vst.idx.msk $0xffff, v21  }
0x2b2: {  	[tilespmem:v20+s25+$0x0] =	vst.idx.msk $0xffff, v19;
	v19 =	vbroadcast v26, $0x0;
	v21 =	vor.u32 v1, v18;
	v20 =	vld [tilespmem:s8+$0xFFFFFFE0]  }
0x2b3: {  	v23 =	vor.u32 v0, v25;
	[tilespmem:v53+s25+$0x0] =	vst.idx.msk $0xffff, v8;
	v8 =	vld [tilespmem:s8+$0xFFFFFED0]  }
0x2b4: {  	[tilespmem:v11+s25+$0x0] =	vst.idx.msk $0xffff, v9;
	v9 =	vld [tilespmem:s8+$0xFFFFFF50];
	v11 =	vor.u32 v0, v19  }
0x2b5: {  	v55 =	vor.u32 v1, v14;
	v24 =	vld [tilespmem:s8+$0xFFFFFCE0];
	[tilespmem:v13+s25+$0x0] =	vst.idx.msk $0xffff, v10  }
0x2b6: {  	v10 =	vld [tilespmem:s8+$0xFFFFFD60];
	v13 =	vor.u32 v1, v15;
	[tilespmem:v22+s25+$0x0] =	vst.idx.msk $0xffff, v7  }
0x2b7: {  	v22 =	vor.u32 v1, v12;
	v7 =	vld [tilespmem:s8+$0xFFFFFDE0];
	[tilespmem:v21+s25+$0x0] =	vst.idx.msk $0xffff, v20  }
0x2b8: {  	[tilespmem:v23+s25+$0x0] =	vst.idx.msk $0xffff, v8;
	v21 =	vld [tilespmem:s8+$0xFFFFFE60];
	v23 =	vor.u32 v1, v16  }
0x2b9: {  	v20 =	vor.u32 v2, v18;
	v8 =	vld [tilespmem:s8+$0xFFFFFFF0];
	[tilespmem:v11+s25+$0x0] =	vst.idx.msk $0xffff, v9  }
0x2ba: {  	[tilespmem:v55+s25+$0x0] =	vst.idx.msk $0xffff, v24;
	v9 =	vld [tilespmem:s8+$0xFFFFFEE0];
	v11 =	vor.u32 v1, v25  }
0x2bb: {  	v57 =	vor.u32 v1, v17;
	v56 =	vld [tilespmem:s8+$0xFFFFFC60];
	[tilespmem:v13+s25+$0x0] =	vst.idx.msk $0xffff, v10  }
0x2bc: {  	v10 =	vld [tilespmem:s8+$0xFFFFFF60];
	v13 =	vor.u32 v1, v19;
	[tilespmem:v22+s25+$0x0] =	vst.idx.msk $0xffff, v7  }
0x2bd: {  	v7 =	vld [tilespmem:s8+$0xFFFFFCF0];
	v22 =	vor.u32 v2, v14;
	[tilespmem:v23+s25+$0x0] =	vst.idx.msk $0xffff, v21  }
0x2be: {  	v21 =	vor.u32 v2, v15;
	[tilespmem:v20+s25+$0x0] =	vst.idx.msk $0xffff, v8;
	v20 =	vld [tilespmem:s8+$0xFFFFFD70]  }
0x2bf: {  	[tilespmem:v11+s25+$0x0] =	vst.idx.msk $0xffff, v9;
	v9 =	vld [tilespmem:s8+$0xFFFFFDF0];
	v11 =	vor.u32 v2, v12  }
0x2c0: {  	v18 =	vor.u32 v3, v18;
	[tilespmem:v57+s25+$0x0] =	vst.idx.msk $0xffff, v56;
	v8 =	vld [tilespmem:s8+$0x0]  }
0x2c1: {  	[tilespmem:v13+s25+$0x0] =	vst.idx.msk $0xffff, v10;
	v10 =	vld [tilespmem:s8+$0xFFFFFE70];
	v13 =	vor.u32 v2, v16  }
0x2c2: {  	[tilespmem:v22+s25+$0x0] =	vst.idx.msk $0xffff, v7;
	v7 =	vld [tilespmem:s8+$0xFFFFFEF0];
	v22 =	vor.u32 v2, v25  }
0x2c3: {  	v58 =	vor.u32 v2, v19;
	v23 =	vld [tilespmem:s8+$0xFFFFFF70];
	[tilespmem:v21+s25+$0x0] =	vst.idx.msk $0xffff, v20  }
0x2c4: {  	v14 =	vor.u32 v3, v14;
	v20 =	vld [tilespmem:s8+$0xFFFFFD00];
	[tilespmem:v11+s25+$0x0] =	vst.idx.msk $0xffff, v9  }
0x2c5: {  	[tilespmem:v18+s25+$0x0] =	vst.idx.msk $0xffff, v8;
	v8 =	vld [tilespmem:s8+$0xFFFFFC70];
	v18 =	vor.u32 v2, v17  }
0x2c6: {  	v11 =	vor.u32 v3, v15;
	v9 =	vld [tilespmem:s8+$0xFFFFFD80];
	[tilespmem:v13+s25+$0x0] =	vst.idx.msk $0xffff, v10  }
0x2c7: {  	v12 =	vor.u32 v3, v12;
	v10 =	vld [tilespmem:s8+$0xFFFFFE00];
	[tilespmem:v22+s25+$0x0] =	vst.idx.msk $0xffff, v7  }
0x2c8: {  	v13 =	vor.u32 v3, v16;
	v7 =	vld [tilespmem:s8+$0xFFFFFE80];
	[tilespmem:v58+s25+$0x0] =	vst.idx.msk $0xffff, v23  }
0x2c9: {  	v16 =	vor.u32 v3, v19;
	[tilespmem:v14+s25+$0x0] =	vst.idx.msk $0xffff, v20;
	v14 =	vld [tilespmem:s8+$0xFFFFFF80]  }
0x2ca: {  	v15 =	vor.u32 v3, v25;
	[tilespmem:v18+s25+$0x0] =	vst.idx.msk $0xffff, v8;
	v8 =	vld [tilespmem:s8+$0xFFFFFF00]  }
0x2cb: {  	v17 =	vor.u32 v3, v17;
	[tilespmem:v11+s25+$0x0] =	vst.idx.msk $0xffff, v9;
	v18 =	vld [tilespmem:s8+$0xFFFFFC80]  }
0x2cc: {  	[tilespmem:v12+s25+$0x0] =	vst.idx.msk $0xffff, v10  }
0x2cd: {  	[tilespmem:v13+s25+$0x0] =	vst.idx.msk $0xffff, v7  }
0x2ce: {  	s8 =	sshll.u32 s15, $0x11;
	[tilespmem:v16+s25+$0x0] =	vst.idx.msk $0xffff, v14  }
0x2cf: {  	s2 =	sadd.s32 $0x20000, s8;
	[tilespmem:v15+s25+$0x0] =	vst.idx.msk $0xffff, v8  }
0x2d0: {  	s13 =	sadd.s32 s2, s9;
	[tilespmem:v17+s25+$0x0] =	vst.idx.msk $0xffff, v18  }
0x2d1: {  	[hbm4b:s13+s18] =	stream.strided.scatter [tilespmem:s23], [sflag:$0x3], $0x2000, s19, s18, $0x38;
	[tilespmem:$0x1F000] =	vst v63  }
0x2d2: {  	s2 =	sadd.s32 s2, s10  }
0x2d3: {  	[hbm4b:s2+s18] =	stream.strided.scatter [tilespmem:s25], [sflag:$0x3], $0x2000, s19, s18, $0x38;
	[tilespmem:$0x1F000] =	vst v63  }
0x2d4: {  	_ =	swait.ge [sflag:s28], $0x2000  }
0x2d5: {  	[sflag:s28] =	ssyncset.done $0x0  }
0x2d6: {  	[sflag:s28] =	ssyncadd.s32 $0xFFFFE000  }
0x2d7: {  	s21 =	sshll.u32 s15, $0x7;
	_ =	swait.ge [sflag:s28], $0x2000  }
0x2d8: {  	s2 =	sand.u32 $0x3FFFFF80, s21;
	[sflag:s28] =	ssyncset.done $0x0  }
0x2d9: {  	s31 =	simm.s32 $0x7000;
	s30 =	sadd.s32 $0x100, s2;
	[sflag:s28] =	ssyncadd.s32 $0xFFFFE000  }
0x2da: {  	[tilespmem:s31], [sflag:$0x1] =	stream.indirect.gather [hbm4b:s4+s29], $0x80, s30, s29, $0xb8;
	[tilespmem:$0x1F000] =	vst v63  }
0x2db: {  	s13 =	simm.s32 $0xB000;
	s2 =	sadd.s32 $0x1D00, s2  }
0x2dc: {  	[tilespmem:s13], [sflag:$0x1] =	stream.indirect.gather [hbm4b:s4+s29], $0x80, s2, s29, $0xb8;
	[tilespmem:$0x1F000] =	vst v63  }
0x2dd: {  	_ =	swait.ge [sflag:s22], $0x4000  }
0x2de: {  	[sflag:s22] =	ssyncset.done $0x0  }
0x2df: {  	v7 =	vmov s7;
	[sflag:s22] =	ssyncadd.s32 $0xFFFFC000  }
0x2e0: {  	v7 =	vand.u32 $0x7F, v7;
	_ =	swait.ge [sflag:s22], $0x4000  }
0x2e1: {  	v10 =	vbroadcast v7, $0x0;
	v7 =	vbroadcast v5, $0x0;
	v5 =	vand.u32 $0x79, v6;
	[sflag:s22] =	ssyncset.done $0x0  }
0x2e2: {  	s7 =	simm.s32 $0xF3B0;
	v5 =	vbroadcast v5, $0x0;
	v8 =	vmov s6;
	[sflag:s22] =	ssyncadd.s32 $0xFFFFC000  }
0x2e3: {  	s15 =	simm.s32 $0x3;
	v12 =	vor.u32 v0, v10;
	v6 =	vand.u32 $0x7A, v8;
	v8 =	vld [tilespmem:s7+$0xFFFFFFD0]  }
0x2e4: {  	v9 =	vmov s15;
	v14 =	vor.u32 v0, v7;
	v16 =	vor.u32 v0, v5;
	s21 =	simm.s32 $0x4;
	v13 =	vld [tilespmem:s7+$0xFFFFFC50]  }
0x2e5: {  	v19 =	vbroadcast v6, $0x0;
	v6 =	vand.u32 $0x7B, v9;
	v11 =	vmov s21;
	s30 =	simm.s32 $0x5;
	v15 =	vld [tilespmem:s7+$0xFFFFFCD0]  }
0x2e6: {  	v22 =	vbroadcast v6, $0x0;
	v6 =	vand.u32 $0x7C, v11;
	v9 =	vmov s30  }
0x2e7: {  	v17 =	vor.u32 v0, v19;
	v6 =	vbroadcast v6, $0x0;
	v9 =	vand.u32 $0x7D, v9;
	v11 =	vld [tilespmem:s7+$0xFFFFFD50]  }
0x2e8: {  	v20 =	vor.u32 v0, v22;
	s31 =	simm.s32 $0x6;
	v9 =	vbroadcast v9, $0x0;
	v18 =	vld [tilespmem:s7+$0xFFFFFDD0];
	[tilespmem:v12+s24+$0x0] =	vst.idx.msk $0xffff, v8  }
0x2e9: {  	v59 =	vor.u32 v0, v6;
	v21 =	vmov s31;
	v23 =	vld [tilespmem:s7+$0xFFFFFE50];
	[tilespmem:v14+s24+$0x0] =	vst.idx.msk $0xffff, v13  }
0x2ea: {  	v21 =	vand.u32 $0x7E, v21;
	[tilespmem:v16+s24+$0x0] =	vst.idx.msk $0xffff, v15;
	v14 =	vld [tilespmem:s7+$0xFFFFFED0];
	v15 =	vor.u32 v0, v9  }
0x2eb: {  	v8 =	vbroadcast v21, $0x0;
	v13 =	vor.u32 v1, v10;
	v12 =	vld [tilespmem:s7+$0xFFFFFFE0]  }
0x2ec: {  	[tilespmem:v17+s24+$0x0] =	vst.idx.msk $0xffff, v11;
	v21 =	vor.u32 v1, v5;
	v17 =	vld [tilespmem:s7+$0xFFFFFCE0]  }
0x2ed: {  	v11 =	vld [tilespmem:s7+$0xFFFFFF50];
	[tilespmem:v20+s24+$0x0] =	vst.idx.msk $0xffff, v18;
	v16 =	vor.u32 v0, v8  }
0x2ee: {  	v20 =	vor.u32 v1, v19;
	[tilespmem:v59+s24+$0x0] =	vst.idx.msk $0xffff, v23;
	v18 =	vld [tilespmem:s7+$0xFFFFFD60]  }
0x2ef: {  	v60 =	vor.u32 v1, v22;
	v23 =	vld [tilespmem:s7+$0xFFFFFDE0];
	[tilespmem:v15+s24+$0x0] =	vst.idx.msk $0xffff, v14  }
0x2f0: {  	v14 =	vld [tilespmem:s7+$0xFFFFFE60];
	v15 =	vor.u32 v1, v6;
	[tilespmem:v13+s24+$0x0] =	vst.idx.msk $0xffff, v12  }
0x2f1: {  	v13 =	vor.u32 v2, v10;
	[tilespmem:v21+s24+$0x0] =	vst.idx.msk $0xffff, v17;
	v12 =	vld [tilespmem:s7+$0xFFFFFFF0]  }
0x2f2: {  	[tilespmem:v16+s24+$0x0] =	vst.idx.msk $0xffff, v11;
	v11 =	vld [tilespmem:s7+$0xFFFFFEE0];
	v16 =	vor.u32 v1, v9  }
0x2f3: {  	[tilespmem:v20+s24+$0x0] =	vst.idx.msk $0xffff, v18;
	v20 =	vld [tilespmem:s7+$0xFFFFFC60];
	v21 =	vor.u32 v1, v7  }
0x2f4: {  	v61 =	vor.u32 v2, v5;
	[tilespmem:v60+s24+$0x0] =	vst.idx.msk $0xffff, v23;
	v23 =	vld [tilespmem:s7+$0xFFFFFCF0]  }
0x2f5: {  	v18 =	vor.u32 v1, v8;
	v17 =	vld [tilespmem:s7+$0xFFFFFF60];
	[tilespmem:v15+s24+$0x0] =	vst.idx.msk $0xffff, v14  }
0x2f6: {  	v14 =	vor.u32 v2, v19;
	[tilespmem:v13+s24+$0x0] =	vst.idx.msk $0xffff, v12;
	v13 =	vld [tilespmem:s7+$0xFFFFFD70]  }
0x2f7: {  	[tilespmem:v16+s24+$0x0] =	vst.idx.msk $0xffff, v11;
	v11 =	vld [tilespmem:s7+$0xFFFFFDF0];
	v16 =	vor.u32 v2, v22  }
0x2f8: {  	v10 =	vor.u32 v3, v10;
	[tilespmem:v21+s24+$0x0] =	vst.idx.msk $0xffff, v20;
	v12 =	vld [tilespmem:s7+$0x0]  }
0x2f9: {  	v62 =	vor.u32 v2, v6;
	v21 =	vld [tilespmem:s7+$0xFFFFFE70];
	[tilespmem:v61+s24+$0x0] =	vst.idx.msk $0xffff, v23  }
0x2fa: {  	v63 =	vor.u32 v2, v9;
	[tilespmem:v18+s24+$0x0] =	vst.idx.msk $0xffff, v17;
	v23 =	vld [tilespmem:s7+$0xFFFFFEF0]  }
0x2fb: {  	v20 =	vor.u32 v2, v8;
	v17 =	vld [tilespmem:s7+$0xFFFFFF70];
	[tilespmem:v14+s24+$0x0] =	vst.idx.msk $0xffff, v13  }
0x2fc: {  	v15 =	vld [tilespmem:s7+$0xFFFFFC70];
	v18 =	vor.u32 v2, v7;
	[tilespmem:v16+s24+$0x0] =	vst.idx.msk $0xffff, v11  }
0x2fd: {  	v16 =	vor.u32 v3, v5;
	[tilespmem:v10+s24+$0x0] =	vst.idx.msk $0xffff, v12;
	v12 =	vld [tilespmem:s7+$0xFFFFFD00]  }
0x2fe: {  	s15 =	simm.s32 $0xF;
	s6 =	simm.s32 $0x9;
	[tilespmem:v62+s24+$0x0] =	vst.idx.msk $0xffff, v21;
	v5 =	vmov s16;
	v11 =	vor.u32 v3, v19;
	v10 =	vld [tilespmem:s7+$0xFFFFFD80]  }
0x2ff: {  	s8 =	simm.s32 $0x10;
	s13 =	simm.s32 $0xA;
	s2 =	simm.s32 $0x8;
	v21 =	vmov s6;
	v14 =	vor.u32 v3, v22;
	v19 =	vand.u32 $0x78, v5;
	v13 =	vld [tilespmem:s7+$0xFFFFFE00];
	[tilespmem:v63+s24+$0x0] =	vst.idx.msk $0xffff, v23  }
.LBB2_19:
0x300: {  	p0 =	slt.u32 s8, $0x78;
	v22 =	vmov s13;
	s13 =	sadd.s32 $0x3, s2;
	v23 =	vmov s15;
	v24 =	vld [tilespmem:s7+$0xFFFFFE80];
	v6 =	vor.u32 v3, v6;
	[tilespmem:v20+s24+$0x0] =	vst.idx.msk $0xffff, v17  }
0x301: {  	v9 =	vor.u32 v3, v9;
	v17 =	vmov s13;
	s13 =	sadd.s32 $0x4, s2;
	v20 =	vand.u32 $0x7F, v23;
	[tilespmem:v18+s24+$0x0] =	vst.idx.msk $0xffff, v15;
	v15 =	vld [tilespmem:s7+$0xFFFFFF00]  }
0x302: {  	v8 =	vor.u32 v3, v8;
	v18 =	vmov s13;
	v20 =	vbroadcast v20, $0x0;
	[tilespmem:v16+s24+$0x0] =	vst.idx.msk $0xffff, v12;
	v12 =	vld [tilespmem:s7+$0xFFFFFF80]  }
0x303: {  	v23 =	vor.u32 v3, v7;
	v7 =	vbroadcast v19, $0x0;
	v16 =	vand.u32 $0x79, v21;
	v21 =	vld [tilespmem:s7+$0xFFFFFC80];
	[tilespmem:v11+s24+$0x0] =	vst.idx.msk $0xffff, v10;
	s7 =	sadd.s32 $0x400, s7  }
0x304: {  	v10 =	vbroadcast v16, $0x0;
	v11 =	vand.u32 $0x7A, v22;
	v16 =	vld [tilespmem:s7+$0xFFFFFFD0];
	v19 =	vor.u32 v0, v20;
	[tilespmem:v14+s24+$0x0] =	vst.idx.msk $0xffff, v13  }
0x305: {  	v17 =	vand.u32 $0x7B, v17;
	v14 =	vor.u32 v0, v7;
	v11 =	vbroadcast v11, $0x0;
	v13 =	vld [tilespmem:s7+$0xFFFFFC50];
	[tilespmem:v6+s24+$0x0] =	vst.idx.msk $0xffff, v24  }
0x306: {  	s13 =	sadd.s32 $0x5, s2;
	v25 =	vbroadcast v17, $0x0;
	v24 =	vor.u32 v0, v10;
	v6 =	vand.u32 $0x7C, v18;
	v22 =	vld [tilespmem:s7+$0xFFFFFCD0];
	[tilespmem:v9+s24+$0x0] =	vst.idx.msk $0xffff, v15  }
0x307: {  	v17 =	vor.u32 v0, v11;
	v6 =	vbroadcast v6, $0x0;
	v9 =	vmov s13;
	s13 =	sadd.s32 $0x6, s2;
	s2 =	smov.u32 s8;
	v15 =	vld [tilespmem:s7+$0xFFFFFD50];
	[tilespmem:v8+s24+$0x0] =	vst.idx.msk $0xffff, v12  }
0x308: {  	v18 =	vor.u32 v0, v25;
	v8 =	vand.u32 $0x7D, v9;
	v26 =	vmov s13;
	v12 =	vld [tilespmem:s7+$0xFFFFFDD0];
	[tilespmem:v23+s24+$0x0] =	vst.idx.msk $0xffff, v21  }
0x309: {  	v23 =	vor.u32 v0, v6;
	v9 =	vbroadcast v8, $0x0;
	v8 =	vand.u32 $0x7E, v26;
	v21 =	vld [tilespmem:s7+$0xFFFFFE50];
	[tilespmem:v19+s24+$0x0] =	vst.idx.msk $0xffff, v16  }
0x30a: {  	v8 =	vbroadcast v8, $0x0;
	[tilespmem:v14+s24+$0x0] =	vst.idx.msk $0xffff, v13;
	v13 =	vld [tilespmem:s7+$0xFFFFFFE0];
	v14 =	vor.u32 v1, v20  }
0x30b: {  	v19 =	vor.u32 v0, v9;
	[tilespmem:v24+s24+$0x0] =	vst.idx.msk $0xffff, v22;
	v16 =	vld [tilespmem:s7+$0xFFFFFED0]  }
0x30c: {  	[tilespmem:v17+s24+$0x0] =	vst.idx.msk $0xffff, v15;
	v15 =	vld [tilespmem:s7+$0xFFFFFF50];
	v17 =	vor.u32 v0, v8  }
0x30d: {  	v24 =	vor.u32 v1, v10;
	v22 =	vld [tilespmem:s7+$0xFFFFFCE0];
	[tilespmem:v18+s24+$0x0] =	vst.idx.msk $0xffff, v12  }
0x30e: {  	v18 =	vor.u32 v1, v11;
	v12 =	vld [tilespmem:s7+$0xFFFFFD60];
	[tilespmem:v23+s24+$0x0] =	vst.idx.msk $0xffff, v21  }
0x30f: {  	v23 =	vor.u32 v1, v25;
	v21 =	vld [tilespmem:s7+$0xFFFFFDE0];
	[tilespmem:v14+s24+$0x0] =	vst.idx.msk $0xffff, v13  }
0x310: {  	v14 =	vor.u32 v2, v20;
	[tilespmem:v19+s24+$0x0] =	vst.idx.msk $0xffff, v16;
	v13 =	vld [tilespmem:s7+$0xFFFFFFF0]  }
0x311: {  	v19 =	vor.u32 v1, v6;
	v16 =	vld [tilespmem:s7+$0xFFFFFE60];
	[tilespmem:v17+s24+$0x0] =	vst.idx.msk $0xffff, v15  }
0x312: {  	v17 =	vor.u32 v1, v9;
	[tilespmem:v24+s24+$0x0] =	vst.idx.msk $0xffff, v22;
	v15 =	vld [tilespmem:s7+$0xFFFFFEE0]  }
0x313: {  	[tilespmem:v18+s24+$0x0] =	vst.idx.msk $0xffff, v12;
	v12 =	vld [tilespmem:s7+$0xFFFFFF60];
	v18 =	vor.u32 v1, v8  }
0x314: {  	v24 =	vor.u32 v1, v7;
	v22 =	vld [tilespmem:s7+$0xFFFFFC60];
	[tilespmem:v23+s24+$0x0] =	vst.idx.msk $0xffff, v21  }
0x315: {  	v23 =	vor.u32 v2, v10;
	v21 =	vld [tilespmem:s7+$0xFFFFFCF0];
	[tilespmem:v14+s24+$0x0] =	vst.idx.msk $0xffff, v13  }
0x316: {  	v14 =	vor.u32 v3, v20;
	[tilespmem:v19+s24+$0x0] =	vst.idx.msk $0xffff, v16;
	v13 =	vld [tilespmem:s7+$0x0]  }
0x317: {  	v19 =	vor.u32 v2, v11;
	v16 =	vld [tilespmem:s7+$0xFFFFFD70];
	[tilespmem:v17+s24+$0x0] =	vst.idx.msk $0xffff, v15  }
0x318: {  	v27 =	vor.u32 v2, v25;
	v26 =	vld [tilespmem:s7+$0xFFFFFDF0];
	[tilespmem:v18+s24+$0x0] =	vst.idx.msk $0xffff, v12  }
0x319: {  	[tilespmem:v24+s24+$0x0] =	vst.idx.msk $0xffff, v22;
	v22 =	vld [tilespmem:s7+$0xFFFFFE70];
	v24 =	vor.u32 v2, v6  }
0x31a: {  	v28 =	vor.u32 v2, v9;
	[tilespmem:v23+s24+$0x0] =	vst.idx.msk $0xffff, v21;
	v23 =	vld [tilespmem:s7+$0xFFFFFEF0]  }
.Ltmp10:
0x31b: {  	v20 =	vor.u32 v2, v8;
	v17 =	vld [tilespmem:s7+$0xFFFFFF70];
	[tilespmem:v14+s24+$0x0] =	vst.idx.msk $0xffff, v13;
	(pc) =	sbr.rel @p0 .LBB2_19-.Ltmp10, $4  }
0x31c: {  	v18 =	vor.u32 v2, v7;
	v15 =	vld [tilespmem:s7+$0xFFFFFC70];
	[tilespmem:v19+s24+$0x0] =	vst.idx.msk $0xffff, v16  }
0x31d: {  	v16 =	vor.u32 v3, v10;
	v12 =	vld [tilespmem:s7+$0xFFFFFD00];
	[tilespmem:v27+s24+$0x0] =	vst.idx.msk $0xffff, v26  }
0x31e: {  	s13 =	sadd.s32 $0x1, s8;
	v11 =	vor.u32 v3, v11;
	v13 =	vmov s8;
	v10 =	vld [tilespmem:s7+$0xFFFFFD80];
	[tilespmem:v24+s24+$0x0] =	vst.idx.msk $0xffff, v22  }
0x31f: {  	s15 =	sadd.s32 $0x7, s2;
	v21 =	vmov s13;
	s13 =	sadd.s32 $0x2, s2;
	s8 =	sadd.s32 $0x8, s8;
	v14 =	vor.u32 v3, v25;
	v19 =	vand.u32 $0x78, v13;
	v13 =	vld [tilespmem:s7+$0xFFFFFE00];
	[tilespmem:v28+s24+$0x0] =	vst.idx.msk $0xffff, v23  }
0x320: {  	_ =	sdelay $0x3  }
0x321: {  	v22 =	vmov s13;
	v23 =	vmov s15;
	v24 =	vld [tilespmem:s7+$0xFFFFFE80];
	v6 =	vor.u32 v3, v6;
	[tilespmem:v20+s24+$0x0] =	vst.idx.msk $0xffff, v17  }
0x322: {  	s8 =	sadd.s32 $0x3, s2;
	v9 =	vor.u32 v3, v9;
	v8 =	vor.u32 v3, v8;
	v20 =	vand.u32 $0x7F, v23;
	[tilespmem:v18+s24+$0x0] =	vst.idx.msk $0xffff, v15;
	v15 =	vld [tilespmem:s7+$0xFFFFFF00]  }
0x323: {  	s15 =	sadd.s32 $0x4, s2;
	v7 =	vor.u32 v3, v7;
	v17 =	vmov s8;
	v20 =	vbroadcast v20, $0x0;
	[tilespmem:v16+s24+$0x0] =	vst.idx.msk $0xffff, v12;
	v12 =	vld [tilespmem:s7+$0xFFFFFF80]  }
0x324: {  	s21 =	sadd.s32 $0x400, s7;
	v18 =	vmov s15;
	v16 =	vbroadcast v19, $0x0;
	v19 =	vand.u32 $0x79, v21;
	v33 =	vld [tilespmem:s7+$0xFFFFFC80];
	[tilespmem:v11+s24+$0x0] =	vst.idx.msk $0xffff, v10  }
0x325: {  	v10 =	vbroadcast v19, $0x0;
	v11 =	vand.u32 $0x7A, v22;
	v19 =	vld [tilespmem:s21+$0xFFFFFFD0];
	v34 =	vor.u32 v0, v20;
	[tilespmem:v14+s24+$0x0] =	vst.idx.msk $0xffff, v13  }
0x326: {  	v17 =	vand.u32 $0x7B, v17;
	v13 =	vld [tilespmem:s21+$0xFFFFFC50];
	v14 =	vor.u32 v0, v16;
	v11 =	vbroadcast v11, $0x0;
	[tilespmem:v6+s24+$0x0] =	vst.idx.msk $0xffff, v24  }
0x327: {  	s30 =	sadd.s32 $0x5, s2;
	v18 =	vand.u32 $0x7C, v18;
	v17 =	vbroadcast v17, $0x0;
	v6 =	vld [tilespmem:s21+$0xFFFFFCD0];
	v35 =	vor.u32 v0, v10;
	[tilespmem:v9+s24+$0x0] =	vst.idx.msk $0xffff, v15  }
0x328: {  	s31 =	sadd.s32 $0x6, s2;
	v36 =	vmov s30;
	v18 =	vbroadcast v18, $0x0;
	v9 =	vld [tilespmem:s21+$0xFFFFFD50];
	v15 =	vor.u32 v0, v11;
	[tilespmem:v8+s24+$0x0] =	vst.idx.msk $0xffff, v12  }
0x329: {  	v25 =	vmov s31;
	v24 =	vand.u32 $0x7D, v36;
	v8 =	vld [tilespmem:s21+$0xFFFFFDD0];
	v12 =	vor.u32 v0, v17;
	[tilespmem:v7+s24+$0x0] =	vst.idx.msk $0xffff, v33  }
0x32a: {  	v25 =	vand.u32 $0x7E, v25;
	v37 =	vor.u32 v0, v18;
	v24 =	vbroadcast v24, $0x0;
	v7 =	vld [tilespmem:s21+$0xFFFFFE50];
	[tilespmem:v34+s24+$0x0] =	vst.idx.msk $0xffff, v19  }
0x32b: {  	[tilespmem:v14+s24+$0x0] =	vst.idx.msk $0xffff, v13;
	v13 =	vbroadcast v25, $0x0;
	v19 =	vor.u32 v1, v20;
	v14 =	vld [tilespmem:s21+$0xFFFFFFE0]  }
0x32c: {  	v38 =	vor.u32 v0, v24;
	[tilespmem:v35+s24+$0x0] =	vst.idx.msk $0xffff, v6;
	v6 =	vld [tilespmem:s21+$0xFFFFFED0]  }
0x32d: {  	[tilespmem:v15+s24+$0x0] =	vst.idx.msk $0xffff, v9;
	v9 =	vld [tilespmem:s21+$0xFFFFFF50];
	v15 =	vor.u32 v0, v13  }
0x32e: {  	v39 =	vor.u32 v1, v10;
	v23 =	vld [tilespmem:s21+$0xFFFFFCE0];
	[tilespmem:v12+s24+$0x0] =	vst.idx.msk $0xffff, v8  }
0x32f: {  	v8 =	vld [tilespmem:s21+$0xFFFFFD60];
	v12 =	vor.u32 v1, v11;
	[tilespmem:v37+s24+$0x0] =	vst.idx.msk $0xffff, v7  }
0x330: {  	v40 =	vor.u32 v1, v17;
	v7 =	vld [tilespmem:s21+$0xFFFFFDE0];
	[tilespmem:v19+s24+$0x0] =	vst.idx.msk $0xffff, v14  }
0x331: {  	v41 =	vor.u32 v1, v18;
	[tilespmem:v38+s24+$0x0] =	vst.idx.msk $0xffff, v6;
	v19 =	vld [tilespmem:s21+$0xFFFFFE60]  }
0x332: {  	v14 =	vor.u32 v2, v20;
	v6 =	vld [tilespmem:s21+$0xFFFFFFF0];
	[tilespmem:v15+s24+$0x0] =	vst.idx.msk $0xffff, v9  }
0x333: {  	[tilespmem:v39+s24+$0x0] =	vst.idx.msk $0xffff, v23;
	v9 =	vld [tilespmem:s21+$0xFFFFFEE0];
	v15 =	vor.u32 v1, v24  }
0x334: {  	v43 =	vor.u32 v1, v16;
	v42 =	vld [tilespmem:s21+$0xFFFFFC60];
	[tilespmem:v12+s24+$0x0] =	vst.idx.msk $0xffff, v8  }
0x335: {  	v8 =	vld [tilespmem:s21+$0xFFFFFF60];
	v12 =	vor.u32 v1, v13;
	[tilespmem:v40+s24+$0x0] =	vst.idx.msk $0xffff, v7  }
0x336: {  	v44 =	vor.u32 v2, v10;
	v7 =	vld [tilespmem:s21+$0xFFFFFCF0];
	[tilespmem:v41+s24+$0x0] =	vst.idx.msk $0xffff, v19  }
0x337: {  	v19 =	vld [tilespmem:s21+$0xFFFFFD70];
	[tilespmem:v14+s24+$0x0] =	vst.idx.msk $0xffff, v6;
	v14 =	vor.u32 v3, v20;
	v20 =	vor.u32 v2, v11  }
0x338: {  	[tilespmem:v15+s24+$0x0] =	vst.idx.msk $0xffff, v9;
	v9 =	vld [tilespmem:s21+$0xFFFFFDF0];
	v15 =	vor.u32 v2, v17  }
0x339: {  	[tilespmem:v43+s24+$0x0] =	vst.idx.msk $0xffff, v42;
	v6 =	vld [tilespmem:s21+$0x0]  }
0x33a: {  	[tilespmem:v12+s24+$0x0] =	vst.idx.msk $0xffff, v8;
	v8 =	vld [tilespmem:s21+$0xFFFFFE70];
	v12 =	vor.u32 v2, v18  }
0x33b: {  	v45 =	vor.u32 v2, v24;
	[tilespmem:v44+s24+$0x0] =	vst.idx.msk $0xffff, v7;
	v7 =	vld [tilespmem:s21+$0xFFFFFEF0]  }
0x33c: {  	v47 =	vor.u32 v2, v13;
	v46 =	vld [tilespmem:s21+$0xFFFFFF70];
	[tilespmem:v20+s24+$0x0] =	vst.idx.msk $0xffff, v19  }
0x33d: {  	v10 =	vor.u32 v3, v10;
	v19 =	vld [tilespmem:s21+$0xFFFFFD00];
	[tilespmem:v15+s24+$0x0] =	vst.idx.msk $0xffff, v9  }
0x33e: {  	[tilespmem:v14+s24+$0x0] =	vst.idx.msk $0xffff, v6;
	v6 =	vld [tilespmem:s21+$0xFFFFFC70];
	v14 =	vor.u32 v2, v16  }
0x33f: {  	v11 =	vor.u32 v3, v11;
	v9 =	vld [tilespmem:s21+$0xFFFFFD80];
	[tilespmem:v12+s24+$0x0] =	vst.idx.msk $0xffff, v8  }
0x340: {  	v8 =	vld [tilespmem:s21+$0xFFFFFE00];
	v12 =	vor.u32 v3, v17;
	[tilespmem:v45+s24+$0x0] =	vst.idx.msk $0xffff, v7  }
0x341: {  	v15 =	vor.u32 v3, v18;
	v7 =	vld [tilespmem:s21+$0xFFFFFE80];
	[tilespmem:v47+s24+$0x0] =	vst.idx.msk $0xffff, v46  }
0x342: {  	v13 =	vor.u32 v3, v13;
	[tilespmem:v10+s24+$0x0] =	vst.idx.msk $0xffff, v19;
	v10 =	vld [tilespmem:s21+$0xFFFFFF80]  }
0x343: {  	[tilespmem:v14+s24+$0x0] =	vst.idx.msk $0xffff, v6;
	v6 =	vld [tilespmem:s21+$0xFFFFFF00];
	v14 =	vor.u32 v3, v24  }
0x344: {  	v16 =	vor.u32 v3, v16;
	[tilespmem:v11+s24+$0x0] =	vst.idx.msk $0xffff, v9;
	v17 =	vld [tilespmem:s21+$0xFFFFFC80]  }
0x345: {  	s8 =	simm.s32 $0x7;
	[tilespmem:v12+s24+$0x0] =	vst.idx.msk $0xffff, v8  }
0x346: {  	v4 =	vand.u32 $0x78, v4;
	[tilespmem:v15+s24+$0x0] =	vst.idx.msk $0xffff, v7;
	v7 =	vmov s8  }
0x347: {  	s13 =	simm.s32 $0x2;
	v4 =	vbroadcast v4, $0x0;
	v7 =	vand.u32 $0x7F, v7;
	[tilespmem:v13+s24+$0x0] =	vst.idx.msk $0xffff, v10  }
0x348: {  	s15 =	simm.s32 $0x3;
	v8 =	vmov s13;
	v10 =	vbroadcast v7, $0x0;
	[tilespmem:v14+s24+$0x0] =	vst.idx.msk $0xffff, v6;
	v6 =	vmov s3  }
0x349: {  	v9 =	vmov s15;
	v15 =	vor.u32 v0, v4;
	s3 =	simm.s32 $0x133B0;
	[tilespmem:v16+s24+$0x0] =	vst.idx.msk $0xffff, v17;
	v6 =	vand.u32 $0x79, v6  }
0x34a: {  	s21 =	simm.s32 $0x4;
	v13 =	vor.u32 v0, v10;
	v12 =	vbroadcast v6, $0x0;
	v6 =	vand.u32 $0x7A, v8;
	v11 =	vld [tilespmem:s3+$0xFFFFFFD0]  }
0x34b: {  	v7 =	vmov s21;
	v14 =	vld [tilespmem:s3+$0xFFFFFC50];
	v16 =	vbroadcast v6, $0x0;
	v6 =	vand.u32 $0x7B, v9  }
0x34c: {  	v9 =	vld [tilespmem:s3+$0xFFFFFCD0];
	v17 =	vor.u32 v0, v12;
	v20 =	vbroadcast v6, $0x0;
	v6 =	vand.u32 $0x7C, v7  }
0x34d: {  	s30 =	simm.s32 $0x5;
	v18 =	vld [tilespmem:s3+$0xFFFFFD50];
	v19 =	vor.u32 v0, v16;
	v6 =	vbroadcast v6, $0x0  }
0x34e: {  	s31 =	simm.s32 $0x6;
	v21 =	vld [tilespmem:s3+$0xFFFFFDD0];
	v7 =	vmov s30;
	v48 =	vor.u32 v0, v20  }
0x34f: {  	v49 =	vmov s31;
	v50 =	vld [tilespmem:s3+$0xFFFFFE50];
	v7 =	vand.u32 $0x7D, v7;
	v51 =	vor.u32 v0, v6;
	[tilespmem:v13+s26+$0x0] =	vst.idx.msk $0xffff, v11  }
0x350: {  	v8 =	vbroadcast v7, $0x0;
	v7 =	vand.u32 $0x7E, v49;
	[tilespmem:v15+s26+$0x0] =	vst.idx.msk $0xffff, v14;
	v13 =	vor.u32 v1, v10;
	v11 =	vld [tilespmem:s3+$0xFFFFFFE0]  }
0x351: {  	v57 =	vor.u32 v1, v4;
	v7 =	vbroadcast v7, $0x0;
	v56 =	vld [tilespmem:s3+$0xFFFFFC60];
	[tilespmem:v17+s26+$0x0] =	vst.idx.msk $0xffff, v9  }
0x352: {  	v14 =	vor.u32 v0, v8;
	v9 =	vld [tilespmem:s3+$0xFFFFFED0];
	[tilespmem:v19+s26+$0x0] =	vst.idx.msk $0xffff, v18  }
0x353: {  	v15 =	vld [tilespmem:s3+$0xFFFFFF50];
	v17 =	vor.u32 v0, v7;
	[tilespmem:v48+s26+$0x0] =	vst.idx.msk $0xffff, v21  }
0x354: {  	v18 =	vld [tilespmem:s3+$0xFFFFFCE0];
	v19 =	vor.u32 v1, v12;
	[tilespmem:v51+s26+$0x0] =	vst.idx.msk $0xffff, v50  }
0x355: {  	v53 =	vor.u32 v1, v16;
	v52 =	vld [tilespmem:s3+$0xFFFFFD60];
	[tilespmem:v13+s26+$0x0] =	vst.idx.msk $0xffff, v11  }
0x356: {  	v55 =	vor.u32 v1, v20;
	v54 =	vld [tilespmem:s3+$0xFFFFFDE0];
	[tilespmem:v57+s26+$0x0] =	vst.idx.msk $0xffff, v56  }
0x357: {  	v11 =	vor.u32 v2, v10;
	[tilespmem:v14+s26+$0x0] =	vst.idx.msk $0xffff, v9;
	v9 =	vld [tilespmem:s3+$0xFFFFFFF0]  }
0x358: {  	v13 =	vld [tilespmem:s3+$0xFFFFFE60];
	v14 =	vor.u32 v1, v6;
	[tilespmem:v17+s26+$0x0] =	vst.idx.msk $0xffff, v15  }
0x359: {  	v17 =	vor.u32 v1, v8;
	[tilespmem:v19+s26+$0x0] =	vst.idx.msk $0xffff, v18;
	v15 =	vld [tilespmem:s3+$0xFFFFFEE0]  }
0x35a: {  	v18 =	vld [tilespmem:s3+$0xFFFFFF60];
	v19 =	vor.u32 v1, v7;
	[tilespmem:v53+s26+$0x0] =	vst.idx.msk $0xffff, v52  }
0x35b: {  	v59 =	vor.u32 v2, v12;
	v58 =	vld [tilespmem:s3+$0xFFFFFCF0];
	[tilespmem:v55+s26+$0x0] =	vst.idx.msk $0xffff, v54  }
0x35c: {  	v26 =	vor.u32 v2, v20;
	v60 =	vld [tilespmem:s3+$0xFFFFFDF0];
	[tilespmem:v11+s26+$0x0] =	vst.idx.msk $0xffff, v9  }
0x35d: {  	[tilespmem:v14+s26+$0x0] =	vst.idx.msk $0xffff, v13;
	v11 =	vld [tilespmem:s3+$0xFFFFFD70];
	v14 =	vor.u32 v2, v16  }
0x35e: {  	v10 =	vor.u32 v3, v10;
	v9 =	vld [tilespmem:s3+$0x0];
	[tilespmem:v17+s26+$0x0] =	vst.idx.msk $0xffff, v15  }
0x35f: {  	v61 =	vor.u32 v2, v6;
	[tilespmem:v19+s26+$0x0] =	vst.idx.msk $0xffff, v18;
	v18 =	vld [tilespmem:s3+$0xFFFFFE70]  }
0x360: {  	v63 =	vor.u32 v2, v8;
	[tilespmem:v59+s26+$0x0] =	vst.idx.msk $0xffff, v58;
	v62 =	vld [tilespmem:s3+$0xFFFFFEF0]  }
0x361: {  	v19 =	vor.u32 v2, v7;
	v15 =	vld [tilespmem:s3+$0xFFFFFF70];
	[tilespmem:v26+s26+$0x0] =	vst.idx.msk $0xffff, v60  }
0x362: {  	v13 =	vld [tilespmem:s3+$0xFFFFFC70];
	v17 =	vor.u32 v2, v4;
	[tilespmem:v14+s26+$0x0] =	vst.idx.msk $0xffff, v11  }
0x363: {  	v11 =	vld [tilespmem:s3+$0xFFFFFD00];
	v14 =	vor.u32 v3, v12;
	[tilespmem:v10+s26+$0x0] =	vst.idx.msk $0xffff, v9  }
0x364: {  	v9 =	vld [tilespmem:s3+$0xFFFFFD80];
	v10 =	vor.u32 v3, v16;
	[tilespmem:v61+s26+$0x0] =	vst.idx.msk $0xffff, v18  }
0x365: {  	s2 =	simm.s32 $0x10;
	s7 =	simm.s32 $0xA;
	v12 =	vor.u32 v3, v20;
	v16 =	vand.u32 $0x78, v5;
	v18 =	vmov s6;
	s6 =	simm.s32 $0xF;
	v5 =	vld [tilespmem:s3+$0xFFFFFE00];
	[tilespmem:v63+s26+$0x0] =	vst.idx.msk $0xffff, v62  }
.LBB2_21:
0x366: {  	p0 =	slt.u32 s2, $0x78;
	v20 =	vmov s7;
	s7 =	sadd.s32 $0x3, s16;
	v21 =	vmov s6;
	v22 =	vld [tilespmem:s3+$0xFFFFFE80];
	v6 =	vor.u32 v3, v6;
	[tilespmem:v19+s26+$0x0] =	vst.idx.msk $0xffff, v15  }
0x367: {  	s6 =	sadd.s32 $0x4, s16;
	v8 =	vor.u32 v3, v8;
	v15 =	vmov s7;
	v19 =	vand.u32 $0x7F, v21;
	[tilespmem:v17+s26+$0x0] =	vst.idx.msk $0xffff, v13;
	v13 =	vld [tilespmem:s3+$0xFFFFFF00]  }
0x368: {  	v7 =	vor.u32 v3, v7;
	v17 =	vmov s6;
	v19 =	vbroadcast v19, $0x0;
	[tilespmem:v14+s26+$0x0] =	vst.idx.msk $0xffff, v11;
	v11 =	vld [tilespmem:s3+$0xFFFFFF80]  }
0x369: {  	v21 =	vor.u32 v3, v4;
	v4 =	vbroadcast v16, $0x0;
	v14 =	vand.u32 $0x79, v18;
	v18 =	vld [tilespmem:s3+$0xFFFFFC80];
	[tilespmem:v10+s26+$0x0] =	vst.idx.msk $0xffff, v9;
	s3 =	sadd.s32 $0x400, s3  }
0x36a: {  	v9 =	vbroadcast v14, $0x0;
	v10 =	vand.u32 $0x7A, v20;
	v14 =	vld [tilespmem:s3+$0xFFFFFFD0];
	v16 =	vor.u32 v0, v19;
	[tilespmem:v12+s26+$0x0] =	vst.idx.msk $0xffff, v5  }
0x36b: {  	v15 =	vand.u32 $0x7B, v15;
	v12 =	vor.u32 v0, v4;
	v10 =	vbroadcast v10, $0x0;
	v5 =	vld [tilespmem:s3+$0xFFFFFC50];
	[tilespmem:v6+s26+$0x0] =	vst.idx.msk $0xffff, v22  }
0x36c: {  	s6 =	sadd.s32 $0x5, s16;
	v23 =	vbroadcast v15, $0x0;
	v22 =	vor.u32 v0, v9;
	v6 =	vand.u32 $0x7C, v17;
	v20 =	vld [tilespmem:s3+$0xFFFFFCD0];
	[tilespmem:v8+s26+$0x0] =	vst.idx.msk $0xffff, v13  }
0x36d: {  	v15 =	vor.u32 v0, v10;
	v6 =	vbroadcast v6, $0x0;
	v8 =	vmov s6;
	s6 =	sadd.s32 $0x6, s16;
	s16 =	smov.u32 s2;
	v13 =	vld [tilespmem:s3+$0xFFFFFD50];
	[tilespmem:v7+s26+$0x0] =	vst.idx.msk $0xffff, v11  }
0x36e: {  	v17 =	vor.u32 v0, v23;
	v7 =	vand.u32 $0x7D, v8;
	v24 =	vmov s6;
	v11 =	vld [tilespmem:s3+$0xFFFFFDD0];
	[tilespmem:v21+s26+$0x0] =	vst.idx.msk $0xffff, v18  }
0x36f: {  	v21 =	vor.u32 v0, v6;
	v8 =	vbroadcast v7, $0x0;
	v7 =	vand.u32 $0x7E, v24;
	v18 =	vld [tilespmem:s3+$0xFFFFFE50];
	[tilespmem:v16+s26+$0x0] =	vst.idx.msk $0xffff, v14  }
0x370: {  	v7 =	vbroadcast v7, $0x0;
	[tilespmem:v12+s26+$0x0] =	vst.idx.msk $0xffff, v5;
	v5 =	vld [tilespmem:s3+$0xFFFFFFE0];
	v12 =	vor.u32 v1, v19  }
0x371: {  	v16 =	vor.u32 v0, v8;
	[tilespmem:v22+s26+$0x0] =	vst.idx.msk $0xffff, v20;
	v14 =	vld [tilespmem:s3+$0xFFFFFED0]  }
0x372: {  	[tilespmem:v15+s26+$0x0] =	vst.idx.msk $0xffff, v13;
	v13 =	vld [tilespmem:s3+$0xFFFFFF50];
	v15 =	vor.u32 v0, v7  }
0x373: {  	v22 =	vor.u32 v1, v9;
	v20 =	vld [tilespmem:s3+$0xFFFFFCE0];
	[tilespmem:v17+s26+$0x0] =	vst.idx.msk $0xffff, v11  }
0x374: {  	v17 =	vor.u32 v1, v10;
	v11 =	vld [tilespmem:s3+$0xFFFFFD60];
	[tilespmem:v21+s26+$0x0] =	vst.idx.msk $0xffff, v18  }
0x375: {  	v21 =	vor.u32 v1, v23;
	v18 =	vld [tilespmem:s3+$0xFFFFFDE0];
	[tilespmem:v12+s26+$0x0] =	vst.idx.msk $0xffff, v5  }
0x376: {  	v12 =	vor.u32 v2, v19;
	[tilespmem:v16+s26+$0x0] =	vst.idx.msk $0xffff, v14;
	v5 =	vld [tilespmem:s3+$0xFFFFFFF0]  }
0x377: {  	v16 =	vor.u32 v1, v6;
	v14 =	vld [tilespmem:s3+$0xFFFFFE60];
	[tilespmem:v15+s26+$0x0] =	vst.idx.msk $0xffff, v13  }
0x378: {  	v15 =	vor.u32 v1, v8;
	[tilespmem:v22+s26+$0x0] =	vst.idx.msk $0xffff, v20;
	v13 =	vld [tilespmem:s3+$0xFFFFFEE0]  }
0x379: {  	[tilespmem:v17+s26+$0x0] =	vst.idx.msk $0xffff, v11;
	v11 =	vld [tilespmem:s3+$0xFFFFFF60];
	v17 =	vor.u32 v1, v7  }
0x37a: {  	v22 =	vor.u32 v1, v4;
	v20 =	vld [tilespmem:s3+$0xFFFFFC60];
	[tilespmem:v21+s26+$0x0] =	vst.idx.msk $0xffff, v18  }
0x37b: {  	v21 =	vor.u32 v2, v9;
	v18 =	vld [tilespmem:s3+$0xFFFFFCF0];
	[tilespmem:v12+s26+$0x0] =	vst.idx.msk $0xffff, v5  }
0x37c: {  	v12 =	vor.u32 v3, v19;
	[tilespmem:v16+s26+$0x0] =	vst.idx.msk $0xffff, v14;
	v5 =	vld [tilespmem:s3+$0x0]  }
0x37d: {  	v16 =	vor.u32 v2, v10;
	v14 =	vld [tilespmem:s3+$0xFFFFFD70];
	[tilespmem:v15+s26+$0x0] =	vst.idx.msk $0xffff, v13  }
0x37e: {  	v25 =	vor.u32 v2, v23;
	v24 =	vld [tilespmem:s3+$0xFFFFFDF0];
	[tilespmem:v17+s26+$0x0] =	vst.idx.msk $0xffff, v11  }
0x37f: {  	[tilespmem:v22+s26+$0x0] =	vst.idx.msk $0xffff, v20;
	v20 =	vld [tilespmem:s3+$0xFFFFFE70];
	v22 =	vor.u32 v2, v6  }
0x380: {  	v26 =	vor.u32 v2, v8;
	[tilespmem:v21+s26+$0x0] =	vst.idx.msk $0xffff, v18;
	v21 =	vld [tilespmem:s3+$0xFFFFFEF0]  }
.Ltmp11:
0x381: {  	v19 =	vor.u32 v2, v7;
	v15 =	vld [tilespmem:s3+$0xFFFFFF70];
	[tilespmem:v12+s26+$0x0] =	vst.idx.msk $0xffff, v5;
	(pc) =	sbr.rel @p0 .LBB2_21-.Ltmp11, $4  }
0x382: {  	v17 =	vor.u32 v2, v4;
	v13 =	vld [tilespmem:s3+$0xFFFFFC70];
	[tilespmem:v16+s26+$0x0] =	vst.idx.msk $0xffff, v14  }
0x383: {  	v14 =	vor.u32 v3, v9;
	v11 =	vld [tilespmem:s3+$0xFFFFFD00];
	[tilespmem:v25+s26+$0x0] =	vst.idx.msk $0xffff, v24  }
0x384: {  	s6 =	sadd.s32 $0x1, s2;
	v10 =	vor.u32 v3, v10;
	v5 =	vmov s2;
	v9 =	vld [tilespmem:s3+$0xFFFFFD80];
	[tilespmem:v22+s26+$0x0] =	vst.idx.msk $0xffff, v20  }
0x385: {  	s7 =	sadd.s32 $0x2, s16;
	v18 =	vmov s6;
	s6 =	sadd.s32 $0x7, s16;
	s2 =	sadd.s32 $0x8, s2;
	v12 =	vor.u32 v3, v23;
	v16 =	vand.u32 $0x78, v5;
	v5 =	vld [tilespmem:s3+$0xFFFFFE00];
	[tilespmem:v26+s26+$0x0] =	vst.idx.msk $0xffff, v21  }
0x386: {  	_ =	sdelay $0x2  }
0x387: {  	v20 =	vmov s7  }
0x388: {  	v21 =	vmov s6;
	v22 =	vld [tilespmem:s3+$0xFFFFFE80];
	v6 =	vor.u32 v3, v6;
	[tilespmem:v19+s26+$0x0] =	vst.idx.msk $0xffff, v15;
	v8 =	vor.u32 v3, v8  }
0x389: {  	s2 =	sadd.s32 $0x3, s16;
	v45 =	vld [tilespmem:s3+$0xFFFFFF00];
	v7 =	vor.u32 v3, v7;
	v48 =	vand.u32 $0x79, v18;
	v44 =	vand.u32 $0x7F, v21;
	[tilespmem:v17+s26+$0x0] =	vst.idx.msk $0xffff, v13  }
0x38a: {  	s8 =	sadd.s32 $0x4, s16;
	v4 =	vor.u32 v3, v4;
	v43 =	vmov s2;
	v47 =	vld [tilespmem:s3+$0xFFFFFF80];
	v19 =	vbroadcast v44, $0x0;
	[tilespmem:v14+s26+$0x0] =	vst.idx.msk $0xffff, v11  }
0x38b: {  	s13 =	sadd.s32 $0x400, s3;
	s15 =	sadd.s32 $0x5, s16;
	v46 =	vmov s8;
	v50 =	vand.u32 $0x7A, v20;
	v14 =	vbroadcast v16, $0x0;
	v49 =	vld [tilespmem:s3+$0xFFFFFC80];
	[tilespmem:v10+s26+$0x0] =	vst.idx.msk $0xffff, v9  }
0x38c: {  	v51 =	vld [tilespmem:s13+$0xFFFFFFD0];
	v58 =	vmov s15;
	v9 =	vbroadcast v48, $0x0;
	v52 =	vor.u32 v0, v19;
	[tilespmem:v12+s26+$0x0] =	vst.idx.msk $0xffff, v5  }
0x38d: {  	v15 =	vand.u32 $0x7B, v43;
	v10 =	vbroadcast v50, $0x0;
	v5 =	vld [tilespmem:s13+$0xFFFFFC50];
	v53 =	vor.u32 v0, v14;
	[tilespmem:v6+s26+$0x0] =	vst.idx.msk $0xffff, v22  }
0x38e: {  	v54 =	vld [tilespmem:s13+$0xFFFFFCD0];
	v17 =	vand.u32 $0x7C, v46;
	v15 =	vbroadcast v15, $0x0;
	v55 =	vor.u32 v0, v9;
	[tilespmem:v8+s26+$0x0] =	vst.idx.msk $0xffff, v45  }
0x38f: {  	v56 =	vld [tilespmem:s13+$0xFFFFFD50];
	v17 =	vbroadcast v17, $0x0;
	v57 =	vor.u32 v0, v10;
	v22 =	vand.u32 $0x7D, v58;
	[tilespmem:v7+s26+$0x0] =	vst.idx.msk $0xffff, v47  }
0x390: {  	s21 =	sadd.s32 $0x6, s16;
	v59 =	vld [tilespmem:s13+$0xFFFFFDD0];
	v60 =	vor.u32 v0, v15;
	v22 =	vbroadcast v22, $0x0;
	[tilespmem:v4+s26+$0x0] =	vst.idx.msk $0xffff, v49  }
0x391: {  	v23 =	vmov s21;
	v61 =	vor.u32 v0, v17;
	v4 =	vld [tilespmem:s13+$0xFFFFFE50];
	[tilespmem:v52+s26+$0x0] =	vst.idx.msk $0xffff, v51  }
0x392: {  	v24 =	vld [tilespmem:s13+$0xFFFFFED0];
	v23 =	vand.u32 $0x7E, v23;
	v25 =	vor.u32 v0, v22;
	[tilespmem:v53+s26+$0x0] =	vst.idx.msk $0xffff, v5  }
0x393: {  	v63 =	vor.u32 v1, v19;
	v5 =	vbroadcast v23, $0x0;
	v62 =	vld [tilespmem:s13+$0xFFFFFFE0];
	[tilespmem:v55+s26+$0x0] =	vst.idx.msk $0xffff, v54  }
0x394: {  	v41 =	vor.u32 v1, v14;
	[tilespmem:v57+s26+$0x0] =	vst.idx.msk $0xffff, v56;
	v40 =	vld [tilespmem:s13+$0xFFFFFC60]  }
0x395: {  	v26 =	vld [tilespmem:s13+$0xFFFFFF50];
	[tilespmem:v60+s26+$0x0] =	vst.idx.msk $0xffff, v59;
	v27 =	vor.u32 v0, v5  }
0x396: {  	v28 =	vor.u32 v1, v9;
	v21 =	vld [tilespmem:s13+$0xFFFFFCE0];
	[tilespmem:v61+s26+$0x0] =	vst.idx.msk $0xffff, v4  }
0x397: {  	v30 =	vor.u32 v1, v10;
	v29 =	vld [tilespmem:s13+$0xFFFFFD60];
	[tilespmem:v25+s26+$0x0] =	vst.idx.msk $0xffff, v24  }
0x398: {  	v31 =	vor.u32 v1, v15;
	v4 =	vld [tilespmem:s13+$0xFFFFFDE0];
	[tilespmem:v63+s26+$0x0] =	vst.idx.msk $0xffff, v62  }
0x399: {  	v35 =	vor.u32 v1, v17;
	v34 =	vld [tilespmem:s13+$0xFFFFFE60];
	[tilespmem:v41+s26+$0x0] =	vst.idx.msk $0xffff, v40  }
0x39a: {  	v37 =	vor.u32 v1, v22;
	v36 =	vld [tilespmem:s13+$0xFFFFFEE0];
	[tilespmem:v27+s26+$0x0] =	vst.idx.msk $0xffff, v26  }
0x39b: {  	v33 =	vor.u32 v2, v19;
	v32 =	vld [tilespmem:s13+$0xFFFFFFF0];
	[tilespmem:v28+s26+$0x0] =	vst.idx.msk $0xffff, v21  }
0x39c: {  	v54 =	vor.u32 v2, v14;
	[tilespmem:v30+s26+$0x0] =	vst.idx.msk $0xffff, v29;
	v53 =	vld [tilespmem:s13+$0xFFFFFC70]  }
0x39d: {  	v39 =	vor.u32 v1, v5;
	v38 =	vld [tilespmem:s13+$0xFFFFFF60];
	[tilespmem:v31+s26+$0x0] =	vst.idx.msk $0xffff, v4  }
0x39e: {  	v42 =	vor.u32 v2, v9;
	v4 =	vld [tilespmem:s13+$0xFFFFFCF0];
	[tilespmem:v35+s26+$0x0] =	vst.idx.msk $0xffff, v34  }
0x39f: {  	v45 =	vor.u32 v2, v10;
	v44 =	vld [tilespmem:s13+$0xFFFFFD70];
	[tilespmem:v37+s26+$0x0] =	vst.idx.msk $0xffff, v36  }
0x3a0: {  	v47 =	vor.u32 v2, v15;
	v46 =	vld [tilespmem:s13+$0xFFFFFDF0];
	[tilespmem:v33+s26+$0x0] =	vst.idx.msk $0xffff, v32  }
0x3a1: {  	v49 =	vor.u32 v2, v17;
	v48 =	vld [tilespmem:s13+$0xFFFFFE70];
	[tilespmem:v54+s26+$0x0] =	vst.idx.msk $0xffff, v53  }
0x3a2: {  	v43 =	vor.u32 v3, v19;
	v6 =	vld [tilespmem:s13+$0x0];
	[tilespmem:v39+s26+$0x0] =	vst.idx.msk $0xffff, v38  }
0x3a3: {  	v50 =	vor.u32 v2, v22;
	[tilespmem:v42+s26+$0x0] =	vst.idx.msk $0xffff, v4;
	v4 =	vld [tilespmem:s13+$0xFFFFFEF0]  }
0x3a4: {  	v14 =	vor.u32 v3, v14;
	[tilespmem:v45+s26+$0x0] =	vst.idx.msk $0xffff, v44;
	v63 =	vld [tilespmem:s13+$0xFFFFFC80]  }
0x3a5: {  	v52 =	vor.u32 v2, v5;
	v51 =	vld [tilespmem:s13+$0xFFFFFF70];
	[tilespmem:v47+s26+$0x0] =	vst.idx.msk $0xffff, v46  }
0x3a6: {  	v9 =	vor.u32 v3, v9;
	v55 =	vld [tilespmem:s13+$0xFFFFFD00];
	[tilespmem:v49+s26+$0x0] =	vst.idx.msk $0xffff, v48  }
0x3a7: {  	v10 =	vor.u32 v3, v10;
	v56 =	vld [tilespmem:s13+$0xFFFFFD80];
	[tilespmem:v43+s26+$0x0] =	vst.idx.msk $0xffff, v6  }
0x3a8: {  	v58 =	vor.u32 v3, v15;
	v57 =	vld [tilespmem:s13+$0xFFFFFE00];
	[tilespmem:v50+s26+$0x0] =	vst.idx.msk $0xffff, v4  }
0x3a9: {  	v59 =	vor.u32 v3, v17;
	v4 =	vld [tilespmem:s13+$0xFFFFFE80];
	[tilespmem:v14+s26+$0x0] =	vst.idx.msk $0xffff, v63  }
0x3aa: {  	v61 =	vor.u32 v3, v22;
	[tilespmem:v52+s26+$0x0] =	vst.idx.msk $0xffff, v51;
	v60 =	vld [tilespmem:s13+$0xFFFFFF00]  }
0x3ab: {  	v5 =	vor.u32 v3, v5;
	[tilespmem:v9+s26+$0x0] =	vst.idx.msk $0xffff, v55;
	v62 =	vld [tilespmem:s13+$0xFFFFFF80]  }
0x3ac: {  	[tilespmem:v10+s26+$0x0] =	vst.idx.msk $0xffff, v56  }
0x3ad: {  	[tilespmem:v58+s26+$0x0] =	vst.idx.msk $0xffff, v57  }
0x3ae: {  	p0 =	sne.s32 s17, $0x30;
	[tilespmem:v59+s26+$0x0] =	vst.idx.msk $0xffff, v4  }
.Ltmp12:
0x3af: {  	s30 =	sshll.u32 s17, $0x11;
	[tilespmem:v61+s26+$0x0] =	vst.idx.msk $0xffff, v60;
	(pc) =	sbr.rel @p0 .LBB2_12-.Ltmp12, $4  }
.Ltmp13:
0x3b0: {  	s31 =	sadd.s32 s30, s11;
	[tilespmem:v5+s26+$0x0] =	vst.idx.msk $0xffff, v62;
	(pc) =	sbr.rel @!p0 .LBB2_23-.Ltmp13, $4  }
0x3b1: {  	[hbm4b:s31+s18] =	stream.strided.scatter [tilespmem:s24], [sflag:$0x4], $0x2000, s19, s18, $0x38;
	[tilespmem:$0x1F000] =	vst v63  }
0x3b2: {  	s2 =	sadd.s32 s30, s12;
	s15 =	smov.u32 s17  }
0x3b3: {  	[hbm4b:s2+s18] =	stream.strided.scatter [tilespmem:s26], [sflag:$0x4], $0x2000, s19, s18, $0x38;
	[tilespmem:$0x1F000] =	vst v63  }
0x3b4: {  	_ = 	snop  }
.LBB2_16:
.Ltmp14:
0x3b5: {  	(pc) =	sbr.rel .LBB2_18-.Ltmp14, $2  }
0x3b6: {  	_ =	sdelay $0x2  }
0x3b7: {  	s2 =	simm.s32 $0x8;
	s21 =	simm.s32 $0xB3B0  }
.LBB2_23:
0x3b8: {  	_ =	swait.ge [sflag:s5], $0x2000  }
0x3b9: {  	[sflag:s5] =	ssyncset.done $0x0  }
0x3ba: {  	[sflag:s5] =	ssyncadd.s32 $0xFFFFE000  }
0x3bb: {  	_ =	swait.ge [sflag:s5], $0x2000  }
0x3bc: {  	[sflag:s5] =	ssyncset.done $0x0  }
0x3bd: {  	s2 =	simm.s32 $0x5080;
	[sflag:s5] =	ssyncadd.s32 $0xFFFFE000  }
0x3be: {  	[tilespmem:s0], [sflag:$0x2] =	stream.indirect.gather [hbm4b:s4+s29], $0x80, s2, s29, $0xb8;
	[tilespmem:$0x1F000] =	vst v63  }
0x3bf: {  	s13 =	simm.s32 $0x6C80  }
0x3c0: {  	[tilespmem:s1], [sflag:$0x2] =	stream.indirect.gather [hbm4b:s4+s29], $0x80, s13, s29, $0xb8;
	[tilespmem:$0x1F000] =	vst v63  }
0x3c1: {  	s14 =	simm.s32 $0x0;
	s3 =	simm.s32 $0x7;
	_ =	swait.ge [sflag:s20], $0x4000  }
0x3c2: {  	s16 =	simm.s32 $0x2;
	s17 =	simm.s32 $0x3;
	v4 =	vmov s14;
	[sflag:s20] =	ssyncset.done $0x0  }
0x3c3: {  	s21 =	simm.s32 $0x4;
	s30 =	simm.s32 $0x5;
	v5 =	vmov s3;
	v6 =	vmov s16;
	v9 =	vmov s17;
	[sflag:s20] =	ssyncadd.s32 $0xFFFFC000  }
0x3c4: {  	s15 =	simm.s32 $0x1;
	v10 =	vmov s21;
	v19 =	vmov s30;
	v5 =	vand.u32 $0x7F, v5;
	_ =	swait.ge [sflag:s20], $0x4000  }
0x3c5: {  	s31 =	simm.s32 $0x6;
	v7 =	vand.u32 $0x78, v4;
	v4 =	vmov s15;
	v18 =	vbroadcast v5, $0x0;
	[sflag:s20] =	ssyncset.done $0x0  }
0x3c6: {  	s7 =	simm.s32 $0x7200;
	v21 =	vmov s31;
	v25 =	vbroadcast v7, $0x0;
	v4 =	vand.u32 $0x79, v4;
	[sflag:s20] =	ssyncadd.s32 $0xFFFFC000  }
0x3c7: {  	v5 =	vand.u32 $0x7A, v6;
	v4 =	vbroadcast v4, $0x0;
	v8 =	vor.u32 v0, v18;
	v12 =	vld [tilespmem:s7+$0x180]  }
0x3c8: {  	v6 =	vbroadcast v5, $0x0;
	v5 =	vand.u32 $0x7B, v9;
	v15 =	vor.u32 v0, v25;
	v13 =	vld [tilespmem:s7+$0xFFFFFE00]  }
0x3c9: {  	v14 =	vand.u32 $0x7C, v10;
	v5 =	vbroadcast v5, $0x0;
	v9 =	vor.u32 v0, v4;
	v16 =	vld [tilespmem:s7+$0xFFFFFE80]  }
0x3ca: {  	v19 =	vand.u32 $0x7D, v19;
	v26 =	vbroadcast v14, $0x0;
	v10 =	vor.u32 v0, v6;
	v17 =	vld [tilespmem:s7+$0xFFFFFF00]  }
0x3cb: {  	v23 =	vand.u32 $0x7E, v21;
	v28 =	vbroadcast v19, $0x0;
	v11 =	vor.u32 v0, v5;
	v20 =	vld [tilespmem:s7+$0xFFFFFF80]  }
0x3cc: {  	v27 =	vbroadcast v23, $0x0;
	v24 =	vor.u32 v0, v26;
	v22 =	vld [tilespmem:s7+$0x0];
	[tilespmem:v8+s23+$0x0] =	vst.idx.msk $0xffff, v12  }
0x3cd: {  	v30 =	vor.u32 v0, v28;
	v29 =	vld [tilespmem:s7+$0x80];
	[tilespmem:v15+s23+$0x0] =	vst.idx.msk $0xffff, v13  }
0x3ce: {  	v32 =	vor.u32 v0, v27;
	v31 =	vld [tilespmem:s7+$0x100];
	[tilespmem:v9+s23+$0x0] =	vst.idx.msk $0xffff, v16  }
0x3cf: {  	v12 =	vor.u32 v1, v18;
	[tilespmem:v10+s23+$0x0] =	vst.idx.msk $0xffff, v17;
	v21 =	vld [tilespmem:s7+$0x190]  }
0x3d0: {  	v15 =	vor.u32 v1, v4;
	[tilespmem:v11+s23+$0x0] =	vst.idx.msk $0xffff, v20;
	v33 =	vld [tilespmem:s7+$0xFFFFFE90]  }
0x3d1: {  	v16 =	vor.u32 v1, v6;
	[tilespmem:v24+s23+$0x0] =	vst.idx.msk $0xffff, v22;
	v20 =	vld [tilespmem:s7+$0xFFFFFF10]  }
0x3d2: {  	v13 =	vor.u32 v1, v5;
	[tilespmem:v30+s23+$0x0] =	vst.idx.msk $0xffff, v29;
	v22 =	vld [tilespmem:s7+$0xFFFFFF90]  }
0x3d3: {  	v29 =	vor.u32 v1, v26;
	[tilespmem:v32+s23+$0x0] =	vst.idx.msk $0xffff, v31;
	v24 =	vld [tilespmem:s7+$0x10]  }
0x3d4: {  	v31 =	vor.u32 v1, v28;
	v30 =	vld [tilespmem:s7+$0x90];
	[tilespmem:v12+s23+$0x0] =	vst.idx.msk $0xffff, v21  }
0x3d5: {  	v61 =	vor.u32 v1, v27;
	v32 =	vld [tilespmem:s7+$0x110];
	[tilespmem:v15+s23+$0x0] =	vst.idx.msk $0xffff, v33  }
0x3d6: {  	v17 =	vor.u32 v2, v18;
	[tilespmem:v16+s23+$0x0] =	vst.idx.msk $0xffff, v20;
	v21 =	vld [tilespmem:s7+$0x1A0]  }
0x3d7: {  	v35 =	vor.u32 v1, v25;
	v34 =	vld [tilespmem:s7+$0xFFFFFE10];
	[tilespmem:v13+s23+$0x0] =	vst.idx.msk $0xffff, v22  }
0x3d8: {  	v20 =	vor.u32 v2, v4;
	[tilespmem:v29+s23+$0x0] =	vst.idx.msk $0xffff, v24;
	v36 =	vld [tilespmem:s7+$0xFFFFFEA0]  }
0x3d9: {  	v22 =	vor.u32 v2, v6;
	[tilespmem:v31+s23+$0x0] =	vst.idx.msk $0xffff, v30;
	v29 =	vld [tilespmem:s7+$0xFFFFFF20]  }
0x3da: {  	v63 =	vor.u32 v2, v26;
	[tilespmem:v61+s23+$0x0] =	vst.idx.msk $0xffff, v32;
	v62 =	vld [tilespmem:s7+$0x20]  }
0x3db: {  	v30 =	vld [tilespmem:s7+$0xFFFFFFA0];
	[tilespmem:v17+s23+$0x0] =	vst.idx.msk $0xffff, v21;
	v21 =	vor.u32 v3, v18;
	v18 =	vor.u32 v2, v5  }
0x3dc: {  	[tilespmem:v35+s23+$0x0] =	vst.idx.msk $0xffff, v34;
	v24 =	vld [tilespmem:s7+$0x1B0]  }
0x3dd: {  	v42 =	vor.u32 v2, v28;
	v41 =	vld [tilespmem:s7+$0xA0];
	[tilespmem:v20+s23+$0x0] =	vst.idx.msk $0xffff, v36  }
0x3de: {  	v39 =	vor.u32 v2, v27;
	v36 =	vld [tilespmem:s7+$0x120];
	[tilespmem:v22+s23+$0x0] =	vst.idx.msk $0xffff, v29  }
0x3df: {  	v37 =	vor.u32 v2, v25;
	v33 =	vld [tilespmem:s7+$0xFFFFFE20];
	[tilespmem:v63+s23+$0x0] =	vst.idx.msk $0xffff, v62  }
0x3e0: {  	s3 =	simm.s32 $0x8;
	v35 =	vor.u32 v3, v4;
	v31 =	vld [tilespmem:s7+$0xFFFFFEB0];
	[tilespmem:v18+s23+$0x0] =	vst.idx.msk $0xffff, v30  }
0x3e1: {  	s6 =	simm.s32 $0x9;
	s8 =	simm.s32 $0x10;
	v29 =	vld [tilespmem:s7+$0xFFFFFF30];
	v30 =	vor.u32 v3, v6;
	[tilespmem:v21+s23+$0x0] =	vst.idx.msk $0xffff, v24;
	v24 =	vmov s3  }
0x3e2: {  	v40 =	vmov s6;
	s14 =	simm.s32 $0xF;
	s2 =	simm.s32 $0x8;
	s13 =	simm.s32 $0xA;
	v34 =	vor.u32 v3, v5;
	[tilespmem:v42+s23+$0x0] =	vst.idx.msk $0xffff, v41;
	v32 =	vld [tilespmem:s7+$0xFFFFFFB0];
	v38 =	vand.u32 $0x78, v24  }
.LBB2_24:
0x3e3: {  	p0 =	slt.u32 s8, $0x78;
	v41 =	vmov s13;
	s13 =	sadd.s32 $0x3, s2;
	v42 =	vmov s14;
	v43 =	vld [tilespmem:s7+$0x30];
	v26 =	vor.u32 v3, v26;
	[tilespmem:v39+s23+$0x0] =	vst.idx.msk $0xffff, v36  }
0x3e4: {  	v28 =	vor.u32 v3, v28;
	v36 =	vmov s13;
	s13 =	sadd.s32 $0x4, s2;
	v39 =	vand.u32 $0x7F, v42;
	[tilespmem:v37+s23+$0x0] =	vst.idx.msk $0xffff, v33;
	v33 =	vld [tilespmem:s7+$0xB0]  }
0x3e5: {  	v27 =	vor.u32 v3, v27;
	v37 =	vmov s13;
	v39 =	vbroadcast v39, $0x0;
	[tilespmem:v35+s23+$0x0] =	vst.idx.msk $0xffff, v31;
	v31 =	vld [tilespmem:s7+$0x130]  }
0x3e6: {  	v42 =	vor.u32 v3, v25;
	v25 =	vbroadcast v38, $0x0;
	v35 =	vand.u32 $0x79, v40;
	v40 =	vld [tilespmem:s7+$0xFFFFFE30];
	[tilespmem:v30+s23+$0x0] =	vst.idx.msk $0xffff, v29;
	s7 =	sadd.s32 $0x400, s7  }
0x3e7: {  	v29 =	vbroadcast v35, $0x0;
	v30 =	vand.u32 $0x7A, v41;
	v35 =	vld [tilespmem:s7+$0x180];
	v38 =	vor.u32 v0, v39;
	[tilespmem:v34+s23+$0x0] =	vst.idx.msk $0xffff, v32  }
0x3e8: {  	v36 =	vand.u32 $0x7B, v36;
	v34 =	vor.u32 v0, v25;
	v30 =	vbroadcast v30, $0x0;
	v32 =	vld [tilespmem:s7+$0xFFFFFE00];
	[tilespmem:v26+s23+$0x0] =	vst.idx.msk $0xffff, v43  }
0x3e9: {  	s13 =	sadd.s32 $0x5, s2;
	v44 =	vbroadcast v36, $0x0;
	v43 =	vor.u32 v0, v29;
	v26 =	vand.u32 $0x7C, v37;
	v41 =	vld [tilespmem:s7+$0xFFFFFE80];
	[tilespmem:v28+s23+$0x0] =	vst.idx.msk $0xffff, v33  }
0x3ea: {  	v36 =	vor.u32 v0, v30;
	v26 =	vbroadcast v26, $0x0;
	v28 =	vmov s13;
	s13 =	sadd.s32 $0x6, s2;
	s2 =	smov.u32 s8;
	v33 =	vld [tilespmem:s7+$0xFFFFFF00];
	[tilespmem:v27+s23+$0x0] =	vst.idx.msk $0xffff, v31  }
0x3eb: {  	v37 =	vor.u32 v0, v44;
	v27 =	vand.u32 $0x7D, v28;
	v45 =	vmov s13;
	v31 =	vld [tilespmem:s7+$0xFFFFFF80];
	[tilespmem:v42+s23+$0x0] =	vst.idx.msk $0xffff, v40  }
0x3ec: {  	v42 =	vor.u32 v0, v26;
	v28 =	vbroadcast v27, $0x0;
	v27 =	vand.u32 $0x7E, v45;
	v40 =	vld [tilespmem:s7+$0x0];
	[tilespmem:v38+s23+$0x0] =	vst.idx.msk $0xffff, v35  }
0x3ed: {  	v27 =	vbroadcast v27, $0x0;
	[tilespmem:v34+s23+$0x0] =	vst.idx.msk $0xffff, v32;
	v32 =	vld [tilespmem:s7+$0x190];
	v34 =	vor.u32 v1, v39  }
0x3ee: {  	v38 =	vor.u32 v0, v28;
	[tilespmem:v43+s23+$0x0] =	vst.idx.msk $0xffff, v41;
	v35 =	vld [tilespmem:s7+$0x80]  }
0x3ef: {  	[tilespmem:v36+s23+$0x0] =	vst.idx.msk $0xffff, v33;
	v33 =	vld [tilespmem:s7+$0x100];
	v36 =	vor.u32 v0, v27  }
0x3f0: {  	v43 =	vor.u32 v1, v29;
	v41 =	vld [tilespmem:s7+$0xFFFFFE90];
	[tilespmem:v37+s23+$0x0] =	vst.idx.msk $0xffff, v31  }
0x3f1: {  	v37 =	vor.u32 v1, v30;
	v31 =	vld [tilespmem:s7+$0xFFFFFF10];
	[tilespmem:v42+s23+$0x0] =	vst.idx.msk $0xffff, v40  }
0x3f2: {  	v42 =	vor.u32 v1, v44;
	v40 =	vld [tilespmem:s7+$0xFFFFFF90];
	[tilespmem:v34+s23+$0x0] =	vst.idx.msk $0xffff, v32  }
0x3f3: {  	v34 =	vor.u32 v2, v39;
	[tilespmem:v38+s23+$0x0] =	vst.idx.msk $0xffff, v35;
	v32 =	vld [tilespmem:s7+$0x1A0]  }
0x3f4: {  	v38 =	vor.u32 v1, v26;
	v35 =	vld [tilespmem:s7+$0x10];
	[tilespmem:v36+s23+$0x0] =	vst.idx.msk $0xffff, v33  }
0x3f5: {  	v36 =	vor.u32 v1, v28;
	[tilespmem:v43+s23+$0x0] =	vst.idx.msk $0xffff, v41;
	v33 =	vld [tilespmem:s7+$0x90]  }
0x3f6: {  	[tilespmem:v37+s23+$0x0] =	vst.idx.msk $0xffff, v31;
	v31 =	vld [tilespmem:s7+$0x110];
	v37 =	vor.u32 v1, v27  }
0x3f7: {  	v43 =	vor.u32 v1, v25;
	v41 =	vld [tilespmem:s7+$0xFFFFFE10];
	[tilespmem:v42+s23+$0x0] =	vst.idx.msk $0xffff, v40  }
0x3f8: {  	v42 =	vor.u32 v2, v29;
	v40 =	vld [tilespmem:s7+$0xFFFFFEA0];
	[tilespmem:v34+s23+$0x0] =	vst.idx.msk $0xffff, v32  }
0x3f9: {  	v34 =	vor.u32 v3, v39;
	[tilespmem:v38+s23+$0x0] =	vst.idx.msk $0xffff, v35;
	v32 =	vld [tilespmem:s7+$0x1B0]  }
0x3fa: {  	v38 =	vor.u32 v2, v30;
	v35 =	vld [tilespmem:s7+$0xFFFFFF20];
	[tilespmem:v36+s23+$0x0] =	vst.idx.msk $0xffff, v33  }
0x3fb: {  	v46 =	vor.u32 v2, v44;
	v45 =	vld [tilespmem:s7+$0xFFFFFFA0];
	[tilespmem:v37+s23+$0x0] =	vst.idx.msk $0xffff, v31  }
0x3fc: {  	[tilespmem:v43+s23+$0x0] =	vst.idx.msk $0xffff, v41;
	v41 =	vld [tilespmem:s7+$0x20];
	v43 =	vor.u32 v2, v26  }
0x3fd: {  	v47 =	vor.u32 v2, v28;
	[tilespmem:v42+s23+$0x0] =	vst.idx.msk $0xffff, v40;
	v42 =	vld [tilespmem:s7+$0xA0]  }
.Ltmp15:
0x3fe: {  	v39 =	vor.u32 v2, v27;
	v36 =	vld [tilespmem:s7+$0x120];
	[tilespmem:v34+s23+$0x0] =	vst.idx.msk $0xffff, v32;
	(pc) =	sbr.rel @p0 .LBB2_24-.Ltmp15, $4  }
0x3ff: {  	v37 =	vor.u32 v2, v25;
	v33 =	vld [tilespmem:s7+$0xFFFFFE20];
	[tilespmem:v38+s23+$0x0] =	vst.idx.msk $0xffff, v35  }
0x400: {  	v35 =	vor.u32 v3, v29;
	v31 =	vld [tilespmem:s7+$0xFFFFFEB0];
	[tilespmem:v46+s23+$0x0] =	vst.idx.msk $0xffff, v45  }
0x401: {  	s13 =	sadd.s32 $0x1, s8;
	v30 =	vor.u32 v3, v30;
	v32 =	vmov s8;
	v29 =	vld [tilespmem:s7+$0xFFFFFF30];
	[tilespmem:v43+s23+$0x0] =	vst.idx.msk $0xffff, v41  }
0x402: {  	s14 =	sadd.s32 $0x7, s2;
	v40 =	vmov s13;
	s13 =	sadd.s32 $0x2, s2;
	s8 =	sadd.s32 $0x8, s8;
	v34 =	vor.u32 v3, v44;
	v38 =	vand.u32 $0x78, v32;
	v32 =	vld [tilespmem:s7+$0xFFFFFFB0];
	[tilespmem:v47+s23+$0x0] =	vst.idx.msk $0xffff, v42  }
0x403: {  	_ =	sdelay $0x2  }
0x404: {  	v41 =	vmov s13;
	v26 =	vor.u32 v3, v26  }
0x405: {  	v42 =	vmov s14;
	v43 =	vld [tilespmem:s7+$0x30];
	[tilespmem:v39+s23+$0x0] =	vst.idx.msk $0xffff, v36;
	v28 =	vor.u32 v3, v28;
	v27 =	vor.u32 v3, v27  }
0x406: {  	s8 =	sadd.s32 $0x3, s2;
	s17 =	sadd.s32 $0x4, s2;
	v57 =	vld [tilespmem:s7+$0xB0];
	v60 =	vand.u32 $0x79, v40;
	v25 =	vor.u32 v3, v25;
	v56 =	vand.u32 $0x7F, v42;
	[tilespmem:v37+s23+$0x0] =	vst.idx.msk $0xffff, v33  }
0x407: {  	s31 =	sadd.s32 $0x6, s2;
	v55 =	vmov s8;
	v58 =	vmov s17;
	v59 =	vld [tilespmem:s7+$0x130];
	v39 =	vbroadcast v56, $0x0;
	[tilespmem:v35+s23+$0x0] =	vst.idx.msk $0xffff, v31  }
0x408: {  	s21 =	sadd.s32 $0x400, s7;
	v62 =	vand.u32 $0x7A, v41;
	v44 =	vmov s31;
	v35 =	vbroadcast v38, $0x0;
	v61 =	vld [tilespmem:s7+$0xFFFFFE30];
	[tilespmem:v30+s23+$0x0] =	vst.idx.msk $0xffff, v29  }
0x409: {  	v63 =	vld [tilespmem:s21+$0x180];
	v36 =	vand.u32 $0x7B, v55;
	v29 =	vbroadcast v60, $0x0;
	v48 =	vor.u32 v0, v39;
	[tilespmem:v34+s23+$0x0] =	vst.idx.msk $0xffff, v32  }
0x40a: {  	s30 =	sadd.s32 $0x5, s2;
	v49 =	vld [tilespmem:s21+$0xFFFFFE00];
	v37 =	vand.u32 $0x7C, v58;
	v30 =	vbroadcast v62, $0x0;
	v50 =	vor.u32 v0, v35;
	[tilespmem:v26+s23+$0x0] =	vst.idx.msk $0xffff, v43  }
0x40b: {  	v51 =	vld [tilespmem:s21+$0xFFFFFE80];
	v55 =	vmov s30;
	v36 =	vbroadcast v36, $0x0;
	v52 =	vor.u32 v0, v29;
	[tilespmem:v28+s23+$0x0] =	vst.idx.msk $0xffff, v57  }
0x40c: {  	v53 =	vld [tilespmem:s21+$0xFFFFFF00];
	v37 =	vbroadcast v37, $0x0;
	v54 =	vor.u32 v0, v30;
	v43 =	vand.u32 $0x7D, v55;
	[tilespmem:v27+s23+$0x0] =	vst.idx.msk $0xffff, v59  }
0x40d: {  	v56 =	vld [tilespmem:s21+$0xFFFFFF80];
	v44 =	vand.u32 $0x7E, v44;
	v57 =	vor.u32 v0, v36;
	v43 =	vbroadcast v43, $0x0;
	[tilespmem:v25+s23+$0x0] =	vst.idx.msk $0xffff, v61  }
0x40e: {  	v58 =	vld [tilespmem:s21+$0x0];
	v32 =	vbroadcast v44, $0x0;
	v59 =	vor.u32 v0, v37;
	[tilespmem:v48+s23+$0x0] =	vst.idx.msk $0xffff, v63  }
0x40f: {  	v62 =	vld [tilespmem:s21+$0x80];
	[tilespmem:v50+s23+$0x0] =	vst.idx.msk $0xffff, v49;
	v63 =	vor.u32 v0, v43  }
0x410: {  	v48 =	vld [tilespmem:s21+$0x100];
	v49 =	vor.u32 v0, v32;
	[tilespmem:v52+s23+$0x0] =	vst.idx.msk $0xffff, v51  }
0x411: {  	v61 =	vor.u32 v1, v39;
	v60 =	vld [tilespmem:s21+$0x190];
	[tilespmem:v54+s23+$0x0] =	vst.idx.msk $0xffff, v53  }
0x412: {  	v50 =	vor.u32 v1, v29;
	[tilespmem:v57+s23+$0x0] =	vst.idx.msk $0xffff, v56;
	v42 =	vld [tilespmem:s21+$0xFFFFFE90]  }
0x413: {  	v52 =	vor.u32 v1, v30;
	v51 =	vld [tilespmem:s21+$0xFFFFFF10];
	[tilespmem:v59+s23+$0x0] =	vst.idx.msk $0xffff, v58  }
0x414: {  	v54 =	vor.u32 v1, v36;
	v53 =	vld [tilespmem:s21+$0xFFFFFF90];
	[tilespmem:v63+s23+$0x0] =	vst.idx.msk $0xffff, v62  }
0x415: {  	v58 =	vor.u32 v1, v37;
	v57 =	vld [tilespmem:s21+$0x10];
	[tilespmem:v49+s23+$0x0] =	vst.idx.msk $0xffff, v48  }
0x416: {  	v63 =	vld [tilespmem:s21+$0xFFFFFE10];
	v48 =	vor.u32 v1, v35;
	[tilespmem:v61+s23+$0x0] =	vst.idx.msk $0xffff, v60  }
0x417: {  	v62 =	vor.u32 v1, v32;
	v61 =	vld [tilespmem:s21+$0x110];
	[tilespmem:v50+s23+$0x0] =	vst.idx.msk $0xffff, v42  }
0x418: {  	v56 =	vor.u32 v2, v39;
	v55 =	vld [tilespmem:s21+$0x1A0];
	[tilespmem:v52+s23+$0x0] =	vst.idx.msk $0xffff, v51  }
0x419: {  	v59 =	vld [tilespmem:s21+$0x90];
	v60 =	vor.u32 v1, v43;
	[tilespmem:v54+s23+$0x0] =	vst.idx.msk $0xffff, v53  }
0x41a: {  	v50 =	vor.u32 v2, v29;
	v49 =	vld [tilespmem:s21+$0xFFFFFEA0];
	[tilespmem:v58+s23+$0x0] =	vst.idx.msk $0xffff, v57  }
0x41b: {  	v53 =	vor.u32 v2, v30;
	v52 =	vld [tilespmem:s21+$0xFFFFFF20];
	[tilespmem:v48+s23+$0x0] =	vst.idx.msk $0xffff, v63  }
0x41c: {  	v63 =	vor.u32 v2, v35;
	[tilespmem:v62+s23+$0x0] =	vst.idx.msk $0xffff, v61;
	v62 =	vld [tilespmem:s21+$0xFFFFFE20]  }
0x41d: {  	v54 =	vld [tilespmem:s21+$0xFFFFFFA0];
	[tilespmem:v56+s23+$0x0] =	vst.idx.msk $0xffff, v55;
	v55 =	vor.u32 v2, v36  }
0x41e: {  	v57 =	vor.u32 v2, v37;
	[tilespmem:v60+s23+$0x0] =	vst.idx.msk $0xffff, v59;
	v56 =	vld [tilespmem:s21+$0x20]  }
0x41f: {  	v59 =	vor.u32 v2, v43;
	v58 =	vld [tilespmem:s21+$0xA0];
	[tilespmem:v50+s23+$0x0] =	vst.idx.msk $0xffff, v49  }
0x420: {  	v61 =	vor.u32 v2, v32;
	v60 =	vld [tilespmem:s21+$0x120];
	[tilespmem:v53+s23+$0x0] =	vst.idx.msk $0xffff, v52  }
0x421: {  	v51 =	vor.u32 v3, v39;
	v26 =	vld [tilespmem:s21+$0x1B0];
	[tilespmem:v63+s23+$0x0] =	vst.idx.msk $0xffff, v62  }
0x422: {  	v29 =	vor.u32 v3, v29;
	v44 =	vld [tilespmem:s21+$0xFFFFFEB0];
	[tilespmem:v55+s23+$0x0] =	vst.idx.msk $0xffff, v54  }
0x423: {  	v30 =	vor.u32 v3, v30;
	v45 =	vld [tilespmem:s21+$0xFFFFFF30];
	[tilespmem:v57+s23+$0x0] =	vst.idx.msk $0xffff, v56  }
0x424: {  	v35 =	vor.u32 v3, v35;
	[tilespmem:v59+s23+$0x0] =	vst.idx.msk $0xffff, v58;
	v53 =	vld [tilespmem:s21+$0xFFFFFE30]  }
0x425: {  	v47 =	vor.u32 v3, v36;
	[tilespmem:v61+s23+$0x0] =	vst.idx.msk $0xffff, v60;
	v46 =	vld [tilespmem:s21+$0xFFFFFFB0]  }
0x426: {  	v49 =	vor.u32 v3, v37;
	[tilespmem:v51+s23+$0x0] =	vst.idx.msk $0xffff, v26;
	v48 =	vld [tilespmem:s21+$0x30]  }
0x427: {  	v50 =	vld [tilespmem:s21+$0xB0];
	v51 =	vor.u32 v3, v43;
	[tilespmem:v29+s23+$0x0] =	vst.idx.msk $0xffff, v44  }
0x428: {  	v32 =	vor.u32 v3, v32;
	v52 =	vld [tilespmem:s21+$0x130];
	[tilespmem:v30+s23+$0x0] =	vst.idx.msk $0xffff, v45  }
0x429: {  	[tilespmem:v35+s23+$0x0] =	vst.idx.msk $0xffff, v53  }
0x42a: {  	[tilespmem:v47+s23+$0x0] =	vst.idx.msk $0xffff, v46  }
0x42b: {  	[tilespmem:v49+s23+$0x0] =	vst.idx.msk $0xffff, v48  }
0x42c: {  	[tilespmem:v51+s23+$0x0] =	vst.idx.msk $0xffff, v50  }
0x42d: {  	s7 =	simm.s32 $0xB3B0;
	[tilespmem:v32+s23+$0x0] =	vst.idx.msk $0xffff, v52  }
0x42e: {  	v7 =	vbroadcast v7, $0x0;
	v25 =	vld [tilespmem:s7+$0xFFFFFFD0]  }
0x42f: {  	v28 =	vld [tilespmem:s7+$0xFFFFFCD0]  }
0x430: {  	v54 =	vor.u32 v0, v7;
	v26 =	vld [tilespmem:s7+$0xFFFFFC50]  }
0x431: {  	v14 =	vbroadcast v14, $0x0;
	v29 =	vld [tilespmem:s7+$0xFFFFFD50]  }
0x432: {  	v19 =	vbroadcast v19, $0x0;
	v30 =	vld [tilespmem:s7+$0xFFFFFDD0]  }
0x433: {  	v55 =	vor.u32 v0, v14;
	v31 =	vld [tilespmem:s7+$0xFFFFFE50];
	[tilespmem:v8+s25+$0x0] =	vst.idx.msk $0xffff, v25  }
0x434: {  	v56 =	vor.u32 v0, v19;
	[tilespmem:v9+s25+$0x0] =	vst.idx.msk $0xffff, v28;
	v9 =	vld [tilespmem:s7+$0xFFFFFED0]  }
0x435: {  	[tilespmem:v54+s25+$0x0] =	vst.idx.msk $0xffff, v26;
	v8 =	vbroadcast v23, $0x0;
	v23 =	vld [tilespmem:s7+$0xFFFFFFE0]  }
0x436: {  	[tilespmem:v10+s25+$0x0] =	vst.idx.msk $0xffff, v29;
	v58 =	vld [tilespmem:s7+$0xFFFFFCE0]  }
0x437: {  	v10 =	vld [tilespmem:s7+$0xFFFFFF50];
	[tilespmem:v11+s25+$0x0] =	vst.idx.msk $0xffff, v30;
	v57 =	vor.u32 v0, v8  }
0x438: {  	[tilespmem:v55+s25+$0x0] =	vst.idx.msk $0xffff, v31;
	v11 =	vld [tilespmem:s7+$0xFFFFFD60]  }
0x439: {  	v59 =	vld [tilespmem:s7+$0xFFFFFDE0];
	[tilespmem:v56+s25+$0x0] =	vst.idx.msk $0xffff, v9  }
0x43a: {  	v61 =	vor.u32 v1, v7;
	v60 =	vld [tilespmem:s7+$0xFFFFFC60];
	[tilespmem:v12+s25+$0x0] =	vst.idx.msk $0xffff, v23  }
0x43b: {  	v12 =	vld [tilespmem:s7+$0xFFFFFE60];
	v23 =	vor.u32 v1, v14;
	[tilespmem:v15+s25+$0x0] =	vst.idx.msk $0xffff, v58  }
0x43c: {  	v15 =	vor.u32 v1, v19;
	[tilespmem:v57+s25+$0x0] =	vst.idx.msk $0xffff, v10;
	v10 =	vld [tilespmem:s7+$0xFFFFFEE0]  }
0x43d: {  	[tilespmem:v16+s25+$0x0] =	vst.idx.msk $0xffff, v11;
	v9 =	vld [tilespmem:s7+$0xFFFFFFF0]  }
0x43e: {  	[tilespmem:v13+s25+$0x0] =	vst.idx.msk $0xffff, v59;
	v13 =	vld [tilespmem:s7+$0xFFFFFCF0]  }
0x43f: {  	v16 =	vor.u32 v1, v8;
	[tilespmem:v61+s25+$0x0] =	vst.idx.msk $0xffff, v60;
	v11 =	vld [tilespmem:s7+$0xFFFFFF60]  }
0x440: {  	[tilespmem:v23+s25+$0x0] =	vst.idx.msk $0xffff, v12;
	v12 =	vld [tilespmem:s7+$0xFFFFFD70]  }
0x441: {  	[tilespmem:v15+s25+$0x0] =	vst.idx.msk $0xffff, v10;
	v15 =	vld [tilespmem:s7+$0xFFFFFDF0]  }
0x442: {  	v23 =	vor.u32 v2, v14;
	[tilespmem:v17+s25+$0x0] =	vst.idx.msk $0xffff, v9;
	v17 =	vld [tilespmem:s7+$0xFFFFFE70]  }
0x443: {  	[tilespmem:v20+s25+$0x0] =	vst.idx.msk $0xffff, v13;
	v9 =	vld [tilespmem:s7+$0x0]  }
0x444: {  	v63 =	vor.u32 v2, v19;
	[tilespmem:v16+s25+$0x0] =	vst.idx.msk $0xffff, v11;
	v62 =	vld [tilespmem:s7+$0xFFFFFEF0]  }
0x445: {  	v20 =	vor.u32 v2, v8;
	v13 =	vld [tilespmem:s7+$0xFFFFFF70];
	[tilespmem:v22+s25+$0x0] =	vst.idx.msk $0xffff, v12  }
0x446: {  	v11 =	vld [tilespmem:s7+$0xFFFFFC70];
	v16 =	vor.u32 v2, v7;
	[tilespmem:v18+s25+$0x0] =	vst.idx.msk $0xffff, v15  }
0x447: {  	v10 =	vld [tilespmem:s7+$0xFFFFFD00];
	v12 =	vor.u32 v3, v4;
	[tilespmem:v23+s25+$0x0] =	vst.idx.msk $0xffff, v17  }
0x448: {  	v6 =	vor.u32 v3, v6;
	v4 =	vld [tilespmem:s7+$0xFFFFFD80];
	[tilespmem:v21+s25+$0x0] =	vst.idx.msk $0xffff, v9  }
0x449: {  	s2 =	simm.s32 $0x10;
	v5 =	vor.u32 v3, v5;
	s8 =	simm.s32 $0xA;
	v15 =	vand.u32 $0x78, v24;
	v17 =	vmov s6;
	s6 =	simm.s32 $0xF;
	v9 =	vld [tilespmem:s7+$0xFFFFFE00];
	[tilespmem:v63+s25+$0x0] =	vst.idx.msk $0xffff, v62  }
.LBB2_26:
0x44a: {  	p0 =	slt.u32 s2, $0x78;
	v18 =	vmov s8;
	s8 =	sadd.s32 $0x3, s3;
	v21 =	vmov s6;
	v22 =	vld [tilespmem:s7+$0xFFFFFE80];
	v14 =	vor.u32 v3, v14;
	[tilespmem:v20+s25+$0x0] =	vst.idx.msk $0xffff, v13  }
0x44b: {  	s6 =	sadd.s32 $0x4, s3;
	v13 =	vmov s8;
	v20 =	vand.u32 $0x7F, v21;
	[tilespmem:v16+s25+$0x0] =	vst.idx.msk $0xffff, v11;
	v11 =	vld [tilespmem:s7+$0xFFFFFF00];
	v16 =	vor.u32 v3, v19  }
0x44c: {  	v8 =	vor.u32 v3, v8;
	v19 =	vmov s6;
	v20 =	vbroadcast v20, $0x0;
	[tilespmem:v12+s25+$0x0] =	vst.idx.msk $0xffff, v10;
	v10 =	vld [tilespmem:s7+$0xFFFFFF80]  }
0x44d: {  	v21 =	vor.u32 v3, v7;
	v7 =	vbroadcast v15, $0x0;
	v12 =	vand.u32 $0x79, v17;
	v17 =	vld [tilespmem:s7+$0xFFFFFC80];
	[tilespmem:v6+s25+$0x0] =	vst.idx.msk $0xffff, v4;
	s7 =	sadd.s32 $0x400, s7  }
0x44e: {  	v4 =	vbroadcast v12, $0x0;
	v6 =	vand.u32 $0x7A, v18;
	v12 =	vld [tilespmem:s7+$0xFFFFFFD0];
	v15 =	vor.u32 v0, v20;
	[tilespmem:v5+s25+$0x0] =	vst.idx.msk $0xffff, v9  }
0x44f: {  	v13 =	vand.u32 $0x7B, v13;
	v9 =	vor.u32 v0, v7;
	v6 =	vbroadcast v6, $0x0;
	v5 =	vld [tilespmem:s7+$0xFFFFFC50];
	[tilespmem:v14+s25+$0x0] =	vst.idx.msk $0xffff, v22  }
0x450: {  	s6 =	sadd.s32 $0x5, s3;
	v23 =	vbroadcast v13, $0x0;
	v13 =	vand.u32 $0x7C, v19;
	v22 =	vor.u32 v0, v4;
	v18 =	vld [tilespmem:s7+$0xFFFFFCD0];
	[tilespmem:v16+s25+$0x0] =	vst.idx.msk $0xffff, v11  }
0x451: {  	v14 =	vbroadcast v13, $0x0;
	v13 =	vmov s6;
	s6 =	sadd.s32 $0x6, s3;
	s3 =	smov.u32 s2;
	v16 =	vor.u32 v0, v6;
	v11 =	vld [tilespmem:s7+$0xFFFFFD50];
	[tilespmem:v8+s25+$0x0] =	vst.idx.msk $0xffff, v10  }
0x452: {  	v24 =	vor.u32 v0, v23;
	v8 =	vand.u32 $0x7D, v13;
	v13 =	vmov s6;
	v10 =	vld [tilespmem:s7+$0xFFFFFDD0];
	[tilespmem:v21+s25+$0x0] =	vst.idx.msk $0xffff, v17  }
0x453: {  	v21 =	vor.u32 v0, v14;
	v19 =	vbroadcast v8, $0x0;
	v8 =	vand.u32 $0x7E, v13;
	v17 =	vld [tilespmem:s7+$0xFFFFFE50];
	[tilespmem:v15+s25+$0x0] =	vst.idx.msk $0xffff, v12  }
0x454: {  	v8 =	vbroadcast v8, $0x0;
	[tilespmem:v9+s25+$0x0] =	vst.idx.msk $0xffff, v5;
	v5 =	vld [tilespmem:s7+$0xFFFFFFE0];
	v9 =	vor.u32 v1, v20  }
0x455: {  	v13 =	vor.u32 v0, v19;
	[tilespmem:v22+s25+$0x0] =	vst.idx.msk $0xffff, v18;
	v12 =	vld [tilespmem:s7+$0xFFFFFED0]  }
0x456: {  	v15 =	vor.u32 v0, v8;
	[tilespmem:v16+s25+$0x0] =	vst.idx.msk $0xffff, v11;
	v11 =	vld [tilespmem:s7+$0xFFFFFF50]  }
0x457: {  	v18 =	vor.u32 v1, v4;
	v16 =	vld [tilespmem:s7+$0xFFFFFCE0];
	[tilespmem:v24+s25+$0x0] =	vst.idx.msk $0xffff, v10  }
0x458: {  	v22 =	vor.u32 v1, v6;
	v10 =	vld [tilespmem:s7+$0xFFFFFD60];
	[tilespmem:v21+s25+$0x0] =	vst.idx.msk $0xffff, v17  }
0x459: {  	v21 =	vor.u32 v1, v23;
	v17 =	vld [tilespmem:s7+$0xFFFFFDE0];
	[tilespmem:v9+s25+$0x0] =	vst.idx.msk $0xffff, v5  }
0x45a: {  	v9 =	vor.u32 v2, v20;
	[tilespmem:v13+s25+$0x0] =	vst.idx.msk $0xffff, v12;
	v5 =	vld [tilespmem:s7+$0xFFFFFFF0]  }
0x45b: {  	v13 =	vor.u32 v1, v14;
	v12 =	vld [tilespmem:s7+$0xFFFFFE60];
	[tilespmem:v15+s25+$0x0] =	vst.idx.msk $0xffff, v11  }
0x45c: {  	v15 =	vor.u32 v1, v19;
	[tilespmem:v18+s25+$0x0] =	vst.idx.msk $0xffff, v16;
	v11 =	vld [tilespmem:s7+$0xFFFFFEE0]  }
0x45d: {  	v16 =	vor.u32 v1, v8;
	[tilespmem:v22+s25+$0x0] =	vst.idx.msk $0xffff, v10;
	v10 =	vld [tilespmem:s7+$0xFFFFFF60]  }
0x45e: {  	v22 =	vor.u32 v1, v7;
	v18 =	vld [tilespmem:s7+$0xFFFFFC60];
	[tilespmem:v21+s25+$0x0] =	vst.idx.msk $0xffff, v17  }
0x45f: {  	v21 =	vor.u32 v2, v4;
	v17 =	vld [tilespmem:s7+$0xFFFFFCF0];
	[tilespmem:v9+s25+$0x0] =	vst.idx.msk $0xffff, v5  }
0x460: {  	v9 =	vor.u32 v3, v20;
	[tilespmem:v13+s25+$0x0] =	vst.idx.msk $0xffff, v12;
	v5 =	vld [tilespmem:s7+$0x0]  }
0x461: {  	v24 =	vor.u32 v2, v6;
	v12 =	vld [tilespmem:s7+$0xFFFFFD70];
	[tilespmem:v15+s25+$0x0] =	vst.idx.msk $0xffff, v11  }
0x462: {  	v25 =	vor.u32 v2, v23;
	v15 =	vld [tilespmem:s7+$0xFFFFFDF0];
	[tilespmem:v16+s25+$0x0] =	vst.idx.msk $0xffff, v10  }
0x463: {  	[tilespmem:v22+s25+$0x0] =	vst.idx.msk $0xffff, v18;
	v18 =	vld [tilespmem:s7+$0xFFFFFE70];
	v22 =	vor.u32 v2, v14  }
0x464: {  	v26 =	vor.u32 v2, v19;
	[tilespmem:v21+s25+$0x0] =	vst.idx.msk $0xffff, v17;
	v21 =	vld [tilespmem:s7+$0xFFFFFEF0]  }
.Ltmp16:
0x465: {  	v20 =	vor.u32 v2, v8;
	v13 =	vld [tilespmem:s7+$0xFFFFFF70];
	[tilespmem:v9+s25+$0x0] =	vst.idx.msk $0xffff, v5;
	(pc) =	sbr.rel @p0 .LBB2_26-.Ltmp16, $4  }
0x466: {  	v16 =	vor.u32 v2, v7;
	v11 =	vld [tilespmem:s7+$0xFFFFFC70];
	[tilespmem:v24+s25+$0x0] =	vst.idx.msk $0xffff, v12  }
0x467: {  	v12 =	vor.u32 v3, v4;
	v10 =	vld [tilespmem:s7+$0xFFFFFD00];
	[tilespmem:v25+s25+$0x0] =	vst.idx.msk $0xffff, v15  }
0x468: {  	s6 =	sadd.s32 $0x1, s2;
	v6 =	vor.u32 v3, v6;
	v5 =	vmov s2;
	v4 =	vld [tilespmem:s7+$0xFFFFFD80];
	[tilespmem:v22+s25+$0x0] =	vst.idx.msk $0xffff, v18  }
0x469: {  	s8 =	sadd.s32 $0x2, s3;
	v17 =	vmov s6;
	s6 =	sadd.s32 $0x7, s3;
	s2 =	sadd.s32 $0x8, s2;
	v15 =	vand.u32 $0x78, v5;
	v5 =	vor.u32 v3, v23;
	v9 =	vld [tilespmem:s7+$0xFFFFFE00];
	[tilespmem:v26+s25+$0x0] =	vst.idx.msk $0xffff, v21  }
0x46a: {  	_ =	sdelay $0x3  }
0x46b: {  	v18 =	vmov s8;
	v21 =	vmov s6;
	v22 =	vld [tilespmem:s7+$0xFFFFFE80];
	v14 =	vor.u32 v3, v14;
	[tilespmem:v20+s25+$0x0] =	vst.idx.msk $0xffff, v13  }
0x46c: {  	s2 =	sadd.s32 $0x3, s3;
	v8 =	vor.u32 v3, v8;
	v20 =	vand.u32 $0x7F, v21;
	[tilespmem:v16+s25+$0x0] =	vst.idx.msk $0xffff, v11;
	v11 =	vld [tilespmem:s7+$0xFFFFFF00];
	v16 =	vor.u32 v3, v19  }
0x46d: {  	s21 =	sadd.s32 $0x4, s3;
	v7 =	vor.u32 v3, v7;
	v13 =	vmov s2;
	v20 =	vbroadcast v20, $0x0;
	[tilespmem:v12+s25+$0x0] =	vst.idx.msk $0xffff, v10;
	v10 =	vld [tilespmem:s7+$0xFFFFFF80]  }
0x46e: {  	s30 =	sadd.s32 $0x400, s7;
	v19 =	vmov s21;
	v12 =	vbroadcast v15, $0x0;
	v15 =	vand.u32 $0x79, v17;
	v17 =	vld [tilespmem:s7+$0xFFFFFC80];
	[tilespmem:v6+s25+$0x0] =	vst.idx.msk $0xffff, v4  }
0x46f: {  	v4 =	vbroadcast v15, $0x0;
	v6 =	vand.u32 $0x7A, v18;
	v15 =	vld [tilespmem:s30+$0xFFFFFFD0];
	v18 =	vor.u32 v0, v20;
	[tilespmem:v5+s25+$0x0] =	vst.idx.msk $0xffff, v9  }
0x470: {  	v13 =	vand.u32 $0x7B, v13;
	v5 =	vld [tilespmem:s30+$0xFFFFFC50];
	v9 =	vor.u32 v0, v12;
	v6 =	vbroadcast v6, $0x0;
	[tilespmem:v14+s25+$0x0] =	vst.idx.msk $0xffff, v22  }
0x471: {  	s31 =	sadd.s32 $0x5, s3;
	v19 =	vand.u32 $0x7C, v19;
	v13 =	vbroadcast v13, $0x0;
	v14 =	vld [tilespmem:s30+$0xFFFFFCD0];
	v21 =	vor.u32 v0, v4;
	[tilespmem:v16+s25+$0x0] =	vst.idx.msk $0xffff, v11  }
0x472: {  	s6 =	sadd.s32 $0x6, s3;
	v19 =	vbroadcast v19, $0x0;
	v22 =	vmov s31;
	v11 =	vld [tilespmem:s30+$0xFFFFFD50];
	v16 =	vor.u32 v0, v6;
	[tilespmem:v8+s25+$0x0] =	vst.idx.msk $0xffff, v10  }
0x473: {  	v23 =	vmov s6;
	v22 =	vand.u32 $0x7D, v22;
	v8 =	vld [tilespmem:s30+$0xFFFFFDD0];
	v10 =	vor.u32 v0, v13;
	[tilespmem:v7+s25+$0x0] =	vst.idx.msk $0xffff, v17  }
0x474: {  	v23 =	vand.u32 $0x7E, v23;
	v7 =	vld [tilespmem:s30+$0xFFFFFE50];
	v17 =	vor.u32 v0, v19;
	v22 =	vbroadcast v22, $0x0;
	[tilespmem:v18+s25+$0x0] =	vst.idx.msk $0xffff, v15  }
0x475: {  	[tilespmem:v9+s25+$0x0] =	vst.idx.msk $0xffff, v5;
	v5 =	vbroadcast v23, $0x0;
	v15 =	vor.u32 v1, v20;
	v9 =	vld [tilespmem:s30+$0xFFFFFFE0]  }
0x476: {  	v18 =	vor.u32 v0, v22;
	[tilespmem:v21+s25+$0x0] =	vst.idx.msk $0xffff, v14;
	v14 =	vld [tilespmem:s30+$0xFFFFFED0]  }
0x477: {  	[tilespmem:v16+s25+$0x0] =	vst.idx.msk $0xffff, v11;
	v11 =	vld [tilespmem:s30+$0xFFFFFF50];
	v16 =	vor.u32 v0, v5  }
0x478: {  	v23 =	vor.u32 v1, v4;
	v21 =	vld [tilespmem:s30+$0xFFFFFCE0];
	[tilespmem:v10+s25+$0x0] =	vst.idx.msk $0xffff, v8  }
0x479: {  	v8 =	vld [tilespmem:s30+$0xFFFFFD60];
	v10 =	vor.u32 v1, v6;
	[tilespmem:v17+s25+$0x0] =	vst.idx.msk $0xffff, v7  }
0x47a: {  	v17 =	vor.u32 v1, v13;
	v7 =	vld [tilespmem:s30+$0xFFFFFDE0];
	[tilespmem:v15+s25+$0x0] =	vst.idx.msk $0xffff, v9  }
0x47b: {  	[tilespmem:v18+s25+$0x0] =	vst.idx.msk $0xffff, v14;
	v15 =	vld [tilespmem:s30+$0xFFFFFE60];
	v18 =	vor.u32 v1, v19  }
0x47c: {  	v14 =	vor.u32 v2, v20;
	v9 =	vld [tilespmem:s30+$0xFFFFFFF0];
	[tilespmem:v16+s25+$0x0] =	vst.idx.msk $0xffff, v11  }
0x47d: {  	[tilespmem:v23+s25+$0x0] =	vst.idx.msk $0xffff, v21;
	v11 =	vld [tilespmem:s30+$0xFFFFFEE0];
	v16 =	vor.u32 v1, v22  }
0x47e: {  	v21 =	vld [tilespmem:s30+$0xFFFFFC60];
	v23 =	vor.u32 v1, v12;
	[tilespmem:v10+s25+$0x0] =	vst.idx.msk $0xffff, v8  }
0x47f: {  	v8 =	vld [tilespmem:s30+$0xFFFFFF60];
	v10 =	vor.u32 v1, v5;
	[tilespmem:v17+s25+$0x0] =	vst.idx.msk $0xffff, v7  }
0x480: {  	v7 =	vld [tilespmem:s30+$0xFFFFFCF0];
	v17 =	vor.u32 v2, v4;
	[tilespmem:v18+s25+$0x0] =	vst.idx.msk $0xffff, v15  }
0x481: {  	v15 =	vld [tilespmem:s30+$0xFFFFFD70];
	v18 =	vor.u32 v2, v6;
	[tilespmem:v14+s25+$0x0] =	vst.idx.msk $0xffff, v9  }
0x482: {  	[tilespmem:v16+s25+$0x0] =	vst.idx.msk $0xffff, v11;
	v11 =	vld [tilespmem:s30+$0xFFFFFDF0];
	v16 =	vor.u32 v2, v13  }
0x483: {  	v14 =	vor.u32 v3, v20;
	[tilespmem:v23+s25+$0x0] =	vst.idx.msk $0xffff, v21;
	v9 =	vld [tilespmem:s30+$0x0]  }
0x484: {  	[tilespmem:v10+s25+$0x0] =	vst.idx.msk $0xffff, v8;
	v8 =	vld [tilespmem:s30+$0xFFFFFE70];
	v10 =	vor.u32 v2, v19  }
0x485: {  	[tilespmem:v17+s25+$0x0] =	vst.idx.msk $0xffff, v7;
	v7 =	vld [tilespmem:s30+$0xFFFFFEF0];
	v17 =	vor.u32 v2, v22  }
0x486: {  	v21 =	vor.u32 v2, v5;
	v20 =	vld [tilespmem:s30+$0xFFFFFF70];
	[tilespmem:v18+s25+$0x0] =	vst.idx.msk $0xffff, v15  }
0x487: {  	v4 =	vor.u32 v3, v4;
	v15 =	vld [tilespmem:s30+$0xFFFFFD00];
	[tilespmem:v16+s25+$0x0] =	vst.idx.msk $0xffff, v11  }
0x488: {  	[tilespmem:v14+s25+$0x0] =	vst.idx.msk $0xffff, v9;
	v9 =	vld [tilespmem:s30+$0xFFFFFC70];
	v14 =	vor.u32 v2, v12  }
0x489: {  	v6 =	vor.u32 v3, v6;
	v11 =	vld [tilespmem:s30+$0xFFFFFD80];
	[tilespmem:v10+s25+$0x0] =	vst.idx.msk $0xffff, v8  }
0x48a: {  	v8 =	vld [tilespmem:s30+$0xFFFFFE00];
	v10 =	vor.u32 v3, v13;
	[tilespmem:v17+s25+$0x0] =	vst.idx.msk $0xffff, v7  }
0x48b: {  	v13 =	vor.u32 v3, v19;
	v7 =	vld [tilespmem:s30+$0xFFFFFE80];
	[tilespmem:v21+s25+$0x0] =	vst.idx.msk $0xffff, v20  }
0x48c: {  	v5 =	vor.u32 v3, v5;
	[tilespmem:v4+s25+$0x0] =	vst.idx.msk $0xffff, v15;
	v4 =	vld [tilespmem:s30+$0xFFFFFF80]  }
0x48d: {  	[tilespmem:v14+s25+$0x0] =	vst.idx.msk $0xffff, v9;
	v9 =	vld [tilespmem:s30+$0xFFFFFF00];
	v14 =	vor.u32 v3, v22  }
0x48e: {  	v12 =	vor.u32 v3, v12;
	[tilespmem:v6+s25+$0x0] =	vst.idx.msk $0xffff, v11;
	v15 =	vld [tilespmem:s30+$0xFFFFFC80]  }
0x48f: {  	[tilespmem:v10+s25+$0x0] =	vst.idx.msk $0xffff, v8  }
0x490: {  	[tilespmem:v13+s25+$0x0] =	vst.idx.msk $0xffff, v7  }
0x491: {  	[tilespmem:v5+s25+$0x0] =	vst.idx.msk $0xffff, v4  }
0x492: {  	[tilespmem:v14+s25+$0x0] =	vst.idx.msk $0xffff, v9  }
0x493: {  	[tilespmem:v12+s25+$0x0] =	vst.idx.msk $0xffff, v15  }
0x494: {  	s7 =	rddreg [dreg:$0x9]  }
0x495: {  	[hbm4b:s7+s18] =	stream.strided.scatter [tilespmem:s23], [sflag:$0x3], $0x2000, s19, s18, $0x38;
	[tilespmem:$0x1F000] =	vst v63  }
0x496: {  	s8 =	rddreg [dreg:$0xa]  }
0x497: {  	[hbm4b:s8+s18] =	stream.strided.scatter [tilespmem:s25], [sflag:$0x3], $0x2000, s19, s18, $0x38;
	[tilespmem:$0x1F000] =	vst v63  }
0x498: {  	_ =	swait.ge [sflag:s28], $0x2000  }
0x499: {  	[sflag:s28] =	ssyncset.done $0x0  }
0x49a: {  	[sflag:s28] =	ssyncadd.s32 $0xFFFFE000  }
0x49b: {  	_ =	swait.ge [sflag:s28], $0x2000  }
0x49c: {  	[sflag:s28] =	ssyncset.done $0x0  }
0x49d: {  	[sflag:s28] =	ssyncadd.s32 $0xFFFFE000  }
0x49e: {  	s14 =	simm.s32 $0x7;
	s31 =	simm.s32 $0x6;
	_ =	swait.ge [sflag:s22], $0x4000  }
0x49f: {  	s16 =	simm.s32 $0x2;
	s21 =	simm.s32 $0x4;
	v21 =	vmov s31;
	[sflag:s22] =	ssyncset.done $0x0  }
0x4a0: {  	s13 =	simm.s32 $0x0;
	v6 =	vmov s16;
	v10 =	vmov s21;
	s30 =	simm.s32 $0x5;
	v5 =	vmov s14;
	[sflag:s22] =	ssyncadd.s32 $0xFFFFC000  }
0x4a1: {  	s15 =	simm.s32 $0x1;
	v19 =	vmov s30;
	v4 =	vmov s13;
	v5 =	vand.u32 $0x7F, v5;
	_ =	swait.ge [sflag:s22], $0x4000  }
0x4a2: {  	s17 =	simm.s32 $0x3;
	v7 =	vand.u32 $0x78, v4;
	v4 =	vmov s15;
	v18 =	vbroadcast v5, $0x0;
	[sflag:s22] =	ssyncset.done $0x0  }
0x4a3: {  	v9 =	vmov s17;
	v25 =	vbroadcast v7, $0x0;
	v4 =	vand.u32 $0x79, v4;
	s7 =	simm.s32 $0xF3B0;
	[sflag:s22] =	ssyncadd.s32 $0xFFFFC000  }
0x4a4: {  	v5 =	vand.u32 $0x7A, v6;
	v4 =	vbroadcast v4, $0x0;
	v8 =	vor.u32 v0, v18;
	v12 =	vld [tilespmem:s7+$0xFFFFFFD0]  }
0x4a5: {  	v6 =	vbroadcast v5, $0x0;
	v5 =	vand.u32 $0x7B, v9;
	v15 =	vor.u32 v0, v25;
	v13 =	vld [tilespmem:s7+$0xFFFFFC50]  }
0x4a6: {  	v14 =	vand.u32 $0x7C, v10;
	v5 =	vbroadcast v5, $0x0;
	v9 =	vor.u32 v0, v4;
	v16 =	vld [tilespmem:s7+$0xFFFFFCD0]  }
0x4a7: {  	v19 =	vand.u32 $0x7D, v19;
	v26 =	vbroadcast v14, $0x0;
	v10 =	vor.u32 v0, v6;
	v17 =	vld [tilespmem:s7+$0xFFFFFD50]  }
0x4a8: {  	v23 =	vand.u32 $0x7E, v21;
	v28 =	vbroadcast v19, $0x0;
	v11 =	vor.u32 v0, v5;
	v20 =	vld [tilespmem:s7+$0xFFFFFDD0]  }
0x4a9: {  	v27 =	vbroadcast v23, $0x0;
	v24 =	vor.u32 v0, v26;
	v22 =	vld [tilespmem:s7+$0xFFFFFE50];
	[tilespmem:v8+s24+$0x0] =	vst.idx.msk $0xffff, v12  }
0x4aa: {  	v30 =	vor.u32 v0, v28;
	v29 =	vld [tilespmem:s7+$0xFFFFFED0];
	[tilespmem:v15+s24+$0x0] =	vst.idx.msk $0xffff, v13  }
0x4ab: {  	v32 =	vor.u32 v0, v27;
	v31 =	vld [tilespmem:s7+$0xFFFFFF50];
	[tilespmem:v9+s24+$0x0] =	vst.idx.msk $0xffff, v16  }
0x4ac: {  	v12 =	vor.u32 v1, v18;
	[tilespmem:v10+s24+$0x0] =	vst.idx.msk $0xffff, v17;
	v21 =	vld [tilespmem:s7+$0xFFFFFFE0]  }
0x4ad: {  	v15 =	vor.u32 v1, v4;
	[tilespmem:v11+s24+$0x0] =	vst.idx.msk $0xffff, v20;
	v33 =	vld [tilespmem:s7+$0xFFFFFCE0]  }
0x4ae: {  	v16 =	vor.u32 v1, v6;
	[tilespmem:v24+s24+$0x0] =	vst.idx.msk $0xffff, v22;
	v20 =	vld [tilespmem:s7+$0xFFFFFD60]  }
0x4af: {  	v13 =	vor.u32 v1, v5;
	[tilespmem:v30+s24+$0x0] =	vst.idx.msk $0xffff, v29;
	v22 =	vld [tilespmem:s7+$0xFFFFFDE0]  }
0x4b0: {  	v29 =	vor.u32 v1, v26;
	[tilespmem:v32+s24+$0x0] =	vst.idx.msk $0xffff, v31;
	v24 =	vld [tilespmem:s7+$0xFFFFFE60]  }
0x4b1: {  	v31 =	vor.u32 v1, v28;
	v30 =	vld [tilespmem:s7+$0xFFFFFEE0];
	[tilespmem:v12+s24+$0x0] =	vst.idx.msk $0xffff, v21  }
0x4b2: {  	v61 =	vor.u32 v1, v27;
	v32 =	vld [tilespmem:s7+$0xFFFFFF60];
	[tilespmem:v15+s24+$0x0] =	vst.idx.msk $0xffff, v33  }
0x4b3: {  	v17 =	vor.u32 v2, v18;
	[tilespmem:v16+s24+$0x0] =	vst.idx.msk $0xffff, v20;
	v21 =	vld [tilespmem:s7+$0xFFFFFFF0]  }
0x4b4: {  	v35 =	vor.u32 v1, v25;
	v34 =	vld [tilespmem:s7+$0xFFFFFC60];
	[tilespmem:v13+s24+$0x0] =	vst.idx.msk $0xffff, v22  }
0x4b5: {  	v20 =	vor.u32 v2, v4;
	[tilespmem:v29+s24+$0x0] =	vst.idx.msk $0xffff, v24;
	v36 =	vld [tilespmem:s7+$0xFFFFFCF0]  }
0x4b6: {  	v22 =	vor.u32 v2, v6;
	[tilespmem:v31+s24+$0x0] =	vst.idx.msk $0xffff, v30;
	v29 =	vld [tilespmem:s7+$0xFFFFFD70]  }
0x4b7: {  	v63 =	vor.u32 v2, v26;
	[tilespmem:v61+s24+$0x0] =	vst.idx.msk $0xffff, v32;
	v62 =	vld [tilespmem:s7+$0xFFFFFE70]  }
0x4b8: {  	v30 =	vld [tilespmem:s7+$0xFFFFFDF0];
	[tilespmem:v17+s24+$0x0] =	vst.idx.msk $0xffff, v21;
	v21 =	vor.u32 v3, v18;
	v18 =	vor.u32 v2, v5  }
0x4b9: {  	[tilespmem:v35+s24+$0x0] =	vst.idx.msk $0xffff, v34;
	v24 =	vld [tilespmem:s7+$0x0]  }
0x4ba: {  	v42 =	vor.u32 v2, v28;
	v41 =	vld [tilespmem:s7+$0xFFFFFEF0];
	[tilespmem:v20+s24+$0x0] =	vst.idx.msk $0xffff, v36  }
0x4bb: {  	v39 =	vor.u32 v2, v27;
	v36 =	vld [tilespmem:s7+$0xFFFFFF70];
	[tilespmem:v22+s24+$0x0] =	vst.idx.msk $0xffff, v29  }
0x4bc: {  	v37 =	vor.u32 v2, v25;
	v33 =	vld [tilespmem:s7+$0xFFFFFC70];
	[tilespmem:v63+s24+$0x0] =	vst.idx.msk $0xffff, v62  }
0x4bd: {  	s3 =	simm.s32 $0x8;
	v35 =	vor.u32 v3, v4;
	v31 =	vld [tilespmem:s7+$0xFFFFFD00];
	[tilespmem:v18+s24+$0x0] =	vst.idx.msk $0xffff, v30  }
0x4be: {  	s6 =	simm.s32 $0x9;
	s2 =	simm.s32 $0x8;
	v29 =	vld [tilespmem:s7+$0xFFFFFD80];
	v30 =	vor.u32 v3, v6;
	[tilespmem:v21+s24+$0x0] =	vst.idx.msk $0xffff, v24;
	v24 =	vmov s3  }
0x4bf: {  	v40 =	vmov s6;
	s13 =	simm.s32 $0xA;
	s14 =	simm.s32 $0xF;
	s8 =	simm.s32 $0x10;
	v34 =	vor.u32 v3, v5;
	[tilespmem:v42+s24+$0x0] =	vst.idx.msk $0xffff, v41;
	v32 =	vld [tilespmem:s7+$0xFFFFFE00];
	v38 =	vand.u32 $0x78, v24  }
.LBB2_28:
0x4c0: {  	p0 =	slt.u32 s8, $0x78;
	v41 =	vmov s13;
	s13 =	sadd.s32 $0x3, s2;
	v42 =	vmov s14;
	v43 =	vld [tilespmem:s7+$0xFFFFFE80];
	v26 =	vor.u32 v3, v26;
	[tilespmem:v39+s24+$0x0] =	vst.idx.msk $0xffff, v36  }
0x4c1: {  	v28 =	vor.u32 v3, v28;
	v36 =	vmov s13;
	s13 =	sadd.s32 $0x4, s2;
	v39 =	vand.u32 $0x7F, v42;
	[tilespmem:v37+s24+$0x0] =	vst.idx.msk $0xffff, v33;
	v33 =	vld [tilespmem:s7+$0xFFFFFF00]  }
0x4c2: {  	v27 =	vor.u32 v3, v27;
	v37 =	vmov s13;
	v39 =	vbroadcast v39, $0x0;
	[tilespmem:v35+s24+$0x0] =	vst.idx.msk $0xffff, v31;
	v31 =	vld [tilespmem:s7+$0xFFFFFF80]  }
0x4c3: {  	v42 =	vor.u32 v3, v25;
	v25 =	vbroadcast v38, $0x0;
	v35 =	vand.u32 $0x79, v40;
	v40 =	vld [tilespmem:s7+$0xFFFFFC80];
	[tilespmem:v30+s24+$0x0] =	vst.idx.msk $0xffff, v29;
	s7 =	sadd.s32 $0x400, s7  }
0x4c4: {  	v29 =	vbroadcast v35, $0x0;
	v30 =	vand.u32 $0x7A, v41;
	v35 =	vld [tilespmem:s7+$0xFFFFFFD0];
	v38 =	vor.u32 v0, v39;
	[tilespmem:v34+s24+$0x0] =	vst.idx.msk $0xffff, v32  }
0x4c5: {  	v36 =	vand.u32 $0x7B, v36;
	v34 =	vor.u32 v0, v25;
	v30 =	vbroadcast v30, $0x0;
	v32 =	vld [tilespmem:s7+$0xFFFFFC50];
	[tilespmem:v26+s24+$0x0] =	vst.idx.msk $0xffff, v43  }
0x4c6: {  	s13 =	sadd.s32 $0x5, s2;
	v44 =	vbroadcast v36, $0x0;
	v43 =	vor.u32 v0, v29;
	v26 =	vand.u32 $0x7C, v37;
	v41 =	vld [tilespmem:s7+$0xFFFFFCD0];
	[tilespmem:v28+s24+$0x0] =	vst.idx.msk $0xffff, v33  }
0x4c7: {  	v36 =	vor.u32 v0, v30;
	v26 =	vbroadcast v26, $0x0;
	v28 =	vmov s13;
	s13 =	sadd.s32 $0x6, s2;
	s2 =	smov.u32 s8;
	v33 =	vld [tilespmem:s7+$0xFFFFFD50];
	[tilespmem:v27+s24+$0x0] =	vst.idx.msk $0xffff, v31  }
0x4c8: {  	v37 =	vor.u32 v0, v44;
	v27 =	vand.u32 $0x7D, v28;
	v45 =	vmov s13;
	v31 =	vld [tilespmem:s7+$0xFFFFFDD0];
	[tilespmem:v42+s24+$0x0] =	vst.idx.msk $0xffff, v40  }
0x4c9: {  	v42 =	vor.u32 v0, v26;
	v28 =	vbroadcast v27, $0x0;
	v27 =	vand.u32 $0x7E, v45;
	v40 =	vld [tilespmem:s7+$0xFFFFFE50];
	[tilespmem:v38+s24+$0x0] =	vst.idx.msk $0xffff, v35  }
0x4ca: {  	v27 =	vbroadcast v27, $0x0;
	[tilespmem:v34+s24+$0x0] =	vst.idx.msk $0xffff, v32;
	v32 =	vld [tilespmem:s7+$0xFFFFFFE0];
	v34 =	vor.u32 v1, v39  }
0x4cb: {  	v38 =	vor.u32 v0, v28;
	[tilespmem:v43+s24+$0x0] =	vst.idx.msk $0xffff, v41;
	v35 =	vld [tilespmem:s7+$0xFFFFFED0]  }
0x4cc: {  	[tilespmem:v36+s24+$0x0] =	vst.idx.msk $0xffff, v33;
	v33 =	vld [tilespmem:s7+$0xFFFFFF50];
	v36 =	vor.u32 v0, v27  }
0x4cd: {  	v43 =	vor.u32 v1, v29;
	v41 =	vld [tilespmem:s7+$0xFFFFFCE0];
	[tilespmem:v37+s24+$0x0] =	vst.idx.msk $0xffff, v31  }
0x4ce: {  	v37 =	vor.u32 v1, v30;
	v31 =	vld [tilespmem:s7+$0xFFFFFD60];
	[tilespmem:v42+s24+$0x0] =	vst.idx.msk $0xffff, v40  }
0x4cf: {  	v42 =	vor.u32 v1, v44;
	v40 =	vld [tilespmem:s7+$0xFFFFFDE0];
	[tilespmem:v34+s24+$0x0] =	vst.idx.msk $0xffff, v32  }
0x4d0: {  	v34 =	vor.u32 v2, v39;
	[tilespmem:v38+s24+$0x0] =	vst.idx.msk $0xffff, v35;
	v32 =	vld [tilespmem:s7+$0xFFFFFFF0]  }
0x4d1: {  	v38 =	vor.u32 v1, v26;
	v35 =	vld [tilespmem:s7+$0xFFFFFE60];
	[tilespmem:v36+s24+$0x0] =	vst.idx.msk $0xffff, v33  }
0x4d2: {  	v36 =	vor.u32 v1, v28;
	[tilespmem:v43+s24+$0x0] =	vst.idx.msk $0xffff, v41;
	v33 =	vld [tilespmem:s7+$0xFFFFFEE0]  }
0x4d3: {  	[tilespmem:v37+s24+$0x0] =	vst.idx.msk $0xffff, v31;
	v31 =	vld [tilespmem:s7+$0xFFFFFF60];
	v37 =	vor.u32 v1, v27  }
0x4d4: {  	v43 =	vor.u32 v1, v25;
	v41 =	vld [tilespmem:s7+$0xFFFFFC60];
	[tilespmem:v42+s24+$0x0] =	vst.idx.msk $0xffff, v40  }
0x4d5: {  	v42 =	vor.u32 v2, v29;
	v40 =	vld [tilespmem:s7+$0xFFFFFCF0];
	[tilespmem:v34+s24+$0x0] =	vst.idx.msk $0xffff, v32  }
0x4d6: {  	v34 =	vor.u32 v3, v39;
	[tilespmem:v38+s24+$0x0] =	vst.idx.msk $0xffff, v35;
	v32 =	vld [tilespmem:s7+$0x0]  }
0x4d7: {  	v38 =	vor.u32 v2, v30;
	v35 =	vld [tilespmem:s7+$0xFFFFFD70];
	[tilespmem:v36+s24+$0x0] =	vst.idx.msk $0xffff, v33  }
0x4d8: {  	v46 =	vor.u32 v2, v44;
	v45 =	vld [tilespmem:s7+$0xFFFFFDF0];
	[tilespmem:v37+s24+$0x0] =	vst.idx.msk $0xffff, v31  }
0x4d9: {  	[tilespmem:v43+s24+$0x0] =	vst.idx.msk $0xffff, v41;
	v41 =	vld [tilespmem:s7+$0xFFFFFE70];
	v43 =	vor.u32 v2, v26  }
0x4da: {  	v47 =	vor.u32 v2, v28;
	[tilespmem:v42+s24+$0x0] =	vst.idx.msk $0xffff, v40;
	v42 =	vld [tilespmem:s7+$0xFFFFFEF0]  }
.Ltmp17:
0x4db: {  	v39 =	vor.u32 v2, v27;
	v36 =	vld [tilespmem:s7+$0xFFFFFF70];
	[tilespmem:v34+s24+$0x0] =	vst.idx.msk $0xffff, v32;
	(pc) =	sbr.rel @p0 .LBB2_28-.Ltmp17, $4  }
0x4dc: {  	v37 =	vor.u32 v2, v25;
	v33 =	vld [tilespmem:s7+$0xFFFFFC70];
	[tilespmem:v38+s24+$0x0] =	vst.idx.msk $0xffff, v35  }
0x4dd: {  	v35 =	vor.u32 v3, v29;
	v31 =	vld [tilespmem:s7+$0xFFFFFD00];
	[tilespmem:v46+s24+$0x0] =	vst.idx.msk $0xffff, v45  }
0x4de: {  	s13 =	sadd.s32 $0x1, s8;
	v30 =	vor.u32 v3, v30;
	v32 =	vmov s8;
	v29 =	vld [tilespmem:s7+$0xFFFFFD80];
	[tilespmem:v43+s24+$0x0] =	vst.idx.msk $0xffff, v41  }
0x4df: {  	s14 =	sadd.s32 $0x7, s2;
	v40 =	vmov s13;
	s13 =	sadd.s32 $0x2, s2;
	s8 =	sadd.s32 $0x8, s8;
	v34 =	vor.u32 v3, v44;
	v38 =	vand.u32 $0x78, v32;
	v32 =	vld [tilespmem:s7+$0xFFFFFE00];
	[tilespmem:v47+s24+$0x0] =	vst.idx.msk $0xffff, v42  }
0x4e0: {  	_ =	sdelay $0x2  }
0x4e1: {  	v41 =	vmov s13;
	v26 =	vor.u32 v3, v26  }
0x4e2: {  	v42 =	vmov s14;
	v43 =	vld [tilespmem:s7+$0xFFFFFE80];
	[tilespmem:v39+s24+$0x0] =	vst.idx.msk $0xffff, v36;
	v28 =	vor.u32 v3, v28;
	v27 =	vor.u32 v3, v27  }
0x4e3: {  	s8 =	sadd.s32 $0x3, s2;
	s17 =	sadd.s32 $0x4, s2;
	v57 =	vld [tilespmem:s7+$0xFFFFFF00];
	v60 =	vand.u32 $0x79, v40;
	v25 =	vor.u32 v3, v25;
	v56 =	vand.u32 $0x7F, v42;
	[tilespmem:v37+s24+$0x0] =	vst.idx.msk $0xffff, v33  }
0x4e4: {  	s31 =	sadd.s32 $0x6, s2;
	v55 =	vmov s8;
	v58 =	vmov s17;
	v59 =	vld [tilespmem:s7+$0xFFFFFF80];
	v39 =	vbroadcast v56, $0x0;
	[tilespmem:v35+s24+$0x0] =	vst.idx.msk $0xffff, v31  }
0x4e5: {  	s21 =	sadd.s32 $0x400, s7;
	v62 =	vand.u32 $0x7A, v41;
	v44 =	vmov s31;
	v35 =	vbroadcast v38, $0x0;
	v61 =	vld [tilespmem:s7+$0xFFFFFC80];
	[tilespmem:v30+s24+$0x0] =	vst.idx.msk $0xffff, v29  }
0x4e6: {  	v63 =	vld [tilespmem:s21+$0xFFFFFFD0];
	v36 =	vand.u32 $0x7B, v55;
	v29 =	vbroadcast v60, $0x0;
	v48 =	vor.u32 v0, v39;
	[tilespmem:v34+s24+$0x0] =	vst.idx.msk $0xffff, v32  }
0x4e7: {  	s30 =	sadd.s32 $0x5, s2;
	v49 =	vld [tilespmem:s21+$0xFFFFFC50];
	v37 =	vand.u32 $0x7C, v58;
	v30 =	vbroadcast v62, $0x0;
	v50 =	vor.u32 v0, v35;
	[tilespmem:v26+s24+$0x0] =	vst.idx.msk $0xffff, v43  }
0x4e8: {  	v51 =	vld [tilespmem:s21+$0xFFFFFCD0];
	v55 =	vmov s30;
	v36 =	vbroadcast v36, $0x0;
	v52 =	vor.u32 v0, v29;
	[tilespmem:v28+s24+$0x0] =	vst.idx.msk $0xffff, v57  }
0x4e9: {  	v53 =	vld [tilespmem:s21+$0xFFFFFD50];
	v37 =	vbroadcast v37, $0x0;
	v54 =	vor.u32 v0, v30;
	v43 =	vand.u32 $0x7D, v55;
	[tilespmem:v27+s24+$0x0] =	vst.idx.msk $0xffff, v59  }
0x4ea: {  	v56 =	vld [tilespmem:s21+$0xFFFFFDD0];
	v44 =	vand.u32 $0x7E, v44;
	v57 =	vor.u32 v0, v36;
	v43 =	vbroadcast v43, $0x0;
	[tilespmem:v25+s24+$0x0] =	vst.idx.msk $0xffff, v61  }
0x4eb: {  	v58 =	vld [tilespmem:s21+$0xFFFFFE50];
	v32 =	vbroadcast v44, $0x0;
	v59 =	vor.u32 v0, v37;
	[tilespmem:v48+s24+$0x0] =	vst.idx.msk $0xffff, v63  }
0x4ec: {  	v62 =	vld [tilespmem:s21+$0xFFFFFED0];
	[tilespmem:v50+s24+$0x0] =	vst.idx.msk $0xffff, v49;
	v63 =	vor.u32 v0, v43  }
0x4ed: {  	v48 =	vld [tilespmem:s21+$0xFFFFFF50];
	v49 =	vor.u32 v0, v32;
	[tilespmem:v52+s24+$0x0] =	vst.idx.msk $0xffff, v51  }
0x4ee: {  	v61 =	vor.u32 v1, v39;
	v60 =	vld [tilespmem:s21+$0xFFFFFFE0];
	[tilespmem:v54+s24+$0x0] =	vst.idx.msk $0xffff, v53  }
0x4ef: {  	v50 =	vor.u32 v1, v29;
	[tilespmem:v57+s24+$0x0] =	vst.idx.msk $0xffff, v56;
	v42 =	vld [tilespmem:s21+$0xFFFFFCE0]  }
0x4f0: {  	v52 =	vor.u32 v1, v30;
	v51 =	vld [tilespmem:s21+$0xFFFFFD60];
	[tilespmem:v59+s24+$0x0] =	vst.idx.msk $0xffff, v58  }
0x4f1: {  	v54 =	vor.u32 v1, v36;
	v53 =	vld [tilespmem:s21+$0xFFFFFDE0];
	[tilespmem:v63+s24+$0x0] =	vst.idx.msk $0xffff, v62  }
0x4f2: {  	v58 =	vor.u32 v1, v37;
	v57 =	vld [tilespmem:s21+$0xFFFFFE60];
	[tilespmem:v49+s24+$0x0] =	vst.idx.msk $0xffff, v48  }
0x4f3: {  	v63 =	vld [tilespmem:s21+$0xFFFFFC60];
	v48 =	vor.u32 v1, v35;
	[tilespmem:v61+s24+$0x0] =	vst.idx.msk $0xffff, v60  }
0x4f4: {  	v62 =	vor.u32 v1, v32;
	v61 =	vld [tilespmem:s21+$0xFFFFFF60];
	[tilespmem:v50+s24+$0x0] =	vst.idx.msk $0xffff, v42  }
0x4f5: {  	v56 =	vor.u32 v2, v39;
	v55 =	vld [tilespmem:s21+$0xFFFFFFF0];
	[tilespmem:v52+s24+$0x0] =	vst.idx.msk $0xffff, v51  }
0x4f6: {  	v59 =	vld [tilespmem:s21+$0xFFFFFEE0];
	v60 =	vor.u32 v1, v43;
	[tilespmem:v54+s24+$0x0] =	vst.idx.msk $0xffff, v53  }
0x4f7: {  	v50 =	vor.u32 v2, v29;
	v49 =	vld [tilespmem:s21+$0xFFFFFCF0];
	[tilespmem:v58+s24+$0x0] =	vst.idx.msk $0xffff, v57  }
0x4f8: {  	v53 =	vor.u32 v2, v30;
	v52 =	vld [tilespmem:s21+$0xFFFFFD70];
	[tilespmem:v48+s24+$0x0] =	vst.idx.msk $0xffff, v63  }
0x4f9: {  	v63 =	vor.u32 v2, v35;
	[tilespmem:v62+s24+$0x0] =	vst.idx.msk $0xffff, v61;
	v62 =	vld [tilespmem:s21+$0xFFFFFC70]  }
0x4fa: {  	v54 =	vld [tilespmem:s21+$0xFFFFFDF0];
	[tilespmem:v56+s24+$0x0] =	vst.idx.msk $0xffff, v55;
	v55 =	vor.u32 v2, v36  }
0x4fb: {  	v57 =	vor.u32 v2, v37;
	[tilespmem:v60+s24+$0x0] =	vst.idx.msk $0xffff, v59;
	v56 =	vld [tilespmem:s21+$0xFFFFFE70]  }
0x4fc: {  	v59 =	vor.u32 v2, v43;
	v58 =	vld [tilespmem:s21+$0xFFFFFEF0];
	[tilespmem:v50+s24+$0x0] =	vst.idx.msk $0xffff, v49  }
0x4fd: {  	v61 =	vor.u32 v2, v32;
	v60 =	vld [tilespmem:s21+$0xFFFFFF70];
	[tilespmem:v53+s24+$0x0] =	vst.idx.msk $0xffff, v52  }
0x4fe: {  	v51 =	vor.u32 v3, v39;
	v26 =	vld [tilespmem:s21+$0x0];
	[tilespmem:v63+s24+$0x0] =	vst.idx.msk $0xffff, v62  }
0x4ff: {  	v29 =	vor.u32 v3, v29;
	v44 =	vld [tilespmem:s21+$0xFFFFFD00];
	[tilespmem:v55+s24+$0x0] =	vst.idx.msk $0xffff, v54  }
0x500: {  	v30 =	vor.u32 v3, v30;
	v45 =	vld [tilespmem:s21+$0xFFFFFD80];
	[tilespmem:v57+s24+$0x0] =	vst.idx.msk $0xffff, v56  }
0x501: {  	v35 =	vor.u32 v3, v35;
	[tilespmem:v59+s24+$0x0] =	vst.idx.msk $0xffff, v58;
	v53 =	vld [tilespmem:s21+$0xFFFFFC80]  }
0x502: {  	v47 =	vor.u32 v3, v36;
	[tilespmem:v61+s24+$0x0] =	vst.idx.msk $0xffff, v60;
	v46 =	vld [tilespmem:s21+$0xFFFFFE00]  }
0x503: {  	v49 =	vor.u32 v3, v37;
	[tilespmem:v51+s24+$0x0] =	vst.idx.msk $0xffff, v26;
	v48 =	vld [tilespmem:s21+$0xFFFFFE80]  }
0x504: {  	v50 =	vld [tilespmem:s21+$0xFFFFFF00];
	v51 =	vor.u32 v3, v43;
	[tilespmem:v29+s24+$0x0] =	vst.idx.msk $0xffff, v44  }
0x505: {  	v32 =	vor.u32 v3, v32;
	v52 =	vld [tilespmem:s21+$0xFFFFFF80];
	[tilespmem:v30+s24+$0x0] =	vst.idx.msk $0xffff, v45  }
0x506: {  	[tilespmem:v35+s24+$0x0] =	vst.idx.msk $0xffff, v53  }
0x507: {  	[tilespmem:v47+s24+$0x0] =	vst.idx.msk $0xffff, v46  }
0x508: {  	[tilespmem:v49+s24+$0x0] =	vst.idx.msk $0xffff, v48  }
0x509: {  	[tilespmem:v51+s24+$0x0] =	vst.idx.msk $0xffff, v50  }
0x50a: {  	s7 =	simm.s32 $0x133B0;
	[tilespmem:v32+s24+$0x0] =	vst.idx.msk $0xffff, v52  }
0x50b: {  	v7 =	vbroadcast v7, $0x0;
	v25 =	vld [tilespmem:s7+$0xFFFFFFD0]  }
0x50c: {  	v28 =	vld [tilespmem:s7+$0xFFFFFCD0]  }
0x50d: {  	v54 =	vor.u32 v0, v7;
	v26 =	vld [tilespmem:s7+$0xFFFFFC50]  }
0x50e: {  	v14 =	vbroadcast v14, $0x0;
	v29 =	vld [tilespmem:s7+$0xFFFFFD50]  }
0x50f: {  	v19 =	vbroadcast v19, $0x0;
	v30 =	vld [tilespmem:s7+$0xFFFFFDD0]  }
0x510: {  	v55 =	vor.u32 v0, v14;
	v31 =	vld [tilespmem:s7+$0xFFFFFE50];
	[tilespmem:v8+s26+$0x0] =	vst.idx.msk $0xffff, v25  }
0x511: {  	v56 =	vor.u32 v0, v19;
	[tilespmem:v9+s26+$0x0] =	vst.idx.msk $0xffff, v28;
	v9 =	vld [tilespmem:s7+$0xFFFFFED0]  }
0x512: {  	[tilespmem:v54+s26+$0x0] =	vst.idx.msk $0xffff, v26;
	v8 =	vbroadcast v23, $0x0;
	v23 =	vld [tilespmem:s7+$0xFFFFFFE0]  }
0x513: {  	[tilespmem:v10+s26+$0x0] =	vst.idx.msk $0xffff, v29;
	v58 =	vld [tilespmem:s7+$0xFFFFFCE0]  }
0x514: {  	v10 =	vld [tilespmem:s7+$0xFFFFFF50];
	[tilespmem:v11+s26+$0x0] =	vst.idx.msk $0xffff, v30;
	v57 =	vor.u32 v0, v8  }
0x515: {  	[tilespmem:v55+s26+$0x0] =	vst.idx.msk $0xffff, v31;
	v11 =	vld [tilespmem:s7+$0xFFFFFD60]  }
0x516: {  	v59 =	vld [tilespmem:s7+$0xFFFFFDE0];
	[tilespmem:v56+s26+$0x0] =	vst.idx.msk $0xffff, v9  }
0x517: {  	v61 =	vor.u32 v1, v7;
	v60 =	vld [tilespmem:s7+$0xFFFFFC60];
	[tilespmem:v12+s26+$0x0] =	vst.idx.msk $0xffff, v23  }
0x518: {  	v12 =	vld [tilespmem:s7+$0xFFFFFE60];
	v23 =	vor.u32 v1, v14;
	[tilespmem:v15+s26+$0x0] =	vst.idx.msk $0xffff, v58  }
0x519: {  	v15 =	vor.u32 v1, v19;
	[tilespmem:v57+s26+$0x0] =	vst.idx.msk $0xffff, v10;
	v10 =	vld [tilespmem:s7+$0xFFFFFEE0]  }
0x51a: {  	[tilespmem:v16+s26+$0x0] =	vst.idx.msk $0xffff, v11;
	v9 =	vld [tilespmem:s7+$0xFFFFFFF0]  }
0x51b: {  	[tilespmem:v13+s26+$0x0] =	vst.idx.msk $0xffff, v59;
	v13 =	vld [tilespmem:s7+$0xFFFFFCF0]  }
0x51c: {  	v16 =	vor.u32 v1, v8;
	[tilespmem:v61+s26+$0x0] =	vst.idx.msk $0xffff, v60;
	v11 =	vld [tilespmem:s7+$0xFFFFFF60]  }
0x51d: {  	[tilespmem:v23+s26+$0x0] =	vst.idx.msk $0xffff, v12;
	v12 =	vld [tilespmem:s7+$0xFFFFFD70]  }
0x51e: {  	[tilespmem:v15+s26+$0x0] =	vst.idx.msk $0xffff, v10;
	v15 =	vld [tilespmem:s7+$0xFFFFFDF0]  }
0x51f: {  	v23 =	vor.u32 v2, v14;
	[tilespmem:v17+s26+$0x0] =	vst.idx.msk $0xffff, v9;
	v17 =	vld [tilespmem:s7+$0xFFFFFE70]  }
0x520: {  	[tilespmem:v20+s26+$0x0] =	vst.idx.msk $0xffff, v13;
	v9 =	vld [tilespmem:s7+$0x0]  }
0x521: {  	v63 =	vor.u32 v2, v19;
	[tilespmem:v16+s26+$0x0] =	vst.idx.msk $0xffff, v11;
	v62 =	vld [tilespmem:s7+$0xFFFFFEF0]  }
0x522: {  	v20 =	vor.u32 v2, v8;
	v13 =	vld [tilespmem:s7+$0xFFFFFF70];
	[tilespmem:v22+s26+$0x0] =	vst.idx.msk $0xffff, v12  }
0x523: {  	v11 =	vld [tilespmem:s7+$0xFFFFFC70];
	v16 =	vor.u32 v2, v7;
	[tilespmem:v18+s26+$0x0] =	vst.idx.msk $0xffff, v15  }
0x524: {  	v10 =	vld [tilespmem:s7+$0xFFFFFD00];
	v12 =	vor.u32 v3, v4;
	[tilespmem:v23+s26+$0x0] =	vst.idx.msk $0xffff, v17  }
0x525: {  	v6 =	vor.u32 v3, v6;
	v4 =	vld [tilespmem:s7+$0xFFFFFD80];
	[tilespmem:v21+s26+$0x0] =	vst.idx.msk $0xffff, v9  }
0x526: {  	s2 =	simm.s32 $0x10;
	v5 =	vor.u32 v3, v5;
	s8 =	simm.s32 $0xA;
	v15 =	vand.u32 $0x78, v24;
	v17 =	vmov s6;
	s6 =	simm.s32 $0xF;
	v9 =	vld [tilespmem:s7+$0xFFFFFE00];
	[tilespmem:v63+s26+$0x0] =	vst.idx.msk $0xffff, v62  }
.LBB2_30:
0x527: {  	p0 =	slt.u32 s2, $0x78;
	v18 =	vmov s8;
	s8 =	sadd.s32 $0x3, s3;
	v21 =	vmov s6;
	v22 =	vld [tilespmem:s7+$0xFFFFFE80];
	v14 =	vor.u32 v3, v14;
	[tilespmem:v20+s26+$0x0] =	vst.idx.msk $0xffff, v13  }
0x528: {  	s6 =	sadd.s32 $0x4, s3;
	v13 =	vmov s8;
	v20 =	vand.u32 $0x7F, v21;
	[tilespmem:v16+s26+$0x0] =	vst.idx.msk $0xffff, v11;
	v11 =	vld [tilespmem:s7+$0xFFFFFF00];
	v16 =	vor.u32 v3, v19  }
0x529: {  	v8 =	vor.u32 v3, v8;
	v19 =	vmov s6;
	v20 =	vbroadcast v20, $0x0;
	[tilespmem:v12+s26+$0x0] =	vst.idx.msk $0xffff, v10;
	v10 =	vld [tilespmem:s7+$0xFFFFFF80]  }
0x52a: {  	v21 =	vor.u32 v3, v7;
	v7 =	vbroadcast v15, $0x0;
	v12 =	vand.u32 $0x79, v17;
	v17 =	vld [tilespmem:s7+$0xFFFFFC80];
	[tilespmem:v6+s26+$0x0] =	vst.idx.msk $0xffff, v4;
	s7 =	sadd.s32 $0x400, s7  }
0x52b: {  	v4 =	vbroadcast v12, $0x0;
	v6 =	vand.u32 $0x7A, v18;
	v12 =	vld [tilespmem:s7+$0xFFFFFFD0];
	v15 =	vor.u32 v0, v20;
	[tilespmem:v5+s26+$0x0] =	vst.idx.msk $0xffff, v9  }
0x52c: {  	v13 =	vand.u32 $0x7B, v13;
	v9 =	vor.u32 v0, v7;
	v6 =	vbroadcast v6, $0x0;
	v5 =	vld [tilespmem:s7+$0xFFFFFC50];
	[tilespmem:v14+s26+$0x0] =	vst.idx.msk $0xffff, v22  }
0x52d: {  	s6 =	sadd.s32 $0x5, s3;
	v23 =	vbroadcast v13, $0x0;
	v13 =	vand.u32 $0x7C, v19;
	v22 =	vor.u32 v0, v4;
	v18 =	vld [tilespmem:s7+$0xFFFFFCD0];
	[tilespmem:v16+s26+$0x0] =	vst.idx.msk $0xffff, v11  }
0x52e: {  	v14 =	vbroadcast v13, $0x0;
	v13 =	vmov s6;
	s6 =	sadd.s32 $0x6, s3;
	s3 =	smov.u32 s2;
	v16 =	vor.u32 v0, v6;
	v11 =	vld [tilespmem:s7+$0xFFFFFD50];
	[tilespmem:v8+s26+$0x0] =	vst.idx.msk $0xffff, v10  }
0x52f: {  	v24 =	vor.u32 v0, v23;
	v8 =	vand.u32 $0x7D, v13;
	v13 =	vmov s6;
	v10 =	vld [tilespmem:s7+$0xFFFFFDD0];
	[tilespmem:v21+s26+$0x0] =	vst.idx.msk $0xffff, v17  }
0x530: {  	v21 =	vor.u32 v0, v14;
	v19 =	vbroadcast v8, $0x0;
	v8 =	vand.u32 $0x7E, v13;
	v17 =	vld [tilespmem:s7+$0xFFFFFE50];
	[tilespmem:v15+s26+$0x0] =	vst.idx.msk $0xffff, v12  }
0x531: {  	v8 =	vbroadcast v8, $0x0;
	[tilespmem:v9+s26+$0x0] =	vst.idx.msk $0xffff, v5;
	v5 =	vld [tilespmem:s7+$0xFFFFFFE0];
	v9 =	vor.u32 v1, v20  }
0x532: {  	v13 =	vor.u32 v0, v19;
	[tilespmem:v22+s26+$0x0] =	vst.idx.msk $0xffff, v18;
	v12 =	vld [tilespmem:s7+$0xFFFFFED0]  }
0x533: {  	v15 =	vor.u32 v0, v8;
	[tilespmem:v16+s26+$0x0] =	vst.idx.msk $0xffff, v11;
	v11 =	vld [tilespmem:s7+$0xFFFFFF50]  }
0x534: {  	v18 =	vor.u32 v1, v4;
	v16 =	vld [tilespmem:s7+$0xFFFFFCE0];
	[tilespmem:v24+s26+$0x0] =	vst.idx.msk $0xffff, v10  }
0x535: {  	v22 =	vor.u32 v1, v6;
	v10 =	vld [tilespmem:s7+$0xFFFFFD60];
	[tilespmem:v21+s26+$0x0] =	vst.idx.msk $0xffff, v17  }
0x536: {  	v21 =	vor.u32 v1, v23;
	v17 =	vld [tilespmem:s7+$0xFFFFFDE0];
	[tilespmem:v9+s26+$0x0] =	vst.idx.msk $0xffff, v5  }
0x537: {  	v9 =	vor.u32 v2, v20;
	[tilespmem:v13+s26+$0x0] =	vst.idx.msk $0xffff, v12;
	v5 =	vld [tilespmem:s7+$0xFFFFFFF0]  }
0x538: {  	v13 =	vor.u32 v1, v14;
	v12 =	vld [tilespmem:s7+$0xFFFFFE60];
	[tilespmem:v15+s26+$0x0] =	vst.idx.msk $0xffff, v11  }
0x539: {  	v15 =	vor.u32 v1, v19;
	[tilespmem:v18+s26+$0x0] =	vst.idx.msk $0xffff, v16;
	v11 =	vld [tilespmem:s7+$0xFFFFFEE0]  }
0x53a: {  	v16 =	vor.u32 v1, v8;
	[tilespmem:v22+s26+$0x0] =	vst.idx.msk $0xffff, v10;
	v10 =	vld [tilespmem:s7+$0xFFFFFF60]  }
0x53b: {  	v22 =	vor.u32 v1, v7;
	v18 =	vld [tilespmem:s7+$0xFFFFFC60];
	[tilespmem:v21+s26+$0x0] =	vst.idx.msk $0xffff, v17  }
0x53c: {  	v21 =	vor.u32 v2, v4;
	v17 =	vld [tilespmem:s7+$0xFFFFFCF0];
	[tilespmem:v9+s26+$0x0] =	vst.idx.msk $0xffff, v5  }
0x53d: {  	v9 =	vor.u32 v3, v20;
	[tilespmem:v13+s26+$0x0] =	vst.idx.msk $0xffff, v12;
	v5 =	vld [tilespmem:s7+$0x0]  }
0x53e: {  	v24 =	vor.u32 v2, v6;
	v12 =	vld [tilespmem:s7+$0xFFFFFD70];
	[tilespmem:v15+s26+$0x0] =	vst.idx.msk $0xffff, v11  }
0x53f: {  	v25 =	vor.u32 v2, v23;
	v15 =	vld [tilespmem:s7+$0xFFFFFDF0];
	[tilespmem:v16+s26+$0x0] =	vst.idx.msk $0xffff, v10  }
0x540: {  	[tilespmem:v22+s26+$0x0] =	vst.idx.msk $0xffff, v18;
	v18 =	vld [tilespmem:s7+$0xFFFFFE70];
	v22 =	vor.u32 v2, v14  }
0x541: {  	v26 =	vor.u32 v2, v19;
	[tilespmem:v21+s26+$0x0] =	vst.idx.msk $0xffff, v17;
	v21 =	vld [tilespmem:s7+$0xFFFFFEF0]  }
.Ltmp18:
0x542: {  	v20 =	vor.u32 v2, v8;
	v13 =	vld [tilespmem:s7+$0xFFFFFF70];
	[tilespmem:v9+s26+$0x0] =	vst.idx.msk $0xffff, v5;
	(pc) =	sbr.rel @p0 .LBB2_30-.Ltmp18, $4  }
0x543: {  	v16 =	vor.u32 v2, v7;
	v11 =	vld [tilespmem:s7+$0xFFFFFC70];
	[tilespmem:v24+s26+$0x0] =	vst.idx.msk $0xffff, v12  }
0x544: {  	v12 =	vor.u32 v3, v4;
	v10 =	vld [tilespmem:s7+$0xFFFFFD00];
	[tilespmem:v25+s26+$0x0] =	vst.idx.msk $0xffff, v15  }
0x545: {  	s6 =	sadd.s32 $0x1, s2;
	v6 =	vor.u32 v3, v6;
	v5 =	vmov s2;
	v4 =	vld [tilespmem:s7+$0xFFFFFD80];
	[tilespmem:v22+s26+$0x0] =	vst.idx.msk $0xffff, v18  }
0x546: {  	s8 =	sadd.s32 $0x2, s3;
	v17 =	vmov s6;
	s6 =	sadd.s32 $0x7, s3;
	s2 =	sadd.s32 $0x8, s2;
	v15 =	vand.u32 $0x78, v5;
	v5 =	vor.u32 v3, v23;
	v9 =	vld [tilespmem:s7+$0xFFFFFE00];
	[tilespmem:v26+s26+$0x0] =	vst.idx.msk $0xffff, v21  }
0x547: {  	_ =	sdelay $0x2  }
0x548: {  	v18 =	vmov s8  }
0x549: {  	v21 =	vmov s6;
	v22 =	vld [tilespmem:s7+$0xFFFFFE80];
	v14 =	vor.u32 v3, v14;
	[tilespmem:v20+s26+$0x0] =	vst.idx.msk $0xffff, v13;
	v42 =	vor.u32 v3, v19  }
0x54a: {  	s2 =	sadd.s32 $0x3, s3;
	v41 =	vld [tilespmem:s7+$0xFFFFFF00];
	v8 =	vor.u32 v3, v8;
	v45 =	vand.u32 $0x79, v17;
	v40 =	vand.u32 $0x7F, v21;
	[tilespmem:v16+s26+$0x0] =	vst.idx.msk $0xffff, v11  }
0x54b: {  	s13 =	sadd.s32 $0x4, s3;
	v7 =	vor.u32 v3, v7;
	v39 =	vmov s2;
	v44 =	vld [tilespmem:s7+$0xFFFFFF80];
	v20 =	vbroadcast v40, $0x0;
	[tilespmem:v12+s26+$0x0] =	vst.idx.msk $0xffff, v10  }
0x54c: {  	s14 =	sadd.s32 $0x400, s7;
	s15 =	sadd.s32 $0x5, s3;
	v43 =	vmov s13;
	v47 =	vand.u32 $0x7A, v18;
	v12 =	vbroadcast v15, $0x0;
	v46 =	vld [tilespmem:s7+$0xFFFFFC80];
	[tilespmem:v6+s26+$0x0] =	vst.idx.msk $0xffff, v4  }
0x54d: {  	v48 =	vld [tilespmem:s14+$0xFFFFFFD0];
	v55 =	vmov s15;
	v4 =	vbroadcast v45, $0x0;
	v49 =	vor.u32 v0, v20;
	[tilespmem:v5+s26+$0x0] =	vst.idx.msk $0xffff, v9  }
0x54e: {  	v13 =	vand.u32 $0x7B, v39;
	v6 =	vbroadcast v47, $0x0;
	v5 =	vld [tilespmem:s14+$0xFFFFFC50];
	v50 =	vor.u32 v0, v12;
	[tilespmem:v14+s26+$0x0] =	vst.idx.msk $0xffff, v22  }
0x54f: {  	v51 =	vld [tilespmem:s14+$0xFFFFFCD0];
	v19 =	vand.u32 $0x7C, v43;
	v13 =	vbroadcast v13, $0x0;
	v52 =	vor.u32 v0, v4;
	[tilespmem:v42+s26+$0x0] =	vst.idx.msk $0xffff, v41  }
0x550: {  	v53 =	vld [tilespmem:s14+$0xFFFFFD50];
	v19 =	vbroadcast v19, $0x0;
	v54 =	vor.u32 v0, v6;
	v22 =	vand.u32 $0x7D, v55;
	[tilespmem:v8+s26+$0x0] =	vst.idx.msk $0xffff, v44  }
0x551: {  	s16 =	sadd.s32 $0x6, s3;
	v56 =	vld [tilespmem:s14+$0xFFFFFDD0];
	v57 =	vor.u32 v0, v13;
	v22 =	vbroadcast v22, $0x0;
	[tilespmem:v7+s26+$0x0] =	vst.idx.msk $0xffff, v46  }
0x552: {  	v23 =	vmov s16;
	v58 =	vld [tilespmem:s14+$0xFFFFFE50];
	v59 =	vor.u32 v0, v19;
	[tilespmem:v49+s26+$0x0] =	vst.idx.msk $0xffff, v48  }
0x553: {  	v62 =	vld [tilespmem:s14+$0xFFFFFED0];
	v23 =	vand.u32 $0x7E, v23;
	v63 =	vor.u32 v0, v22;
	[tilespmem:v50+s26+$0x0] =	vst.idx.msk $0xffff, v5  }
0x554: {  	v61 =	vor.u32 v1, v20;
	v5 =	vbroadcast v23, $0x0;
	v60 =	vld [tilespmem:s14+$0xFFFFFFE0];
	[tilespmem:v52+s26+$0x0] =	vst.idx.msk $0xffff, v51  }
0x555: {  	v39 =	vor.u32 v1, v12;
	[tilespmem:v54+s26+$0x0] =	vst.idx.msk $0xffff, v53;
	v38 =	vld [tilespmem:s14+$0xFFFFFC60]  }
0x556: {  	v24 =	vld [tilespmem:s14+$0xFFFFFF50];
	[tilespmem:v57+s26+$0x0] =	vst.idx.msk $0xffff, v56;
	v25 =	vor.u32 v0, v5  }
0x557: {  	v26 =	vor.u32 v1, v4;
	[tilespmem:v59+s26+$0x0] =	vst.idx.msk $0xffff, v58;
	v21 =	vld [tilespmem:s14+$0xFFFFFCE0]  }
0x558: {  	v28 =	vor.u32 v1, v6;
	v27 =	vld [tilespmem:s14+$0xFFFFFD60];
	[tilespmem:v63+s26+$0x0] =	vst.idx.msk $0xffff, v62  }
0x559: {  	v30 =	vor.u32 v1, v13;
	v29 =	vld [tilespmem:s14+$0xFFFFFDE0];
	[tilespmem:v61+s26+$0x0] =	vst.idx.msk $0xffff, v60  }
0x55a: {  	v33 =	vor.u32 v1, v19;
	v32 =	vld [tilespmem:s14+$0xFFFFFE60];
	[tilespmem:v39+s26+$0x0] =	vst.idx.msk $0xffff, v38  }
0x55b: {  	v35 =	vor.u32 v1, v22;
	v34 =	vld [tilespmem:s14+$0xFFFFFEE0];
	[tilespmem:v25+s26+$0x0] =	vst.idx.msk $0xffff, v24  }
0x55c: {  	v31 =	vor.u32 v2, v20;
	v9 =	vld [tilespmem:s14+$0xFFFFFFF0];
	[tilespmem:v26+s26+$0x0] =	vst.idx.msk $0xffff, v21  }
0x55d: {  	v54 =	vor.u32 v2, v12;
	[tilespmem:v28+s26+$0x0] =	vst.idx.msk $0xffff, v27;
	v53 =	vld [tilespmem:s14+$0xFFFFFC70]  }
0x55e: {  	v37 =	vor.u32 v1, v5;
	[tilespmem:v30+s26+$0x0] =	vst.idx.msk $0xffff, v29;
	v36 =	vld [tilespmem:s14+$0xFFFFFF60]  }
0x55f: {  	v41 =	vor.u32 v2, v4;
	[tilespmem:v33+s26+$0x0] =	vst.idx.msk $0xffff, v32;
	v40 =	vld [tilespmem:s14+$0xFFFFFCF0]  }
0x560: {  	v44 =	vor.u32 v2, v6;
	v43 =	vld [tilespmem:s14+$0xFFFFFD70];
	[tilespmem:v35+s26+$0x0] =	vst.idx.msk $0xffff, v34  }
0x561: {  	v46 =	vor.u32 v2, v13;
	v45 =	vld [tilespmem:s14+$0xFFFFFDF0];
	[tilespmem:v31+s26+$0x0] =	vst.idx.msk $0xffff, v9  }
0x562: {  	v48 =	vor.u32 v2, v19;
	v47 =	vld [tilespmem:s14+$0xFFFFFE70];
	[tilespmem:v54+s26+$0x0] =	vst.idx.msk $0xffff, v53  }
0x563: {  	v50 =	vor.u32 v2, v22;
	v49 =	vld [tilespmem:s14+$0xFFFFFEF0];
	[tilespmem:v37+s26+$0x0] =	vst.idx.msk $0xffff, v36  }
0x564: {  	v42 =	vor.u32 v3, v20;
	v9 =	vld [tilespmem:s14+$0x0];
	[tilespmem:v41+s26+$0x0] =	vst.idx.msk $0xffff, v40  }
0x565: {  	v12 =	vor.u32 v3, v12;
	[tilespmem:v44+s26+$0x0] =	vst.idx.msk $0xffff, v43;
	v63 =	vld [tilespmem:s14+$0xFFFFFC80]  }
0x566: {  	v52 =	vor.u32 v2, v5;
	[tilespmem:v46+s26+$0x0] =	vst.idx.msk $0xffff, v45;
	v51 =	vld [tilespmem:s14+$0xFFFFFF70]  }
0x567: {  	v4 =	vor.u32 v3, v4;
	[tilespmem:v48+s26+$0x0] =	vst.idx.msk $0xffff, v47;
	v55 =	vld [tilespmem:s14+$0xFFFFFD00]  }
0x568: {  	v6 =	vor.u32 v3, v6;
	v56 =	vld [tilespmem:s14+$0xFFFFFD80];
	[tilespmem:v50+s26+$0x0] =	vst.idx.msk $0xffff, v49  }
0x569: {  	v58 =	vor.u32 v3, v13;
	v57 =	vld [tilespmem:s14+$0xFFFFFE00];
	[tilespmem:v42+s26+$0x0] =	vst.idx.msk $0xffff, v9  }
0x56a: {  	v60 =	vor.u32 v3, v19;
	v59 =	vld [tilespmem:s14+$0xFFFFFE80];
	[tilespmem:v12+s26+$0x0] =	vst.idx.msk $0xffff, v63  }
0x56b: {  	v62 =	vor.u32 v3, v22;
	v61 =	vld [tilespmem:s14+$0xFFFFFF00];
	[tilespmem:v52+s26+$0x0] =	vst.idx.msk $0xffff, v51  }
0x56c: {  	v5 =	vor.u32 v3, v5;
	[tilespmem:v4+s26+$0x0] =	vst.idx.msk $0xffff, v55;
	v4 =	vld [tilespmem:s14+$0xFFFFFF80]  }
0x56d: {  	[tilespmem:v6+s26+$0x0] =	vst.idx.msk $0xffff, v56  }
0x56e: {  	[tilespmem:v58+s26+$0x0] =	vst.idx.msk $0xffff, v57  }
0x56f: {  	[tilespmem:v60+s26+$0x0] =	vst.idx.msk $0xffff, v59  }
0x570: {  	[tilespmem:v62+s26+$0x0] =	vst.idx.msk $0xffff, v61  }
0x571: {  	[tilespmem:v5+s26+$0x0] =	vst.idx.msk $0xffff, v4  }
0x572: {  	s17 =	rddreg [dreg:$0xb]  }
0x573: {  	[hbm4b:s17+s18] =	stream.strided.scatter [tilespmem:s24], [sflag:$0x4], $0x2000, s19, s18, $0x38;
	[tilespmem:$0x1F000] =	vst v63  }
0x574: {  	s21 =	rddreg [dreg:$0xc]  }
0x575: {  	[hbm4b:s21+s18] =	stream.strided.scatter [tilespmem:s26], [sflag:$0x4], $0x2000, s19, s18, $0x38;
	[tilespmem:$0x1F000] =	vst v63  }
0x576: {  	_ =	swait.ge [sflag:s5], $0x2000  }
0x577: {  	[sflag:s5] =	ssyncset.done $0x0  }
0x578: {  	[sflag:s5] =	ssyncadd.s32 $0xFFFFE000  }
0x579: {  	_ =	swait.ge [sflag:s5], $0x2000  }
0x57a: {  	s30 =	rddreg [dreg:$0xe]  }
0x57b: {  	s31 =	rddreg [dreg:$0xd];
	s3 =	sadd.s32 $0x1, s30  }
0x57c: {  	p0 =	sne.s32 s3, s31  }
.Ltmp19:
0x57d: {  	_ = 	snop;
	(pc) =	sbr.rel @p0 .LBB2_1-.Ltmp19, $4  }
.Ltmp20:
0x57e: {  	_ = 	snop;
	(pc) =	sbr.rel @!p0 .LBB2_32-.Ltmp20, $4  }
0x57f: {  	_ = 	snop  }
0x580: {  	[sflag:s5] =	ssyncset.done $0x0  }
0x581: {  	[sflag:s5] =	ssyncadd.s32 $0xFFFFE000  }
0x582: {  	_ = 	snop  }
.LBB2_5:
.Ltmp21:
0x583: {  	(pc) =	sbr.rel .LBB2_7-.Ltmp21, $2  }
0x584: {  	_ =	sdelay $0x2  }
0x585: {  	s8 =	simm.s32 $0x8;
	s2 =	simm.s32 $0xB3B0  }
.LBB2_32:
0x586: {  	_ =	sfence.sel $0x180000  }
0x587: {  	[bflag:$0x0] =	sbarrier.arrive $0xFFFF  }
0x588: {  	_ =	strace $0x90000047  }
0x589: {  	s0 =	stileid.u32;
	[bflag:$0x2] =	sbarrier.arrive $0xFFFF  }
0x58a: {  	p0 =	sne.s32 s0, $0x0;
	s0 =	rddreg [dreg:$0x3]  }
0x58b: {  	s0 =	sadd.s32 @!p0 $0x100000, s0  }
0x58c: {  	[sflag:s0] =	ssyncadd.tile.s32 @!p0 $0x1;
	_ =	shalt  }
.Lfunc_end2:
_tile_overlayer_lowered:
.L_overlay_start_2:
0x58d: {  	(tag) =	ssettag $0x2  }
0x58e: {  	s0 =	rddreg [dreg:$0x0];
	s2 =	stileid.u32  }
0x58f: {  	s1 =	rddreg [dreg:$0x1];
	p0 =	sne.s32 s2, $0x0  }
0x590: {  	s3 =	rddreg [dreg:$0x2];
	[bflag:$0x3] =	sbarrier.arrive $0xFFFF;
	s2 =	simm.s32 @!p0 $0x1C05  }
0x591: {  	[timem:s3], [sflag:s2] =	dma.local @!p0 [hbm:s0], s1  }
0x592: {  	s0 =	simm.s32 @!p0 $0x5  }
0x593: {  	_ =	swait.ge @!p0 [sflag:s0], s1  }
0x594: {  	s1 =	ssub.s32 @!p0 $0x0, s1;
	[sflag:s0] =	ssyncset.done @!p0 $0x0  }
0x595: {  	[sflag:s0] =	ssyncadd.s32 @!p0 s1  }
0x596: {  	[bflag:$0x3] =	sbarrier.arrive $0xFFFF  }
0x597: {  	_ =	shalt  }

</sc_bundles>
